<compile_context>
chip_gen: v7x
topology: tpu7x:2x2x1
jax: 0.10.2.dev20260603
libtpu: 0.0.44.dev20260713+nightly
codegen_flags: <defaults>
</compile_context>

<pallas_src>
import functools

import jax
import jax.numpy as jnp
import numpy as np
from jax.experimental import pallas as pl
from jax.experimental.pallas import tpu as pltpu



def _mlp_body(nlayers, relu_flags, pool_k, bm, x_ref, *refs):
    out_ref = refs[-1]
    h = x_ref[...]
    for li in range(nlayers):
        w = refs[4 * li][...]
        b = refs[4 * li + 1][...]
        sc = refs[4 * li + 2][...]
        be = refs[4 * li + 3][...]
        h = jnp.dot(h, w, preferred_element_type=jnp.float32) + b
        if relu_flags[li]:
            h = jnp.maximum(h * sc + be, 0.0)
    if pool_k is None:
        out_ref[...] = h
    else:
        g = bm // pool_k
        rows = [
            jnp.max(h[i * pool_k:(i + 1) * pool_k, :], axis=0, keepdims=True)
            for i in range(g)
        ]
        out_ref[...] = jnp.concatenate(rows, axis=0) if g > 1 else rows[0]


def _mlp_pallas(x2d, layers, pool_k=None):
    m, cin = x2d.shape
    if pool_k is None:
        bm = m if m < 512 else 512
    else:
        bm = min(16 * pool_k, m)
        assert bm % pool_k == 0
    grid = m // bm
    in_specs = [pl.BlockSpec((bm, cin), lambda i: (i, 0))]
    operands = [x2d]
    relu_flags = []
    for (wt, b, sc, be, relu) in layers:
        for arr in (wt, b, sc, be):
            in_specs.append(pl.BlockSpec(arr.shape, lambda i: (0, 0)))
            operands.append(arr)
        relu_flags.append(relu)
    cout = layers[-1][0].shape[1]
    if pool_k is None:
        out_shape = jax.ShapeDtypeStruct((m, cout), jnp.float32)
        out_spec = pl.BlockSpec((bm, cout), lambda i: (i, 0))
    else:
        out_shape = jax.ShapeDtypeStruct((m // pool_k, cout), jnp.float32)
        out_spec = pl.BlockSpec((bm // pool_k, cout), lambda i: (i, 0))
    body = functools.partial(_mlp_body, len(layers), tuple(relu_flags), pool_k, bm)
    return pl.pallas_call(
        body,
        grid=(grid,),
        in_specs=in_specs,
        out_specs=out_spec,
        out_shape=out_shape,
    )(*operands)


def _fold_layers(layers, last_plain=None):
    out = []
    for (w, b, g, be) in layers:
        sc = g / np.sqrt(1.0 + 1e-5)
        out.append((w.T, b[None, :], sc[None, :], be[None, :], True))
    if last_plain is not None:
        w2, b2 = last_plain
        one = jnp.ones((1, w2.shape[0]), jnp.float32)
        zero = jnp.zeros((1, w2.shape[0]), jnp.float32)
        out.append((w2.T, b2[None, :], one, zero, False))
    return out



def _fps_body(npoint, n, xyz_ref, out_ref, dist_ref):
    rows = n // 128
    xs = xyz_ref[0]
    ys = xyz_ref[1]
    zs = xyz_ref[2]
    iota2d = (jax.lax.broadcasted_iota(jnp.int32, (rows, 128), 0) * 128
              + jax.lax.broadcasted_iota(jnp.int32, (rows, 128), 1))
    dist_ref[...] = jnp.full((rows, 128), 1e10, jnp.float32)

    def step(t, far):
        out_ref[t] = far
        m = iota2d == far
        cx = jnp.sum(jnp.where(m, xs, 0.0))
        cy = jnp.sum(jnp.where(m, ys, 0.0))
        cz = jnp.sum(jnp.where(m, zs, 0.0))
        dx = xs - cx
        dy = ys - cy
        dz = zs - cz
        d = (dx * dx + dz * dz) + dy * dy
        dist = jnp.minimum(dist_ref[...], d)
        dist_ref[...] = dist
        mx = jnp.max(dist)
        return jnp.min(jnp.where(dist == mx, iota2d, n)).astype(jnp.int32)

    jax.lax.fori_loop(0, npoint, step, jnp.zeros((), jnp.int32))


def _fps(xyz, npoint):
    n = xyz.shape[0]
    planes = xyz.T.reshape(3, n // 128, 128)
    return pl.pallas_call(
        functools.partial(_fps_body, npoint, n),
        in_specs=[pl.BlockSpec(planes.shape, lambda: (0, 0, 0))],
        out_specs=pl.BlockSpec(memory_space=pltpu.SMEM),
        out_shape=jax.ShapeDtypeStruct((npoint,), jnp.int32),
        scratch_shapes=[pltpu.VMEM((n // 128, 128), jnp.float32)],
    )(planes)


def _bq_body(n, s_blk, ks, p1_ref, p2_ref, p3_ref, tri_ref,
             o1_ref, o2_ref, o3_ref, rank_ref):
    nc = n // 512 if n >= 512 else 1
    cw = n // nc
    pre_refs = (p1_ref, p2_ref, p3_ref)
    out_refs = (o1_ref, o2_ref, o3_ref)
    for si in range(3):
        k = ks[si]
        o_ref = out_refs[si]
        mf = jnp.where(pre_refs[si][...] < n, 1.0, 0.0)
        run = jnp.zeros((s_blk, 1), jnp.float32)
        for c in range(nc):
            sl = pl.ds(c * cw, cw)
            rc = jnp.dot(mf[:, c * cw:(c + 1) * cw], tri_ref[0:cw, 0:cw],
                         preferred_element_type=jnp.float32) + run
            run = rc[:, cw - 1:cw]
            rank_ref[:, sl] = rc
        rank = rank_ref[...]
        kio = jax.lax.broadcasted_iota(jnp.int32, (s_blk, k), 1)

        def col(kk, acc):
            ck = jnp.sum(jnp.where(rank <= kk.astype(jnp.float32), 1.0, 0.0),
                         axis=1, keepdims=True)
            return acc + jnp.where(kio == kk, ck.astype(jnp.int32), 0)

        idx = jax.lax.fori_loop(0, k, col, jnp.zeros((s_blk, k), jnp.int32))
        idx0 = idx[:, 0:1]
        o_ref[...] = jnp.where(kio < run.astype(jnp.int32), idx,
                               jnp.broadcast_to(idx0, (s_blk, k)))


def _ball_query_tc(radius_list, nsample_list, xyz, new_xyz):
    n = xyz.shape[0]
    s = new_xyz.shape[0]
    ks = tuple(nsample_list)
    src_b = new_xyz[None]
    dst_b = xyz[None]
    sqrdists = (jnp.sum(src_b ** 2, -1)[:, :, None]
                + jnp.sum(dst_b ** 2, -1)[:, None, :]
                - 2.0 * jnp.einsum('bnc,bmc->bnm', src_b, dst_b))
    iota_n = jnp.broadcast_to(jnp.arange(n, dtype=jnp.int32)[None, None, :],
                              (1, s, n))
    pres = [jnp.where(sqrdists > radius ** 2, n, iota_n)[0]
            for radius in radius_list]
    cw = min(n, 512)
    tri = jnp.asarray(np.triu(np.ones((cw, cw), np.float32)))
    s_blk = 8
    grid = s // s_blk
    outs = pl.pallas_call(
        functools.partial(_bq_body, n, s_blk, ks),
        grid=(grid,),
        in_specs=[pl.BlockSpec((s_blk, n), lambda i: (i, 0))] * 3
        + [pl.BlockSpec((cw, cw), lambda i: (0, 0))],
        out_specs=[pl.BlockSpec((s_blk, k), lambda i: (i, 0)) for k in ks],
        out_shape=[jax.ShapeDtypeStruct((s, k), jnp.int32) for k in ks],
        scratch_shapes=[pltpu.VMEM((s_blk, n), jnp.float32)],
    )(*pres, tri)
    return list(outs)


def _sa_msg(xyz, points, npoint, radius_list, nsample_list, scale_params):
    fps_idx = _fps(xyz, npoint)
    new_xyz = xyz[fps_idx]
    gis = _ball_query_tc(radius_list, nsample_list, xyz, new_xyz)
    outs = []
    for i, radius in enumerate(radius_list):
        k = nsample_list[i]
        gi = gis[i]
        grouped_xyz = xyz[gi] - new_xyz[:, None, :]
        grouped = jnp.concatenate([points[gi], grouped_xyz], axis=-1)
        s, _, c = grouped.shape
        feat = grouped.reshape(s * k, c)
        layers = _fold_layers(scale_params[i])
        outs.append(_mlp_pallas(feat, layers, pool_k=k))
    return new_xyz, jnp.concatenate(outs, axis=-1)


def _fp(xyz1, xyz2, points1, points2, layers):
    n = xyz1.shape[0]
    s = xyz2.shape[0]
    if s == 1:
        interp = jnp.broadcast_to(points2, (n, points2.shape[-1]))
    else:
        dists = (
            jnp.sum(xyz1 ** 2, -1)[:, None]
            + jnp.sum(xyz2 ** 2, -1)[None, :]
            - 2.0 * jnp.dot(xyz1, xyz2.T)
        )
        neg, idx = jax.lax.top_k(-dists, 3)
        d = -neg
        recip = 1.0 / (d + 1e-8)
        w = recip / jnp.sum(recip, -1, keepdims=True)
        interp = jnp.sum(points2[idx] * w[..., None], axis=1)
    x = jnp.concatenate([points1, interp], axis=-1)
    return _mlp_pallas(x, _fold_layers(layers))


def _head(x, p):
    layers = _fold_layers([p['l1']], last_plain=p['l2'])
    return _mlp_pallas(x, layers)


def _bin_vals():
    bb = np.array([0, 0.00794435329, 0.0158887021, 0.0238330509, 0.0317773996,
                   0.0397217484, 0.0476660972, 0.055610446, 0.0635547948,
                   0.0714991435, 0.08], dtype=np.float32)
    bv = (bb[:-1] + bb[1:]) / 2.0
    bv = np.minimum(bv, np.float32(0.08 - 0.005))
    return jnp.asarray(bv)


def _normalize(x):
    nrm = jnp.sqrt(jnp.sum(x * x, axis=-1, keepdims=True))
    return x / jnp.maximum(nrm, 1e-12)



def kernel(xyz_pc, params):
    xyz0 = xyz_pc[0]
    p = params

    l1_xyz, l1_points = _sa_msg(xyz0, xyz0, 2048, [0.02, 0.04, 0.08],
                                [32, 64, 128], p['sa1'])
    l2_xyz, l2_points = _sa_msg(l1_xyz, l1_points, 512, [0.04, 0.08, 0.16],
                                [64, 64, 128], p['sa2'])
    l3_xyz, l3_points = _sa_msg(l2_xyz, l2_points, 128, [0.08, 0.16, 0.32],
                                [64, 64, 128], p['sa3'])

    x4 = jnp.concatenate([l3_xyz, l3_points], axis=-1)
    l4_points = _mlp_pallas(x4, _fold_layers(p['sa4']), pool_k=x4.shape[0])
    l4_xyz = jnp.zeros((1, 3), xyz0.dtype)

    l3_points = _fp(l3_xyz, l4_xyz, l3_points, l4_points, p['fp3'])
    l2_points = _fp(l2_xyz, l3_xyz, l2_points, l3_points, p['fp2'])
    l1_points = _fp(l1_xyz, l2_xyz, l1_points, l2_points, p['fp1'])

    pred_points = l1_xyz
    grasp_dir = _normalize(_head(l1_points, p['dir']))
    approach = _head(l1_points, p['app'])
    dot = jnp.sum(approach * grasp_dir, axis=-1, keepdims=True)
    approach = _normalize(approach - dot * grasp_dir)
    width_logits = _head(l1_points, p['off'])
    seg = _head(l1_points, p['seg'])

    bin_vals = _bin_vals()
    width_idx = jnp.argmax(width_logits, axis=-1)
    grasp_width = bin_vals[width_idx][..., None]
    gripper_depth = 0.1034
    grasp_r = jnp.stack([grasp_dir, jnp.cross(approach, grasp_dir), approach],
                        axis=2)
    grasp_t = (pred_points + grasp_width / 2.0 * grasp_dir
               - gripper_depth * approach)[..., None]
    np_ = approach.shape[0]
    homog = jnp.concatenate([jnp.zeros((np_, 1, 3), jnp.float32),
                             jnp.ones((np_, 1, 1), jnp.float32)], axis=2)
    pred_grasps = jnp.concatenate(
        [jnp.concatenate([grasp_r, grasp_t], axis=2), homog], axis=1)

    pred_scores = jax.nn.sigmoid(seg)
    return (pred_grasps[None], pred_scores[None], pred_points[None])

# --- scband reference (transcript-rebuilt; emitter-appended) ---
"""Pipeline reference for scband-contact-grasp-net-60017872994740 (READ-ONLY COPY).

The authoritative reference and input builder live on the scoring server;
editing this copy changes nothing except your own understanding.
"""

import jax, jax.numpy as jnp
import numpy as np


def square_distance(src, dst):
    return jnp.sum(src ** 2, -1)[:, :, None] + jnp.sum(dst ** 2, -1)[:, None, :] - 2.0 * jnp.einsum('bnc,bmc->bnm', src, dst)


def index_points(points, idx):
    B = points.shape[0]
    batch_idx = jnp.arange(B).reshape((B,) + (1,) * (idx.ndim - 1))
    return points[batch_idx, idx]


def farthest_point_sample(xyz, npoint):
    xyz = jax.lax.stop_gradient(xyz)
    B, N, _ = xyz.shape
    def step(state, _):
        distance, farthest = state
        centroid = jnp.take_along_axis(xyz, farthest[:, None, None], axis=1)
        dist = jnp.sum((xyz - centroid) ** 2, -1)
        distance = jnp.minimum(distance, dist)
        new_far = jnp.argmax(distance, -1).astype(jnp.int32)
        return (distance, new_far), farthest
    init = (jnp.full((B, N), 1e10, dtype=xyz.dtype), jnp.zeros((B,), jnp.int32))
    _, cent = jax.lax.scan(step, init, None, length=npoint)
    return jnp.transpose(cent)


def query_ball_point(radius, nsample, xyz, new_xyz):
    B, N, _ = xyz.shape
    S = new_xyz.shape[1]
    sqrdists = square_distance(new_xyz, xyz)
    group_idx = jnp.broadcast_to(jnp.arange(N, dtype=jnp.int32)[None, None, :], (B, S, N))
    group_idx = jnp.where(sqrdists > radius ** 2, N, group_idx)
    group_idx = jnp.sort(group_idx, axis=-1)[:, :, :nsample]
    group_first = jnp.broadcast_to(group_idx[:, :, :1], group_idx.shape)
    group_idx = jnp.where(group_idx == N, group_first, group_idx)
    return group_idx


def bn(x, g, b):
    return x * (g / np.sqrt(1.0 + 1e-5)) + b


def mlp_apply(x, layers):
    for (W, b, g, be) in layers:
        x = jax.nn.relu(bn(x @ W.T + b, g, be))
    return x


def sa_msg(xyz, points, npoint, radius_list, nsample_list, scale_params):
    fps_idx = farthest_point_sample(xyz, npoint)
    new_xyz = index_points(xyz, fps_idx)
    outs = []
    for i, radius in enumerate(radius_list):
        K = nsample_list[i]
        gi = query_ball_point(radius, K, xyz, new_xyz)
        grouped_xyz = index_points(xyz, gi) - new_xyz[:, :, None, :]
        grouped = jnp.concatenate([index_points(points, gi), grouped_xyz], axis=-1)
        h = mlp_apply(grouped, scale_params[i])
        outs.append(jnp.max(h, axis=2))
    return new_xyz, jnp.concatenate(outs, axis=-1)


def sa_group_all(xyz, points, layers):
    x = jnp.concatenate([xyz, points], axis=-1)[:, None, :, :]
    x = mlp_apply(x, layers)
    return jnp.zeros((xyz.shape[0], 1, 3), xyz.dtype), jnp.max(x, axis=2)


def fp(xyz1, xyz2, points1, points2, layers):
    B, N, _ = xyz1.shape
    S = xyz2.shape[1]
    if S == 1:
        interp = jnp.broadcast_to(points2, (B, N, points2.shape[-1]))
    else:
        dists = square_distance(xyz1, xyz2)
        neg, idx = jax.lax.top_k(-dists, 3)
        d = -neg
        recip = 1.0 / (d + 1e-8)
        w = recip / jnp.sum(recip, -1, keepdims=True)
        interp = jnp.sum(index_points(points2, idx) * w[..., None], axis=2)
    x = jnp.concatenate([points1, interp], axis=-1)
    return mlp_apply(x, layers)


def head_apply(x, p):
    W1, b1, g1, be1 = p['l1']
    h = jax.nn.relu(bn(x @ W1.T + b1, g1, be1))
    W2, b2 = p['l2']
    return h @ W2.T + b2


def normalize(x):
    n = jnp.sqrt(jnp.sum(x * x, axis=-1, keepdims=True))
    return x / jnp.maximum(n, 1e-12)


def get_bin_vals():
    bb = np.array([0, 0.00794435329, 0.0158887021, 0.0238330509, 0.0317773996, 0.0397217484, 0.0476660972, 0.055610446, 0.0635547948, 0.0714991435, 0.08], dtype=np.float32)
    bv = (bb[:-1] + bb[1:]) / 2.0
    bv = np.minimum(bv, np.float32(0.08 - 0.005))
    return jnp.asarray(bv)


def _mlp_params(key, dims):
    layers = []
    for i in range(len(dims) - 1):
        key, k1 = jax.random.split(key)
        W = jax.random.normal(k1, (dims[i + 1], dims[i]), dtype=jnp.float32) * 0.05
        layers.append((W, jnp.zeros((dims[i + 1],), jnp.float32), jnp.ones((dims[i + 1],), jnp.float32), jnp.zeros((dims[i + 1],), jnp.float32)))
    return key, layers


def _head_params(key, cin, cout):
    key, l1 = _mlp_params(key, [cin, 128])
    key, k1 = jax.random.split(key)
    W2 = jax.random.normal(k1, (cout, 128), dtype=jnp.float32) * 0.05
    return key, {'l1': l1[0], 'l2': (W2, jnp.zeros((cout,), jnp.float32))}


def setup_inputs(seed: int = 0):
    key = jax.random.key(seed)
    key, kx = jax.random.split(key)
    xyz_pc = jax.random.uniform(kx, (1, 8192, 3), dtype=jnp.float32)
    params = {}
    sa1 = []
    for dims in ([6, 32, 32, 64], [6, 64, 64, 128], [6, 64, 96, 128]):
        key, layers = _mlp_params(key, dims)
        sa1.append(layers)
    params['sa1'] = sa1
    sa2 = []
    for dims in ([323, 64, 64, 128], [323, 128, 128, 256], [323, 128, 128, 256]):
        key, layers = _mlp_params(key, dims)
        sa2.append(layers)
    params['sa2'] = sa2
    sa3 = []
    for dims in ([643, 64, 64, 128], [643, 128, 128, 256], [643, 128, 256, 256]):
        key, layers = _mlp_params(key, dims)
        sa3.append(layers)
    params['sa3'] = sa3
    key, params['sa4'] = _mlp_params(key, [643, 256, 512, 1024])
    key, params['fp3'] = _mlp_params(key, [1664, 128, 128, 128])
    key, params['fp2'] = _mlp_params(key, [768, 256, 128])
    key, params['fp1'] = _mlp_params(key, [448, 256, 256])
    key, params['dir'] = _head_params(key, 256, 3)
    key, params['app'] = _head_params(key, 256, 3)
    key, params['off'] = _head_params(key, 256, 10)
    key, params['seg'] = _head_params(key, 256, 1)
    return {'xyz_pc': xyz_pc, 'params': params}


def _forward(xyz_pc, params):
    l0_xyz = xyz_pc
    l0_points = l0_xyz
    l1_xyz, l1_points = sa_msg(l0_xyz, l0_points, 2048, [0.02, 0.04, 0.08], [32, 64, 128], params['sa1'])
    l2_xyz, l2_points = sa_msg(l1_xyz, l1_points, 512, [0.04, 0.08, 0.16], [64, 64, 128], params['sa2'])
    l3_xyz, l3_points = sa_msg(l2_xyz, l2_points, 128, [0.08, 0.16, 0.32], [64, 64, 128], params['sa3'])
    l4_xyz, l4_points = sa_group_all(l3_xyz, l3_points, params['sa4'])
    l3_points = fp(l3_xyz, l4_xyz, l3_points, l4_points, params['fp3'])
    l2_points = fp(l2_xyz, l3_xyz, l2_points, l3_points, params['fp2'])
    l1_points = fp(l1_xyz, l2_xyz, l1_points, l2_points, params['fp1'])
    pred_points = l1_xyz
    grasp_dir = normalize(head_apply(l1_points, params['dir']))
    approach = head_apply(l1_points, params['app'])
    dot = jnp.sum(approach * grasp_dir, axis=-1, keepdims=True)
    approach = normalize(approach - dot * grasp_dir)
    width_logits = head_apply(l1_points, params['off'])
    seg = head_apply(l1_points, params['seg'])
    bin_vals = get_bin_vals()
    width_idx = jnp.argmax(width_logits, axis=-1)
    grasp_width = bin_vals[width_idx][..., None]
    gripper_depth = 0.1034
    grasp_R = jnp.stack([grasp_dir, jnp.cross(approach, grasp_dir), approach], axis=3)
    grasp_t = (pred_points + grasp_width / 2.0 * grasp_dir - gripper_depth * approach)[..., None]
    B, Np = approach.shape[:2]
    homog = jnp.concatenate([jnp.zeros((B, Np, 1, 3), jnp.float32), jnp.ones((B, Np, 1, 1), jnp.float32)], axis=3)
    pred_grasps = jnp.concatenate([jnp.concatenate([grasp_R, grasp_t], axis=3), homog], axis=2)
    pred_scores = jax.nn.sigmoid(seg)
    return pred_grasps, pred_scores, pred_points


def reference(xyz_pc, params):
    return _forward(xyz_pc, params)

if __name__ == "__main__":
    import jax
    _d = setup_inputs()
    print(jax.jit(kernel)(*tuple(_d.values())))

</pallas_src>

<mosaic_0001>
module attributes {stable_mosaic.version = 14 : i64} {
  func.func @_fps_body(%arg0: memref<3x64x128xf32, #tpu.memory_space<vmem>>, %arg1: memref<2048xi32, #tpu.memory_space<smem>>, %arg2: memref<64x128xf32, #tpu.memory_space<vmem>>) attributes {dimension_semantics = [], scalar_prefetch = 0 : i64, scratch_operands = 1 : i64, tpu.core_type = #tpu.core_type<tc>} {
    %get3A = arith.constant 0 : index
    %get3A_0 = arith.constant 0 : index
    %get3A_1 = arith.constant 0 : index
    %get3A_2 = vector.load %arg0[%get3A, %get3A_0, %get3A_1] : memref<3x64x128xf32, #tpu.memory_space<vmem>>, vector<1x64x128xf32>
    %get3A_3 = vector.shape_cast %get3A_2 : vector<1x64x128xf32> to vector<64x128xf32>
    %get3A_4 = arith.constant 1 : index
    %get3A_5 = arith.constant 0 : index
    %get3A_6 = arith.constant 0 : index
    %get3A_7 = vector.load %arg0[%get3A_4, %get3A_5, %get3A_6] : memref<3x64x128xf32, #tpu.memory_space<vmem>>, vector<1x64x128xf32>
    %get3A_8 = vector.shape_cast %get3A_7 : vector<1x64x128xf32> to vector<64x128xf32>
    %get3A_9 = arith.constant 2 : index
    %get3A_10 = arith.constant 0 : index
    %get3A_11 = arith.constant 0 : index
    %get3A_12 = vector.load %arg0[%get3A_9, %get3A_10, %get3A_11] : memref<3x64x128xf32, #tpu.memory_space<vmem>>, vector<1x64x128xf32>
    %get3A_13 = vector.shape_cast %get3A_12 : vector<1x64x128xf32> to vector<64x128xf32>
    %iota3A = tpu.iota {dimensions = array<i32: 0>} : vector<64x128xi32>
    %mul3A = arith.constant 128 : i32
    %mul3A_14 = vector.broadcast %mul3A : i32 to vector<64x128xi32>
    %mul3A_15 = arith.muli %iota3A, %mul3A_14 : vector<64x128xi32>
    %iota3A_16 = tpu.iota {dimensions = array<i32: 1>} : vector<64x128xi32>
    %add3A = arith.addi %mul3A_15, %iota3A_16 : vector<64x128xi32>
    %broadcast_in_dim3A = arith.constant 1.000000e+10 : f32
    %broadcast_in_dim3A_17 = vector.broadcast %broadcast_in_dim3A : f32 to vector<64x128xf32>
    %swap3A = arith.constant 0 : index
    %swap3A_18 = arith.constant 0 : index
    %swap3A_19 = vector.load %arg2[%swap3A, %swap3A_18] : memref<64x128xf32, #tpu.memory_space<vmem>>, vector<64x128xf32>
    tpu.vector_store %arg2[%swap3A, %swap3A_18], %broadcast_in_dim3A_17 {strides = array<i32>} : memref<64x128xf32, #tpu.memory_space<vmem>>, vector<64x128xf32>,
    %scan3A = arith.constant 0 : i32
    %scan3A_20 = arith.constant 0 : i32
    %scan3A_21 = arith.constant 2048 : i32
    %scan3A_22 = arith.addi %scan3A_20, %scan3A_21 : i32
    %scan3A_23 = arith.constant 1 : i32
    %scan3A_24 = scf.for %scan3A_26 = %scan3A_20 to %scan3A_22 step %scan3A_23 iter_args(%scan3A_27 = %scan3A) -> (i32)  : i32 {
      %swap3A_28 = arith.index_cast %scan3A_26 : i32 to index
      %swap3A_29 = memref.load %arg1[%swap3A_28] : memref<2048xi32, #tpu.memory_space<smem>>
      memref.store %scan3A_27, %arg1[%swap3A_28] : memref<2048xi32, #tpu.memory_space<smem>>
      %eq3A = vector.broadcast %scan3A_27 : i32 to vector<64x128xi32>
      %eq3A_30 = arith.cmpi eq, %add3A, %eq3A : vector<64x128xi32>
      %jit3A = arith.constant 0.000000e+00 : f32
      %broadcast_in_dim3A_31 = vector.broadcast %jit3A : f32 to vector<64x128xf32>
      %select_n3A = arith.select %eq3A_30, %get3A_3, %broadcast_in_dim3A_31 : vector<64x128xi1>, vector<64x128xf32>
      %reduce_sum3A = vector.shape_cast %select_n3A : vector<64x128xf32> to vector<1x64x128xf32>
      %reduce_sum3A_32 = arith.constant dense<0.000000e+00> : vector<1xf32>
      %reduce_sum3A_33 = vector.multi_reduction <add>, %reduce_sum3A, %reduce_sum3A_32 [1, 2] : vector<1x64x128xf32> to vector<1xf32>
      %reduce_sum3A_34 = vector.shape_cast %reduce_sum3A_33 : vector<1xf32> to vector<1x1x1xf32>
      %reduce_sum3A_35 = vector.extract %reduce_sum3A_34[0, 0, 0] : f32 from vector<1x1x1xf32>
      %jit3A_36 = arith.constant 0.000000e+00 : f32
      %broadcast_in_dim3A_37 = vector.broadcast %jit3A_36 : f32 to vector<64x128xf32>
      %select_n3A_38 = arith.select %eq3A_30, %get3A_8, %broadcast_in_dim3A_37 : vector<64x128xi1>, vector<64x128xf32>
      %reduce_sum3A_39 = vector.shape_cast %select_n3A_38 : vector<64x128xf32> to vector<1x64x128xf32>
      %reduce_sum3A_40 = arith.constant dense<0.000000e+00> : vector<1xf32>
      %reduce_sum3A_41 = vector.multi_reduction <add>, %reduce_sum3A_39, %reduce_sum3A_40 [1, 2] : vector<1x64x128xf32> to vector<1xf32>
      %reduce_sum3A_42 = vector.shape_cast %reduce_sum3A_41 : vector<1xf32> to vector<1x1x1xf32>
      %reduce_sum3A_43 = vector.extract %reduce_sum3A_42[0, 0, 0] : f32 from vector<1x1x1xf32>
      %jit3A_44 = arith.constant 0.000000e+00 : f32
      %broadcast_in_dim3A_45 = vector.broadcast %jit3A_44 : f32 to vector<64x128xf32>
      %select_n3A_46 = arith.select %eq3A_30, %get3A_13, %broadcast_in_dim3A_45 : vector<64x128xi1>, vector<64x128xf32>
      %reduce_sum3A_47 = vector.shape_cast %select_n3A_46 : vector<64x128xf32> to vector<1x64x128xf32>
      %reduce_sum3A_48 = arith.constant dense<0.000000e+00> : vector<1xf32>
      %reduce_sum3A_49 = vector.multi_reduction <add>, %reduce_sum3A_47, %reduce_sum3A_48 [1, 2] : vector<1x64x128xf32> to vector<1xf32>
      %reduce_sum3A_50 = vector.shape_cast %reduce_sum3A_49 : vector<1xf32> to vector<1x1x1xf32>
      %reduce_sum3A_51 = vector.extract %reduce_sum3A_50[0, 0, 0] : f32 from vector<1x1x1xf32>
      %sub3A = vector.broadcast %reduce_sum3A_35 : f32 to vector<64x128xf32>
      %sub3A_52 = arith.subf %get3A_3, %sub3A : vector<64x128xf32>
      %sub3A_53 = vector.broadcast %reduce_sum3A_43 : f32 to vector<64x128xf32>
      %sub3A_54 = arith.subf %get3A_8, %sub3A_53 : vector<64x128xf32>
      %sub3A_55 = vector.broadcast %reduce_sum3A_51 : f32 to vector<64x128xf32>
      %sub3A_56 = arith.subf %get3A_13, %sub3A_55 : vector<64x128xf32>
      %mul3A_57 = arith.mulf %sub3A_52, %sub3A_52 : vector<64x128xf32>
      %mul3A_58 = arith.mulf %sub3A_56, %sub3A_56 : vector<64x128xf32>
      %add3A_59 = arith.addf %mul3A_57, %mul3A_58 : vector<64x128xf32>
      %mul3A_60 = arith.mulf %sub3A_54, %sub3A_54 : vector<64x128xf32>
      %add3A_61 = arith.addf %add3A_59, %mul3A_60 : vector<64x128xf32>
      %get3A_62 = arith.constant 0 : index
      %get3A_63 = arith.constant 0 : index
      %get3A_64 = vector.load %arg2[%get3A_62, %get3A_63] : memref<64x128xf32, #tpu.memory_space<vmem>>, vector<64x128xf32>
      %min3A = arith.minimumf %get3A_64, %add3A_61 : vector<64x128xf32>
      %swap3A_65 = arith.constant 0 : index
      %swap3A_66 = arith.constant 0 : index
      %swap3A_67 = vector.load %arg2[%swap3A_65, %swap3A_66] : memref<64x128xf32, #tpu.memory_space<vmem>>, vector<64x128xf32>
      tpu.vector_store %arg2[%swap3A_65, %swap3A_66], %min3A {strides = array<i32>} : memref<64x128xf32, #tpu.memory_space<vmem>>, vector<64x128xf32>,
      %reduce_max3A = vector.shape_cast %min3A : vector<64x128xf32> to vector<1x64x128xf32>
      %reduce_max3A_68 = arith.constant dense<0xFF800000> : vector<1xf32>
      %reduce_max3A_69 = vector.multi_reduction <maximumf>, %reduce_max3A, %reduce_max3A_68 [1, 2] : vector<1x64x128xf32> to vector<1xf32>
      %reduce_max3A_70 = vector.shape_cast %reduce_max3A_69 : vector<1xf32> to vector<1x1x1xf32>
      %reduce_max3A_71 = vector.extract %reduce_max3A_70[0, 0, 0] : f32 from vector<1x1x1xf32>
      %eq3A_72 = vector.broadcast %reduce_max3A_71 : f32 to vector<64x128xf32>
      %eq3A_73 = arith.cmpf oeq, %min3A, %eq3A_72 : vector<64x128xf32>
      %jit3A_74 = arith.constant 8192 : i32
      %broadcast_in_dim3A_75 = vector.broadcast %jit3A_74 : i32 to vector<64x128xi32>
      %select_n3A_76 = arith.select %eq3A_73, %add3A, %broadcast_in_dim3A_75 : vector<64x128xi1>, vector<64x128xi32>
      %reduce_min3A = vector.shape_cast %select_n3A_76 : vector<64x128xi32> to vector<1x64x128xi32>
      %reduce_min3A_77 = arith.constant dense<2147483647> : vector<1xi32>
      %reduce_min3A_78 = vector.multi_reduction <minsi>, %reduce_min3A, %reduce_min3A_77 [1, 2] : vector<1x64x128xi32> to vector<1xi32>
      %reduce_min3A_79 = vector.shape_cast %reduce_min3A_78 : vector<1xi32> to vector<1x1x1xi32>
      %reduce_min3A_80 = vector.extract %reduce_min3A_79[0, 0, 0] : i32 from vector<1x1x1xi32>
      scf.yield %reduce_min3A_80 : i32
    }
    %scan3A_25 = arith.constant 2048 : i32
    return
  }
}

module attributes {stable_mosaic.version = 14 : i64} {
  func.func @_bq_body(%arg0: i32, %arg1: memref<8x8192xi32, #tpu.memory_space<vmem>>, %arg2: memref<8x8192xi32, #tpu.memory_space<vmem>>, %arg3: memref<8x8192xi32, #tpu.memory_space<vmem>>, %arg4: memref<512x512xf32, #tpu.memory_space<vmem>>, %arg5: memref<8x32xi32, #tpu.memory_space<vmem>>, %arg6: memref<8x64xi32, #tpu.memory_space<vmem>>, %arg7: memref<8x128xi32, #tpu.memory_space<vmem>>, %arg8: memref<8x8192xf32, #tpu.memory_space<vmem>>) attributes {dimension_semantics = [#tpu.dimension_semantics<arbitrary>], iteration_bounds = array<i64: 256>, scalar_prefetch = 0 : i64, scratch_operands = 1 : i64, tpu.core_type = #tpu.core_type<tc>, window_params = [{transform_indices = @transform_0, window_bounds = array<i64: 8, 8192>}, {transform_indices = @transform_1, window_bounds = array<i64: 8, 8192>}, {transform_indices = @transform_2, window_bounds = array<i64: 8, 8192>}, {pipeline_mode = #tpu.pipeline_mode<synchronous>, transform_indices = @transform_3, window_bounds = array<i64: 512, 512>}, {transform_indices = @transform_4, window_bounds = array<i64: 8, 32>}, {transform_indices = @transform_5, window_bounds = array<i64: 8, 64>}, {transform_indices = @transform_6, window_bounds = array<i64: 8, 128>}]} {
    %get3A = arith.constant 0 : index
    %get3A_0 = arith.constant 0 : index
    %get3A_1 = vector.load %arg1[%get3A, %get3A_0] : memref<8x8192xi32, #tpu.memory_space<vmem>>, vector<8x8192xi32>
    %lt3A = arith.constant 8192 : i32
    %lt3A_2 = vector.broadcast %lt3A : i32 to vector<8x8192xi32>
    %lt3A_3 = arith.cmpi slt, %get3A_1, %lt3A_2 : vector<8x8192xi32>
    %jit3A = arith.constant 1.000000e+00 : f32
    %jit3A_4 = arith.constant 0.000000e+00 : f32
    %broadcast_in_dim3A = vector.broadcast %jit3A : f32 to vector<8x8192xf32>
    %broadcast_in_dim3A_5 = vector.broadcast %jit3A_4 : f32 to vector<8x8192xf32>
    %select_n3A = arith.select %lt3A_3, %broadcast_in_dim3A, %broadcast_in_dim3A_5 : vector<8x8192xi1>, vector<8x8192xf32>
    %broadcast_in_dim3A_6 = arith.constant 0.000000e+00 : f32
    %broadcast_in_dim3A_7 = vector.broadcast %broadcast_in_dim3A_6 : f32 to vector<8x1xf32>
    %slice3A = vector.extract_strided_slice %select_n3A {offsets = [0, 0], sizes = [8, 512], strides = [1, 1]} : vector<8x8192xf32> to vector<8x512xf32>
    %get3A_8 = arith.constant 0 : index
    %get3A_9 = arith.constant 0 : index
    %get3A_10 = vector.load %arg4[%get3A_8, %get3A_9] : memref<512x512xf32, #tpu.memory_space<vmem>>, vector<512x512xf32>
    %dot_general3A = arith.constant dense<0.000000e+00> : vector<8x512xf32>
    %dot_general3A_11 = tpu.matmul %slice3A, %get3A_10, %dot_general3A {dimension_numbers = #tpu.dot_dimension_numbers<[1], [0], [0], [1], [0, 0, 1, 1], [], []>, transpose_lhs_hint = false} : vector<8x512xf32>, vector<512x512xf32>, vector<8x512xf32> -> vector<8x512xf32>
    %add3A = vector.broadcast %broadcast_in_dim3A_7 : vector<8x1xf32> to vector<8x512xf32>
    %add3A_12 = arith.addf %dot_general3A_11, %add3A : vector<8x512xf32>
    %slice3A_13 = vector.extract_strided_slice %add3A_12 {offsets = [0, 511], sizes = [8, 1], strides = [1, 1]} : vector<8x512xf32> to vector<8x1xf32>
    %swap3A = arith.constant 0 : index
    %swap3A_14 = arith.constant 0 : index
    %swap3A_15 = vector.load %arg8[%swap3A, %swap3A_14] : memref<8x8192xf32, #tpu.memory_space<vmem>>, vector<8x512xf32>
    tpu.vector_store %arg8[%swap3A, %swap3A_14], %add3A_12 {strides = array<i32>} : memref<8x8192xf32, #tpu.memory_space<vmem>>, vector<8x512xf32>,
    %slice3A_16 = vector.extract_strided_slice %select_n3A {offsets = [0, 512], sizes = [8, 512], strides = [1, 1]} : vector<8x8192xf32> to vector<8x512xf32>
    %get3A_17 = arith.constant 0 : index
    %get3A_18 = arith.constant 0 : index
    %get3A_19 = vector.load %arg4[%get3A_17, %get3A_18] : memref<512x512xf32, #tpu.memory_space<vmem>>, vector<512x512xf32>
    %dot_general3A_20 = arith.constant dense<0.000000e+00> : vector<8x512xf32>
    %dot_general3A_21 = tpu.matmul %slice3A_16, %get3A_19, %dot_general3A_20 {dimension_numbers = #tpu.dot_dimension_numbers<[1], [0], [0], [1], [0, 0, 1, 1], [], []>, transpose_lhs_hint = false} : vector<8x512xf32>, vector<512x512xf32>, vector<8x512xf32> -> vector<8x512xf32>
    %add3A_22 = vector.broadcast %slice3A_13 : vector<8x1xf32> to vector<8x512xf32>
    %add3A_23 = arith.addf %dot_general3A_21, %add3A_22 : vector<8x512xf32>
    %slice3A_24 = vector.extract_strided_slice %add3A_23 {offsets = [0, 511], sizes = [8, 1], strides = [1, 1]} : vector<8x512xf32> to vector<8x1xf32>
    %swap3A_25 = arith.constant 0 : index
    %swap3A_26 = arith.constant 512 : index
    %swap3A_27 = vector.load %arg8[%swap3A_25, %swap3A_26] : memref<8x8192xf32, #tpu.memory_space<vmem>>, vector<8x512xf32>
    tpu.vector_store %arg8[%swap3A_25, %swap3A_26], %add3A_23 {strides = array<i32>} : memref<8x8192xf32, #tpu.memory_space<vmem>>, vector<8x512xf32>,
    %slice3A_28 = vector.extract_strided_slice %select_n3A {offsets = [0, 1024], sizes = [8, 512], strides = [1, 1]} : vector<8x8192xf32> to vector<8x512xf32>
    %get3A_29 = arith.constant 0 : index
    %get3A_30 = arith.constant 0 : index
    %get3A_31 = vector.load %arg4[%get3A_29, %get3A_30] : memref<512x512xf32, #tpu.memory_space<vmem>>, vector<512x512xf32>
    %dot_general3A_32 = arith.constant dense<0.000000e+00> : vector<8x512xf32>
    %dot_general3A_33 = tpu.matmul %slice3A_28, %get3A_31, %dot_general3A_32 {dimension_numbers = #tpu.dot_dimension_numbers<[1], [0], [0], [1], [0, 0, 1, 1], [], []>, transpose_lhs_hint = false} : vector<8x512xf32>, vector<512x512xf32>, vector<8x512xf32> -> vector<8x512xf32>
    %add3A_34 = vector.broadcast %slice3A_24 : vector<8x1xf32> to vector<8x512xf32>
    %add3A_35 = arith.addf %dot_general3A_33, %add3A_34 : vector<8x512xf32>
    %slice3A_36 = vector.extract_strided_slice %add3A_35 {offsets = [0, 511], sizes = [8, 1], strides = [1, 1]} : vector<8x512xf32> to vector<8x1xf32>
    %swap3A_37 = arith.constant 0 : index
    %swap3A_38 = arith.constant 1024 : index
    %swap3A_39 = vector.load %arg8[%swap3A_37, %swap3A_38] : memref<8x8192xf32, #tpu.memory_space<vmem>>, vector<8x512xf32>
    tpu.vector_store %arg8[%swap3A_37, %swap3A_38], %add3A_35 {strides = array<i32>} : memref<8x8192xf32, #tpu.memory_space<vmem>>, vector<8x512xf32>,
    %slice3A_40 = vector.extract_strided_slice %select_n3A {offsets = [0, 1536], sizes = [8, 512], strides = [1, 1]} : vector<8x8192xf32> to vector<8x512xf32>
    %get3A_41 = arith.constant 0 : index
    %get3A_42 = arith.constant 0 : index
    %get3A_43 = vector.load %arg4[%get3A_41, %get3A_42] : memref<512x512xf32, #tpu.memory_space<vmem>>, vector<512x512xf32>
    %dot_general3A_44 = arith.constant dense<0.000000e+00> : vector<8x512xf32>
    %dot_general3A_45 = tpu.matmul %slice3A_40, %get3A_43, %dot_general3A_44 {dimension_numbers = #tpu.dot_dimension_numbers<[1], [0], [0], [1], [0, 0, 1, 1], [], []>, transpose_lhs_hint = false} : vector<8x512xf32>, vector<512x512xf32>, vector<8x512xf32> -> vector<8x512xf32>
    %add3A_46 = vector.broadcast %slice3A_36 : vector<8x1xf32> to vector<8x512xf32>
    %add3A_47 = arith.addf %dot_general3A_45, %add3A_46 : vector<8x512xf32>
    %slice3A_48 = vector.extract_strided_slice %add3A_47 {offsets = [0, 511], sizes = [8, 1], strides = [1, 1]} : vector<8x512xf32> to vector<8x1xf32>
    %swap3A_49 = arith.constant 0 : index
    %swap3A_50 = arith.constant 1536 : index
    %swap3A_51 = vector.load %arg8[%swap3A_49, %swap3A_50] : memref<8x8192xf32, #tpu.memory_space<vmem>>, vector<8x512xf32>
    tpu.vector_store %arg8[%swap3A_49, %swap3A_50], %add3A_47 {strides = array<i32>} : memref<8x8192xf32, #tpu.memory_space<vmem>>, vector<8x512xf32>,
    %slice3A_52 = vector.extract_strided_slice %select_n3A {offsets = [0, 2048], sizes = [8, 512], strides = [1, 1]} : vector<8x8192xf32> to vector<8x512xf32>
    %get3A_53 = arith.constant 0 : index
    %get3A_54 = arith.constant 0 : index
    %get3A_55 = vector.load %arg4[%get3A_53, %get3A_54] : memref<512x512xf32, #tpu.memory_space<vmem>>, vector<512x512xf32>
    %dot_general3A_56 = arith.constant dense<0.000000e+00> : vector<8x512xf32>
    %dot_general3A_57 = tpu.matmul %slice3A_52, %get3A_55, %dot_general3A_56 {dimension_numbers = #tpu.dot_dimension_numbers<[1], [0], [0], [1], [0, 0, 1, 1], [], []>, transpose_lhs_hint = false} : vector<8x512xf32>, vector<512x512xf32>, vector<8x512xf32> -> vector<8x512xf32>
    %add3A_58 = vector.broadcast %slice3A_48 : vector<8x1xf32> to vector<8x512xf32>
    %add3A_59 = arith.addf %dot_general3A_57, %add3A_58 : vector<8x512xf32>
    %slice3A_60 = vector.extract_strided_slice %add3A_59 {offsets = [0, 511], sizes = [8, 1], strides = [1, 1]} : vector<8x512xf32> to vector<8x1xf32>
    %swap3A_61 = arith.constant 0 : index
    %swap3A_62 = arith.constant 2048 : index
    %swap3A_63 = vector.load %arg8[%swap3A_61, %swap3A_62] : memref<8x8192xf32, #tpu.memory_space<vmem>>, vector<8x512xf32>
    tpu.vector_store %arg8[%swap3A_61, %swap3A_62], %add3A_59 {strides = array<i32>} : memref<8x8192xf32, #tpu.memory_space<vmem>>, vector<8x512xf32>,
    %slice3A_64 = vector.extract_strided_slice %select_n3A {offsets = [0, 2560], sizes = [8, 512], strides = [1, 1]} : vector<8x8192xf32> to vector<8x512xf32>
    %get3A_65 = arith.constant 0 : index
    %get3A_66 = arith.constant 0 : index
    %get3A_67 = vector.load %arg4[%get3A_65, %get3A_66] : memref<512x512xf32, #tpu.memory_space<vmem>>, vector<512x512xf32>
    %dot_general3A_68 = arith.constant dense<0.000000e+00> : vector<8x512xf32>
    %dot_general3A_69 = tpu.matmul %slice3A_64, %get3A_67, %dot_general3A_68 {dimension_numbers = #tpu.dot_dimension_numbers<[1], [0], [0], [1], [0, 0, 1, 1], [], []>, transpose_lhs_hint = false} : vector<8x512xf32>, vector<512x512xf32>, vector<8x512xf32> -> vector<8x512xf32>
    %add3A_70 = vector.broadcast %slice3A_60 : vector<8x1xf32> to vector<8x512xf32>
    %add3A_71 = arith.addf %dot_general3A_69, %add3A_70 : vector<8x512xf32>
    %slice3A_72 = vector.extract_strided_slice %add3A_71 {offsets = [0, 511], sizes = [8, 1], strides = [1, 1]} : vector<8x512xf32> to vector<8x1xf32>
    %swap3A_73 = arith.constant 0 : index
    %swap3A_74 = arith.constant 2560 : index
    %swap3A_75 = vector.load %arg8[%swap3A_73, %swap3A_74] : memref<8x8192xf32, #tpu.memory_space<vmem>>, vector<8x512xf32>
    tpu.vector_store %arg8[%swap3A_73, %swap3A_74], %add3A_71 {strides = array<i32>} : memref<8x8192xf32, #tpu.memory_space<vmem>>, vector<8x512xf32>,
    %slice3A_76 = vector.extract_strided_slice %select_n3A {offsets = [0, 3072], sizes = [8, 512], strides = [1, 1]} : vector<8x8192xf32> to vector<8x512xf32>
    %get3A_77 = arith.constant 0 : index
    %get3A_78 = arith.constant 0 : index
    %get3A_79 = vector.load %arg4[%get3A_77, %get3A_78] : memref<512x512xf32, #tpu.memory_space<vmem>>, vector<512x512xf32>
    %dot_general3A_80 = arith.constant dense<0.000000e+00> : vector<8x512xf32>
    %dot_general3A_81 = tpu.matmul %slice3A_76, %get3A_79, %dot_general3A_80 {dimension_numbers = #tpu.dot_dimension_numbers<[1], [0], [0], [1], [0, 0, 1, 1], [], []>, transpose_lhs_hint = false} : vector<8x512xf32>, vector<512x512xf32>, vector<8x512xf32> -> vector<8x512xf32>
    %add3A_82 = vector.broadcast %slice3A_72 : vector<8x1xf32> to vector<8x512xf32>
    %add3A_83 = arith.addf %dot_general3A_81, %add3A_82 : vector<8x512xf32>
    %slice3A_84 = vector.extract_strided_slice %add3A_83 {offsets = [0, 511], sizes = [8, 1], strides = [1, 1]} : vector<8x512xf32> to vector<8x1xf32>
    %swap3A_85 = arith.constant 0 : index
    %swap3A_86 = arith.constant 3072 : index
    %swap3A_87 = vector.load %arg8[%swap3A_85, %swap3A_86] : memref<8x8192xf32, #tpu.memory_space<vmem>>, vector<8x512xf32>
    tpu.vector_store %arg8[%swap3A_85, %swap3A_86], %add3A_83 {strides = array<i32>} : memref<8x8192xf32, #tpu.memory_space<vmem>>, vector<8x512xf32>,
    %slice3A_88 = vector.extract_strided_slice %select_n3A {offsets = [0, 3584], sizes = [8, 512], strides = [1, 1]} : vector<8x8192xf32> to vector<8x512xf32>
    %get3A_89 = arith.constant 0 : index
    %get3A_90 = arith.constant 0 : index
    %get3A_91 = vector.load %arg4[%get3A_89, %get3A_90] : memref<512x512xf32, #tpu.memory_space<vmem>>, vector<512x512xf32>
    %dot_general3A_92 = arith.constant dense<0.000000e+00> : vector<8x512xf32>
    %dot_general3A_93 = tpu.matmul %slice3A_88, %get3A_91, %dot_general3A_92 {dimension_numbers = #tpu.dot_dimension_numbers<[1], [0], [0], [1], [0, 0, 1, 1], [], []>, transpose_lhs_hint = false} : vector<8x512xf32>, vector<512x512xf32>, vector<8x512xf32> -> vector<8x512xf32>
    %add3A_94 = vector.broadcast %slice3A_84 : vector<8x1xf32> to vector<8x512xf32>
    %add3A_95 = arith.addf %dot_general3A_93, %add3A_94 : vector<8x512xf32>
    %slice3A_96 = vector.extract_strided_slice %add3A_95 {offsets = [0, 511], sizes = [8, 1], strides = [1, 1]} : vector<8x512xf32> to vector<8x1xf32>
    %swap3A_97 = arith.constant 0 : index
    %swap3A_98 = arith.constant 3584 : index
    %swap3A_99 = vector.load %arg8[%swap3A_97, %swap3A_98] : memref<8x8192xf32, #tpu.memory_space<vmem>>, vector<8x512xf32>
    tpu.vector_store %arg8[%swap3A_97, %swap3A_98], %add3A_95 {strides = array<i32>} : memref<8x8192xf32, #tpu.memory_space<vmem>>, vector<8x512xf32>,
    %slice3A_100 = vector.extract_strided_slice %select_n3A {offsets = [0, 4096], sizes = [8, 512], strides = [1, 1]} : vector<8x8192xf32> to vector<8x512xf32>
    %get3A_101 = arith.constant 0 : index
    %get3A_102 = arith.constant 0 : index
    %get3A_103 = vector.load %arg4[%get3A_101, %get3A_102] : memref<512x512xf32, #tpu.memory_space<vmem>>, vector<512x512xf32>
    %dot_general3A_104 = arith.constant dense<0.000000e+00> : vector<8x512xf32>
    %dot_general3A_105 = tpu.matmul %slice3A_100, %get3A_103, %dot_general3A_104 {dimension_numbers = #tpu.dot_dimension_numbers<[1], [0], [0], [1], [0, 0, 1, 1], [], []>, transpose_lhs_hint = false} : vector<8x512xf32>, vector<512x512xf32>, vector<8x512xf32> -> vector<8x512xf32>
    %add3A_106 = vector.broadcast %slice3A_96 : vector<8x1xf32> to vector<8x512xf32>
    %add3A_107 = arith.addf %dot_general3A_105, %add3A_106 : vector<8x512xf32>
    %slice3A_108 = vector.extract_strided_slice %add3A_107 {offsets = [0, 511], sizes = [8, 1], strides = [1, 1]} : vector<8x512xf32> to vector<8x1xf32>
    %swap3A_109 = arith.constant 0 : index
    %swap3A_110 = arith.constant 4096 : index
    %swap3A_111 = vector.load %arg8[%swap3A_109, %swap3A_110] : memref<8x8192xf32, #tpu.memory_space<vmem>>, vector<8x512xf32>
    tpu.vector_store %arg8[%swap3A_109, %swap3A_110], %add3A_107 {strides = array<i32>} : memref<8x8192xf32, #tpu.memory_space<vmem>>, vector<8x512xf32>,
    %slice3A_112 = vector.extract_strided_slice %select_n3A {offsets = [0, 4608], sizes = [8, 512], strides = [1, 1]} : vector<8x8192xf32> to vector<8x512xf32>
    %get3A_113 = arith.constant 0 : index
    %get3A_114 = arith.constant 0 : index
    %get3A_115 = vector.load %arg4[%get3A_113, %get3A_114] : memref<512x512xf32, #tpu.memory_space<vmem>>, vector<512x512xf32>
    %dot_general3A_116 = arith.constant dense<0.000000e+00> : vector<8x512xf32>
    %dot_general3A_117 = tpu.matmul %slice3A_112, %get3A_115, %dot_general3A_116 {dimension_numbers = #tpu.dot_dimension_numbers<[1], [0], [0], [1], [0, 0, 1, 1], [], []>, transpose_lhs_hint = false} : vector<8x512xf32>, vector<512x512xf32>, vector<8x512xf32> -> vector<8x512xf32>
    %add3A_118 = vector.broadcast %slice3A_108 : vector<8x1xf32> to vector<8x512xf32>
    %add3A_119 = arith.addf %dot_general3A_117, %add3A_118 : vector<8x512xf32>
    %slice3A_120 = vector.extract_strided_slice %add3A_119 {offsets = [0, 511], sizes = [8, 1], strides = [1, 1]} : vector<8x512xf32> to vector<8x1xf32>
    %swap3A_121 = arith.constant 0 : index
    %swap3A_122 = arith.constant 4608 : index
    %swap3A_123 = vector.load %arg8[%swap3A_121, %swap3A_122] : memref<8x8192xf32, #tpu.memory_space<vmem>>, vector<8x512xf32>
    tpu.vector_store %arg8[%swap3A_121, %swap3A_122], %add3A_119 {strides = array<i32>} : memref<8x8192xf32, #tpu.memory_space<vmem>>, vector<8x512xf32>,
    %slice3A_124 = vector.extract_strided_slice %select_n3A {offsets = [0, 5120], sizes = [8, 512], strides = [1, 1]} : vector<8x8192xf32> to vector<8x512xf32>
    %get3A_125 = arith.constant 0 : index
    %get3A_126 = arith.constant 0 : index
    %get3A_127 = vector.load %arg4[%get3A_125, %get3A_126] : memref<512x512xf32, #tpu.memory_space<vmem>>, vector<512x512xf32>
    %dot_general3A_128 = arith.constant dense<0.000000e+00> : vector<8x512xf32>
    %dot_general3A_129 = tpu.matmul %slice3A_124, %get3A_127, %dot_general3A_128 {dimension_numbers = #tpu.dot_dimension_numbers<[1], [0], [0], [1], [0, 0, 1, 1], [], []>, transpose_lhs_hint = false} : vector<8x512xf32>, vector<512x512xf32>, vector<8x512xf32> -> vector<8x512xf32>
    %add3A_130 = vector.broadcast %slice3A_120 : vector<8x1xf32> to vector<8x512xf32>
    %add3A_131 = arith.addf %dot_general3A_129, %add3A_130 : vector<8x512xf32>
    %slice3A_132 = vector.extract_strided_slice %add3A_131 {offsets = [0, 511], sizes = [8, 1], strides = [1, 1]} : vector<8x512xf32> to vector<8x1xf32>
    %swap3A_133 = arith.constant 0 : index
    %swap3A_134 = arith.constant 5120 : index
    %swap3A_135 = vector.load %arg8[%swap3A_133, %swap3A_134] : memref<8x8192xf32, #tpu.memory_space<vmem>>, vector<8x512xf32>
    tpu.vector_store %arg8[%swap3A_133, %swap3A_134], %add3A_131 {strides = array<i32>} : memref<8x8192xf32, #tpu.memory_space<vmem>>, vector<8x512xf32>,
    %slice3A_136 = vector.extract_strided_slice %select_n3A {offsets = [0, 5632], sizes = [8, 512], strides = [1, 1]} : vector<8x8192xf32> to vector<8x512xf32>
    %get3A_137 = arith.constant 0 : index
    %get3A_138 = arith.constant 0 : index
    %get3A_139 = vector.load %arg4[%get3A_137, %get3A_138] : memref<512x512xf32, #tpu.memory_space<vmem>>, vector<512x512xf32>
    %dot_general3A_140 = arith.constant dense<0.000000e+00> : vector<8x512xf32>
    %dot_general3A_141 = tpu.matmul %slice3A_136, %get3A_139, %dot_general3A_140 {dimension_numbers = #tpu.dot_dimension_numbers<[1], [0], [0], [1], [0, 0, 1, 1], [], []>, transpose_lhs_hint = false} : vector<8x512xf32>, vector<512x512xf32>, vector<8x512xf32> -> vector<8x512xf32>
    %add3A_142 = vector.broadcast %slice3A_132 : vector<8x1xf32> to vector<8x512xf32>
    %add3A_143 = arith.addf %dot_general3A_141, %add3A_142 : vector<8x512xf32>
    %slice3A_144 = vector.extract_strided_slice %add3A_143 {offsets = [0, 511], sizes = [8, 1], strides = [1, 1]} : vector<8x512xf32> to vector<8x1xf32>
    %swap3A_145 = arith.constant 0 : index
    %swap3A_146 = arith.constant 5632 : index
    %swap3A_147 = vector.load %arg8[%swap3A_145, %swap3A_146] : memref<8x8192xf32, #tpu.memory_space<vmem>>, vector<8x512xf32>
    tpu.vector_store %arg8[%swap3A_145, %swap3A_146], %add3A_143 {strides = array<i32>} : memref<8x8192xf32, #tpu.memory_space<vmem>>, vector<8x512xf32>,
    %slice3A_148 = vector.extract_strided_slice %select_n3A {offsets = [0, 6144], sizes = [8, 512], strides = [1, 1]} : vector<8x8192xf32> to vector<8x512xf32>
    %get3A_149 = arith.constant 0 : index
    %get3A_150 = arith.constant 0 : index
    %get3A_151 = vector.load %arg4[%get3A_149, %get3A_150] : memref<512x512xf32, #tpu.memory_space<vmem>>, vector<512x512xf32>
    %dot_general3A_152 = arith.constant dense<0.000000e+00> : vector<8x512xf32>
    %dot_general3A_153 = tpu.matmul %slice3A_148, %get3A_151, %dot_general3A_152 {dimension_numbers = #tpu.dot_dimension_numbers<[1], [0], [0], [1], [0, 0, 1, 1], [], []>, transpose_lhs_hint = false} : vector<8x512xf32>, vector<512x512xf32>, vector<8x512xf32> -> vector<8x512xf32>
    %add3A_154 = vector.broadcast %slice3A_144 : vector<8x1xf32> to vector<8x512xf32>
    %add3A_155 = arith.addf %dot_general3A_153, %add3A_154 : vector<8x512xf32>
    %slice3A_156 = vector.extract_strided_slice %add3A_155 {offsets = [0, 511], sizes = [8, 1], strides = [1, 1]} : vector<8x512xf32> to vector<8x1xf32>
    %swap3A_157 = arith.constant 0 : index
    %swap3A_158 = arith.constant 6144 : index
    %swap3A_159 = vector.load %arg8[%swap3A_157, %swap3A_158] : memref<8x8192xf32, #tpu.memory_space<vmem>>, vector<8x512xf32>
    tpu.vector_store %arg8[%swap3A_157, %swap3A_158], %add3A_155 {strides = array<i32>} : memref<8x8192xf32, #tpu.memory_space<vmem>>, vector<8x512xf32>,
    %slice3A_160 = vector.extract_strided_slice %select_n3A {offsets = [0, 6656], sizes = [8, 512], strides = [1, 1]} : vector<8x8192xf32> to vector<8x512xf32>
    %get3A_161 = arith.constant 0 : index
    %get3A_162 = arith.constant 0 : index
    %get3A_163 = vector.load %arg4[%get3A_161, %get3A_162] : memref<512x512xf32, #tpu.memory_space<vmem>>, vector<512x512xf32>
    %dot_general3A_164 = arith.constant dense<0.000000e+00> : vector<8x512xf32>
    %dot_general3A_165 = tpu.matmul %slice3A_160, %get3A_163, %dot_general3A_164 {dimension_numbers = #tpu.dot_dimension_numbers<[1], [0], [0], [1], [0, 0, 1, 1], [], []>, transpose_lhs_hint = false} : vector<8x512xf32>, vector<512x512xf32>, vector<8x512xf32> -> vector<8x512xf32>
    %add3A_166 = vector.broadcast %slice3A_156 : vector<8x1xf32> to vector<8x512xf32>
    %add3A_167 = arith.addf %dot_general3A_165, %add3A_166 : vector<8x512xf32>
    %slice3A_168 = vector.extract_strided_slice %add3A_167 {offsets = [0, 511], sizes = [8, 1], strides = [1, 1]} : vector<8x512xf32> to vector<8x1xf32>
    %swap3A_169 = arith.constant 0 : index
    %swap3A_170 = arith.constant 6656 : index
    %swap3A_171 = vector.load %arg8[%swap3A_169, %swap3A_170] : memref<8x8192xf32, #tpu.memory_space<vmem>>, vector<8x512xf32>
    tpu.vector_store %arg8[%swap3A_169, %swap3A_170], %add3A_167 {strides = array<i32>} : memref<8x8192xf32, #tpu.memory_space<vmem>>, vector<8x512xf32>,
    %slice3A_172 = vector.extract_strided_slice %select_n3A {offsets = [0, 7168], sizes = [8, 512], strides = [1, 1]} : vector<8x8192xf32> to vector<8x512xf32>
    %get3A_173 = arith.constant 0 : index
    %get3A_174 = arith.constant 0 : index
    %get3A_175 = vector.load %arg4[%get3A_173, %get3A_174] : memref<512x512xf32, #tpu.memory_space<vmem>>, vector<512x512xf32>
    %dot_general3A_176 = arith.constant dense<0.000000e+00> : vector<8x512xf32>
    %dot_general3A_177 = tpu.matmul %slice3A_172, %get3A_175, %dot_general3A_176 {dimension_numbers = #tpu.dot_dimension_numbers<[1], [0], [0], [1], [0, 0, 1, 1], [], []>, transpose_lhs_hint = false} : vector<8x512xf32>, vector<512x512xf32>, vector<8x512xf32> -> vector<8x512xf32>
    %add3A_178 = vector.broadcast %slice3A_168 : vector<8x1xf32> to vector<8x512xf32>
    %add3A_179 = arith.addf %dot_general3A_177, %add3A_178 : vector<8x512xf32>
    %slice3A_180 = vector.extract_strided_slice %add3A_179 {offsets = [0, 511], sizes = [8, 1], strides = [1, 1]} : vector<8x512xf32> to vector<8x1xf32>
    %swap3A_181 = arith.constant 0 : index
    %swap3A_182 = arith.constant 7168 : index
    %swap3A_183 = vector.load %arg8[%swap3A_181, %swap3A_182] : memref<8x8192xf32, #tpu.memory_space<vmem>>, vector<8x512xf32>
    tpu.vector_store %arg8[%swap3A_181, %swap3A_182], %add3A_179 {strides = array<i32>} : memref<8x8192xf32, #tpu.memory_space<vmem>>, vector<8x512xf32>,
    %slice3A_184 = vector.extract_strided_slice %select_n3A {offsets = [0, 7680], sizes = [8, 512], strides = [1, 1]} : vector<8x8192xf32> to vector<8x512xf32>
    %get3A_185 = arith.constant 0 : index
    %get3A_186 = arith.constant 0 : index
    %get3A_187 = vector.load %arg4[%get3A_185, %get3A_186] : memref<512x512xf32, #tpu.memory_space<vmem>>, vector<512x512xf32>
    %dot_general3A_188 = arith.constant dense<0.000000e+00> : vector<8x512xf32>
    %dot_general3A_189 = tpu.matmul %slice3A_184, %get3A_187, %dot_general3A_188 {dimension_numbers = #tpu.dot_dimension_numbers<[1], [0], [0], [1], [0, 0, 1, 1], [], []>, transpose_lhs_hint = false} : vector<8x512xf32>, vector<512x512xf32>, vector<8x512xf32> -> vector<8x512xf32>
    %add3A_190 = vector.broadcast %slice3A_180 : vector<8x1xf32> to vector<8x512xf32>
    %add3A_191 = arith.addf %dot_general3A_189, %add3A_190 : vector<8x512xf32>
    %slice3A_192 = vector.extract_strided_slice %add3A_191 {offsets = [0, 511], sizes = [8, 1], strides = [1, 1]} : vector<8x512xf32> to vector<8x1xf32>
    %swap3A_193 = arith.constant 0 : index
    %swap3A_194 = arith.constant 7680 : index
    %swap3A_195 = vector.load %arg8[%swap3A_193, %swap3A_194] : memref<8x8192xf32, #tpu.memory_space<vmem>>, vector<8x512xf32>
    tpu.vector_store %arg8[%swap3A_193, %swap3A_194], %add3A_191 {strides = array<i32>} : memref<8x8192xf32, #tpu.memory_space<vmem>>, vector<8x512xf32>,
    %get3A_196 = arith.constant 0 : index
    %get3A_197 = arith.constant 0 : index
    %get3A_198 = vector.load %arg8[%get3A_196, %get3A_197] : memref<8x8192xf32, #tpu.memory_space<vmem>>, vector<8x8192xf32>
    %iota3A = tpu.iota {dimensions = array<i32: 1>} : vector<8x32xi32>
    %broadcast_in_dim3A_199 = arith.constant 0 : i32
    %broadcast_in_dim3A_200 = vector.broadcast %broadcast_in_dim3A_199 : i32 to vector<8x32xi32>
    %scan3A = arith.constant 0 : i32
    %scan3A_201 = arith.constant 32 : i32
    %scan3A_202 = arith.addi %scan3A, %scan3A_201 : i32
    %scan3A_203 = arith.constant 1 : i32
    %scan3A_204 = scf.for %scan3A_669 = %scan3A to %scan3A_202 step %scan3A_203 iter_args(%scan3A_670 = %broadcast_in_dim3A_200) -> (vector<8x32xi32>)  : i32 {
      %convert_element_type3A_671 = arith.sitofp %scan3A_669 : i32 to f32
      %le3A = vector.broadcast %convert_element_type3A_671 : f32 to vector<8x8192xf32>
      %le3A_672 = arith.cmpf ole, %get3A_198, %le3A : vector<8x8192xf32>
      %jit3A_673 = arith.constant 1.000000e+00 : f32
      %jit3A_674 = arith.constant 0.000000e+00 : f32
      %broadcast_in_dim3A_675 = vector.broadcast %jit3A_673 : f32 to vector<8x8192xf32>
      %broadcast_in_dim3A_676 = vector.broadcast %jit3A_674 : f32 to vector<8x8192xf32>
      %select_n3A_677 = arith.select %le3A_672, %broadcast_in_dim3A_675, %broadcast_in_dim3A_676 : vector<8x8192xi1>, vector<8x8192xf32>
      %reduce_sum3A = arith.constant dense<0.000000e+00> : vector<8xf32>
      %reduce_sum3A_678 = vector.multi_reduction <add>, %select_n3A_677, %reduce_sum3A [1] : vector<8x8192xf32> to vector<8xf32>
      %broadcast_in_dim3A_679 = vector.shape_cast %reduce_sum3A_678 : vector<8xf32> to vector<8x1xf32>
      %eq3A = vector.broadcast %scan3A_669 : i32 to vector<8x32xi32>
      %eq3A_680 = arith.cmpi eq, %iota3A, %eq3A : vector<8x32xi32>
      %convert_element_type3A_681 = arith.fptosi %broadcast_in_dim3A_679 : vector<8x1xf32> to vector<8x1xi32>
      %jit3A_682 = arith.constant 0 : i32
      %broadcast_in_dim3A_683 = vector.shape_cast %convert_element_type3A_681 : vector<8x1xi32> to vector<8x1xi32>
      %broadcast_in_dim3A_684 = vector.broadcast %broadcast_in_dim3A_683 : vector<8x1xi32> to vector<8x32xi32>
      %broadcast_in_dim3A_685 = vector.broadcast %jit3A_682 : i32 to vector<8x32xi32>
      %select_n3A_686 = arith.select %eq3A_680, %broadcast_in_dim3A_684, %broadcast_in_dim3A_685 : vector<8x32xi1>, vector<8x32xi32>
      %add3A_687 = arith.addi %scan3A_670, %select_n3A_686 : vector<8x32xi32>
      scf.yield %add3A_687 : vector<8x32xi32>
    }
    %scan3A_205 = arith.constant 32 : i32
    %slice3A_206 = vector.extract_strided_slice %scan3A_204 {offsets = [0, 0], sizes = [8, 1], strides = [1, 1]} : vector<8x32xi32> to vector<8x1xi32>
    %convert_element_type3A = arith.fptosi %slice3A_192 : vector<8x1xf32> to vector<8x1xi32>
    %lt3A_207 = vector.broadcast %convert_element_type3A : vector<8x1xi32> to vector<8x32xi32>
    %lt3A_208 = arith.cmpi slt, %iota3A, %lt3A_207 : vector<8x32xi32>
    %broadcast_in_dim3A_209 = vector.shape_cast %slice3A_206 : vector<8x1xi32> to vector<8x1xi32>
    %broadcast_in_dim3A_210 = vector.broadcast %broadcast_in_dim3A_209 : vector<8x1xi32> to vector<8x32xi32>
    %select_n3A_211 = arith.select %lt3A_208, %scan3A_204, %broadcast_in_dim3A_210 : vector<8x32xi1>, vector<8x32xi32>
    %swap3A_212 = arith.constant 0 : index
    %swap3A_213 = arith.constant 0 : index
    %swap3A_214 = vector.load %arg5[%swap3A_212, %swap3A_213] : memref<8x32xi32, #tpu.memory_space<vmem>>, vector<8x32xi32>
    tpu.vector_store %arg5[%swap3A_212, %swap3A_213], %select_n3A_211 {strides = array<i32>} : memref<8x32xi32, #tpu.memory_space<vmem>>, vector<8x32xi32>,
    %get3A_215 = arith.constant 0 : index
    %get3A_216 = arith.constant 0 : index
    %get3A_217 = vector.load %arg2[%get3A_215, %get3A_216] : memref<8x8192xi32, #tpu.memory_space<vmem>>, vector<8x8192xi32>
    %lt3A_218 = arith.constant 8192 : i32
    %lt3A_219 = vector.broadcast %lt3A_218 : i32 to vector<8x8192xi32>
    %lt3A_220 = arith.cmpi slt, %get3A_217, %lt3A_219 : vector<8x8192xi32>
    %jit3A_221 = arith.constant 1.000000e+00 : f32
    %jit3A_222 = arith.constant 0.000000e+00 : f32
    %broadcast_in_dim3A_223 = vector.broadcast %jit3A_221 : f32 to vector<8x8192xf32>
    %broadcast_in_dim3A_224 = vector.broadcast %jit3A_222 : f32 to vector<8x8192xf32>
    %select_n3A_225 = arith.select %lt3A_220, %broadcast_in_dim3A_223, %broadcast_in_dim3A_224 : vector<8x8192xi1>, vector<8x8192xf32>
    %broadcast_in_dim3A_226 = arith.constant 0.000000e+00 : f32
    %broadcast_in_dim3A_227 = vector.broadcast %broadcast_in_dim3A_226 : f32 to vector<8x1xf32>
    %slice3A_228 = vector.extract_strided_slice %select_n3A_225 {offsets = [0, 0], sizes = [8, 512], strides = [1, 1]} : vector<8x8192xf32> to vector<8x512xf32>
    %get3A_229 = arith.constant 0 : index
    %get3A_230 = arith.constant 0 : index
    %get3A_231 = vector.load %arg4[%get3A_229, %get3A_230] : memref<512x512xf32, #tpu.memory_space<vmem>>, vector<512x512xf32>
    %dot_general3A_232 = arith.constant dense<0.000000e+00> : vector<8x512xf32>
    %dot_general3A_233 = tpu.matmul %slice3A_228, %get3A_231, %dot_general3A_232 {dimension_numbers = #tpu.dot_dimension_numbers<[1], [0], [0], [1], [0, 0, 1, 1], [], []>, transpose_lhs_hint = false} : vector<8x512xf32>, vector<512x512xf32>, vector<8x512xf32> -> vector<8x512xf32>
    %add3A_234 = vector.broadcast %broadcast_in_dim3A_227 : vector<8x1xf32> to vector<8x512xf32>
    %add3A_235 = arith.addf %dot_general3A_233, %add3A_234 : vector<8x512xf32>
    %slice3A_236 = vector.extract_strided_slice %add3A_235 {offsets = [0, 511], sizes = [8, 1], strides = [1, 1]} : vector<8x512xf32> to vector<8x1xf32>
    %swap3A_237 = arith.constant 0 : index
    %swap3A_238 = arith.constant 0 : index
    %swap3A_239 = vector.load %arg8[%swap3A_237, %swap3A_238] : memref<8x8192xf32, #tpu.memory_space<vmem>>, vector<8x512xf32>
    tpu.vector_store %arg8[%swap3A_237, %swap3A_238], %add3A_235 {strides = array<i32>} : memref<8x8192xf32, #tpu.memory_space<vmem>>, vector<8x512xf32>,
    %slice3A_240 = vector.extract_strided_slice %select_n3A_225 {offsets = [0, 512], sizes = [8, 512], strides = [1, 1]} : vector<8x8192xf32> to vector<8x512xf32>
    %get3A_241 = arith.constant 0 : index
    %get3A_242 = arith.constant 0 : index
    %get3A_243 = vector.load %arg4[%get3A_241, %get3A_242] : memref<512x512xf32, #tpu.memory_space<vmem>>, vector<512x512xf32>
    %dot_general3A_244 = arith.constant dense<0.000000e+00> : vector<8x512xf32>
    %dot_general3A_245 = tpu.matmul %slice3A_240, %get3A_243, %dot_general3A_244 {dimension_numbers = #tpu.dot_dimension_numbers<[1], [0], [0], [1], [0, 0, 1, 1], [], []>, transpose_lhs_hint = false} : vector<8x512xf32>, vector<512x512xf32>, vector<8x512xf32> -> vector<8x512xf32>
    %add3A_246 = vector.broadcast %slice3A_236 : vector<8x1xf32> to vector<8x512xf32>
    %add3A_247 = arith.addf %dot_general3A_245, %add3A_246 : vector<8x512xf32>
    %slice3A_248 = vector.extract_strided_slice %add3A_247 {offsets = [0, 511], sizes = [8, 1], strides = [1, 1]} : vector<8x512xf32> to vector<8x1xf32>
    %swap3A_249 = arith.constant 0 : index
    %swap3A_250 = arith.constant 512 : index
    %swap3A_251 = vector.load %arg8[%swap3A_249, %swap3A_250] : memref<8x8192xf32, #tpu.memory_space<vmem>>, vector<8x512xf32>
    tpu.vector_store %arg8[%swap3A_249, %swap3A_250], %add3A_247 {strides = array<i32>} : memref<8x8192xf32, #tpu.memory_space<vmem>>, vector<8x512xf32>,
    %slice3A_252 = vector.extract_strided_slice %select_n3A_225 {offsets = [0, 1024], sizes = [8, 512], strides = [1, 1]} : vector<8x8192xf32> to vector<8x512xf32>
    %get3A_253 = arith.constant 0 : index
    %get3A_254 = arith.constant 0 : index
    %get3A_255 = vector.load %arg4[%get3A_253, %get3A_254] : memref<512x512xf32, #tpu.memory_space<vmem>>, vector<512x512xf32>
    %dot_general3A_256 = arith.constant dense<0.000000e+00> : vector<8x512xf32>
    %dot_general3A_257 = tpu.matmul %slice3A_252, %get3A_255, %dot_general3A_256 {dimension_numbers = #tpu.dot_dimension_numbers<[1], [0], [0], [1], [0, 0, 1, 1], [], []>, transpose_lhs_hint = false} : vector<8x512xf32>, vector<512x512xf32>, vector<8x512xf32> -> vector<8x512xf32>
    %add3A_258 = vector.broadcast %slice3A_248 : vector<8x1xf32> to vector<8x512xf32>
    %add3A_259 = arith.addf %dot_general3A_257, %add3A_258 : vector<8x512xf32>
    %slice3A_260 = vector.extract_strided_slice %add3A_259 {offsets = [0, 511], sizes = [8, 1], strides = [1, 1]} : vector<8x512xf32> to vector<8x1xf32>
    %swap3A_261 = arith.constant 0 : index
    %swap3A_262 = arith.constant 1024 : index
    %swap3A_263 = vector.load %arg8[%swap3A_261, %swap3A_262] : memref<8x8192xf32, #tpu.memory_space<vmem>>, vector<8x512xf32>
    tpu.vector_store %arg8[%swap3A_261, %swap3A_262], %add3A_259 {strides = array<i32>} : memref<8x8192xf32, #tpu.memory_space<vmem>>, vector<8x512xf32>,
    %slice3A_264 = vector.extract_strided_slice %select_n3A_225 {offsets = [0, 1536], sizes = [8, 512], strides = [1, 1]} : vector<8x8192xf32> to vector<8x512xf32>
    %get3A_265 = arith.constant 0 : index
    %get3A_266 = arith.constant 0 : index
    %get3A_267 = vector.load %arg4[%get3A_265, %get3A_266] : memref<512x512xf32, #tpu.memory_space<vmem>>, vector<512x512xf32>
    %dot_general3A_268 = arith.constant dense<0.000000e+00> : vector<8x512xf32>
    %dot_general3A_269 = tpu.matmul %slice3A_264, %get3A_267, %dot_general3A_268 {dimension_numbers = #tpu.dot_dimension_numbers<[1], [0], [0], [1], [0, 0, 1, 1], [], []>, transpose_lhs_hint = false} : vector<8x512xf32>, vector<512x512xf32>, vector<8x512xf32> -> vector<8x512xf32>
    %add3A_270 = vector.broadcast %slice3A_260 : vector<8x1xf32> to vector<8x512xf32>
    %add3A_271 = arith.addf %dot_general3A_269, %add3A_270 : vector<8x512xf32>
    %slice3A_272 = vector.extract_strided_slice %add3A_271 {offsets = [0, 511], sizes = [8, 1], strides = [1, 1]} : vector<8x512xf32> to vector<8x1xf32>
    %swap3A_273 = arith.constant 0 : index
    %swap3A_274 = arith.constant 1536 : index
    %swap3A_275 = vector.load %arg8[%swap3A_273, %swap3A_274] : memref<8x8192xf32, #tpu.memory_space<vmem>>, vector<8x512xf32>
    tpu.vector_store %arg8[%swap3A_273, %swap3A_274], %add3A_271 {strides = array<i32>} : memref<8x8192xf32, #tpu.memory_space<vmem>>, vector<8x512xf32>,
    %slice3A_276 = vector.extract_strided_slice %select_n3A_225 {offsets = [0, 2048], sizes = [8, 512], strides = [1, 1]} : vector<8x8192xf32> to vector<8x512xf32>
    %get3A_277 = arith.constant 0 : index
    %get3A_278 = arith.constant 0 : index
    %get3A_279 = vector.load %arg4[%get3A_277, %get3A_278] : memref<512x512xf32, #tpu.memory_space<vmem>>, vector<512x512xf32>
    %dot_general3A_280 = arith.constant dense<0.000000e+00> : vector<8x512xf32>
    %dot_general3A_281 = tpu.matmul %slice3A_276, %get3A_279, %dot_general3A_280 {dimension_numbers = #tpu.dot_dimension_numbers<[1], [0], [0], [1], [0, 0, 1, 1], [], []>, transpose_lhs_hint = false} : vector<8x512xf32>, vector<512x512xf32>, vector<8x512xf32> -> vector<8x512xf32>
    %add3A_282 = vector.broadcast %slice3A_272 : vector<8x1xf32> to vector<8x512xf32>
    %add3A_283 = arith.addf %dot_general3A_281, %add3A_282 : vector<8x512xf32>
    %slice3A_284 = vector.extract_strided_slice %add3A_283 {offsets = [0, 511], sizes = [8, 1], strides = [1, 1]} : vector<8x512xf32> to vector<8x1xf32>
    %swap3A_285 = arith.constant 0 : index
    %swap3A_286 = arith.constant 2048 : index
    %swap3A_287 = vector.load %arg8[%swap3A_285, %swap3A_286] : memref<8x8192xf32, #tpu.memory_space<vmem>>, vector<8x512xf32>
    tpu.vector_store %arg8[%swap3A_285, %swap3A_286], %add3A_283 {strides = array<i32>} : memref<8x8192xf32, #tpu.memory_space<vmem>>, vector<8x512xf32>,
    %slice3A_288 = vector.extract_strided_slice %select_n3A_225 {offsets = [0, 2560], sizes = [8, 512], strides = [1, 1]} : vector<8x8192xf32> to vector<8x512xf32>
    %get3A_289 = arith.constant 0 : index
    %get3A_290 = arith.constant 0 : index
    %get3A_291 = vector.load %arg4[%get3A_289, %get3A_290] : memref<512x512xf32, #tpu.memory_space<vmem>>, vector<512x512xf32>
    %dot_general3A_292 = arith.constant dense<0.000000e+00> : vector<8x512xf32>
    %dot_general3A_293 = tpu.matmul %slice3A_288, %get3A_291, %dot_general3A_292 {dimension_numbers = #tpu.dot_dimension_numbers<[1], [0], [0], [1], [0, 0, 1, 1], [], []>, transpose_lhs_hint = false} : vector<8x512xf32>, vector<512x512xf32>, vector<8x512xf32> -> vector<8x512xf32>
    %add3A_294 = vector.broadcast %slice3A_284 : vector<8x1xf32> to vector<8x512xf32>
    %add3A_295 = arith.addf %dot_general3A_293, %add3A_294 : vector<8x512xf32>
    %slice3A_296 = vector.extract_strided_slice %add3A_295 {offsets = [0, 511], sizes = [8, 1], strides = [1, 1]} : vector<8x512xf32> to vector<8x1xf32>
    %swap3A_297 = arith.constant 0 : index
    %swap3A_298 = arith.constant 2560 : index
    %swap3A_299 = vector.load %arg8[%swap3A_297, %swap3A_298] : memref<8x8192xf32, #tpu.memory_space<vmem>>, vector<8x512xf32>
    tpu.vector_store %arg8[%swap3A_297, %swap3A_298], %add3A_295 {strides = array<i32>} : memref<8x8192xf32, #tpu.memory_space<vmem>>, vector<8x512xf32>,
    %slice3A_300 = vector.extract_strided_slice %select_n3A_225 {offsets = [0, 3072], sizes = [8, 512], strides = [1, 1]} : vector<8x8192xf32> to vector<8x512xf32>
    %get3A_301 = arith.constant 0 : index
    %get3A_302 = arith.constant 0 : index
    %get3A_303 = vector.load %arg4[%get3A_301, %get3A_302] : memref<512x512xf32, #tpu.memory_space<vmem>>, vector<512x512xf32>
    %dot_general3A_304 = arith.constant dense<0.000000e+00> : vector<8x512xf32>
    %dot_general3A_305 = tpu.matmul %slice3A_300, %get3A_303, %dot_general3A_304 {dimension_numbers = #tpu.dot_dimension_numbers<[1], [0], [0], [1], [0, 0, 1, 1], [], []>, transpose_lhs_hint = false} : vector<8x512xf32>, vector<512x512xf32>, vector<8x512xf32> -> vector<8x512xf32>
    %add3A_306 = vector.broadcast %slice3A_296 : vector<8x1xf32> to vector<8x512xf32>
    %add3A_307 = arith.addf %dot_general3A_305, %add3A_306 : vector<8x512xf32>
    %slice3A_308 = vector.extract_strided_slice %add3A_307 {offsets = [0, 511], sizes = [8, 1], strides = [1, 1]} : vector<8x512xf32> to vector<8x1xf32>
    %swap3A_309 = arith.constant 0 : index
    %swap3A_310 = arith.constant 3072 : index
    %swap3A_311 = vector.load %arg8[%swap3A_309, %swap3A_310] : memref<8x8192xf32, #tpu.memory_space<vmem>>, vector<8x512xf32>
    tpu.vector_store %arg8[%swap3A_309, %swap3A_310], %add3A_307 {strides = array<i32>} : memref<8x8192xf32, #tpu.memory_space<vmem>>, vector<8x512xf32>,
    %slice3A_312 = vector.extract_strided_slice %select_n3A_225 {offsets = [0, 3584], sizes = [8, 512], strides = [1, 1]} : vector<8x8192xf32> to vector<8x512xf32>
    %get3A_313 = arith.constant 0 : index
    %get3A_314 = arith.constant 0 : index
    %get3A_315 = vector.load %arg4[%get3A_313, %get3A_314] : memref<512x512xf32, #tpu.memory_space<vmem>>, vector<512x512xf32>
    %dot_general3A_316 = arith.constant dense<0.000000e+00> : vector<8x512xf32>
    %dot_general3A_317 = tpu.matmul %slice3A_312, %get3A_315, %dot_general3A_316 {dimension_numbers = #tpu.dot_dimension_numbers<[1], [0], [0], [1], [0, 0, 1, 1], [], []>, transpose_lhs_hint = false} : vector<8x512xf32>, vector<512x512xf32>, vector<8x512xf32> -> vector<8x512xf32>
    %add3A_318 = vector.broadcast %slice3A_308 : vector<8x1xf32> to vector<8x512xf32>
    %add3A_319 = arith.addf %dot_general3A_317, %add3A_318 : vector<8x512xf32>
    %slice3A_320 = vector.extract_strided_slice %add3A_319 {offsets = [0, 511], sizes = [8, 1], strides = [1, 1]} : vector<8x512xf32> to vector<8x1xf32>
    %swap3A_321 = arith.constant 0 : index
    %swap3A_322 = arith.constant 3584 : index
    %swap3A_323 = vector.load %arg8[%swap3A_321, %swap3A_322] : memref<8x8192xf32, #tpu.memory_space<vmem>>, vector<8x512xf32>
    tpu.vector_store %arg8[%swap3A_321, %swap3A_322], %add3A_319 {strides = array<i32>} : memref<8x8192xf32, #tpu.memory_space<vmem>>, vector<8x512xf32>,
    %slice3A_324 = vector.extract_strided_slice %select_n3A_225 {offsets = [0, 4096], sizes = [8, 512], strides = [1, 1]} : vector<8x8192xf32> to vector<8x512xf32>
    %get3A_325 = arith.constant 0 : index
    %get3A_326 = arith.constant 0 : index
    %get3A_327 = vector.load %arg4[%get3A_325, %get3A_326] : memref<512x512xf32, #tpu.memory_space<vmem>>, vector<512x512xf32>
    %dot_general3A_328 = arith.constant dense<0.000000e+00> : vector<8x512xf32>
    %dot_general3A_329 = tpu.matmul %slice3A_324, %get3A_327, %dot_general3A_328 {dimension_numbers = #tpu.dot_dimension_numbers<[1], [0], [0], [1], [0, 0, 1, 1], [], []>, transpose_lhs_hint = false} : vector<8x512xf32>, vector<512x512xf32>, vector<8x512xf32> -> vector<8x512xf32>
    %add3A_330 = vector.broadcast %slice3A_320 : vector<8x1xf32> to vector<8x512xf32>
    %add3A_331 = arith.addf %dot_general3A_329, %add3A_330 : vector<8x512xf32>
    %slice3A_332 = vector.extract_strided_slice %add3A_331 {offsets = [0, 511], sizes = [8, 1], strides = [1, 1]} : vector<8x512xf32> to vector<8x1xf32>
    %swap3A_333 = arith.constant 0 : index
    %swap3A_334 = arith.constant 4096 : index
    %swap3A_335 = vector.load %arg8[%swap3A_333, %swap3A_334] : memref<8x8192xf32, #tpu.memory_space<vmem>>, vector<8x512xf32>
    tpu.vector_store %arg8[%swap3A_333, %swap3A_334], %add3A_331 {strides = array<i32>} : memref<8x8192xf32, #tpu.memory_space<vmem>>, vector<8x512xf32>,
    %slice3A_336 = vector.extract_strided_slice %select_n3A_225 {offsets = [0, 4608], sizes = [8, 512], strides = [1, 1]} : vector<8x8192xf32> to vector<8x512xf32>
    %get3A_337 = arith.constant 0 : index
    %get3A_338 = arith.constant 0 : index
    %get3A_339 = vector.load %arg4[%get3A_337, %get3A_338] : memref<512x512xf32, #tpu.memory_space<vmem>>, vector<512x512xf32>
    %dot_general3A_340 = arith.constant dense<0.000000e+00> : vector<8x512xf32>
    %dot_general3A_341 = tpu.matmul %slice3A_336, %get3A_339, %dot_general3A_340 {dimension_numbers = #tpu.dot_dimension_numbers<[1], [0], [0], [1], [0, 0, 1, 1], [], []>, transpose_lhs_hint = false} : vector<8x512xf32>, vector<512x512xf32>, vector<8x512xf32> -> vector<8x512xf32>
    %add3A_342 = vector.broadcast %slice3A_332 : vector<8x1xf32> to vector<8x512xf32>
    %add3A_343 = arith.addf %dot_general3A_341, %add3A_342 : vector<8x512xf32>
    %slice3A_344 = vector.extract_strided_slice %add3A_343 {offsets = [0, 511], sizes = [8, 1], strides = [1, 1]} : vector<8x512xf32> to vector<8x1xf32>
    %swap3A_345 = arith.constant 0 : index
    %swap3A_346 = arith.constant 4608 : index
    %swap3A_347 = vector.load %arg8[%swap3A_345, %swap3A_346] : memref<8x8192xf32, #tpu.memory_space<vmem>>, vector<8x512xf32>
    tpu.vector_store %arg8[%swap3A_345, %swap3A_346], %add3A_343 {strides = array<i32>} : memref<8x8192xf32, #tpu.memory_space<vmem>>, vector<8x512xf32>,
    %slice3A_348 = vector.extract_strided_slice %select_n3A_225 {offsets = [0, 5120], sizes = [8, 512], strides = [1, 1]} : vector<8x8192xf32> to vector<8x512xf32>
    %get3A_349 = arith.constant 0 : index
    %get3A_350 = arith.constant 0 : index
    %get3A_351 = vector.load %arg4[%get3A_349, %get3A_350] : memref<512x512xf32, #tpu.memory_space<vmem>>, vector<512x512xf32>
    %dot_general3A_352 = arith.constant dense<0.000000e+00> : vector<8x512xf32>
    %dot_general3A_353 = tpu.matmul %slice3A_348, %get3A_351, %dot_general3A_352 {dimension_numbers = #tpu.dot_dimension_numbers<[1], [0], [0], [1], [0, 0, 1, 1], [], []>, transpose_lhs_hint = false} : vector<8x512xf32>, vector<512x512xf32>, vector<8x512xf32> -> vector<8x512xf32>
    %add3A_354 = vector.broadcast %slice3A_344 : vector<8x1xf32> to vector<8x512xf32>
    %add3A_355 = arith.addf %dot_general3A_353, %add3A_354 : vector<8x512xf32>
    %slice3A_356 = vector.extract_strided_slice %add3A_355 {offsets = [0, 511], sizes = [8, 1], strides = [1, 1]} : vector<8x512xf32> to vector<8x1xf32>
    %swap3A_357 = arith.constant 0 : index
    %swap3A_358 = arith.constant 5120 : index
    %swap3A_359 = vector.load %arg8[%swap3A_357, %swap3A_358] : memref<8x8192xf32, #tpu.memory_space<vmem>>, vector<8x512xf32>
    tpu.vector_store %arg8[%swap3A_357, %swap3A_358], %add3A_355 {strides = array<i32>} : memref<8x8192xf32, #tpu.memory_space<vmem>>, vector<8x512xf32>,
    %slice3A_360 = vector.extract_strided_slice %select_n3A_225 {offsets = [0, 5632], sizes = [8, 512], strides = [1, 1]} : vector<8x8192xf32> to vector<8x512xf32>
    %get3A_361 = arith.constant 0 : index
    %get3A_362 = arith.constant 0 : index
    %get3A_363 = vector.load %arg4[%get3A_361, %get3A_362] : memref<512x512xf32, #tpu.memory_space<vmem>>, vector<512x512xf32>
    %dot_general3A_364 = arith.constant dense<0.000000e+00> : vector<8x512xf32>
    %dot_general3A_365 = tpu.matmul %slice3A_360, %get3A_363, %dot_general3A_364 {dimension_numbers = #tpu.dot_dimension_numbers<[1], [0], [0], [1], [0, 0, 1, 1], [], []>, transpose_lhs_hint = false} : vector<8x512xf32>, vector<512x512xf32>, vector<8x512xf32> -> vector<8x512xf32>
    %add3A_366 = vector.broadcast %slice3A_356 : vector<8x1xf32> to vector<8x512xf32>
    %add3A_367 = arith.addf %dot_general3A_365, %add3A_366 : vector<8x512xf32>
    %slice3A_368 = vector.extract_strided_slice %add3A_367 {offsets = [0, 511], sizes = [8, 1], strides = [1, 1]} : vector<8x512xf32> to vector<8x1xf32>
    %swap3A_369 = arith.constant 0 : index
    %swap3A_370 = arith.constant 5632 : index
    %swap3A_371 = vector.load %arg8[%swap3A_369, %swap3A_370] : memref<8x8192xf32, #tpu.memory_space<vmem>>, vector<8x512xf32>
    tpu.vector_store %arg8[%swap3A_369, %swap3A_370], %add3A_367 {strides = array<i32>} : memref<8x8192xf32, #tpu.memory_space<vmem>>, vector<8x512xf32>,
    %slice3A_372 = vector.extract_strided_slice %select_n3A_225 {offsets = [0, 6144], sizes = [8, 512], strides = [1, 1]} : vector<8x8192xf32> to vector<8x512xf32>
    %get3A_373 = arith.constant 0 : index
    %get3A_374 = arith.constant 0 : index
    %get3A_375 = vector.load %arg4[%get3A_373, %get3A_374] : memref<512x512xf32, #tpu.memory_space<vmem>>, vector<512x512xf32>
    %dot_general3A_376 = arith.constant dense<0.000000e+00> : vector<8x512xf32>
    %dot_general3A_377 = tpu.matmul %slice3A_372, %get3A_375, %dot_general3A_376 {dimension_numbers = #tpu.dot_dimension_numbers<[1], [0], [0], [1], [0, 0, 1, 1], [], []>, transpose_lhs_hint = false} : vector<8x512xf32>, vector<512x512xf32>, vector<8x512xf32> -> vector<8x512xf32>
    %add3A_378 = vector.broadcast %slice3A_368 : vector<8x1xf32> to vector<8x512xf32>
    %add3A_379 = arith.addf %dot_general3A_377, %add3A_378 : vector<8x512xf32>
    %slice3A_380 = vector.extract_strided_slice %add3A_379 {offsets = [0, 511], sizes = [8, 1], strides = [1, 1]} : vector<8x512xf32> to vector<8x1xf32>
    %swap3A_381 = arith.constant 0 : index
    %swap3A_382 = arith.constant 6144 : index
    %swap3A_383 = vector.load %arg8[%swap3A_381, %swap3A_382] : memref<8x8192xf32, #tpu.memory_space<vmem>>, vector<8x512xf32>
    tpu.vector_store %arg8[%swap3A_381, %swap3A_382], %add3A_379 {strides = array<i32>} : memref<8x8192xf32, #tpu.memory_space<vmem>>, vector<8x512xf32>,
    %slice3A_384 = vector.extract_strided_slice %select_n3A_225 {offsets = [0, 6656], sizes = [8, 512], strides = [1, 1]} : vector<8x8192xf32> to vector<8x512xf32>
    %get3A_385 = arith.constant 0 : index
    %get3A_386 = arith.constant 0 : index
    %get3A_387 = vector.load %arg4[%get3A_385, %get3A_386] : memref<512x512xf32, #tpu.memory_space<vmem>>, vector<512x512xf32>
    %dot_general3A_388 = arith.constant dense<0.000000e+00> : vector<8x512xf32>
    %dot_general3A_389 = tpu.matmul %slice3A_384, %get3A_387, %dot_general3A_388 {dimension_numbers = #tpu.dot_dimension_numbers<[1], [0], [0], [1], [0, 0, 1, 1], [], []>, transpose_lhs_hint = false} : vector<8x512xf32>, vector<512x512xf32>, vector<8x512xf32> -> vector<8x512xf32>
    %add3A_390 = vector.broadcast %slice3A_380 : vector<8x1xf32> to vector<8x512xf32>
    %add3A_391 = arith.addf %dot_general3A_389, %add3A_390 : vector<8x512xf32>
    %slice3A_392 = vector.extract_strided_slice %add3A_391 {offsets = [0, 511], sizes = [8, 1], strides = [1, 1]} : vector<8x512xf32> to vector<8x1xf32>
    %swap3A_393 = arith.constant 0 : index
    %swap3A_394 = arith.constant 6656 : index
    %swap3A_395 = vector.load %arg8[%swap3A_393, %swap3A_394] : memref<8x8192xf32, #tpu.memory_space<vmem>>, vector<8x512xf32>
    tpu.vector_store %arg8[%swap3A_393, %swap3A_394], %add3A_391 {strides = array<i32>} : memref<8x8192xf32, #tpu.memory_space<vmem>>, vector<8x512xf32>,
    %slice3A_396 = vector.extract_strided_slice %select_n3A_225 {offsets = [0, 7168], sizes = [8, 512], strides = [1, 1]} : vector<8x8192xf32> to vector<8x512xf32>
    %get3A_397 = arith.constant 0 : index
    %get3A_398 = arith.constant 0 : index
    %get3A_399 = vector.load %arg4[%get3A_397, %get3A_398] : memref<512x512xf32, #tpu.memory_space<vmem>>, vector<512x512xf32>
    %dot_general3A_400 = arith.constant dense<0.000000e+00> : vector<8x512xf32>
    %dot_general3A_401 = tpu.matmul %slice3A_396, %get3A_399, %dot_general3A_400 {dimension_numbers = #tpu.dot_dimension_numbers<[1], [0], [0], [1], [0, 0, 1, 1], [], []>, transpose_lhs_hint = false} : vector<8x512xf32>, vector<512x512xf32>, vector<8x512xf32> -> vector<8x512xf32>
    %add3A_402 = vector.broadcast %slice3A_392 : vector<8x1xf32> to vector<8x512xf32>
    %add3A_403 = arith.addf %dot_general3A_401, %add3A_402 : vector<8x512xf32>
    %slice3A_404 = vector.extract_strided_slice %add3A_403 {offsets = [0, 511], sizes = [8, 1], strides = [1, 1]} : vector<8x512xf32> to vector<8x1xf32>
    %swap3A_405 = arith.constant 0 : index
    %swap3A_406 = arith.constant 7168 : index
    %swap3A_407 = vector.load %arg8[%swap3A_405, %swap3A_406] : memref<8x8192xf32, #tpu.memory_space<vmem>>, vector<8x512xf32>
    tpu.vector_store %arg8[%swap3A_405, %swap3A_406], %add3A_403 {strides = array<i32>} : memref<8x8192xf32, #tpu.memory_space<vmem>>, vector<8x512xf32>,
    %slice3A_408 = vector.extract_strided_slice %select_n3A_225 {offsets = [0, 7680], sizes = [8, 512], strides = [1, 1]} : vector<8x8192xf32> to vector<8x512xf32>
    %get3A_409 = arith.constant 0 : index
    %get3A_410 = arith.constant 0 : index
    %get3A_411 = vector.load %arg4[%get3A_409, %get3A_410] : memref<512x512xf32, #tpu.memory_space<vmem>>, vector<512x512xf32>
    %dot_general3A_412 = arith.constant dense<0.000000e+00> : vector<8x512xf32>
    %dot_general3A_413 = tpu.matmul %slice3A_408, %get3A_411, %dot_general3A_412 {dimension_numbers = #tpu.dot_dimension_numbers<[1], [0], [0], [1], [0, 0, 1, 1], [], []>, transpose_lhs_hint = false} : vector<8x512xf32>, vector<512x512xf32>, vector<8x512xf32> -> vector<8x512xf32>
    %add3A_414 = vector.broadcast %slice3A_404 : vector<8x1xf32> to vector<8x512xf32>
    %add3A_415 = arith.addf %dot_general3A_413, %add3A_414 : vector<8x512xf32>
    %slice3A_416 = vector.extract_strided_slice %add3A_415 {offsets = [0, 511], sizes = [8, 1], strides = [1, 1]} : vector<8x512xf32> to vector<8x1xf32>
    %swap3A_417 = arith.constant 0 : index
    %swap3A_418 = arith.constant 7680 : index
    %swap3A_419 = vector.load %arg8[%swap3A_417, %swap3A_418] : memref<8x8192xf32, #tpu.memory_space<vmem>>, vector<8x512xf32>
    tpu.vector_store %arg8[%swap3A_417, %swap3A_418], %add3A_415 {strides = array<i32>} : memref<8x8192xf32, #tpu.memory_space<vmem>>, vector<8x512xf32>,
    %get3A_420 = arith.constant 0 : index
    %get3A_421 = arith.constant 0 : index
    %get3A_422 = vector.load %arg8[%get3A_420, %get3A_421] : memref<8x8192xf32, #tpu.memory_space<vmem>>, vector<8x8192xf32>
    %iota3A_423 = tpu.iota {dimensions = array<i32: 1>} : vector<8x64xi32>
    %broadcast_in_dim3A_424 = arith.constant 0 : i32
    %broadcast_in_dim3A_425 = vector.broadcast %broadcast_in_dim3A_424 : i32 to vector<8x64xi32>
    %scan3A_426 = arith.constant 0 : i32
    %scan3A_427 = arith.constant 64 : i32
    %scan3A_428 = arith.addi %scan3A_426, %scan3A_427 : i32
    %scan3A_429 = arith.constant 1 : i32
    %scan3A_430 = scf.for %scan3A_669 = %scan3A_426 to %scan3A_428 step %scan3A_429 iter_args(%scan3A_670 = %broadcast_in_dim3A_425) -> (vector<8x64xi32>)  : i32 {
      %convert_element_type3A_671 = arith.sitofp %scan3A_669 : i32 to f32
      %le3A = vector.broadcast %convert_element_type3A_671 : f32 to vector<8x8192xf32>
      %le3A_672 = arith.cmpf ole, %get3A_422, %le3A : vector<8x8192xf32>
      %jit3A_673 = arith.constant 1.000000e+00 : f32
      %jit3A_674 = arith.constant 0.000000e+00 : f32
      %broadcast_in_dim3A_675 = vector.broadcast %jit3A_673 : f32 to vector<8x8192xf32>
      %broadcast_in_dim3A_676 = vector.broadcast %jit3A_674 : f32 to vector<8x8192xf32>
      %select_n3A_677 = arith.select %le3A_672, %broadcast_in_dim3A_675, %broadcast_in_dim3A_676 : vector<8x8192xi1>, vector<8x8192xf32>
      %reduce_sum3A = arith.constant dense<0.000000e+00> : vector<8xf32>
      %reduce_sum3A_678 = vector.multi_reduction <add>, %select_n3A_677, %reduce_sum3A [1] : vector<8x8192xf32> to vector<8xf32>
      %broadcast_in_dim3A_679 = vector.shape_cast %reduce_sum3A_678 : vector<8xf32> to vector<8x1xf32>
      %eq3A = vector.broadcast %scan3A_669 : i32 to vector<8x64xi32>
      %eq3A_680 = arith.cmpi eq, %iota3A_423, %eq3A : vector<8x64xi32>
      %convert_element_type3A_681 = arith.fptosi %broadcast_in_dim3A_679 : vector<8x1xf32> to vector<8x1xi32>
      %jit3A_682 = arith.constant 0 : i32
      %broadcast_in_dim3A_683 = vector.shape_cast %convert_element_type3A_681 : vector<8x1xi32> to vector<8x1xi32>
      %broadcast_in_dim3A_684 = vector.broadcast %broadcast_in_dim3A_683 : vector<8x1xi32> to vector<8x64xi32>
      %broadcast_in_dim3A_685 = vector.broadcast %jit3A_682 : i32 to vector<8x64xi32>
      %select_n3A_686 = arith.select %eq3A_680, %broadcast_in_dim3A_684, %broadcast_in_dim3A_685 : vector<8x64xi1>, vector<8x64xi32>
      %add3A_687 = arith.addi %scan3A_670, %select_n3A_686 : vector<8x64xi32>
      scf.yield %add3A_687 : vector<8x64xi32>
    }
    %scan3A_431 = arith.constant 64 : i32
    %slice3A_432 = vector.extract_strided_slice %scan3A_430 {offsets = [0, 0], sizes = [8, 1], strides = [1, 1]} : vector<8x64xi32> to vector<8x1xi32>
    %convert_element_type3A_433 = arith.fptosi %slice3A_416 : vector<8x1xf32> to vector<8x1xi32>
    %lt3A_434 = vector.broadcast %convert_element_type3A_433 : vector<8x1xi32> to vector<8x64xi32>
    %lt3A_435 = arith.cmpi slt, %iota3A_423, %lt3A_434 : vector<8x64xi32>
    %broadcast_in_dim3A_436 = vector.shape_cast %slice3A_432 : vector<8x1xi32> to vector<8x1xi32>
    %broadcast_in_dim3A_437 = vector.broadcast %broadcast_in_dim3A_436 : vector<8x1xi32> to vector<8x64xi32>
    %select_n3A_438 = arith.select %lt3A_435, %scan3A_430, %broadcast_in_dim3A_437 : vector<8x64xi1>, vector<8x64xi32>
    %swap3A_439 = arith.constant 0 : index
    %swap3A_440 = arith.constant 0 : index
    %swap3A_441 = vector.load %arg6[%swap3A_439, %swap3A_440] : memref<8x64xi32, #tpu.memory_space<vmem>>, vector<8x64xi32>
    tpu.vector_store %arg6[%swap3A_439, %swap3A_440], %select_n3A_438 {strides = array<i32>} : memref<8x64xi32, #tpu.memory_space<vmem>>, vector<8x64xi32>,
    %get3A_442 = arith.constant 0 : index
    %get3A_443 = arith.constant 0 : index
    %get3A_444 = vector.load %arg3[%get3A_442, %get3A_443] : memref<8x8192xi32, #tpu.memory_space<vmem>>, vector<8x8192xi32>
    %lt3A_445 = arith.constant 8192 : i32
    %lt3A_446 = vector.broadcast %lt3A_445 : i32 to vector<8x8192xi32>
    %lt3A_447 = arith.cmpi slt, %get3A_444, %lt3A_446 : vector<8x8192xi32>
    %jit3A_448 = arith.constant 1.000000e+00 : f32
    %jit3A_449 = arith.constant 0.000000e+00 : f32
    %broadcast_in_dim3A_450 = vector.broadcast %jit3A_448 : f32 to vector<8x8192xf32>
    %broadcast_in_dim3A_451 = vector.broadcast %jit3A_449 : f32 to vector<8x8192xf32>
    %select_n3A_452 = arith.select %lt3A_447, %broadcast_in_dim3A_450, %broadcast_in_dim3A_451 : vector<8x8192xi1>, vector<8x8192xf32>
    %broadcast_in_dim3A_453 = arith.constant 0.000000e+00 : f32
    %broadcast_in_dim3A_454 = vector.broadcast %broadcast_in_dim3A_453 : f32 to vector<8x1xf32>
    %slice3A_455 = vector.extract_strided_slice %select_n3A_452 {offsets = [0, 0], sizes = [8, 512], strides = [1, 1]} : vector<8x8192xf32> to vector<8x512xf32>
    %get3A_456 = arith.constant 0 : index
    %get3A_457 = arith.constant 0 : index
    %get3A_458 = vector.load %arg4[%get3A_456, %get3A_457] : memref<512x512xf32, #tpu.memory_space<vmem>>, vector<512x512xf32>
    %dot_general3A_459 = arith.constant dense<0.000000e+00> : vector<8x512xf32>
    %dot_general3A_460 = tpu.matmul %slice3A_455, %get3A_458, %dot_general3A_459 {dimension_numbers = #tpu.dot_dimension_numbers<[1], [0], [0], [1], [0, 0, 1, 1], [], []>, transpose_lhs_hint = false} : vector<8x512xf32>, vector<512x512xf32>, vector<8x512xf32> -> vector<8x512xf32>
    %add3A_461 = vector.broadcast %broadcast_in_dim3A_454 : vector<8x1xf32> to vector<8x512xf32>
    %add3A_462 = arith.addf %dot_general3A_460, %add3A_461 : vector<8x512xf32>
    %slice3A_463 = vector.extract_strided_slice %add3A_462 {offsets = [0, 511], sizes = [8, 1], strides = [1, 1]} : vector<8x512xf32> to vector<8x1xf32>
    %swap3A_464 = arith.constant 0 : index
    %swap3A_465 = arith.constant 0 : index
    %swap3A_466 = vector.load %arg8[%swap3A_464, %swap3A_465] : memref<8x8192xf32, #tpu.memory_space<vmem>>, vector<8x512xf32>
    tpu.vector_store %arg8[%swap3A_464, %swap3A_465], %add3A_462 {strides = array<i32>} : memref<8x8192xf32, #tpu.memory_space<vmem>>, vector<8x512xf32>,
    %slice3A_467 = vector.extract_strided_slice %select_n3A_452 {offsets = [0, 512], sizes = [8, 512], strides = [1, 1]} : vector<8x8192xf32> to vector<8x512xf32>
    %get3A_468 = arith.constant 0 : index
    %get3A_469 = arith.constant 0 : index
    %get3A_470 = vector.load %arg4[%get3A_468, %get3A_469] : memref<512x512xf32, #tpu.memory_space<vmem>>, vector<512x512xf32>
    %dot_general3A_471 = arith.constant dense<0.000000e+00> : vector<8x512xf32>
    %dot_general3A_472 = tpu.matmul %slice3A_467, %get3A_470, %dot_general3A_471 {dimension_numbers = #tpu.dot_dimension_numbers<[1], [0], [0], [1], [0, 0, 1, 1], [], []>, transpose_lhs_hint = false} : vector<8x512xf32>, vector<512x512xf32>, vector<8x512xf32> -> vector<8x512xf32>
    %add3A_473 = vector.broadcast %slice3A_463 : vector<8x1xf32> to vector<8x512xf32>
    %add3A_474 = arith.addf %dot_general3A_472, %add3A_473 : vector<8x512xf32>
    %slice3A_475 = vector.extract_strided_slice %add3A_474 {offsets = [0, 511], sizes = [8, 1], strides = [1, 1]} : vector<8x512xf32> to vector<8x1xf32>
    %swap3A_476 = arith.constant 0 : index
    %swap3A_477 = arith.constant 512 : index
    %swap3A_478 = vector.load %arg8[%swap3A_476, %swap3A_477] : memref<8x8192xf32, #tpu.memory_space<vmem>>, vector<8x512xf32>
    tpu.vector_store %arg8[%swap3A_476, %swap3A_477], %add3A_474 {strides = array<i32>} : memref<8x8192xf32, #tpu.memory_space<vmem>>, vector<8x512xf32>,
    %slice3A_479 = vector.extract_strided_slice %select_n3A_452 {offsets = [0, 1024], sizes = [8, 512], strides = [1, 1]} : vector<8x8192xf32> to vector<8x512xf32>
    %get3A_480 = arith.constant 0 : index
    %get3A_481 = arith.constant 0 : index
    %get3A_482 = vector.load %arg4[%get3A_480, %get3A_481] : memref<512x512xf32, #tpu.memory_space<vmem>>, vector<512x512xf32>
    %dot_general3A_483 = arith.constant dense<0.000000e+00> : vector<8x512xf32>
    %dot_general3A_484 = tpu.matmul %slice3A_479, %get3A_482, %dot_general3A_483 {dimension_numbers = #tpu.dot_dimension_numbers<[1], [0], [0], [1], [0, 0, 1, 1], [], []>, transpose_lhs_hint = false} : vector<8x512xf32>, vector<512x512xf32>, vector<8x512xf32> -> vector<8x512xf32>
    %add3A_485 = vector.broadcast %slice3A_475 : vector<8x1xf32> to vector<8x512xf32>
    %add3A_486 = arith.addf %dot_general3A_484, %add3A_485 : vector<8x512xf32>
    %slice3A_487 = vector.extract_strided_slice %add3A_486 {offsets = [0, 511], sizes = [8, 1], strides = [1, 1]} : vector<8x512xf32> to vector<8x1xf32>
    %swap3A_488 = arith.constant 0 : index
    %swap3A_489 = arith.constant 1024 : index
    %swap3A_490 = vector.load %arg8[%swap3A_488, %swap3A_489] : memref<8x8192xf32, #tpu.memory_space<vmem>>, vector<8x512xf32>
    tpu.vector_store %arg8[%swap3A_488, %swap3A_489], %add3A_486 {strides = array<i32>} : memref<8x8192xf32, #tpu.memory_space<vmem>>, vector<8x512xf32>,
    %slice3A_491 = vector.extract_strided_slice %select_n3A_452 {offsets = [0, 1536], sizes = [8, 512], strides = [1, 1]} : vector<8x8192xf32> to vector<8x512xf32>
    %get3A_492 = arith.constant 0 : index
    %get3A_493 = arith.constant 0 : index
    %get3A_494 = vector.load %arg4[%get3A_492, %get3A_493] : memref<512x512xf32, #tpu.memory_space<vmem>>, vector<512x512xf32>
    %dot_general3A_495 = arith.constant dense<0.000000e+00> : vector<8x512xf32>
    %dot_general3A_496 = tpu.matmul %slice3A_491, %get3A_494, %dot_general3A_495 {dimension_numbers = #tpu.dot_dimension_numbers<[1], [0], [0], [1], [0, 0, 1, 1], [], []>, transpose_lhs_hint = false} : vector<8x512xf32>, vector<512x512xf32>, vector<8x512xf32> -> vector<8x512xf32>
    %add3A_497 = vector.broadcast %slice3A_487 : vector<8x1xf32> to vector<8x512xf32>
    %add3A_498 = arith.addf %dot_general3A_496, %add3A_497 : vector<8x512xf32>
    %slice3A_499 = vector.extract_strided_slice %add3A_498 {offsets = [0, 511], sizes = [8, 1], strides = [1, 1]} : vector<8x512xf32> to vector<8x1xf32>
    %swap3A_500 = arith.constant 0 : index
    %swap3A_501 = arith.constant 1536 : index
    %swap3A_502 = vector.load %arg8[%swap3A_500, %swap3A_501] : memref<8x8192xf32, #tpu.memory_space<vmem>>, vector<8x512xf32>
    tpu.vector_store %arg8[%swap3A_500, %swap3A_501], %add3A_498 {strides = array<i32>} : memref<8x8192xf32, #tpu.memory_space<vmem>>, vector<8x512xf32>,
    %slice3A_503 = vector.extract_strided_slice %select_n3A_452 {offsets = [0, 2048], sizes = [8, 512], strides = [1, 1]} : vector<8x8192xf32> to vector<8x512xf32>
    %get3A_504 = arith.constant 0 : index
    %get3A_505 = arith.constant 0 : index
    %get3A_506 = vector.load %arg4[%get3A_504, %get3A_505] : memref<512x512xf32, #tpu.memory_space<vmem>>, vector<512x512xf32>
    %dot_general3A_507 = arith.constant dense<0.000000e+00> : vector<8x512xf32>
    %dot_general3A_508 = tpu.matmul %slice3A_503, %get3A_506, %dot_general3A_507 {dimension_numbers = #tpu.dot_dimension_numbers<[1], [0], [0], [1], [0, 0, 1, 1], [], []>, transpose_lhs_hint = false} : vector<8x512xf32>, vector<512x512xf32>, vector<8x512xf32> -> vector<8x512xf32>
    %add3A_509 = vector.broadcast %slice3A_499 : vector<8x1xf32> to vector<8x512xf32>
    %add3A_510 = arith.addf %dot_general3A_508, %add3A_509 : vector<8x512xf32>
    %slice3A_511 = vector.extract_strided_slice %add3A_510 {offsets = [0, 511], sizes = [8, 1], strides = [1, 1]} : vector<8x512xf32> to vector<8x1xf32>
    %swap3A_512 = arith.constant 0 : index
    %swap3A_513 = arith.constant 2048 : index
    %swap3A_514 = vector.load %arg8[%swap3A_512, %swap3A_513] : memref<8x8192xf32, #tpu.memory_space<vmem>>, vector<8x512xf32>
    tpu.vector_store %arg8[%swap3A_512, %swap3A_513], %add3A_510 {strides = array<i32>} : memref<8x8192xf32, #tpu.memory_space<vmem>>, vector<8x512xf32>,
    %slice3A_515 = vector.extract_strided_slice %select_n3A_452 {offsets = [0, 2560], sizes = [8, 512], strides = [1, 1]} : vector<8x8192xf32> to vector<8x512xf32>
    %get3A_516 = arith.constant 0 : index
    %get3A_517 = arith.constant 0 : index
    %get3A_518 = vector.load %arg4[%get3A_516, %get3A_517] : memref<512x512xf32, #tpu.memory_space<vmem>>, vector<512x512xf32>
    %dot_general3A_519 = arith.constant dense<0.000000e+00> : vector<8x512xf32>
    %dot_general3A_520 = tpu.matmul %slice3A_515, %get3A_518, %dot_general3A_519 {dimension_numbers = #tpu.dot_dimension_numbers<[1], [0], [0], [1], [0, 0, 1, 1], [], []>, transpose_lhs_hint = false} : vector<8x512xf32>, vector<512x512xf32>, vector<8x512xf32> -> vector<8x512xf32>
    %add3A_521 = vector.broadcast %slice3A_511 : vector<8x1xf32> to vector<8x512xf32>
    %add3A_522 = arith.addf %dot_general3A_520, %add3A_521 : vector<8x512xf32>
    %slice3A_523 = vector.extract_strided_slice %add3A_522 {offsets = [0, 511], sizes = [8, 1], strides = [1, 1]} : vector<8x512xf32> to vector<8x1xf32>
    %swap3A_524 = arith.constant 0 : index
    %swap3A_525 = arith.constant 2560 : index
    %swap3A_526 = vector.load %arg8[%swap3A_524, %swap3A_525] : memref<8x8192xf32, #tpu.memory_space<vmem>>, vector<8x512xf32>
    tpu.vector_store %arg8[%swap3A_524, %swap3A_525], %add3A_522 {strides = array<i32>} : memref<8x8192xf32, #tpu.memory_space<vmem>>, vector<8x512xf32>,
    %slice3A_527 = vector.extract_strided_slice %select_n3A_452 {offsets = [0, 3072], sizes = [8, 512], strides = [1, 1]} : vector<8x8192xf32> to vector<8x512xf32>
    %get3A_528 = arith.constant 0 : index
    %get3A_529 = arith.constant 0 : index
    %get3A_530 = vector.load %arg4[%get3A_528, %get3A_529] : memref<512x512xf32, #tpu.memory_space<vmem>>, vector<512x512xf32>
    %dot_general3A_531 = arith.constant dense<0.000000e+00> : vector<8x512xf32>
    %dot_general3A_532 = tpu.matmul %slice3A_527, %get3A_530, %dot_general3A_531 {dimension_numbers = #tpu.dot_dimension_numbers<[1], [0], [0], [1], [0, 0, 1, 1], [], []>, transpose_lhs_hint = false} : vector<8x512xf32>, vector<512x512xf32>, vector<8x512xf32> -> vector<8x512xf32>
    %add3A_533 = vector.broadcast %slice3A_523 : vector<8x1xf32> to vector<8x512xf32>
    %add3A_534 = arith.addf %dot_general3A_532, %add3A_533 : vector<8x512xf32>
    %slice3A_535 = vector.extract_strided_slice %add3A_534 {offsets = [0, 511], sizes = [8, 1], strides = [1, 1]} : vector<8x512xf32> to vector<8x1xf32>
    %swap3A_536 = arith.constant 0 : index
    %swap3A_537 = arith.constant 3072 : index
    %swap3A_538 = vector.load %arg8[%swap3A_536, %swap3A_537] : memref<8x8192xf32, #tpu.memory_space<vmem>>, vector<8x512xf32>
    tpu.vector_store %arg8[%swap3A_536, %swap3A_537], %add3A_534 {strides = array<i32>} : memref<8x8192xf32, #tpu.memory_space<vmem>>, vector<8x512xf32>,
    %slice3A_539 = vector.extract_strided_slice %select_n3A_452 {offsets = [0, 3584], sizes = [8, 512], strides = [1, 1]} : vector<8x8192xf32> to vector<8x512xf32>
    %get3A_540 = arith.constant 0 : index
    %get3A_541 = arith.constant 0 : index
    %get3A_542 = vector.load %arg4[%get3A_540, %get3A_541] : memref<512x512xf32, #tpu.memory_space<vmem>>, vector<512x512xf32>
    %dot_general3A_543 = arith.constant dense<0.000000e+00> : vector<8x512xf32>
    %dot_general3A_544 = tpu.matmul %slice3A_539, %get3A_542, %dot_general3A_543 {dimension_numbers = #tpu.dot_dimension_numbers<[1], [0], [0], [1], [0, 0, 1, 1], [], []>, transpose_lhs_hint = false} : vector<8x512xf32>, vector<512x512xf32>, vector<8x512xf32> -> vector<8x512xf32>
    %add3A_545 = vector.broadcast %slice3A_535 : vector<8x1xf32> to vector<8x512xf32>
    %add3A_546 = arith.addf %dot_general3A_544, %add3A_545 : vector<8x512xf32>
    %slice3A_547 = vector.extract_strided_slice %add3A_546 {offsets = [0, 511], sizes = [8, 1], strides = [1, 1]} : vector<8x512xf32> to vector<8x1xf32>
    %swap3A_548 = arith.constant 0 : index
    %swap3A_549 = arith.constant 3584 : index
    %swap3A_550 = vector.load %arg8[%swap3A_548, %swap3A_549] : memref<8x8192xf32, #tpu.memory_space<vmem>>, vector<8x512xf32>
    tpu.vector_store %arg8[%swap3A_548, %swap3A_549], %add3A_546 {strides = array<i32>} : memref<8x8192xf32, #tpu.memory_space<vmem>>, vector<8x512xf32>,
    %slice3A_551 = vector.extract_strided_slice %select_n3A_452 {offsets = [0, 4096], sizes = [8, 512], strides = [1, 1]} : vector<8x8192xf32> to vector<8x512xf32>
    %get3A_552 = arith.constant 0 : index
    %get3A_553 = arith.constant 0 : index
    %get3A_554 = vector.load %arg4[%get3A_552, %get3A_553] : memref<512x512xf32, #tpu.memory_space<vmem>>, vector<512x512xf32>
    %dot_general3A_555 = arith.constant dense<0.000000e+00> : vector<8x512xf32>
    %dot_general3A_556 = tpu.matmul %slice3A_551, %get3A_554, %dot_general3A_555 {dimension_numbers = #tpu.dot_dimension_numbers<[1], [0], [0], [1], [0, 0, 1, 1], [], []>, transpose_lhs_hint = false} : vector<8x512xf32>, vector<512x512xf32>, vector<8x512xf32> -> vector<8x512xf32>
    %add3A_557 = vector.broadcast %slice3A_547 : vector<8x1xf32> to vector<8x512xf32>
    %add3A_558 = arith.addf %dot_general3A_556, %add3A_557 : vector<8x512xf32>
    %slice3A_559 = vector.extract_strided_slice %add3A_558 {offsets = [0, 511], sizes = [8, 1], strides = [1, 1]} : vector<8x512xf32> to vector<8x1xf32>
    %swap3A_560 = arith.constant 0 : index
    %swap3A_561 = arith.constant 4096 : index
    %swap3A_562 = vector.load %arg8[%swap3A_560, %swap3A_561] : memref<8x8192xf32, #tpu.memory_space<vmem>>, vector<8x512xf32>
    tpu.vector_store %arg8[%swap3A_560, %swap3A_561], %add3A_558 {strides = array<i32>} : memref<8x8192xf32, #tpu.memory_space<vmem>>, vector<8x512xf32>,
    %slice3A_563 = vector.extract_strided_slice %select_n3A_452 {offsets = [0, 4608], sizes = [8, 512], strides = [1, 1]} : vector<8x8192xf32> to vector<8x512xf32>
    %get3A_564 = arith.constant 0 : index
    %get3A_565 = arith.constant 0 : index
    %get3A_566 = vector.load %arg4[%get3A_564, %get3A_565] : memref<512x512xf32, #tpu.memory_space<vmem>>, vector<512x512xf32>
    %dot_general3A_567 = arith.constant dense<0.000000e+00> : vector<8x512xf32>
    %dot_general3A_568 = tpu.matmul %slice3A_563, %get3A_566, %dot_general3A_567 {dimension_numbers = #tpu.dot_dimension_numbers<[1], [0], [0], [1], [0, 0, 1, 1], [], []>, transpose_lhs_hint = false} : vector<8x512xf32>, vector<512x512xf32>, vector<8x512xf32> -> vector<8x512xf32>
    %add3A_569 = vector.broadcast %slice3A_559 : vector<8x1xf32> to vector<8x512xf32>
    %add3A_570 = arith.addf %dot_general3A_568, %add3A_569 : vector<8x512xf32>
    %slice3A_571 = vector.extract_strided_slice %add3A_570 {offsets = [0, 511], sizes = [8, 1], strides = [1, 1]} : vector<8x512xf32> to vector<8x1xf32>
    %swap3A_572 = arith.constant 0 : index
    %swap3A_573 = arith.constant 4608 : index
    %swap3A_574 = vector.load %arg8[%swap3A_572, %swap3A_573] : memref<8x8192xf32, #tpu.memory_space<vmem>>, vector<8x512xf32>
    tpu.vector_store %arg8[%swap3A_572, %swap3A_573], %add3A_570 {strides = array<i32>} : memref<8x8192xf32, #tpu.memory_space<vmem>>, vector<8x512xf32>,
    %slice3A_575 = vector.extract_strided_slice %select_n3A_452 {offsets = [0, 5120], sizes = [8, 512], strides = [1, 1]} : vector<8x8192xf32> to vector<8x512xf32>
    %get3A_576 = arith.constant 0 : index
    %get3A_577 = arith.constant 0 : index
    %get3A_578 = vector.load %arg4[%get3A_576, %get3A_577] : memref<512x512xf32, #tpu.memory_space<vmem>>, vector<512x512xf32>
    %dot_general3A_579 = arith.constant dense<0.000000e+00> : vector<8x512xf32>
    %dot_general3A_580 = tpu.matmul %slice3A_575, %get3A_578, %dot_general3A_579 {dimension_numbers = #tpu.dot_dimension_numbers<[1], [0], [0], [1], [0, 0, 1, 1], [], []>, transpose_lhs_hint = false} : vector<8x512xf32>, vector<512x512xf32>, vector<8x512xf32> -> vector<8x512xf32>
    %add3A_581 = vector.broadcast %slice3A_571 : vector<8x1xf32> to vector<8x512xf32>
    %add3A_582 = arith.addf %dot_general3A_580, %add3A_581 : vector<8x512xf32>
    %slice3A_583 = vector.extract_strided_slice %add3A_582 {offsets = [0, 511], sizes = [8, 1], strides = [1, 1]} : vector<8x512xf32> to vector<8x1xf32>
    %swap3A_584 = arith.constant 0 : index
    %swap3A_585 = arith.constant 5120 : index
    %swap3A_586 = vector.load %arg8[%swap3A_584, %swap3A_585] : memref<8x8192xf32, #tpu.memory_space<vmem>>, vector<8x512xf32>
    tpu.vector_store %arg8[%swap3A_584, %swap3A_585], %add3A_582 {strides = array<i32>} : memref<8x8192xf32, #tpu.memory_space<vmem>>, vector<8x512xf32>,
    %slice3A_587 = vector.extract_strided_slice %select_n3A_452 {offsets = [0, 5632], sizes = [8, 512], strides = [1, 1]} : vector<8x8192xf32> to vector<8x512xf32>
    %get3A_588 = arith.constant 0 : index
    %get3A_589 = arith.constant 0 : index
    %get3A_590 = vector.load %arg4[%get3A_588, %get3A_589] : memref<512x512xf32, #tpu.memory_space<vmem>>, vector<512x512xf32>
    %dot_general3A_591 = arith.constant dense<0.000000e+00> : vector<8x512xf32>
    %dot_general3A_592 = tpu.matmul %slice3A_587, %get3A_590, %dot_general3A_591 {dimension_numbers = #tpu.dot_dimension_numbers<[1], [0], [0], [1], [0, 0, 1, 1], [], []>, transpose_lhs_hint = false} : vector<8x512xf32>, vector<512x512xf32>, vector<8x512xf32> -> vector<8x512xf32>
    %add3A_593 = vector.broadcast %slice3A_583 : vector<8x1xf32> to vector<8x512xf32>
    %add3A_594 = arith.addf %dot_general3A_592, %add3A_593 : vector<8x512xf32>
    %slice3A_595 = vector.extract_strided_slice %add3A_594 {offsets = [0, 511], sizes = [8, 1], strides = [1, 1]} : vector<8x512xf32> to vector<8x1xf32>
    %swap3A_596 = arith.constant 0 : index
    %swap3A_597 = arith.constant 5632 : index
    %swap3A_598 = vector.load %arg8[%swap3A_596, %swap3A_597] : memref<8x8192xf32, #tpu.memory_space<vmem>>, vector<8x512xf32>
    tpu.vector_store %arg8[%swap3A_596, %swap3A_597], %add3A_594 {strides = array<i32>} : memref<8x8192xf32, #tpu.memory_space<vmem>>, vector<8x512xf32>,
    %slice3A_599 = vector.extract_strided_slice %select_n3A_452 {offsets = [0, 6144], sizes = [8, 512], strides = [1, 1]} : vector<8x8192xf32> to vector<8x512xf32>
    %get3A_600 = arith.constant 0 : index
    %get3A_601 = arith.constant 0 : index
    %get3A_602 = vector.load %arg4[%get3A_600, %get3A_601] : memref<512x512xf32, #tpu.memory_space<vmem>>, vector<512x512xf32>
    %dot_general3A_603 = arith.constant dense<0.000000e+00> : vector<8x512xf32>
    %dot_general3A_604 = tpu.matmul %slice3A_599, %get3A_602, %dot_general3A_603 {dimension_numbers = #tpu.dot_dimension_numbers<[1], [0], [0], [1], [0, 0, 1, 1], [], []>, transpose_lhs_hint = false} : vector<8x512xf32>, vector<512x512xf32>, vector<8x512xf32> -> vector<8x512xf32>
    %add3A_605 = vector.broadcast %slice3A_595 : vector<8x1xf32> to vector<8x512xf32>
    %add3A_606 = arith.addf %dot_general3A_604, %add3A_605 : vector<8x512xf32>
    %slice3A_607 = vector.extract_strided_slice %add3A_606 {offsets = [0, 511], sizes = [8, 1], strides = [1, 1]} : vector<8x512xf32> to vector<8x1xf32>
    %swap3A_608 = arith.constant 0 : index
    %swap3A_609 = arith.constant 6144 : index
    %swap3A_610 = vector.load %arg8[%swap3A_608, %swap3A_609] : memref<8x8192xf32, #tpu.memory_space<vmem>>, vector<8x512xf32>
    tpu.vector_store %arg8[%swap3A_608, %swap3A_609], %add3A_606 {strides = array<i32>} : memref<8x8192xf32, #tpu.memory_space<vmem>>, vector<8x512xf32>,
    %slice3A_611 = vector.extract_strided_slice %select_n3A_452 {offsets = [0, 6656], sizes = [8, 512], strides = [1, 1]} : vector<8x8192xf32> to vector<8x512xf32>
    %get3A_612 = arith.constant 0 : index
    %get3A_613 = arith.constant 0 : index
    %get3A_614 = vector.load %arg4[%get3A_612, %get3A_613] : memref<512x512xf32, #tpu.memory_space<vmem>>, vector<512x512xf32>
    %dot_general3A_615 = arith.constant dense<0.000000e+00> : vector<8x512xf32>
    %dot_general3A_616 = tpu.matmul %slice3A_611, %get3A_614, %dot_general3A_615 {dimension_numbers = #tpu.dot_dimension_numbers<[1], [0], [0], [1], [0, 0, 1, 1], [], []>, transpose_lhs_hint = false} : vector<8x512xf32>, vector<512x512xf32>, vector<8x512xf32> -> vector<8x512xf32>
    %add3A_617 = vector.broadcast %slice3A_607 : vector<8x1xf32> to vector<8x512xf32>
    %add3A_618 = arith.addf %dot_general3A_616, %add3A_617 : vector<8x512xf32>
    %slice3A_619 = vector.extract_strided_slice %add3A_618 {offsets = [0, 511], sizes = [8, 1], strides = [1, 1]} : vector<8x512xf32> to vector<8x1xf32>
    %swap3A_620 = arith.constant 0 : index
    %swap3A_621 = arith.constant 6656 : index
    %swap3A_622 = vector.load %arg8[%swap3A_620, %swap3A_621] : memref<8x8192xf32, #tpu.memory_space<vmem>>, vector<8x512xf32>
    tpu.vector_store %arg8[%swap3A_620, %swap3A_621], %add3A_618 {strides = array<i32>} : memref<8x8192xf32, #tpu.memory_space<vmem>>, vector<8x512xf32>,
    %slice3A_623 = vector.extract_strided_slice %select_n3A_452 {offsets = [0, 7168], sizes = [8, 512], strides = [1, 1]} : vector<8x8192xf32> to vector<8x512xf32>
    %get3A_624 = arith.constant 0 : index
    %get3A_625 = arith.constant 0 : index
    %get3A_626 = vector.load %arg4[%get3A_624, %get3A_625] : memref<512x512xf32, #tpu.memory_space<vmem>>, vector<512x512xf32>
    %dot_general3A_627 = arith.constant dense<0.000000e+00> : vector<8x512xf32>
    %dot_general3A_628 = tpu.matmul %slice3A_623, %get3A_626, %dot_general3A_627 {dimension_numbers = #tpu.dot_dimension_numbers<[1], [0], [0], [1], [0, 0, 1, 1], [], []>, transpose_lhs_hint = false} : vector<8x512xf32>, vector<512x512xf32>, vector<8x512xf32> -> vector<8x512xf32>
    %add3A_629 = vector.broadcast %slice3A_619 : vector<8x1xf32> to vector<8x512xf32>
    %add3A_630 = arith.addf %dot_general3A_628, %add3A_629 : vector<8x512xf32>
    %slice3A_631 = vector.extract_strided_slice %add3A_630 {offsets = [0, 511], sizes = [8, 1], strides = [1, 1]} : vector<8x512xf32> to vector<8x1xf32>
    %swap3A_632 = arith.constant 0 : index
    %swap3A_633 = arith.constant 7168 : index
    %swap3A_634 = vector.load %arg8[%swap3A_632, %swap3A_633] : memref<8x8192xf32, #tpu.memory_space<vmem>>, vector<8x512xf32>
    tpu.vector_store %arg8[%swap3A_632, %swap3A_633], %add3A_630 {strides = array<i32>} : memref<8x8192xf32, #tpu.memory_space<vmem>>, vector<8x512xf32>,
    %slice3A_635 = vector.extract_strided_slice %select_n3A_452 {offsets = [0, 7680], sizes = [8, 512], strides = [1, 1]} : vector<8x8192xf32> to vector<8x512xf32>
    %get3A_636 = arith.constant 0 : index
    %get3A_637 = arith.constant 0 : index
    %get3A_638 = vector.load %arg4[%get3A_636, %get3A_637] : memref<512x512xf32, #tpu.memory_space<vmem>>, vector<512x512xf32>
    %dot_general3A_639 = arith.constant dense<0.000000e+00> : vector<8x512xf32>
    %dot_general3A_640 = tpu.matmul %slice3A_635, %get3A_638, %dot_general3A_639 {dimension_numbers = #tpu.dot_dimension_numbers<[1], [0], [0], [1], [0, 0, 1, 1], [], []>, transpose_lhs_hint = false} : vector<8x512xf32>, vector<512x512xf32>, vector<8x512xf32> -> vector<8x512xf32>
    %add3A_641 = vector.broadcast %slice3A_631 : vector<8x1xf32> to vector<8x512xf32>
    %add3A_642 = arith.addf %dot_general3A_640, %add3A_641 : vector<8x512xf32>
    %slice3A_643 = vector.extract_strided_slice %add3A_642 {offsets = [0, 511], sizes = [8, 1], strides = [1, 1]} : vector<8x512xf32> to vector<8x1xf32>
    %swap3A_644 = arith.constant 0 : index
    %swap3A_645 = arith.constant 7680 : index
    %swap3A_646 = vector.load %arg8[%swap3A_644, %swap3A_645] : memref<8x8192xf32, #tpu.memory_space<vmem>>, vector<8x512xf32>
    tpu.vector_store %arg8[%swap3A_644, %swap3A_645], %add3A_642 {strides = array<i32>} : memref<8x8192xf32, #tpu.memory_space<vmem>>, vector<8x512xf32>,
    %get3A_647 = arith.constant 0 : index
    %get3A_648 = arith.constant 0 : index
    %get3A_649 = vector.load %arg8[%get3A_647, %get3A_648] : memref<8x8192xf32, #tpu.memory_space<vmem>>, vector<8x8192xf32>
    %iota3A_650 = tpu.iota {dimensions = array<i32: 1>} : vector<8x128xi32>
    %broadcast_in_dim3A_651 = arith.constant 0 : i32
    %broadcast_in_dim3A_652 = vector.broadcast %broadcast_in_dim3A_651 : i32 to vector<8x128xi32>
    %scan3A_653 = arith.constant 0 : i32
    %scan3A_654 = arith.constant 128 : i32
    %scan3A_655 = arith.addi %scan3A_653, %scan3A_654 : i32
    %scan3A_656 = arith.constant 1 : i32
    %scan3A_657 = scf.for %scan3A_669 = %scan3A_653 to %scan3A_655 step %scan3A_656 iter_args(%scan3A_670 = %broadcast_in_dim3A_652) -> (vector<8x128xi32>)  : i32 {
      %convert_element_type3A_671 = arith.sitofp %scan3A_669 : i32 to f32
      %le3A = vector.broadcast %convert_element_type3A_671 : f32 to vector<8x8192xf32>
      %le3A_672 = arith.cmpf ole, %get3A_649, %le3A : vector<8x8192xf32>
      %jit3A_673 = arith.constant 1.000000e+00 : f32
      %jit3A_674 = arith.constant 0.000000e+00 : f32
      %broadcast_in_dim3A_675 = vector.broadcast %jit3A_673 : f32 to vector<8x8192xf32>
      %broadcast_in_dim3A_676 = vector.broadcast %jit3A_674 : f32 to vector<8x8192xf32>
      %select_n3A_677 = arith.select %le3A_672, %broadcast_in_dim3A_675, %broadcast_in_dim3A_676 : vector<8x8192xi1>, vector<8x8192xf32>
      %reduce_sum3A = arith.constant dense<0.000000e+00> : vector<8xf32>
      %reduce_sum3A_678 = vector.multi_reduction <add>, %select_n3A_677, %reduce_sum3A [1] : vector<8x8192xf32> to vector<8xf32>
      %broadcast_in_dim3A_679 = vector.shape_cast %reduce_sum3A_678 : vector<8xf32> to vector<8x1xf32>
      %eq3A = vector.broadcast %scan3A_669 : i32 to vector<8x128xi32>
      %eq3A_680 = arith.cmpi eq, %iota3A_650, %eq3A : vector<8x128xi32>
      %convert_element_type3A_681 = arith.fptosi %broadcast_in_dim3A_679 : vector<8x1xf32> to vector<8x1xi32>
      %jit3A_682 = arith.constant 0 : i32
      %broadcast_in_dim3A_683 = vector.shape_cast %convert_element_type3A_681 : vector<8x1xi32> to vector<8x1xi32>
      %broadcast_in_dim3A_684 = vector.broadcast %broadcast_in_dim3A_683 : vector<8x1xi32> to vector<8x128xi32>
      %broadcast_in_dim3A_685 = vector.broadcast %jit3A_682 : i32 to vector<8x128xi32>
      %select_n3A_686 = arith.select %eq3A_680, %broadcast_in_dim3A_684, %broadcast_in_dim3A_685 : vector<8x128xi1>, vector<8x128xi32>
      %add3A_687 = arith.addi %scan3A_670, %select_n3A_686 : vector<8x128xi32>
      scf.yield %add3A_687 : vector<8x128xi32>
    }
    %scan3A_658 = arith.constant 128 : i32
    %slice3A_659 = vector.extract_strided_slice %scan3A_657 {offsets = [0, 0], sizes = [8, 1], strides = [1, 1]} : vector<8x128xi32> to vector<8x1xi32>
    %convert_element_type3A_660 = arith.fptosi %slice3A_643 : vector<8x1xf32> to vector<8x1xi32>
    %lt3A_661 = vector.broadcast %convert_element_type3A_660 : vector<8x1xi32> to vector<8x128xi32>
    %lt3A_662 = arith.cmpi slt, %iota3A_650, %lt3A_661 : vector<8x128xi32>
    %broadcast_in_dim3A_663 = vector.shape_cast %slice3A_659 : vector<8x1xi32> to vector<8x1xi32>
    %broadcast_in_dim3A_664 = vector.broadcast %broadcast_in_dim3A_663 : vector<8x1xi32> to vector<8x128xi32>
    %select_n3A_665 = arith.select %lt3A_662, %scan3A_657, %broadcast_in_dim3A_664 : vector<8x128xi1>, vector<8x128xi32>
    %swap3A_666 = arith.constant 0 : index
    %swap3A_667 = arith.constant 0 : index
    %swap3A_668 = vector.load %arg7[%swap3A_666, %swap3A_667] : memref<8x128xi32, #tpu.memory_space<vmem>>, vector<8x128xi32>
    tpu.vector_store %arg7[%swap3A_666, %swap3A_667], %select_n3A_665 {strides = array<i32>} : memref<8x128xi32, #tpu.memory_space<vmem>>, vector<8x128xi32>,
    return
  }
  func.func @transform_0(%arg0: i32) -> (i32, i32) {
    %c0_i32 = arith.constant 0 : i32
    %c0_i32_0 = arith.constant 0 : i32
    return %arg0, %c0_i32 : i32, i32
  }
  func.func @transform_1(%arg0: i32) -> (i32, i32) {
    %c0_i32 = arith.constant 0 : i32
    %c0_i32_0 = arith.constant 0 : i32
    return %arg0, %c0_i32 : i32, i32
  }
  func.func @transform_2(%arg0: i32) -> (i32, i32) {
    %c0_i32 = arith.constant 0 : i32
    %c0_i32_0 = arith.constant 0 : i32
    return %arg0, %c0_i32 : i32, i32
  }
  func.func @transform_3(%arg0: i32) -> (i32, i32) {
    %c0_i32 = arith.constant 0 : i32
    %c0_i32_0 = arith.constant 0 : i32
    %c0_i32_1 = arith.constant 0 : i32
    return %c0_i32, %c0_i32_0 : i32, i32
  }
  func.func @transform_4(%arg0: i32) -> (i32, i32) {
    %c0_i32 = arith.constant 0 : i32
    %c0_i32_0 = arith.constant 0 : i32
    return %arg0, %c0_i32 : i32, i32
  }
  func.func @transform_5(%arg0: i32) -> (i32, i32) {
    %c0_i32 = arith.constant 0 : i32
    %c0_i32_0 = arith.constant 0 : i32
    return %arg0, %c0_i32 : i32, i32
  }
  func.func @transform_6(%arg0: i32) -> (i32, i32) {
    %c0_i32 = arith.constant 0 : i32
    %c0_i32_0 = arith.constant 0 : i32
    return %arg0, %c0_i32 : i32, i32
  }
}

module attributes {stable_mosaic.version = 14 : i64} {
  func.func @_fps_body(%arg0: memref<3x16x128xf32, #tpu.memory_space<vmem>>, %arg1: memref<512xi32, #tpu.memory_space<smem>>, %arg2: memref<16x128xf32, #tpu.memory_space<vmem>>) attributes {dimension_semantics = [], scalar_prefetch = 0 : i64, scratch_operands = 1 : i64, tpu.core_type = #tpu.core_type<tc>} {
    %get3A = arith.constant 0 : index
    %get3A_0 = arith.constant 0 : index
    %get3A_1 = arith.constant 0 : index
    %get3A_2 = vector.load %arg0[%get3A, %get3A_0, %get3A_1] : memref<3x16x128xf32, #tpu.memory_space<vmem>>, vector<1x16x128xf32>
    %get3A_3 = vector.shape_cast %get3A_2 : vector<1x16x128xf32> to vector<16x128xf32>
    %get3A_4 = arith.constant 1 : index
    %get3A_5 = arith.constant 0 : index
    %get3A_6 = arith.constant 0 : index
    %get3A_7 = vector.load %arg0[%get3A_4, %get3A_5, %get3A_6] : memref<3x16x128xf32, #tpu.memory_space<vmem>>, vector<1x16x128xf32>
    %get3A_8 = vector.shape_cast %get3A_7 : vector<1x16x128xf32> to vector<16x128xf32>
    %get3A_9 = arith.constant 2 : index
    %get3A_10 = arith.constant 0 : index
    %get3A_11 = arith.constant 0 : index
    %get3A_12 = vector.load %arg0[%get3A_9, %get3A_10, %get3A_11] : memref<3x16x128xf32, #tpu.memory_space<vmem>>, vector<1x16x128xf32>
    %get3A_13 = vector.shape_cast %get3A_12 : vector<1x16x128xf32> to vector<16x128xf32>
    %iota3A = tpu.iota {dimensions = array<i32: 0>} : vector<16x128xi32>
    %mul3A = arith.constant 128 : i32
    %mul3A_14 = vector.broadcast %mul3A : i32 to vector<16x128xi32>
    %mul3A_15 = arith.muli %iota3A, %mul3A_14 : vector<16x128xi32>
    %iota3A_16 = tpu.iota {dimensions = array<i32: 1>} : vector<16x128xi32>
    %add3A = arith.addi %mul3A_15, %iota3A_16 : vector<16x128xi32>
    %broadcast_in_dim3A = arith.constant 1.000000e+10 : f32
    %broadcast_in_dim3A_17 = vector.broadcast %broadcast_in_dim3A : f32 to vector<16x128xf32>
    %swap3A = arith.constant 0 : index
    %swap3A_18 = arith.constant 0 : index
    %swap3A_19 = vector.load %arg2[%swap3A, %swap3A_18] : memref<16x128xf32, #tpu.memory_space<vmem>>, vector<16x128xf32>
    tpu.vector_store %arg2[%swap3A, %swap3A_18], %broadcast_in_dim3A_17 {strides = array<i32>} : memref<16x128xf32, #tpu.memory_space<vmem>>, vector<16x128xf32>,
    %scan3A = arith.constant 0 : i32
    %scan3A_20 = arith.constant 0 : i32
    %scan3A_21 = arith.constant 512 : i32
    %scan3A_22 = arith.addi %scan3A_20, %scan3A_21 : i32
    %scan3A_23 = arith.constant 1 : i32
    %scan3A_24 = scf.for %scan3A_26 = %scan3A_20 to %scan3A_22 step %scan3A_23 iter_args(%scan3A_27 = %scan3A) -> (i32)  : i32 {
      %swap3A_28 = arith.index_cast %scan3A_26 : i32 to index
      %swap3A_29 = memref.load %arg1[%swap3A_28] : memref<512xi32, #tpu.memory_space<smem>>
      memref.store %scan3A_27, %arg1[%swap3A_28] : memref<512xi32, #tpu.memory_space<smem>>
      %eq3A = vector.broadcast %scan3A_27 : i32 to vector<16x128xi32>
      %eq3A_30 = arith.cmpi eq, %add3A, %eq3A : vector<16x128xi32>
      %jit3A = arith.constant 0.000000e+00 : f32
      %broadcast_in_dim3A_31 = vector.broadcast %jit3A : f32 to vector<16x128xf32>
      %select_n3A = arith.select %eq3A_30, %get3A_3, %broadcast_in_dim3A_31 : vector<16x128xi1>, vector<16x128xf32>
      %reduce_sum3A = vector.shape_cast %select_n3A : vector<16x128xf32> to vector<1x16x128xf32>
      %reduce_sum3A_32 = arith.constant dense<0.000000e+00> : vector<1xf32>
      %reduce_sum3A_33 = vector.multi_reduction <add>, %reduce_sum3A, %reduce_sum3A_32 [1, 2] : vector<1x16x128xf32> to vector<1xf32>
      %reduce_sum3A_34 = vector.shape_cast %reduce_sum3A_33 : vector<1xf32> to vector<1x1x1xf32>
      %reduce_sum3A_35 = vector.extract %reduce_sum3A_34[0, 0, 0] : f32 from vector<1x1x1xf32>
      %jit3A_36 = arith.constant 0.000000e+00 : f32
      %broadcast_in_dim3A_37 = vector.broadcast %jit3A_36 : f32 to vector<16x128xf32>
      %select_n3A_38 = arith.select %eq3A_30, %get3A_8, %broadcast_in_dim3A_37 : vector<16x128xi1>, vector<16x128xf32>
      %reduce_sum3A_39 = vector.shape_cast %select_n3A_38 : vector<16x128xf32> to vector<1x16x128xf32>
      %reduce_sum3A_40 = arith.constant dense<0.000000e+00> : vector<1xf32>
      %reduce_sum3A_41 = vector.multi_reduction <add>, %reduce_sum3A_39, %reduce_sum3A_40 [1, 2] : vector<1x16x128xf32> to vector<1xf32>
      %reduce_sum3A_42 = vector.shape_cast %reduce_sum3A_41 : vector<1xf32> to vector<1x1x1xf32>
      %reduce_sum3A_43 = vector.extract %reduce_sum3A_42[0, 0, 0] : f32 from vector<1x1x1xf32>
      %jit3A_44 = arith.constant 0.000000e+00 : f32
      %broadcast_in_dim3A_45 = vector.broadcast %jit3A_44 : f32 to vector<16x128xf32>
      %select_n3A_46 = arith.select %eq3A_30, %get3A_13, %broadcast_in_dim3A_45 : vector<16x128xi1>, vector<16x128xf32>
      %reduce_sum3A_47 = vector.shape_cast %select_n3A_46 : vector<16x128xf32> to vector<1x16x128xf32>
      %reduce_sum3A_48 = arith.constant dense<0.000000e+00> : vector<1xf32>
      %reduce_sum3A_49 = vector.multi_reduction <add>, %reduce_sum3A_47, %reduce_sum3A_48 [1, 2] : vector<1x16x128xf32> to vector<1xf32>
      %reduce_sum3A_50 = vector.shape_cast %reduce_sum3A_49 : vector<1xf32> to vector<1x1x1xf32>
      %reduce_sum3A_51 = vector.extract %reduce_sum3A_50[0, 0, 0] : f32 from vector<1x1x1xf32>
      %sub3A = vector.broadcast %reduce_sum3A_35 : f32 to vector<16x128xf32>
      %sub3A_52 = arith.subf %get3A_3, %sub3A : vector<16x128xf32>
      %sub3A_53 = vector.broadcast %reduce_sum3A_43 : f32 to vector<16x128xf32>
      %sub3A_54 = arith.subf %get3A_8, %sub3A_53 : vector<16x128xf32>
      %sub3A_55 = vector.broadcast %reduce_sum3A_51 : f32 to vector<16x128xf32>
      %sub3A_56 = arith.subf %get3A_13, %sub3A_55 : vector<16x128xf32>
      %mul3A_57 = arith.mulf %sub3A_52, %sub3A_52 : vector<16x128xf32>
      %mul3A_58 = arith.mulf %sub3A_56, %sub3A_56 : vector<16x128xf32>
      %add3A_59 = arith.addf %mul3A_57, %mul3A_58 : vector<16x128xf32>
      %mul3A_60 = arith.mulf %sub3A_54, %sub3A_54 : vector<16x128xf32>
      %add3A_61 = arith.addf %add3A_59, %mul3A_60 : vector<16x128xf32>
      %get3A_62 = arith.constant 0 : index
      %get3A_63 = arith.constant 0 : index
      %get3A_64 = vector.load %arg2[%get3A_62, %get3A_63] : memref<16x128xf32, #tpu.memory_space<vmem>>, vector<16x128xf32>
      %min3A = arith.minimumf %get3A_64, %add3A_61 : vector<16x128xf32>
      %swap3A_65 = arith.constant 0 : index
      %swap3A_66 = arith.constant 0 : index
      %swap3A_67 = vector.load %arg2[%swap3A_65, %swap3A_66] : memref<16x128xf32, #tpu.memory_space<vmem>>, vector<16x128xf32>
      tpu.vector_store %arg2[%swap3A_65, %swap3A_66], %min3A {strides = array<i32>} : memref<16x128xf32, #tpu.memory_space<vmem>>, vector<16x128xf32>,
      %reduce_max3A = vector.shape_cast %min3A : vector<16x128xf32> to vector<1x16x128xf32>
      %reduce_max3A_68 = arith.constant dense<0xFF800000> : vector<1xf32>
      %reduce_max3A_69 = vector.multi_reduction <maximumf>, %reduce_max3A, %reduce_max3A_68 [1, 2] : vector<1x16x128xf32> to vector<1xf32>
      %reduce_max3A_70 = vector.shape_cast %reduce_max3A_69 : vector<1xf32> to vector<1x1x1xf32>
      %reduce_max3A_71 = vector.extract %reduce_max3A_70[0, 0, 0] : f32 from vector<1x1x1xf32>
      %eq3A_72 = vector.broadcast %reduce_max3A_71 : f32 to vector<16x128xf32>
      %eq3A_73 = arith.cmpf oeq, %min3A, %eq3A_72 : vector<16x128xf32>
      %jit3A_74 = arith.constant 2048 : i32
      %broadcast_in_dim3A_75 = vector.broadcast %jit3A_74 : i32 to vector<16x128xi32>
      %select_n3A_76 = arith.select %eq3A_73, %add3A, %broadcast_in_dim3A_75 : vector<16x128xi1>, vector<16x128xi32>
      %reduce_min3A = vector.shape_cast %select_n3A_76 : vector<16x128xi32> to vector<1x16x128xi32>
      %reduce_min3A_77 = arith.constant dense<2147483647> : vector<1xi32>
      %reduce_min3A_78 = vector.multi_reduction <minsi>, %reduce_min3A, %reduce_min3A_77 [1, 2] : vector<1x16x128xi32> to vector<1xi32>
      %reduce_min3A_79 = vector.shape_cast %reduce_min3A_78 : vector<1xi32> to vector<1x1x1xi32>
      %reduce_min3A_80 = vector.extract %reduce_min3A_79[0, 0, 0] : i32 from vector<1x1x1xi32>
      scf.yield %reduce_min3A_80 : i32
    }
    %scan3A_25 = arith.constant 512 : i32
    return
  }
}

module attributes {stable_mosaic.version = 14 : i64} {
  func.func @_bq_body(%arg0: i32, %arg1: memref<8x2048xi32, #tpu.memory_space<vmem>>, %arg2: memref<8x2048xi32, #tpu.memory_space<vmem>>, %arg3: memref<8x2048xi32, #tpu.memory_space<vmem>>, %arg4: memref<512x512xf32, #tpu.memory_space<vmem>>, %arg5: memref<8x64xi32, #tpu.memory_space<vmem>>, %arg6: memref<8x64xi32, #tpu.memory_space<vmem>>, %arg7: memref<8x128xi32, #tpu.memory_space<vmem>>, %arg8: memref<8x2048xf32, #tpu.memory_space<vmem>>) attributes {dimension_semantics = [#tpu.dimension_semantics<arbitrary>], iteration_bounds = array<i64: 64>, scalar_prefetch = 0 : i64, scratch_operands = 1 : i64, tpu.core_type = #tpu.core_type<tc>, window_params = [{transform_indices = @transform_0, window_bounds = array<i64: 8, 2048>}, {transform_indices = @transform_1, window_bounds = array<i64: 8, 2048>}, {transform_indices = @transform_2, window_bounds = array<i64: 8, 2048>}, {pipeline_mode = #tpu.pipeline_mode<synchronous>, transform_indices = @transform_3, window_bounds = array<i64: 512, 512>}, {transform_indices = @transform_4, window_bounds = array<i64: 8, 64>}, {transform_indices = @transform_5, window_bounds = array<i64: 8, 64>}, {transform_indices = @transform_6, window_bounds = array<i64: 8, 128>}]} {
    %get3A = arith.constant 0 : index
    %get3A_0 = arith.constant 0 : index
    %get3A_1 = vector.load %arg1[%get3A, %get3A_0] : memref<8x2048xi32, #tpu.memory_space<vmem>>, vector<8x2048xi32>
    %lt3A = arith.constant 2048 : i32
    %lt3A_2 = vector.broadcast %lt3A : i32 to vector<8x2048xi32>
    %lt3A_3 = arith.cmpi slt, %get3A_1, %lt3A_2 : vector<8x2048xi32>
    %jit3A = arith.constant 1.000000e+00 : f32
    %jit3A_4 = arith.constant 0.000000e+00 : f32
    %broadcast_in_dim3A = vector.broadcast %jit3A : f32 to vector<8x2048xf32>
    %broadcast_in_dim3A_5 = vector.broadcast %jit3A_4 : f32 to vector<8x2048xf32>
    %select_n3A = arith.select %lt3A_3, %broadcast_in_dim3A, %broadcast_in_dim3A_5 : vector<8x2048xi1>, vector<8x2048xf32>
    %broadcast_in_dim3A_6 = arith.constant 0.000000e+00 : f32
    %broadcast_in_dim3A_7 = vector.broadcast %broadcast_in_dim3A_6 : f32 to vector<8x1xf32>
    %slice3A = vector.extract_strided_slice %select_n3A {offsets = [0, 0], sizes = [8, 512], strides = [1, 1]} : vector<8x2048xf32> to vector<8x512xf32>
    %get3A_8 = arith.constant 0 : index
    %get3A_9 = arith.constant 0 : index
    %get3A_10 = vector.load %arg4[%get3A_8, %get3A_9] : memref<512x512xf32, #tpu.memory_space<vmem>>, vector<512x512xf32>
    %dot_general3A = arith.constant dense<0.000000e+00> : vector<8x512xf32>
    %dot_general3A_11 = tpu.matmul %slice3A, %get3A_10, %dot_general3A {dimension_numbers = #tpu.dot_dimension_numbers<[1], [0], [0], [1], [0, 0, 1, 1], [], []>, transpose_lhs_hint = false} : vector<8x512xf32>, vector<512x512xf32>, vector<8x512xf32> -> vector<8x512xf32>
    %add3A = vector.broadcast %broadcast_in_dim3A_7 : vector<8x1xf32> to vector<8x512xf32>
    %add3A_12 = arith.addf %dot_general3A_11, %add3A : vector<8x512xf32>
    %slice3A_13 = vector.extract_strided_slice %add3A_12 {offsets = [0, 511], sizes = [8, 1], strides = [1, 1]} : vector<8x512xf32> to vector<8x1xf32>
    %swap3A = arith.constant 0 : index
    %swap3A_14 = arith.constant 0 : index
    %swap3A_15 = vector.load %arg8[%swap3A, %swap3A_14] : memref<8x2048xf32, #tpu.memory_space<vmem>>, vector<8x512xf32>
    tpu.vector_store %arg8[%swap3A, %swap3A_14], %add3A_12 {strides = array<i32>} : memref<8x2048xf32, #tpu.memory_space<vmem>>, vector<8x512xf32>,
    %slice3A_16 = vector.extract_strided_slice %select_n3A {offsets = [0, 512], sizes = [8, 512], strides = [1, 1]} : vector<8x2048xf32> to vector<8x512xf32>
    %get3A_17 = arith.constant 0 : index
    %get3A_18 = arith.constant 0 : index
    %get3A_19 = vector.load %arg4[%get3A_17, %get3A_18] : memref<512x512xf32, #tpu.memory_space<vmem>>, vector<512x512xf32>
    %dot_general3A_20 = arith.constant dense<0.000000e+00> : vector<8x512xf32>
    %dot_general3A_21 = tpu.matmul %slice3A_16, %get3A_19, %dot_general3A_20 {dimension_numbers = #tpu.dot_dimension_numbers<[1], [0], [0], [1], [0, 0, 1, 1], [], []>, transpose_lhs_hint = false} : vector<8x512xf32>, vector<512x512xf32>, vector<8x512xf32> -> vector<8x512xf32>
    %add3A_22 = vector.broadcast %slice3A_13 : vector<8x1xf32> to vector<8x512xf32>
    %add3A_23 = arith.addf %dot_general3A_21, %add3A_22 : vector<8x512xf32>
    %slice3A_24 = vector.extract_strided_slice %add3A_23 {offsets = [0, 511], sizes = [8, 1], strides = [1, 1]} : vector<8x512xf32> to vector<8x1xf32>
    %swap3A_25 = arith.constant 0 : index
    %swap3A_26 = arith.constant 512 : index
    %swap3A_27 = vector.load %arg8[%swap3A_25, %swap3A_26] : memref<8x2048xf32, #tpu.memory_space<vmem>>, vector<8x512xf32>
    tpu.vector_store %arg8[%swap3A_25, %swap3A_26], %add3A_23 {strides = array<i32>} : memref<8x2048xf32, #tpu.memory_space<vmem>>, vector<8x512xf32>,
    %slice3A_28 = vector.extract_strided_slice %select_n3A {offsets = [0, 1024], sizes = [8, 512], strides = [1, 1]} : vector<8x2048xf32> to vector<8x512xf32>
    %get3A_29 = arith.constant 0 : index
    %get3A_30 = arith.constant 0 : index
    %get3A_31 = vector.load %arg4[%get3A_29, %get3A_30] : memref<512x512xf32, #tpu.memory_space<vmem>>, vector<512x512xf32>
    %dot_general3A_32 = arith.constant dense<0.000000e+00> : vector<8x512xf32>
    %dot_general3A_33 = tpu.matmul %slice3A_28, %get3A_31, %dot_general3A_32 {dimension_numbers = #tpu.dot_dimension_numbers<[1], [0], [0], [1], [0, 0, 1, 1], [], []>, transpose_lhs_hint = false} : vector<8x512xf32>, vector<512x512xf32>, vector<8x512xf32> -> vector<8x512xf32>
    %add3A_34 = vector.broadcast %slice3A_24 : vector<8x1xf32> to vector<8x512xf32>
    %add3A_35 = arith.addf %dot_general3A_33, %add3A_34 : vector<8x512xf32>
    %slice3A_36 = vector.extract_strided_slice %add3A_35 {offsets = [0, 511], sizes = [8, 1], strides = [1, 1]} : vector<8x512xf32> to vector<8x1xf32>
    %swap3A_37 = arith.constant 0 : index
    %swap3A_38 = arith.constant 1024 : index
    %swap3A_39 = vector.load %arg8[%swap3A_37, %swap3A_38] : memref<8x2048xf32, #tpu.memory_space<vmem>>, vector<8x512xf32>
    tpu.vector_store %arg8[%swap3A_37, %swap3A_38], %add3A_35 {strides = array<i32>} : memref<8x2048xf32, #tpu.memory_space<vmem>>, vector<8x512xf32>,
    %slice3A_40 = vector.extract_strided_slice %select_n3A {offsets = [0, 1536], sizes = [8, 512], strides = [1, 1]} : vector<8x2048xf32> to vector<8x512xf32>
    %get3A_41 = arith.constant 0 : index
    %get3A_42 = arith.constant 0 : index
    %get3A_43 = vector.load %arg4[%get3A_41, %get3A_42] : memref<512x512xf32, #tpu.memory_space<vmem>>, vector<512x512xf32>
    %dot_general3A_44 = arith.constant dense<0.000000e+00> : vector<8x512xf32>
    %dot_general3A_45 = tpu.matmul %slice3A_40, %get3A_43, %dot_general3A_44 {dimension_numbers = #tpu.dot_dimension_numbers<[1], [0], [0], [1], [0, 0, 1, 1], [], []>, transpose_lhs_hint = false} : vector<8x512xf32>, vector<512x512xf32>, vector<8x512xf32> -> vector<8x512xf32>
    %add3A_46 = vector.broadcast %slice3A_36 : vector<8x1xf32> to vector<8x512xf32>
    %add3A_47 = arith.addf %dot_general3A_45, %add3A_46 : vector<8x512xf32>
    %slice3A_48 = vector.extract_strided_slice %add3A_47 {offsets = [0, 511], sizes = [8, 1], strides = [1, 1]} : vector<8x512xf32> to vector<8x1xf32>
    %swap3A_49 = arith.constant 0 : index
    %swap3A_50 = arith.constant 1536 : index
    %swap3A_51 = vector.load %arg8[%swap3A_49, %swap3A_50] : memref<8x2048xf32, #tpu.memory_space<vmem>>, vector<8x512xf32>
    tpu.vector_store %arg8[%swap3A_49, %swap3A_50], %add3A_47 {strides = array<i32>} : memref<8x2048xf32, #tpu.memory_space<vmem>>, vector<8x512xf32>,
    %get3A_52 = arith.constant 0 : index
    %get3A_53 = arith.constant 0 : index
    %get3A_54 = vector.load %arg8[%get3A_52, %get3A_53] : memref<8x2048xf32, #tpu.memory_space<vmem>>, vector<8x2048xf32>
    %iota3A = tpu.iota {dimensions = array<i32: 1>} : vector<8x64xi32>
    %broadcast_in_dim3A_55 = arith.constant 0 : i32
    %broadcast_in_dim3A_56 = vector.broadcast %broadcast_in_dim3A_55 : i32 to vector<8x64xi32>
    %scan3A = arith.constant 0 : i32
    %scan3A_57 = arith.constant 64 : i32
    %scan3A_58 = arith.addi %scan3A, %scan3A_57 : i32
    %scan3A_59 = arith.constant 1 : i32
    %scan3A_60 = scf.for %scan3A_237 = %scan3A to %scan3A_58 step %scan3A_59 iter_args(%scan3A_238 = %broadcast_in_dim3A_56) -> (vector<8x64xi32>)  : i32 {
      %convert_element_type3A_239 = arith.sitofp %scan3A_237 : i32 to f32
      %le3A = vector.broadcast %convert_element_type3A_239 : f32 to vector<8x2048xf32>
      %le3A_240 = arith.cmpf ole, %get3A_54, %le3A : vector<8x2048xf32>
      %jit3A_241 = arith.constant 1.000000e+00 : f32
      %jit3A_242 = arith.constant 0.000000e+00 : f32
      %broadcast_in_dim3A_243 = vector.broadcast %jit3A_241 : f32 to vector<8x2048xf32>
      %broadcast_in_dim3A_244 = vector.broadcast %jit3A_242 : f32 to vector<8x2048xf32>
      %select_n3A_245 = arith.select %le3A_240, %broadcast_in_dim3A_243, %broadcast_in_dim3A_244 : vector<8x2048xi1>, vector<8x2048xf32>
      %reduce_sum3A = arith.constant dense<0.000000e+00> : vector<8xf32>
      %reduce_sum3A_246 = vector.multi_reduction <add>, %select_n3A_245, %reduce_sum3A [1] : vector<8x2048xf32> to vector<8xf32>
      %broadcast_in_dim3A_247 = vector.shape_cast %reduce_sum3A_246 : vector<8xf32> to vector<8x1xf32>
      %eq3A = vector.broadcast %scan3A_237 : i32 to vector<8x64xi32>
      %eq3A_248 = arith.cmpi eq, %iota3A, %eq3A : vector<8x64xi32>
      %convert_element_type3A_249 = arith.fptosi %broadcast_in_dim3A_247 : vector<8x1xf32> to vector<8x1xi32>
      %jit3A_250 = arith.constant 0 : i32
      %broadcast_in_dim3A_251 = vector.shape_cast %convert_element_type3A_249 : vector<8x1xi32> to vector<8x1xi32>
      %broadcast_in_dim3A_252 = vector.broadcast %broadcast_in_dim3A_251 : vector<8x1xi32> to vector<8x64xi32>
      %broadcast_in_dim3A_253 = vector.broadcast %jit3A_250 : i32 to vector<8x64xi32>
      %select_n3A_254 = arith.select %eq3A_248, %broadcast_in_dim3A_252, %broadcast_in_dim3A_253 : vector<8x64xi1>, vector<8x64xi32>
      %add3A_255 = arith.addi %scan3A_238, %select_n3A_254 : vector<8x64xi32>
      scf.yield %add3A_255 : vector<8x64xi32>
    }
    %scan3A_61 = arith.constant 64 : i32
    %slice3A_62 = vector.extract_strided_slice %scan3A_60 {offsets = [0, 0], sizes = [8, 1], strides = [1, 1]} : vector<8x64xi32> to vector<8x1xi32>
    %convert_element_type3A = arith.fptosi %slice3A_48 : vector<8x1xf32> to vector<8x1xi32>
    %lt3A_63 = vector.broadcast %convert_element_type3A : vector<8x1xi32> to vector<8x64xi32>
    %lt3A_64 = arith.cmpi slt, %iota3A, %lt3A_63 : vector<8x64xi32>
    %broadcast_in_dim3A_65 = vector.shape_cast %slice3A_62 : vector<8x1xi32> to vector<8x1xi32>
    %broadcast_in_dim3A_66 = vector.broadcast %broadcast_in_dim3A_65 : vector<8x1xi32> to vector<8x64xi32>
    %select_n3A_67 = arith.select %lt3A_64, %scan3A_60, %broadcast_in_dim3A_66 : vector<8x64xi1>, vector<8x64xi32>
    %swap3A_68 = arith.constant 0 : index
    %swap3A_69 = arith.constant 0 : index
    %swap3A_70 = vector.load %arg5[%swap3A_68, %swap3A_69] : memref<8x64xi32, #tpu.memory_space<vmem>>, vector<8x64xi32>
    tpu.vector_store %arg5[%swap3A_68, %swap3A_69], %select_n3A_67 {strides = array<i32>} : memref<8x64xi32, #tpu.memory_space<vmem>>, vector<8x64xi32>,
    %get3A_71 = arith.constant 0 : index
    %get3A_72 = arith.constant 0 : index
    %get3A_73 = vector.load %arg2[%get3A_71, %get3A_72] : memref<8x2048xi32, #tpu.memory_space<vmem>>, vector<8x2048xi32>
    %lt3A_74 = arith.constant 2048 : i32
    %lt3A_75 = vector.broadcast %lt3A_74 : i32 to vector<8x2048xi32>
    %lt3A_76 = arith.cmpi slt, %get3A_73, %lt3A_75 : vector<8x2048xi32>
    %jit3A_77 = arith.constant 1.000000e+00 : f32
    %jit3A_78 = arith.constant 0.000000e+00 : f32
    %broadcast_in_dim3A_79 = vector.broadcast %jit3A_77 : f32 to vector<8x2048xf32>
    %broadcast_in_dim3A_80 = vector.broadcast %jit3A_78 : f32 to vector<8x2048xf32>
    %select_n3A_81 = arith.select %lt3A_76, %broadcast_in_dim3A_79, %broadcast_in_dim3A_80 : vector<8x2048xi1>, vector<8x2048xf32>
    %broadcast_in_dim3A_82 = arith.constant 0.000000e+00 : f32
    %broadcast_in_dim3A_83 = vector.broadcast %broadcast_in_dim3A_82 : f32 to vector<8x1xf32>
    %slice3A_84 = vector.extract_strided_slice %select_n3A_81 {offsets = [0, 0], sizes = [8, 512], strides = [1, 1]} : vector<8x2048xf32> to vector<8x512xf32>
    %get3A_85 = arith.constant 0 : index
    %get3A_86 = arith.constant 0 : index
    %get3A_87 = vector.load %arg4[%get3A_85, %get3A_86] : memref<512x512xf32, #tpu.memory_space<vmem>>, vector<512x512xf32>
    %dot_general3A_88 = arith.constant dense<0.000000e+00> : vector<8x512xf32>
    %dot_general3A_89 = tpu.matmul %slice3A_84, %get3A_87, %dot_general3A_88 {dimension_numbers = #tpu.dot_dimension_numbers<[1], [0], [0], [1], [0, 0, 1, 1], [], []>, transpose_lhs_hint = false} : vector<8x512xf32>, vector<512x512xf32>, vector<8x512xf32> -> vector<8x512xf32>
    %add3A_90 = vector.broadcast %broadcast_in_dim3A_83 : vector<8x1xf32> to vector<8x512xf32>
    %add3A_91 = arith.addf %dot_general3A_89, %add3A_90 : vector<8x512xf32>
    %slice3A_92 = vector.extract_strided_slice %add3A_91 {offsets = [0, 511], sizes = [8, 1], strides = [1, 1]} : vector<8x512xf32> to vector<8x1xf32>
    %swap3A_93 = arith.constant 0 : index
    %swap3A_94 = arith.constant 0 : index
    %swap3A_95 = vector.load %arg8[%swap3A_93, %swap3A_94] : memref<8x2048xf32, #tpu.memory_space<vmem>>, vector<8x512xf32>
    tpu.vector_store %arg8[%swap3A_93, %swap3A_94], %add3A_91 {strides = array<i32>} : memref<8x2048xf32, #tpu.memory_space<vmem>>, vector<8x512xf32>,
    %slice3A_96 = vector.extract_strided_slice %select_n3A_81 {offsets = [0, 512], sizes = [8, 512], strides = [1, 1]} : vector<8x2048xf32> to vector<8x512xf32>
    %get3A_97 = arith.constant 0 : index
    %get3A_98 = arith.constant 0 : index
    %get3A_99 = vector.load %arg4[%get3A_97, %get3A_98] : memref<512x512xf32, #tpu.memory_space<vmem>>, vector<512x512xf32>
    %dot_general3A_100 = arith.constant dense<0.000000e+00> : vector<8x512xf32>
    %dot_general3A_101 = tpu.matmul %slice3A_96, %get3A_99, %dot_general3A_100 {dimension_numbers = #tpu.dot_dimension_numbers<[1], [0], [0], [1], [0, 0, 1, 1], [], []>, transpose_lhs_hint = false} : vector<8x512xf32>, vector<512x512xf32>, vector<8x512xf32> -> vector<8x512xf32>
    %add3A_102 = vector.broadcast %slice3A_92 : vector<8x1xf32> to vector<8x512xf32>
    %add3A_103 = arith.addf %dot_general3A_101, %add3A_102 : vector<8x512xf32>
    %slice3A_104 = vector.extract_strided_slice %add3A_103 {offsets = [0, 511], sizes = [8, 1], strides = [1, 1]} : vector<8x512xf32> to vector<8x1xf32>
    %swap3A_105 = arith.constant 0 : index
    %swap3A_106 = arith.constant 512 : index
    %swap3A_107 = vector.load %arg8[%swap3A_105, %swap3A_106] : memref<8x2048xf32, #tpu.memory_space<vmem>>, vector<8x512xf32>
    tpu.vector_store %arg8[%swap3A_105, %swap3A_106], %add3A_103 {strides = array<i32>} : memref<8x2048xf32, #tpu.memory_space<vmem>>, vector<8x512xf32>,
    %slice3A_108 = vector.extract_strided_slice %select_n3A_81 {offsets = [0, 1024], sizes = [8, 512], strides = [1, 1]} : vector<8x2048xf32> to vector<8x512xf32>
    %get3A_109 = arith.constant 0 : index
    %get3A_110 = arith.constant 0 : index
    %get3A_111 = vector.load %arg4[%get3A_109, %get3A_110] : memref<512x512xf32, #tpu.memory_space<vmem>>, vector<512x512xf32>
    %dot_general3A_112 = arith.constant dense<0.000000e+00> : vector<8x512xf32>
    %dot_general3A_113 = tpu.matmul %slice3A_108, %get3A_111, %dot_general3A_112 {dimension_numbers = #tpu.dot_dimension_numbers<[1], [0], [0], [1], [0, 0, 1, 1], [], []>, transpose_lhs_hint = false} : vector<8x512xf32>, vector<512x512xf32>, vector<8x512xf32> -> vector<8x512xf32>
    %add3A_114 = vector.broadcast %slice3A_104 : vector<8x1xf32> to vector<8x512xf32>
    %add3A_115 = arith.addf %dot_general3A_113, %add3A_114 : vector<8x512xf32>
    %slice3A_116 = vector.extract_strided_slice %add3A_115 {offsets = [0, 511], sizes = [8, 1], strides = [1, 1]} : vector<8x512xf32> to vector<8x1xf32>
    %swap3A_117 = arith.constant 0 : index
    %swap3A_118 = arith.constant 1024 : index
    %swap3A_119 = vector.load %arg8[%swap3A_117, %swap3A_118] : memref<8x2048xf32, #tpu.memory_space<vmem>>, vector<8x512xf32>
    tpu.vector_store %arg8[%swap3A_117, %swap3A_118], %add3A_115 {strides = array<i32>} : memref<8x2048xf32, #tpu.memory_space<vmem>>, vector<8x512xf32>,
    %slice3A_120 = vector.extract_strided_slice %select_n3A_81 {offsets = [0, 1536], sizes = [8, 512], strides = [1, 1]} : vector<8x2048xf32> to vector<8x512xf32>
    %get3A_121 = arith.constant 0 : index
    %get3A_122 = arith.constant 0 : index
    %get3A_123 = vector.load %arg4[%get3A_121, %get3A_122] : memref<512x512xf32, #tpu.memory_space<vmem>>, vector<512x512xf32>
    %dot_general3A_124 = arith.constant dense<0.000000e+00> : vector<8x512xf32>
    %dot_general3A_125 = tpu.matmul %slice3A_120, %get3A_123, %dot_general3A_124 {dimension_numbers = #tpu.dot_dimension_numbers<[1], [0], [0], [1], [0, 0, 1, 1], [], []>, transpose_lhs_hint = false} : vector<8x512xf32>, vector<512x512xf32>, vector<8x512xf32> -> vector<8x512xf32>
    %add3A_126 = vector.broadcast %slice3A_116 : vector<8x1xf32> to vector<8x512xf32>
    %add3A_127 = arith.addf %dot_general3A_125, %add3A_126 : vector<8x512xf32>
    %slice3A_128 = vector.extract_strided_slice %add3A_127 {offsets = [0, 511], sizes = [8, 1], strides = [1, 1]} : vector<8x512xf32> to vector<8x1xf32>
    %swap3A_129 = arith.constant 0 : index
    %swap3A_130 = arith.constant 1536 : index
    %swap3A_131 = vector.load %arg8[%swap3A_129, %swap3A_130] : memref<8x2048xf32, #tpu.memory_space<vmem>>, vector<8x512xf32>
    tpu.vector_store %arg8[%swap3A_129, %swap3A_130], %add3A_127 {strides = array<i32>} : memref<8x2048xf32, #tpu.memory_space<vmem>>, vector<8x512xf32>,
    %get3A_132 = arith.constant 0 : index
    %get3A_133 = arith.constant 0 : index
    %get3A_134 = vector.load %arg8[%get3A_132, %get3A_133] : memref<8x2048xf32, #tpu.memory_space<vmem>>, vector<8x2048xf32>
    %iota3A_135 = tpu.iota {dimensions = array<i32: 1>} : vector<8x64xi32>
    %broadcast_in_dim3A_136 = arith.constant 0 : i32
    %broadcast_in_dim3A_137 = vector.broadcast %broadcast_in_dim3A_136 : i32 to vector<8x64xi32>
    %scan3A_138 = arith.constant 0 : i32
    %scan3A_139 = arith.constant 64 : i32
    %scan3A_140 = arith.addi %scan3A_138, %scan3A_139 : i32
    %scan3A_141 = arith.constant 1 : i32
    %scan3A_142 = scf.for %scan3A_237 = %scan3A_138 to %scan3A_140 step %scan3A_141 iter_args(%scan3A_238 = %broadcast_in_dim3A_137) -> (vector<8x64xi32>)  : i32 {
      %convert_element_type3A_239 = arith.sitofp %scan3A_237 : i32 to f32
      %le3A = vector.broadcast %convert_element_type3A_239 : f32 to vector<8x2048xf32>
      %le3A_240 = arith.cmpf ole, %get3A_134, %le3A : vector<8x2048xf32>
      %jit3A_241 = arith.constant 1.000000e+00 : f32
      %jit3A_242 = arith.constant 0.000000e+00 : f32
      %broadcast_in_dim3A_243 = vector.broadcast %jit3A_241 : f32 to vector<8x2048xf32>
      %broadcast_in_dim3A_244 = vector.broadcast %jit3A_242 : f32 to vector<8x2048xf32>
      %select_n3A_245 = arith.select %le3A_240, %broadcast_in_dim3A_243, %broadcast_in_dim3A_244 : vector<8x2048xi1>, vector<8x2048xf32>
      %reduce_sum3A = arith.constant dense<0.000000e+00> : vector<8xf32>
      %reduce_sum3A_246 = vector.multi_reduction <add>, %select_n3A_245, %reduce_sum3A [1] : vector<8x2048xf32> to vector<8xf32>
      %broadcast_in_dim3A_247 = vector.shape_cast %reduce_sum3A_246 : vector<8xf32> to vector<8x1xf32>
      %eq3A = vector.broadcast %scan3A_237 : i32 to vector<8x64xi32>
      %eq3A_248 = arith.cmpi eq, %iota3A_135, %eq3A : vector<8x64xi32>
      %convert_element_type3A_249 = arith.fptosi %broadcast_in_dim3A_247 : vector<8x1xf32> to vector<8x1xi32>
      %jit3A_250 = arith.constant 0 : i32
      %broadcast_in_dim3A_251 = vector.shape_cast %convert_element_type3A_249 : vector<8x1xi32> to vector<8x1xi32>
      %broadcast_in_dim3A_252 = vector.broadcast %broadcast_in_dim3A_251 : vector<8x1xi32> to vector<8x64xi32>
      %broadcast_in_dim3A_253 = vector.broadcast %jit3A_250 : i32 to vector<8x64xi32>
      %select_n3A_254 = arith.select %eq3A_248, %broadcast_in_dim3A_252, %broadcast_in_dim3A_253 : vector<8x64xi1>, vector<8x64xi32>
      %add3A_255 = arith.addi %scan3A_238, %select_n3A_254 : vector<8x64xi32>
      scf.yield %add3A_255 : vector<8x64xi32>
    }
    %scan3A_143 = arith.constant 64 : i32
    %slice3A_144 = vector.extract_strided_slice %scan3A_142 {offsets = [0, 0], sizes = [8, 1], strides = [1, 1]} : vector<8x64xi32> to vector<8x1xi32>
    %convert_element_type3A_145 = arith.fptosi %slice3A_128 : vector<8x1xf32> to vector<8x1xi32>
    %lt3A_146 = vector.broadcast %convert_element_type3A_145 : vector<8x1xi32> to vector<8x64xi32>
    %lt3A_147 = arith.cmpi slt, %iota3A_135, %lt3A_146 : vector<8x64xi32>
    %broadcast_in_dim3A_148 = vector.shape_cast %slice3A_144 : vector<8x1xi32> to vector<8x1xi32>
    %broadcast_in_dim3A_149 = vector.broadcast %broadcast_in_dim3A_148 : vector<8x1xi32> to vector<8x64xi32>
    %select_n3A_150 = arith.select %lt3A_147, %scan3A_142, %broadcast_in_dim3A_149 : vector<8x64xi1>, vector<8x64xi32>
    %swap3A_151 = arith.constant 0 : index
    %swap3A_152 = arith.constant 0 : index
    %swap3A_153 = vector.load %arg6[%swap3A_151, %swap3A_152] : memref<8x64xi32, #tpu.memory_space<vmem>>, vector<8x64xi32>
    tpu.vector_store %arg6[%swap3A_151, %swap3A_152], %select_n3A_150 {strides = array<i32>} : memref<8x64xi32, #tpu.memory_space<vmem>>, vector<8x64xi32>,
    %get3A_154 = arith.constant 0 : index
    %get3A_155 = arith.constant 0 : index
    %get3A_156 = vector.load %arg3[%get3A_154, %get3A_155] : memref<8x2048xi32, #tpu.memory_space<vmem>>, vector<8x2048xi32>
    %lt3A_157 = arith.constant 2048 : i32
    %lt3A_158 = vector.broadcast %lt3A_157 : i32 to vector<8x2048xi32>
    %lt3A_159 = arith.cmpi slt, %get3A_156, %lt3A_158 : vector<8x2048xi32>
    %jit3A_160 = arith.constant 1.000000e+00 : f32
    %jit3A_161 = arith.constant 0.000000e+00 : f32
    %broadcast_in_dim3A_162 = vector.broadcast %jit3A_160 : f32 to vector<8x2048xf32>
    %broadcast_in_dim3A_163 = vector.broadcast %jit3A_161 : f32 to vector<8x2048xf32>
    %select_n3A_164 = arith.select %lt3A_159, %broadcast_in_dim3A_162, %broadcast_in_dim3A_163 : vector<8x2048xi1>, vector<8x2048xf32>
    %broadcast_in_dim3A_165 = arith.constant 0.000000e+00 : f32
    %broadcast_in_dim3A_166 = vector.broadcast %broadcast_in_dim3A_165 : f32 to vector<8x1xf32>
    %slice3A_167 = vector.extract_strided_slice %select_n3A_164 {offsets = [0, 0], sizes = [8, 512], strides = [1, 1]} : vector<8x2048xf32> to vector<8x512xf32>
    %get3A_168 = arith.constant 0 : index
    %get3A_169 = arith.constant 0 : index
    %get3A_170 = vector.load %arg4[%get3A_168, %get3A_169] : memref<512x512xf32, #tpu.memory_space<vmem>>, vector<512x512xf32>
    %dot_general3A_171 = arith.constant dense<0.000000e+00> : vector<8x512xf32>
    %dot_general3A_172 = tpu.matmul %slice3A_167, %get3A_170, %dot_general3A_171 {dimension_numbers = #tpu.dot_dimension_numbers<[1], [0], [0], [1], [0, 0, 1, 1], [], []>, transpose_lhs_hint = false} : vector<8x512xf32>, vector<512x512xf32>, vector<8x512xf32> -> vector<8x512xf32>
    %add3A_173 = vector.broadcast %broadcast_in_dim3A_166 : vector<8x1xf32> to vector<8x512xf32>
    %add3A_174 = arith.addf %dot_general3A_172, %add3A_173 : vector<8x512xf32>
    %slice3A_175 = vector.extract_strided_slice %add3A_174 {offsets = [0, 511], sizes = [8, 1], strides = [1, 1]} : vector<8x512xf32> to vector<8x1xf32>
    %swap3A_176 = arith.constant 0 : index
    %swap3A_177 = arith.constant 0 : index
    %swap3A_178 = vector.load %arg8[%swap3A_176, %swap3A_177] : memref<8x2048xf32, #tpu.memory_space<vmem>>, vector<8x512xf32>
    tpu.vector_store %arg8[%swap3A_176, %swap3A_177], %add3A_174 {strides = array<i32>} : memref<8x2048xf32, #tpu.memory_space<vmem>>, vector<8x512xf32>,
    %slice3A_179 = vector.extract_strided_slice %select_n3A_164 {offsets = [0, 512], sizes = [8, 512], strides = [1, 1]} : vector<8x2048xf32> to vector<8x512xf32>
    %get3A_180 = arith.constant 0 : index
    %get3A_181 = arith.constant 0 : index
    %get3A_182 = vector.load %arg4[%get3A_180, %get3A_181] : memref<512x512xf32, #tpu.memory_space<vmem>>, vector<512x512xf32>
    %dot_general3A_183 = arith.constant dense<0.000000e+00> : vector<8x512xf32>
    %dot_general3A_184 = tpu.matmul %slice3A_179, %get3A_182, %dot_general3A_183 {dimension_numbers = #tpu.dot_dimension_numbers<[1], [0], [0], [1], [0, 0, 1, 1], [], []>, transpose_lhs_hint = false} : vector<8x512xf32>, vector<512x512xf32>, vector<8x512xf32> -> vector<8x512xf32>
    %add3A_185 = vector.broadcast %slice3A_175 : vector<8x1xf32> to vector<8x512xf32>
    %add3A_186 = arith.addf %dot_general3A_184, %add3A_185 : vector<8x512xf32>
    %slice3A_187 = vector.extract_strided_slice %add3A_186 {offsets = [0, 511], sizes = [8, 1], strides = [1, 1]} : vector<8x512xf32> to vector<8x1xf32>
    %swap3A_188 = arith.constant 0 : index
    %swap3A_189 = arith.constant 512 : index
    %swap3A_190 = vector.load %arg8[%swap3A_188, %swap3A_189] : memref<8x2048xf32, #tpu.memory_space<vmem>>, vector<8x512xf32>
    tpu.vector_store %arg8[%swap3A_188, %swap3A_189], %add3A_186 {strides = array<i32>} : memref<8x2048xf32, #tpu.memory_space<vmem>>, vector<8x512xf32>,
    %slice3A_191 = vector.extract_strided_slice %select_n3A_164 {offsets = [0, 1024], sizes = [8, 512], strides = [1, 1]} : vector<8x2048xf32> to vector<8x512xf32>
    %get3A_192 = arith.constant 0 : index
    %get3A_193 = arith.constant 0 : index
    %get3A_194 = vector.load %arg4[%get3A_192, %get3A_193] : memref<512x512xf32, #tpu.memory_space<vmem>>, vector<512x512xf32>
    %dot_general3A_195 = arith.constant dense<0.000000e+00> : vector<8x512xf32>
    %dot_general3A_196 = tpu.matmul %slice3A_191, %get3A_194, %dot_general3A_195 {dimension_numbers = #tpu.dot_dimension_numbers<[1], [0], [0], [1], [0, 0, 1, 1], [], []>, transpose_lhs_hint = false} : vector<8x512xf32>, vector<512x512xf32>, vector<8x512xf32> -> vector<8x512xf32>
    %add3A_197 = vector.broadcast %slice3A_187 : vector<8x1xf32> to vector<8x512xf32>
    %add3A_198 = arith.addf %dot_general3A_196, %add3A_197 : vector<8x512xf32>
    %slice3A_199 = vector.extract_strided_slice %add3A_198 {offsets = [0, 511], sizes = [8, 1], strides = [1, 1]} : vector<8x512xf32> to vector<8x1xf32>
    %swap3A_200 = arith.constant 0 : index
    %swap3A_201 = arith.constant 1024 : index
    %swap3A_202 = vector.load %arg8[%swap3A_200, %swap3A_201] : memref<8x2048xf32, #tpu.memory_space<vmem>>, vector<8x512xf32>
    tpu.vector_store %arg8[%swap3A_200, %swap3A_201], %add3A_198 {strides = array<i32>} : memref<8x2048xf32, #tpu.memory_space<vmem>>, vector<8x512xf32>,
    %slice3A_203 = vector.extract_strided_slice %select_n3A_164 {offsets = [0, 1536], sizes = [8, 512], strides = [1, 1]} : vector<8x2048xf32> to vector<8x512xf32>
    %get3A_204 = arith.constant 0 : index
    %get3A_205 = arith.constant 0 : index
    %get3A_206 = vector.load %arg4[%get3A_204, %get3A_205] : memref<512x512xf32, #tpu.memory_space<vmem>>, vector<512x512xf32>
    %dot_general3A_207 = arith.constant dense<0.000000e+00> : vector<8x512xf32>
    %dot_general3A_208 = tpu.matmul %slice3A_203, %get3A_206, %dot_general3A_207 {dimension_numbers = #tpu.dot_dimension_numbers<[1], [0], [0], [1], [0, 0, 1, 1], [], []>, transpose_lhs_hint = false} : vector<8x512xf32>, vector<512x512xf32>, vector<8x512xf32> -> vector<8x512xf32>
    %add3A_209 = vector.broadcast %slice3A_199 : vector<8x1xf32> to vector<8x512xf32>
    %add3A_210 = arith.addf %dot_general3A_208, %add3A_209 : vector<8x512xf32>
    %slice3A_211 = vector.extract_strided_slice %add3A_210 {offsets = [0, 511], sizes = [8, 1], strides = [1, 1]} : vector<8x512xf32> to vector<8x1xf32>
    %swap3A_212 = arith.constant 0 : index
    %swap3A_213 = arith.constant 1536 : index
    %swap3A_214 = vector.load %arg8[%swap3A_212, %swap3A_213] : memref<8x2048xf32, #tpu.memory_space<vmem>>, vector<8x512xf32>
    tpu.vector_store %arg8[%swap3A_212, %swap3A_213], %add3A_210 {strides = array<i32>} : memref<8x2048xf32, #tpu.memory_space<vmem>>, vector<8x512xf32>,
    %get3A_215 = arith.constant 0 : index
    %get3A_216 = arith.constant 0 : index
    %get3A_217 = vector.load %arg8[%get3A_215, %get3A_216] : memref<8x2048xf32, #tpu.memory_space<vmem>>, vector<8x2048xf32>
    %iota3A_218 = tpu.iota {dimensions = array<i32: 1>} : vector<8x128xi32>
    %broadcast_in_dim3A_219 = arith.constant 0 : i32
    %broadcast_in_dim3A_220 = vector.broadcast %broadcast_in_dim3A_219 : i32 to vector<8x128xi32>
    %scan3A_221 = arith.constant 0 : i32
    %scan3A_222 = arith.constant 128 : i32
    %scan3A_223 = arith.addi %scan3A_221, %scan3A_222 : i32
    %scan3A_224 = arith.constant 1 : i32
    %scan3A_225 = scf.for %scan3A_237 = %scan3A_221 to %scan3A_223 step %scan3A_224 iter_args(%scan3A_238 = %broadcast_in_dim3A_220) -> (vector<8x128xi32>)  : i32 {
      %convert_element_type3A_239 = arith.sitofp %scan3A_237 : i32 to f32
      %le3A = vector.broadcast %convert_element_type3A_239 : f32 to vector<8x2048xf32>
      %le3A_240 = arith.cmpf ole, %get3A_217, %le3A : vector<8x2048xf32>
      %jit3A_241 = arith.constant 1.000000e+00 : f32
      %jit3A_242 = arith.constant 0.000000e+00 : f32
      %broadcast_in_dim3A_243 = vector.broadcast %jit3A_241 : f32 to vector<8x2048xf32>
      %broadcast_in_dim3A_244 = vector.broadcast %jit3A_242 : f32 to vector<8x2048xf32>
      %select_n3A_245 = arith.select %le3A_240, %broadcast_in_dim3A_243, %broadcast_in_dim3A_244 : vector<8x2048xi1>, vector<8x2048xf32>
      %reduce_sum3A = arith.constant dense<0.000000e+00> : vector<8xf32>
      %reduce_sum3A_246 = vector.multi_reduction <add>, %select_n3A_245, %reduce_sum3A [1] : vector<8x2048xf32> to vector<8xf32>
      %broadcast_in_dim3A_247 = vector.shape_cast %reduce_sum3A_246 : vector<8xf32> to vector<8x1xf32>
      %eq3A = vector.broadcast %scan3A_237 : i32 to vector<8x128xi32>
      %eq3A_248 = arith.cmpi eq, %iota3A_218, %eq3A : vector<8x128xi32>
      %convert_element_type3A_249 = arith.fptosi %broadcast_in_dim3A_247 : vector<8x1xf32> to vector<8x1xi32>
      %jit3A_250 = arith.constant 0 : i32
      %broadcast_in_dim3A_251 = vector.shape_cast %convert_element_type3A_249 : vector<8x1xi32> to vector<8x1xi32>
      %broadcast_in_dim3A_252 = vector.broadcast %broadcast_in_dim3A_251 : vector<8x1xi32> to vector<8x128xi32>
      %broadcast_in_dim3A_253 = vector.broadcast %jit3A_250 : i32 to vector<8x128xi32>
      %select_n3A_254 = arith.select %eq3A_248, %broadcast_in_dim3A_252, %broadcast_in_dim3A_253 : vector<8x128xi1>, vector<8x128xi32>
      %add3A_255 = arith.addi %scan3A_238, %select_n3A_254 : vector<8x128xi32>
      scf.yield %add3A_255 : vector<8x128xi32>
    }
    %scan3A_226 = arith.constant 128 : i32
    %slice3A_227 = vector.extract_strided_slice %scan3A_225 {offsets = [0, 0], sizes = [8, 1], strides = [1, 1]} : vector<8x128xi32> to vector<8x1xi32>
    %convert_element_type3A_228 = arith.fptosi %slice3A_211 : vector<8x1xf32> to vector<8x1xi32>
    %lt3A_229 = vector.broadcast %convert_element_type3A_228 : vector<8x1xi32> to vector<8x128xi32>
    %lt3A_230 = arith.cmpi slt, %iota3A_218, %lt3A_229 : vector<8x128xi32>
    %broadcast_in_dim3A_231 = vector.shape_cast %slice3A_227 : vector<8x1xi32> to vector<8x1xi32>
    %broadcast_in_dim3A_232 = vector.broadcast %broadcast_in_dim3A_231 : vector<8x1xi32> to vector<8x128xi32>
    %select_n3A_233 = arith.select %lt3A_230, %scan3A_225, %broadcast_in_dim3A_232 : vector<8x128xi1>, vector<8x128xi32>
    %swap3A_234 = arith.constant 0 : index
    %swap3A_235 = arith.constant 0 : index
    %swap3A_236 = vector.load %arg7[%swap3A_234, %swap3A_235] : memref<8x128xi32, #tpu.memory_space<vmem>>, vector<8x128xi32>
    tpu.vector_store %arg7[%swap3A_234, %swap3A_235], %select_n3A_233 {strides = array<i32>} : memref<8x128xi32, #tpu.memory_space<vmem>>, vector<8x128xi32>,
    return
  }
  func.func @transform_0(%arg0: i32) -> (i32, i32) {
    %c0_i32 = arith.constant 0 : i32
    %c0_i32_0 = arith.constant 0 : i32
    return %arg0, %c0_i32 : i32, i32
  }
  func.func @transform_1(%arg0: i32) -> (i32, i32) {
    %c0_i32 = arith.constant 0 : i32
    %c0_i32_0 = arith.constant 0 : i32
    return %arg0, %c0_i32 : i32, i32
  }
  func.func @transform_2(%arg0: i32) -> (i32, i32) {
    %c0_i32 = arith.constant 0 : i32
    %c0_i32_0 = arith.constant 0 : i32
    return %arg0, %c0_i32 : i32, i32
  }
  func.func @transform_3(%arg0: i32) -> (i32, i32) {
    %c0_i32 = arith.constant 0 : i32
    %c0_i32_0 = arith.constant 0 : i32
    %c0_i32_1 = arith.constant 0 : i32
    return %c0_i32, %c0_i32_0 : i32, i32
  }
  func.func @transform_4(%arg0: i32) -> (i32, i32) {
    %c0_i32 = arith.constant 0 : i32
    %c0_i32_0 = arith.constant 0 : i32
    return %arg0, %c0_i32 : i32, i32
  }
  func.func @transform_5(%arg0: i32) -> (i32, i32) {
    %c0_i32 = arith.constant 0 : i32
    %c0_i32_0 = arith.constant 0 : i32
    return %arg0, %c0_i32 : i32, i32
  }
  func.func @transform_6(%arg0: i32) -> (i32, i32) {
    %c0_i32 = arith.constant 0 : i32
    %c0_i32_0 = arith.constant 0 : i32
    return %arg0, %c0_i32 : i32, i32
  }
}

module attributes {stable_mosaic.version = 14 : i64} {
  func.func @_mlp_body(%arg0: i32, %arg1: memref<1024x6xf32, #tpu.memory_space<vmem>>, %arg2: memref<6x64xf32, #tpu.memory_space<vmem>>, %arg3: memref<1x64xf32, #tpu.memory_space<vmem>>, %arg4: memref<1x64xf32, #tpu.memory_space<vmem>>, %arg5: memref<1x64xf32, #tpu.memory_space<vmem>>, %arg6: memref<64x64xf32, #tpu.memory_space<vmem>>, %arg7: memref<1x64xf32, #tpu.memory_space<vmem>>, %arg8: memref<1x64xf32, #tpu.memory_space<vmem>>, %arg9: memref<1x64xf32, #tpu.memory_space<vmem>>, %arg10: memref<64x128xf32, #tpu.memory_space<vmem>>, %arg11: memref<1x128xf32, #tpu.memory_space<vmem>>, %arg12: memref<1x128xf32, #tpu.memory_space<vmem>>, %arg13: memref<1x128xf32, #tpu.memory_space<vmem>>, %arg14: memref<16x128xf32, #tpu.memory_space<vmem>>) attributes {dimension_semantics = [#tpu.dimension_semantics<arbitrary>], iteration_bounds = array<i64: 128>, scalar_prefetch = 0 : i64, scratch_operands = 0 : i64, tpu.core_type = #tpu.core_type<tc>, window_params = [{transform_indices = @transform_0, window_bounds = array<i64: 1024, 6>}, {pipeline_mode = #tpu.pipeline_mode<synchronous>, transform_indices = @transform_1, window_bounds = array<i64: 6, 64>}, {pipeline_mode = #tpu.pipeline_mode<synchronous>, transform_indices = @transform_2, window_bounds = array<i64: 1, 64>}, {pipeline_mode = #tpu.pipeline_mode<synchronous>, transform_indices = @transform_3, window_bounds = array<i64: 1, 64>}, {pipeline_mode = #tpu.pipeline_mode<synchronous>, transform_indices = @transform_4, window_bounds = array<i64: 1, 64>}, {pipeline_mode = #tpu.pipeline_mode<synchronous>, transform_indices = @transform_5, window_bounds = array<i64: 64, 64>}, {pipeline_mode = #tpu.pipeline_mode<synchronous>, transform_indices = @transform_6, window_bounds = array<i64: 1, 64>}, {pipeline_mode = #tpu.pipeline_mode<synchronous>, transform_indices = @transform_7, window_bounds = array<i64: 1, 64>}, {pipeline_mode = #tpu.pipeline_mode<synchronous>, transform_indices = @transform_8, window_bounds = array<i64: 1, 64>}, {pipeline_mode = #tpu.pipeline_mode<synchronous>, transform_indices = @transform_9, window_bounds = array<i64: 64, 128>}, {pipeline_mode = #tpu.pipeline_mode<synchronous>, transform_indices = @transform_10, window_bounds = array<i64: 1, 128>}, {pipeline_mode = #tpu.pipeline_mode<synchronous>, transform_indices = @transform_11, window_bounds = array<i64: 1, 128>}, {pipeline_mode = #tpu.pipeline_mode<synchronous>, transform_indices = @transform_12, window_bounds = array<i64: 1, 128>}, {transform_indices = @transform_13, window_bounds = array<i64: 16, 128>}]} {
    %get3A = arith.constant 0 : index
    %get3A_0 = arith.constant 0 : index
    %get3A_1 = vector.load %arg1[%get3A, %get3A_0] : memref<1024x6xf32, #tpu.memory_space<vmem>>, vector<1024x6xf32>
    %get3A_2 = arith.constant 0 : index
    %get3A_3 = arith.constant 0 : index
    %get3A_4 = vector.load %arg2[%get3A_2, %get3A_3] : memref<6x64xf32, #tpu.memory_space<vmem>>, vector<6x64xf32>
    %get3A_5 = arith.constant 0 : index
    %get3A_6 = arith.constant 0 : index
    %get3A_7 = vector.load %arg3[%get3A_5, %get3A_6] : memref<1x64xf32, #tpu.memory_space<vmem>>, vector<1x64xf32>
    %get3A_8 = arith.constant 0 : index
    %get3A_9 = arith.constant 0 : index
    %get3A_10 = vector.load %arg4[%get3A_8, %get3A_9] : memref<1x64xf32, #tpu.memory_space<vmem>>, vector<1x64xf32>
    %get3A_11 = arith.constant 0 : index
    %get3A_12 = arith.constant 0 : index
    %get3A_13 = vector.load %arg5[%get3A_11, %get3A_12] : memref<1x64xf32, #tpu.memory_space<vmem>>, vector<1x64xf32>
    %dot_general3A = arith.constant dense<0.000000e+00> : vector<1024x64xf32>
    %dot_general3A_14 = tpu.matmul %get3A_1, %get3A_4, %dot_general3A {dimension_numbers = #tpu.dot_dimension_numbers<[1], [0], [0], [1], [0, 0, 1, 1], [], []>, transpose_lhs_hint = false} : vector<1024x6xf32>, vector<6x64xf32>, vector<1024x64xf32> -> vector<1024x64xf32>
    %add3A = vector.broadcast %get3A_7 : vector<1x64xf32> to vector<1024x64xf32>
    %add3A_15 = arith.addf %dot_general3A_14, %add3A : vector<1024x64xf32>
    %mul3A = vector.broadcast %get3A_10 : vector<1x64xf32> to vector<1024x64xf32>
    %mul3A_16 = arith.mulf %add3A_15, %mul3A : vector<1024x64xf32>
    %add3A_17 = vector.broadcast %get3A_13 : vector<1x64xf32> to vector<1024x64xf32>
    %add3A_18 = arith.addf %mul3A_16, %add3A_17 : vector<1024x64xf32>
    %max3A = arith.constant 0.000000e+00 : f32
    %max3A_19 = vector.broadcast %max3A : f32 to vector<1024x64xf32>
    %max3A_20 = arith.maximumf %add3A_18, %max3A_19 : vector<1024x64xf32>
    %get3A_21 = arith.constant 0 : index
    %get3A_22 = arith.constant 0 : index
    %get3A_23 = vector.load %arg6[%get3A_21, %get3A_22] : memref<64x64xf32, #tpu.memory_space<vmem>>, vector<64x64xf32>
    %get3A_24 = arith.constant 0 : index
    %get3A_25 = arith.constant 0 : index
    %get3A_26 = vector.load %arg7[%get3A_24, %get3A_25] : memref<1x64xf32, #tpu.memory_space<vmem>>, vector<1x64xf32>
    %get3A_27 = arith.constant 0 : index
    %get3A_28 = arith.constant 0 : index
    %get3A_29 = vector.load %arg8[%get3A_27, %get3A_28] : memref<1x64xf32, #tpu.memory_space<vmem>>, vector<1x64xf32>
    %get3A_30 = arith.constant 0 : index
    %get3A_31 = arith.constant 0 : index
    %get3A_32 = vector.load %arg9[%get3A_30, %get3A_31] : memref<1x64xf32, #tpu.memory_space<vmem>>, vector<1x64xf32>
    %dot_general3A_33 = arith.constant dense<0.000000e+00> : vector<1024x64xf32>
    %dot_general3A_34 = tpu.matmul %max3A_20, %get3A_23, %dot_general3A_33 {dimension_numbers = #tpu.dot_dimension_numbers<[1], [0], [0], [1], [0, 0, 1, 1], [], []>, transpose_lhs_hint = false} : vector<1024x64xf32>, vector<64x64xf32>, vector<1024x64xf32> -> vector<1024x64xf32>
    %add3A_35 = vector.broadcast %get3A_26 : vector<1x64xf32> to vector<1024x64xf32>
    %add3A_36 = arith.addf %dot_general3A_34, %add3A_35 : vector<1024x64xf32>
    %mul3A_37 = vector.broadcast %get3A_29 : vector<1x64xf32> to vector<1024x64xf32>
    %mul3A_38 = arith.mulf %add3A_36, %mul3A_37 : vector<1024x64xf32>
    %add3A_39 = vector.broadcast %get3A_32 : vector<1x64xf32> to vector<1024x64xf32>
    %add3A_40 = arith.addf %mul3A_38, %add3A_39 : vector<1024x64xf32>
    %max3A_41 = arith.constant 0.000000e+00 : f32
    %max3A_42 = vector.broadcast %max3A_41 : f32 to vector<1024x64xf32>
    %max3A_43 = arith.maximumf %add3A_40, %max3A_42 : vector<1024x64xf32>
    %get3A_44 = arith.constant 0 : index
    %get3A_45 = arith.constant 0 : index
    %get3A_46 = vector.load %arg10[%get3A_44, %get3A_45] : memref<64x128xf32, #tpu.memory_space<vmem>>, vector<64x128xf32>
    %get3A_47 = arith.constant 0 : index
    %get3A_48 = arith.constant 0 : index
    %get3A_49 = vector.load %arg11[%get3A_47, %get3A_48] : memref<1x128xf32, #tpu.memory_space<vmem>>, vector<1x128xf32>
    %get3A_50 = arith.constant 0 : index
    %get3A_51 = arith.constant 0 : index
    %get3A_52 = vector.load %arg12[%get3A_50, %get3A_51] : memref<1x128xf32, #tpu.memory_space<vmem>>, vector<1x128xf32>
    %get3A_53 = arith.constant 0 : index
    %get3A_54 = arith.constant 0 : index
    %get3A_55 = vector.load %arg13[%get3A_53, %get3A_54] : memref<1x128xf32, #tpu.memory_space<vmem>>, vector<1x128xf32>
    %dot_general3A_56 = arith.constant dense<0.000000e+00> : vector<1024x128xf32>
    %dot_general3A_57 = tpu.matmul %max3A_43, %get3A_46, %dot_general3A_56 {dimension_numbers = #tpu.dot_dimension_numbers<[1], [0], [0], [1], [0, 0, 1, 1], [], []>, transpose_lhs_hint = false} : vector<1024x64xf32>, vector<64x128xf32>, vector<1024x128xf32> -> vector<1024x128xf32>
    %add3A_58 = vector.broadcast %get3A_49 : vector<1x128xf32> to vector<1024x128xf32>
    %add3A_59 = arith.addf %dot_general3A_57, %add3A_58 : vector<1024x128xf32>
    %mul3A_60 = vector.broadcast %get3A_52 : vector<1x128xf32> to vector<1024x128xf32>
    %mul3A_61 = arith.mulf %add3A_59, %mul3A_60 : vector<1024x128xf32>
    %add3A_62 = vector.broadcast %get3A_55 : vector<1x128xf32> to vector<1024x128xf32>
    %add3A_63 = arith.addf %mul3A_61, %add3A_62 : vector<1024x128xf32>
    %max3A_64 = arith.constant 0.000000e+00 : f32
    %max3A_65 = vector.broadcast %max3A_64 : f32 to vector<1024x128xf32>
    %max3A_66 = arith.maximumf %add3A_63, %max3A_65 : vector<1024x128xf32>
    %slice3A = vector.extract_strided_slice %max3A_66 {offsets = [0, 0], sizes = [64, 128], strides = [1, 1]} : vector<1024x128xf32> to vector<64x128xf32>
    %reduce_max3A = arith.constant dense<0xFF800000> : vector<128xf32>
    %reduce_max3A_67 = vector.multi_reduction <maximumf>, %slice3A, %reduce_max3A [0] : vector<64x128xf32> to vector<128xf32>
    %broadcast_in_dim3A = vector.shape_cast %reduce_max3A_67 : vector<128xf32> to vector<1x128xf32>
    %slice3A_68 = vector.extract_strided_slice %max3A_66 {offsets = [64, 0], sizes = [64, 128], strides = [1, 1]} : vector<1024x128xf32> to vector<64x128xf32>
    %reduce_max3A_69 = arith.constant dense<0xFF800000> : vector<128xf32>
    %reduce_max3A_70 = vector.multi_reduction <maximumf>, %slice3A_68, %reduce_max3A_69 [0] : vector<64x128xf32> to vector<128xf32>
    %broadcast_in_dim3A_71 = vector.shape_cast %reduce_max3A_70 : vector<128xf32> to vector<1x128xf32>
    %slice3A_72 = vector.extract_strided_slice %max3A_66 {offsets = [128, 0], sizes = [64, 128], strides = [1, 1]} : vector<1024x128xf32> to vector<64x128xf32>
    %reduce_max3A_73 = arith.constant dense<0xFF800000> : vector<128xf32>
    %reduce_max3A_74 = vector.multi_reduction <maximumf>, %slice3A_72, %reduce_max3A_73 [0] : vector<64x128xf32> to vector<128xf32>
    %broadcast_in_dim3A_75 = vector.shape_cast %reduce_max3A_74 : vector<128xf32> to vector<1x128xf32>
    %slice3A_76 = vector.extract_strided_slice %max3A_66 {offsets = [192, 0], sizes = [64, 128], strides = [1, 1]} : vector<1024x128xf32> to vector<64x128xf32>
    %reduce_max3A_77 = arith.constant dense<0xFF800000> : vector<128xf32>
    %reduce_max3A_78 = vector.multi_reduction <maximumf>, %slice3A_76, %reduce_max3A_77 [0] : vector<64x128xf32> to vector<128xf32>
    %broadcast_in_dim3A_79 = vector.shape_cast %reduce_max3A_78 : vector<128xf32> to vector<1x128xf32>
    %slice3A_80 = vector.extract_strided_slice %max3A_66 {offsets = [256, 0], sizes = [64, 128], strides = [1, 1]} : vector<1024x128xf32> to vector<64x128xf32>
    %reduce_max3A_81 = arith.constant dense<0xFF800000> : vector<128xf32>
    %reduce_max3A_82 = vector.multi_reduction <maximumf>, %slice3A_80, %reduce_max3A_81 [0] : vector<64x128xf32> to vector<128xf32>
    %broadcast_in_dim3A_83 = vector.shape_cast %reduce_max3A_82 : vector<128xf32> to vector<1x128xf32>
    %slice3A_84 = vector.extract_strided_slice %max3A_66 {offsets = [320, 0], sizes = [64, 128], strides = [1, 1]} : vector<1024x128xf32> to vector<64x128xf32>
    %reduce_max3A_85 = arith.constant dense<0xFF800000> : vector<128xf32>
    %reduce_max3A_86 = vector.multi_reduction <maximumf>, %slice3A_84, %reduce_max3A_85 [0] : vector<64x128xf32> to vector<128xf32>
    %broadcast_in_dim3A_87 = vector.shape_cast %reduce_max3A_86 : vector<128xf32> to vector<1x128xf32>
    %slice3A_88 = vector.extract_strided_slice %max3A_66 {offsets = [384, 0], sizes = [64, 128], strides = [1, 1]} : vector<1024x128xf32> to vector<64x128xf32>
    %reduce_max3A_89 = arith.constant dense<0xFF800000> : vector<128xf32>
    %reduce_max3A_90 = vector.multi_reduction <maximumf>, %slice3A_88, %reduce_max3A_89 [0] : vector<64x128xf32> to vector<128xf32>
    %broadcast_in_dim3A_91 = vector.shape_cast %reduce_max3A_90 : vector<128xf32> to vector<1x128xf32>
    %slice3A_92 = vector.extract_strided_slice %max3A_66 {offsets = [448, 0], sizes = [64, 128], strides = [1, 1]} : vector<1024x128xf32> to vector<64x128xf32>
    %reduce_max3A_93 = arith.constant dense<0xFF800000> : vector<128xf32>
    %reduce_max3A_94 = vector.multi_reduction <maximumf>, %slice3A_92, %reduce_max3A_93 [0] : vector<64x128xf32> to vector<128xf32>
    %broadcast_in_dim3A_95 = vector.shape_cast %reduce_max3A_94 : vector<128xf32> to vector<1x128xf32>
    %slice3A_96 = vector.extract_strided_slice %max3A_66 {offsets = [512, 0], sizes = [64, 128], strides = [1, 1]} : vector<1024x128xf32> to vector<64x128xf32>
    %reduce_max3A_97 = arith.constant dense<0xFF800000> : vector<128xf32>
    %reduce_max3A_98 = vector.multi_reduction <maximumf>, %slice3A_96, %reduce_max3A_97 [0] : vector<64x128xf32> to vector<128xf32>
    %broadcast_in_dim3A_99 = vector.shape_cast %reduce_max3A_98 : vector<128xf32> to vector<1x128xf32>
    %slice3A_100 = vector.extract_strided_slice %max3A_66 {offsets = [576, 0], sizes = [64, 128], strides = [1, 1]} : vector<1024x128xf32> to vector<64x128xf32>
    %reduce_max3A_101 = arith.constant dense<0xFF800000> : vector<128xf32>
    %reduce_max3A_102 = vector.multi_reduction <maximumf>, %slice3A_100, %reduce_max3A_101 [0] : vector<64x128xf32> to vector<128xf32>
    %broadcast_in_dim3A_103 = vector.shape_cast %reduce_max3A_102 : vector<128xf32> to vector<1x128xf32>
    %slice3A_104 = vector.extract_strided_slice %max3A_66 {offsets = [640, 0], sizes = [64, 128], strides = [1, 1]} : vector<1024x128xf32> to vector<64x128xf32>
    %reduce_max3A_105 = arith.constant dense<0xFF800000> : vector<128xf32>
    %reduce_max3A_106 = vector.multi_reduction <maximumf>, %slice3A_104, %reduce_max3A_105 [0] : vector<64x128xf32> to vector<128xf32>
    %broadcast_in_dim3A_107 = vector.shape_cast %reduce_max3A_106 : vector<128xf32> to vector<1x128xf32>
    %slice3A_108 = vector.extract_strided_slice %max3A_66 {offsets = [704, 0], sizes = [64, 128], strides = [1, 1]} : vector<1024x128xf32> to vector<64x128xf32>
    %reduce_max3A_109 = arith.constant dense<0xFF800000> : vector<128xf32>
    %reduce_max3A_110 = vector.multi_reduction <maximumf>, %slice3A_108, %reduce_max3A_109 [0] : vector<64x128xf32> to vector<128xf32>
    %broadcast_in_dim3A_111 = vector.shape_cast %reduce_max3A_110 : vector<128xf32> to vector<1x128xf32>
    %slice3A_112 = vector.extract_strided_slice %max3A_66 {offsets = [768, 0], sizes = [64, 128], strides = [1, 1]} : vector<1024x128xf32> to vector<64x128xf32>
    %reduce_max3A_113 = arith.constant dense<0xFF800000> : vector<128xf32>
    %reduce_max3A_114 = vector.multi_reduction <maximumf>, %slice3A_112, %reduce_max3A_113 [0] : vector<64x128xf32> to vector<128xf32>
    %broadcast_in_dim3A_115 = vector.shape_cast %reduce_max3A_114 : vector<128xf32> to vector<1x128xf32>
    %slice3A_116 = vector.extract_strided_slice %max3A_66 {offsets = [832, 0], sizes = [64, 128], strides = [1, 1]} : vector<1024x128xf32> to vector<64x128xf32>
    %reduce_max3A_117 = arith.constant dense<0xFF800000> : vector<128xf32>
    %reduce_max3A_118 = vector.multi_reduction <maximumf>, %slice3A_116, %reduce_max3A_117 [0] : vector<64x128xf32> to vector<128xf32>
    %broadcast_in_dim3A_119 = vector.shape_cast %reduce_max3A_118 : vector<128xf32> to vector<1x128xf32>
    %slice3A_120 = vector.extract_strided_slice %max3A_66 {offsets = [896, 0], sizes = [64, 128], strides = [1, 1]} : vector<1024x128xf32> to vector<64x128xf32>
    %reduce_max3A_121 = arith.constant dense<0xFF800000> : vector<128xf32>
    %reduce_max3A_122 = vector.multi_reduction <maximumf>, %slice3A_120, %reduce_max3A_121 [0] : vector<64x128xf32> to vector<128xf32>
    %broadcast_in_dim3A_123 = vector.shape_cast %reduce_max3A_122 : vector<128xf32> to vector<1x128xf32>
    %slice3A_124 = vector.extract_strided_slice %max3A_66 {offsets = [960, 0], sizes = [64, 128], strides = [1, 1]} : vector<1024x128xf32> to vector<64x128xf32>
    %reduce_max3A_125 = arith.constant dense<0xFF800000> : vector<128xf32>
    %reduce_max3A_126 = vector.multi_reduction <maximumf>, %slice3A_124, %reduce_max3A_125 [0] : vector<64x128xf32> to vector<128xf32>
    %broadcast_in_dim3A_127 = vector.shape_cast %reduce_max3A_126 : vector<128xf32> to vector<1x128xf32>
    %concatenate3A = tpu.concatenate %broadcast_in_dim3A, %broadcast_in_dim3A_71, %broadcast_in_dim3A_75, %broadcast_in_dim3A_79, %broadcast_in_dim3A_83, %broadcast_in_dim3A_87, %broadcast_in_dim3A_91, %broadcast_in_dim3A_95, %broadcast_in_dim3A_99, %broadcast_in_dim3A_103, %broadcast_in_dim3A_107, %broadcast_in_dim3A_111, %broadcast_in_dim3A_115, %broadcast_in_dim3A_119, %broadcast_in_dim3A_123, %broadcast_in_dim3A_127 in 0 : vector<1x128xf32>, vector<1x128xf32>, vector<1x128xf32>, vector<1x128xf32>, vector<1x128xf32>, vector<1x128xf32>, vector<1x128xf32>, vector<1x128xf32>, vector<1x128xf32>, vector<1x128xf32>, vector<1x128xf32>, vector<1x128xf32>, vector<1x128xf32>, vector<1x128xf32>, vector<1x128xf32>, vector<1x128xf32> -> vector<16x128xf32>
    %swap3A = arith.constant 0 : index
    %swap3A_128 = arith.constant 0 : index
    %swap3A_129 = vector.load %arg14[%swap3A, %swap3A_128] : memref<16x128xf32, #tpu.memory_space<vmem>>, vector<16x128xf32>
    tpu.vector_store %arg14[%swap3A, %swap3A_128], %concatenate3A {strides = array<i32>} : memref<16x128xf32, #tpu.memory_space<vmem>>, vector<16x128xf32>,
    return
  }
  func.func @transform_0(%arg0: i32) -> (i32, i32) {
    %c0_i32 = arith.constant 0 : i32
    %c0_i32_0 = arith.constant 0 : i32
    return %arg0, %c0_i32 : i32, i32
  }
  func.func @transform_1(%arg0: i32) -> (i32, i32) {
    %c0_i32 = arith.constant 0 : i32
    %c0_i32_0 = arith.constant 0 : i32
    %c0_i32_1 = arith.constant 0 : i32
    return %c0_i32, %c0_i32_0 : i32, i32
  }
  func.func @transform_2(%arg0: i32) -> (i32, i32) {
    %c0_i32 = arith.constant 0 : i32
    %c0_i32_0 = arith.constant 0 : i32
    %c0_i32_1 = arith.constant 0 : i32
    return %c0_i32, %c0_i32_0 : i32, i32
  }
  func.func @transform_3(%arg0: i32) -> (i32, i32) {
    %c0_i32 = arith.constant 0 : i32
    %c0_i32_0 = arith.constant 0 : i32
    %c0_i32_1 = arith.constant 0 : i32
    return %c0_i32, %c0_i32_0 : i32, i32
  }
  func.func @transform_4(%arg0: i32) -> (i32, i32) {
    %c0_i32 = arith.constant 0 : i32
    %c0_i32_0 = arith.constant 0 : i32
    %c0_i32_1 = arith.constant 0 : i32
    return %c0_i32, %c0_i32_0 : i32, i32
  }
  func.func @transform_5(%arg0: i32) -> (i32, i32) {
    %c0_i32 = arith.constant 0 : i32
    %c0_i32_0 = arith.constant 0 : i32
    %c0_i32_1 = arith.constant 0 : i32
    return %c0_i32, %c0_i32_0 : i32, i32
  }
  func.func @transform_6(%arg0: i32) -> (i32, i32) {
    %c0_i32 = arith.constant 0 : i32
    %c0_i32_0 = arith.constant 0 : i32
    %c0_i32_1 = arith.constant 0 : i32
    return %c0_i32, %c0_i32_0 : i32, i32
  }
  func.func @transform_7(%arg0: i32) -> (i32, i32) {
    %c0_i32 = arith.constant 0 : i32
    %c0_i32_0 = arith.constant 0 : i32
    %c0_i32_1 = arith.constant 0 : i32
    return %c0_i32, %c0_i32_0 : i32, i32
  }
  func.func @transform_8(%arg0: i32) -> (i32, i32) {
    %c0_i32 = arith.constant 0 : i32
    %c0_i32_0 = arith.constant 0 : i32
    %c0_i32_1 = arith.constant 0 : i32
    return %c0_i32, %c0_i32_0 : i32, i32
  }
  func.func @transform_9(%arg0: i32) -> (i32, i32) {
    %c0_i32 = arith.constant 0 : i32
    %c0_i32_0 = arith.constant 0 : i32
    %c0_i32_1 = arith.constant 0 : i32
    return %c0_i32, %c0_i32_0 : i32, i32
  }
  func.func @transform_10(%arg0: i32) -> (i32, i32) {
    %c0_i32 = arith.constant 0 : i32
    %c0_i32_0 = arith.constant 0 : i32
    %c0_i32_1 = arith.constant 0 : i32
    return %c0_i32, %c0_i32_0 : i32, i32
  }
  func.func @transform_11(%arg0: i32) -> (i32, i32) {
    %c0_i32 = arith.constant 0 : i32
    %c0_i32_0 = arith.constant 0 : i32
    %c0_i32_1 = arith.constant 0 : i32
    return %c0_i32, %c0_i32_0 : i32, i32
  }
  func.func @transform_12(%arg0: i32) -> (i32, i32) {
    %c0_i32 = arith.constant 0 : i32
    %c0_i32_0 = arith.constant 0 : i32
    %c0_i32_1 = arith.constant 0 : i32
    return %c0_i32, %c0_i32_0 : i32, i32
  }
  func.func @transform_13(%arg0: i32) -> (i32, i32) {
    %c0_i32 = arith.constant 0 : i32
    %c0_i32_0 = arith.constant 0 : i32
    return %arg0, %c0_i32 : i32, i32
  }
}

module attributes {stable_mosaic.version = 14 : i64} {
  func.func @_mlp_body(%arg0: i32, %arg1: memref<512x6xf32, #tpu.memory_space<vmem>>, %arg2: memref<6x32xf32, #tpu.memory_space<vmem>>, %arg3: memref<1x32xf32, #tpu.memory_space<vmem>>, %arg4: memref<1x32xf32, #tpu.memory_space<vmem>>, %arg5: memref<1x32xf32, #tpu.memory_space<vmem>>, %arg6: memref<32x32xf32, #tpu.memory_space<vmem>>, %arg7: memref<1x32xf32, #tpu.memory_space<vmem>>, %arg8: memref<1x32xf32, #tpu.memory_space<vmem>>, %arg9: memref<1x32xf32, #tpu.memory_space<vmem>>, %arg10: memref<32x64xf32, #tpu.memory_space<vmem>>, %arg11: memref<1x64xf32, #tpu.memory_space<vmem>>, %arg12: memref<1x64xf32, #tpu.memory_space<vmem>>, %arg13: memref<1x64xf32, #tpu.memory_space<vmem>>, %arg14: memref<16x64xf32, #tpu.memory_space<vmem>>) attributes {dimension_semantics = [#tpu.dimension_semantics<arbitrary>], iteration_bounds = array<i64: 128>, scalar_prefetch = 0 : i64, scratch_operands = 0 : i64, tpu.core_type = #tpu.core_type<tc>, window_params = [{transform_indices = @transform_0, window_bounds = array<i64: 512, 6>}, {pipeline_mode = #tpu.pipeline_mode<synchronous>, transform_indices = @transform_1, window_bounds = array<i64: 6, 32>}, {pipeline_mode = #tpu.pipeline_mode<synchronous>, transform_indices = @transform_2, window_bounds = array<i64: 1, 32>}, {pipeline_mode = #tpu.pipeline_mode<synchronous>, transform_indices = @transform_3, window_bounds = array<i64: 1, 32>}, {pipeline_mode = #tpu.pipeline_mode<synchronous>, transform_indices = @transform_4, window_bounds = array<i64: 1, 32>}, {pipeline_mode = #tpu.pipeline_mode<synchronous>, transform_indices = @transform_5, window_bounds = array<i64: 32, 32>}, {pipeline_mode = #tpu.pipeline_mode<synchronous>, transform_indices = @transform_6, window_bounds = array<i64: 1, 32>}, {pipeline_mode = #tpu.pipeline_mode<synchronous>, transform_indices = @transform_7, window_bounds = array<i64: 1, 32>}, {pipeline_mode = #tpu.pipeline_mode<synchronous>, transform_indices = @transform_8, window_bounds = array<i64: 1, 32>}, {pipeline_mode = #tpu.pipeline_mode<synchronous>, transform_indices = @transform_9, window_bounds = array<i64: 32, 64>}, {pipeline_mode = #tpu.pipeline_mode<synchronous>, transform_indices = @transform_10, window_bounds = array<i64: 1, 64>}, {pipeline_mode = #tpu.pipeline_mode<synchronous>, transform_indices = @transform_11, window_bounds = array<i64: 1, 64>}, {pipeline_mode = #tpu.pipeline_mode<synchronous>, transform_indices = @transform_12, window_bounds = array<i64: 1, 64>}, {transform_indices = @transform_13, window_bounds = array<i64: 16, 64>}]} {
    %get3A = arith.constant 0 : index
    %get3A_0 = arith.constant 0 : index
    %get3A_1 = vector.load %arg1[%get3A, %get3A_0] : memref<512x6xf32, #tpu.memory_space<vmem>>, vector<512x6xf32>
    %get3A_2 = arith.constant 0 : index
    %get3A_3 = arith.constant 0 : index
    %get3A_4 = vector.load %arg2[%get3A_2, %get3A_3] : memref<6x32xf32, #tpu.memory_space<vmem>>, vector<6x32xf32>
    %get3A_5 = arith.constant 0 : index
    %get3A_6 = arith.constant 0 : index
    %get3A_7 = vector.load %arg3[%get3A_5, %get3A_6] : memref<1x32xf32, #tpu.memory_space<vmem>>, vector<1x32xf32>
    %get3A_8 = arith.constant 0 : index
    %get3A_9 = arith.constant 0 : index
    %get3A_10 = vector.load %arg4[%get3A_8, %get3A_9] : memref<1x32xf32, #tpu.memory_space<vmem>>, vector<1x32xf32>
    %get3A_11 = arith.constant 0 : index
    %get3A_12 = arith.constant 0 : index
    %get3A_13 = vector.load %arg5[%get3A_11, %get3A_12] : memref<1x32xf32, #tpu.memory_space<vmem>>, vector<1x32xf32>
    %dot_general3A = arith.constant dense<0.000000e+00> : vector<512x32xf32>
    %dot_general3A_14 = tpu.matmul %get3A_1, %get3A_4, %dot_general3A {dimension_numbers = #tpu.dot_dimension_numbers<[1], [0], [0], [1], [0, 0, 1, 1], [], []>, transpose_lhs_hint = false} : vector<512x6xf32>, vector<6x32xf32>, vector<512x32xf32> -> vector<512x32xf32>
    %add3A = vector.broadcast %get3A_7 : vector<1x32xf32> to vector<512x32xf32>
    %add3A_15 = arith.addf %dot_general3A_14, %add3A : vector<512x32xf32>
    %mul3A = vector.broadcast %get3A_10 : vector<1x32xf32> to vector<512x32xf32>
    %mul3A_16 = arith.mulf %add3A_15, %mul3A : vector<512x32xf32>
    %add3A_17 = vector.broadcast %get3A_13 : vector<1x32xf32> to vector<512x32xf32>
    %add3A_18 = arith.addf %mul3A_16, %add3A_17 : vector<512x32xf32>
    %max3A = arith.constant 0.000000e+00 : f32
    %max3A_19 = vector.broadcast %max3A : f32 to vector<512x32xf32>
    %max3A_20 = arith.maximumf %add3A_18, %max3A_19 : vector<512x32xf32>
    %get3A_21 = arith.constant 0 : index
    %get3A_22 = arith.constant 0 : index
    %get3A_23 = vector.load %arg6[%get3A_21, %get3A_22] : memref<32x32xf32, #tpu.memory_space<vmem>>, vector<32x32xf32>
    %get3A_24 = arith.constant 0 : index
    %get3A_25 = arith.constant 0 : index
    %get3A_26 = vector.load %arg7[%get3A_24, %get3A_25] : memref<1x32xf32, #tpu.memory_space<vmem>>, vector<1x32xf32>
    %get3A_27 = arith.constant 0 : index
    %get3A_28 = arith.constant 0 : index
    %get3A_29 = vector.load %arg8[%get3A_27, %get3A_28] : memref<1x32xf32, #tpu.memory_space<vmem>>, vector<1x32xf32>
    %get3A_30 = arith.constant 0 : index
    %get3A_31 = arith.constant 0 : index
    %get3A_32 = vector.load %arg9[%get3A_30, %get3A_31] : memref<1x32xf32, #tpu.memory_space<vmem>>, vector<1x32xf32>
    %dot_general3A_33 = arith.constant dense<0.000000e+00> : vector<512x32xf32>
    %dot_general3A_34 = tpu.matmul %max3A_20, %get3A_23, %dot_general3A_33 {dimension_numbers = #tpu.dot_dimension_numbers<[1], [0], [0], [1], [0, 0, 1, 1], [], []>, transpose_lhs_hint = false} : vector<512x32xf32>, vector<32x32xf32>, vector<512x32xf32> -> vector<512x32xf32>
    %add3A_35 = vector.broadcast %get3A_26 : vector<1x32xf32> to vector<512x32xf32>
    %add3A_36 = arith.addf %dot_general3A_34, %add3A_35 : vector<512x32xf32>
    %mul3A_37 = vector.broadcast %get3A_29 : vector<1x32xf32> to vector<512x32xf32>
    %mul3A_38 = arith.mulf %add3A_36, %mul3A_37 : vector<512x32xf32>
    %add3A_39 = vector.broadcast %get3A_32 : vector<1x32xf32> to vector<512x32xf32>
    %add3A_40 = arith.addf %mul3A_38, %add3A_39 : vector<512x32xf32>
    %max3A_41 = arith.constant 0.000000e+00 : f32
    %max3A_42 = vector.broadcast %max3A_41 : f32 to vector<512x32xf32>
    %max3A_43 = arith.maximumf %add3A_40, %max3A_42 : vector<512x32xf32>
    %get3A_44 = arith.constant 0 : index
    %get3A_45 = arith.constant 0 : index
    %get3A_46 = vector.load %arg10[%get3A_44, %get3A_45] : memref<32x64xf32, #tpu.memory_space<vmem>>, vector<32x64xf32>
    %get3A_47 = arith.constant 0 : index
    %get3A_48 = arith.constant 0 : index
    %get3A_49 = vector.load %arg11[%get3A_47, %get3A_48] : memref<1x64xf32, #tpu.memory_space<vmem>>, vector<1x64xf32>
    %get3A_50 = arith.constant 0 : index
    %get3A_51 = arith.constant 0 : index
    %get3A_52 = vector.load %arg12[%get3A_50, %get3A_51] : memref<1x64xf32, #tpu.memory_space<vmem>>, vector<1x64xf32>
    %get3A_53 = arith.constant 0 : index
    %get3A_54 = arith.constant 0 : index
    %get3A_55 = vector.load %arg13[%get3A_53, %get3A_54] : memref<1x64xf32, #tpu.memory_space<vmem>>, vector<1x64xf32>
    %dot_general3A_56 = arith.constant dense<0.000000e+00> : vector<512x64xf32>
    %dot_general3A_57 = tpu.matmul %max3A_43, %get3A_46, %dot_general3A_56 {dimension_numbers = #tpu.dot_dimension_numbers<[1], [0], [0], [1], [0, 0, 1, 1], [], []>, transpose_lhs_hint = false} : vector<512x32xf32>, vector<32x64xf32>, vector<512x64xf32> -> vector<512x64xf32>
    %add3A_58 = vector.broadcast %get3A_49 : vector<1x64xf32> to vector<512x64xf32>
    %add3A_59 = arith.addf %dot_general3A_57, %add3A_58 : vector<512x64xf32>
    %mul3A_60 = vector.broadcast %get3A_52 : vector<1x64xf32> to vector<512x64xf32>
    %mul3A_61 = arith.mulf %add3A_59, %mul3A_60 : vector<512x64xf32>
    %add3A_62 = vector.broadcast %get3A_55 : vector<1x64xf32> to vector<512x64xf32>
    %add3A_63 = arith.addf %mul3A_61, %add3A_62 : vector<512x64xf32>
    %max3A_64 = arith.constant 0.000000e+00 : f32
    %max3A_65 = vector.broadcast %max3A_64 : f32 to vector<512x64xf32>
    %max3A_66 = arith.maximumf %add3A_63, %max3A_65 : vector<512x64xf32>
    %slice3A = vector.extract_strided_slice %max3A_66 {offsets = [0, 0], sizes = [32, 64], strides = [1, 1]} : vector<512x64xf32> to vector<32x64xf32>
    %reduce_max3A = arith.constant dense<0xFF800000> : vector<64xf32>
    %reduce_max3A_67 = vector.multi_reduction <maximumf>, %slice3A, %reduce_max3A [0] : vector<32x64xf32> to vector<64xf32>
    %broadcast_in_dim3A = vector.shape_cast %reduce_max3A_67 : vector<64xf32> to vector<1x64xf32>
    %slice3A_68 = vector.extract_strided_slice %max3A_66 {offsets = [32, 0], sizes = [32, 64], strides = [1, 1]} : vector<512x64xf32> to vector<32x64xf32>
    %reduce_max3A_69 = arith.constant dense<0xFF800000> : vector<64xf32>
    %reduce_max3A_70 = vector.multi_reduction <maximumf>, %slice3A_68, %reduce_max3A_69 [0] : vector<32x64xf32> to vector<64xf32>
    %broadcast_in_dim3A_71 = vector.shape_cast %reduce_max3A_70 : vector<64xf32> to vector<1x64xf32>
    %slice3A_72 = vector.extract_strided_slice %max3A_66 {offsets = [64, 0], sizes = [32, 64], strides = [1, 1]} : vector<512x64xf32> to vector<32x64xf32>
    %reduce_max3A_73 = arith.constant dense<0xFF800000> : vector<64xf32>
    %reduce_max3A_74 = vector.multi_reduction <maximumf>, %slice3A_72, %reduce_max3A_73 [0] : vector<32x64xf32> to vector<64xf32>
    %broadcast_in_dim3A_75 = vector.shape_cast %reduce_max3A_74 : vector<64xf32> to vector<1x64xf32>
    %slice3A_76 = vector.extract_strided_slice %max3A_66 {offsets = [96, 0], sizes = [32, 64], strides = [1, 1]} : vector<512x64xf32> to vector<32x64xf32>
    %reduce_max3A_77 = arith.constant dense<0xFF800000> : vector<64xf32>
    %reduce_max3A_78 = vector.multi_reduction <maximumf>, %slice3A_76, %reduce_max3A_77 [0] : vector<32x64xf32> to vector<64xf32>
    %broadcast_in_dim3A_79 = vector.shape_cast %reduce_max3A_78 : vector<64xf32> to vector<1x64xf32>
    %slice3A_80 = vector.extract_strided_slice %max3A_66 {offsets = [128, 0], sizes = [32, 64], strides = [1, 1]} : vector<512x64xf32> to vector<32x64xf32>
    %reduce_max3A_81 = arith.constant dense<0xFF800000> : vector<64xf32>
    %reduce_max3A_82 = vector.multi_reduction <maximumf>, %slice3A_80, %reduce_max3A_81 [0] : vector<32x64xf32> to vector<64xf32>
    %broadcast_in_dim3A_83 = vector.shape_cast %reduce_max3A_82 : vector<64xf32> to vector<1x64xf32>
    %slice3A_84 = vector.extract_strided_slice %max3A_66 {offsets = [160, 0], sizes = [32, 64], strides = [1, 1]} : vector<512x64xf32> to vector<32x64xf32>
    %reduce_max3A_85 = arith.constant dense<0xFF800000> : vector<64xf32>
    %reduce_max3A_86 = vector.multi_reduction <maximumf>, %slice3A_84, %reduce_max3A_85 [0] : vector<32x64xf32> to vector<64xf32>
    %broadcast_in_dim3A_87 = vector.shape_cast %reduce_max3A_86 : vector<64xf32> to vector<1x64xf32>
    %slice3A_88 = vector.extract_strided_slice %max3A_66 {offsets = [192, 0], sizes = [32, 64], strides = [1, 1]} : vector<512x64xf32> to vector<32x64xf32>
    %reduce_max3A_89 = arith.constant dense<0xFF800000> : vector<64xf32>
    %reduce_max3A_90 = vector.multi_reduction <maximumf>, %slice3A_88, %reduce_max3A_89 [0] : vector<32x64xf32> to vector<64xf32>
    %broadcast_in_dim3A_91 = vector.shape_cast %reduce_max3A_90 : vector<64xf32> to vector<1x64xf32>
    %slice3A_92 = vector.extract_strided_slice %max3A_66 {offsets = [224, 0], sizes = [32, 64], strides = [1, 1]} : vector<512x64xf32> to vector<32x64xf32>
    %reduce_max3A_93 = arith.constant dense<0xFF800000> : vector<64xf32>
    %reduce_max3A_94 = vector.multi_reduction <maximumf>, %slice3A_92, %reduce_max3A_93 [0] : vector<32x64xf32> to vector<64xf32>
    %broadcast_in_dim3A_95 = vector.shape_cast %reduce_max3A_94 : vector<64xf32> to vector<1x64xf32>
    %slice3A_96 = vector.extract_strided_slice %max3A_66 {offsets = [256, 0], sizes = [32, 64], strides = [1, 1]} : vector<512x64xf32> to vector<32x64xf32>
    %reduce_max3A_97 = arith.constant dense<0xFF800000> : vector<64xf32>
    %reduce_max3A_98 = vector.multi_reduction <maximumf>, %slice3A_96, %reduce_max3A_97 [0] : vector<32x64xf32> to vector<64xf32>
    %broadcast_in_dim3A_99 = vector.shape_cast %reduce_max3A_98 : vector<64xf32> to vector<1x64xf32>
    %slice3A_100 = vector.extract_strided_slice %max3A_66 {offsets = [288, 0], sizes = [32, 64], strides = [1, 1]} : vector<512x64xf32> to vector<32x64xf32>
    %reduce_max3A_101 = arith.constant dense<0xFF800000> : vector<64xf32>
    %reduce_max3A_102 = vector.multi_reduction <maximumf>, %slice3A_100, %reduce_max3A_101 [0] : vector<32x64xf32> to vector<64xf32>
    %broadcast_in_dim3A_103 = vector.shape_cast %reduce_max3A_102 : vector<64xf32> to vector<1x64xf32>
    %slice3A_104 = vector.extract_strided_slice %max3A_66 {offsets = [320, 0], sizes = [32, 64], strides = [1, 1]} : vector<512x64xf32> to vector<32x64xf32>
    %reduce_max3A_105 = arith.constant dense<0xFF800000> : vector<64xf32>
    %reduce_max3A_106 = vector.multi_reduction <maximumf>, %slice3A_104, %reduce_max3A_105 [0] : vector<32x64xf32> to vector<64xf32>
    %broadcast_in_dim3A_107 = vector.shape_cast %reduce_max3A_106 : vector<64xf32> to vector<1x64xf32>
    %slice3A_108 = vector.extract_strided_slice %max3A_66 {offsets = [352, 0], sizes = [32, 64], strides = [1, 1]} : vector<512x64xf32> to vector<32x64xf32>
    %reduce_max3A_109 = arith.constant dense<0xFF800000> : vector<64xf32>
    %reduce_max3A_110 = vector.multi_reduction <maximumf>, %slice3A_108, %reduce_max3A_109 [0] : vector<32x64xf32> to vector<64xf32>
    %broadcast_in_dim3A_111 = vector.shape_cast %reduce_max3A_110 : vector<64xf32> to vector<1x64xf32>
    %slice3A_112 = vector.extract_strided_slice %max3A_66 {offsets = [384, 0], sizes = [32, 64], strides = [1, 1]} : vector<512x64xf32> to vector<32x64xf32>
    %reduce_max3A_113 = arith.constant dense<0xFF800000> : vector<64xf32>
    %reduce_max3A_114 = vector.multi_reduction <maximumf>, %slice3A_112, %reduce_max3A_113 [0] : vector<32x64xf32> to vector<64xf32>
    %broadcast_in_dim3A_115 = vector.shape_cast %reduce_max3A_114 : vector<64xf32> to vector<1x64xf32>
    %slice3A_116 = vector.extract_strided_slice %max3A_66 {offsets = [416, 0], sizes = [32, 64], strides = [1, 1]} : vector<512x64xf32> to vector<32x64xf32>
    %reduce_max3A_117 = arith.constant dense<0xFF800000> : vector<64xf32>
    %reduce_max3A_118 = vector.multi_reduction <maximumf>, %slice3A_116, %reduce_max3A_117 [0] : vector<32x64xf32> to vector<64xf32>
    %broadcast_in_dim3A_119 = vector.shape_cast %reduce_max3A_118 : vector<64xf32> to vector<1x64xf32>
    %slice3A_120 = vector.extract_strided_slice %max3A_66 {offsets = [448, 0], sizes = [32, 64], strides = [1, 1]} : vector<512x64xf32> to vector<32x64xf32>
    %reduce_max3A_121 = arith.constant dense<0xFF800000> : vector<64xf32>
    %reduce_max3A_122 = vector.multi_reduction <maximumf>, %slice3A_120, %reduce_max3A_121 [0] : vector<32x64xf32> to vector<64xf32>
    %broadcast_in_dim3A_123 = vector.shape_cast %reduce_max3A_122 : vector<64xf32> to vector<1x64xf32>
    %slice3A_124 = vector.extract_strided_slice %max3A_66 {offsets = [480, 0], sizes = [32, 64], strides = [1, 1]} : vector<512x64xf32> to vector<32x64xf32>
    %reduce_max3A_125 = arith.constant dense<0xFF800000> : vector<64xf32>
    %reduce_max3A_126 = vector.multi_reduction <maximumf>, %slice3A_124, %reduce_max3A_125 [0] : vector<32x64xf32> to vector<64xf32>
    %broadcast_in_dim3A_127 = vector.shape_cast %reduce_max3A_126 : vector<64xf32> to vector<1x64xf32>
    %concatenate3A = tpu.concatenate %broadcast_in_dim3A, %broadcast_in_dim3A_71, %broadcast_in_dim3A_75, %broadcast_in_dim3A_79, %broadcast_in_dim3A_83, %broadcast_in_dim3A_87, %broadcast_in_dim3A_91, %broadcast_in_dim3A_95, %broadcast_in_dim3A_99, %broadcast_in_dim3A_103, %broadcast_in_dim3A_107, %broadcast_in_dim3A_111, %broadcast_in_dim3A_115, %broadcast_in_dim3A_119, %broadcast_in_dim3A_123, %broadcast_in_dim3A_127 in 0 : vector<1x64xf32>, vector<1x64xf32>, vector<1x64xf32>, vector<1x64xf32>, vector<1x64xf32>, vector<1x64xf32>, vector<1x64xf32>, vector<1x64xf32>, vector<1x64xf32>, vector<1x64xf32>, vector<1x64xf32>, vector<1x64xf32>, vector<1x64xf32>, vector<1x64xf32>, vector<1x64xf32>, vector<1x64xf32> -> vector<16x64xf32>
    %swap3A = arith.constant 0 : index
    %swap3A_128 = arith.constant 0 : index
    %swap3A_129 = vector.load %arg14[%swap3A, %swap3A_128] : memref<16x64xf32, #tpu.memory_space<vmem>>, vector<16x64xf32>
    tpu.vector_store %arg14[%swap3A, %swap3A_128], %concatenate3A {strides = array<i32>} : memref<16x64xf32, #tpu.memory_space<vmem>>, vector<16x64xf32>,
    return
  }
  func.func @transform_0(%arg0: i32) -> (i32, i32) {
    %c0_i32 = arith.constant 0 : i32
    %c0_i32_0 = arith.constant 0 : i32
    return %arg0, %c0_i32 : i32, i32
  }
  func.func @transform_1(%arg0: i32) -> (i32, i32) {
    %c0_i32 = arith.constant 0 : i32
    %c0_i32_0 = arith.constant 0 : i32
    %c0_i32_1 = arith.constant 0 : i32
    return %c0_i32, %c0_i32_0 : i32, i32
  }
  func.func @transform_2(%arg0: i32) -> (i32, i32) {
    %c0_i32 = arith.constant 0 : i32
    %c0_i32_0 = arith.constant 0 : i32
    %c0_i32_1 = arith.constant 0 : i32
    return %c0_i32, %c0_i32_0 : i32, i32
  }
  func.func @transform_3(%arg0: i32) -> (i32, i32) {
    %c0_i32 = arith.constant 0 : i32
    %c0_i32_0 = arith.constant 0 : i32
    %c0_i32_1 = arith.constant 0 : i32
    return %c0_i32, %c0_i32_0 : i32, i32
  }
  func.func @transform_4(%arg0: i32) -> (i32, i32) {
    %c0_i32 = arith.constant 0 : i32
    %c0_i32_0 = arith.constant 0 : i32
    %c0_i32_1 = arith.constant 0 : i32
    return %c0_i32, %c0_i32_0 : i32, i32
  }
  func.func @transform_5(%arg0: i32) -> (i32, i32) {
    %c0_i32 = arith.constant 0 : i32
    %c0_i32_0 = arith.constant 0 : i32
    %c0_i32_1 = arith.constant 0 : i32
    return %c0_i32, %c0_i32_0 : i32, i32
  }
  func.func @transform_6(%arg0: i32) -> (i32, i32) {
    %c0_i32 = arith.constant 0 : i32
    %c0_i32_0 = arith.constant 0 : i32
    %c0_i32_1 = arith.constant 0 : i32
    return %c0_i32, %c0_i32_0 : i32, i32
  }
  func.func @transform_7(%arg0: i32) -> (i32, i32) {
    %c0_i32 = arith.constant 0 : i32
    %c0_i32_0 = arith.constant 0 : i32
    %c0_i32_1 = arith.constant 0 : i32
    return %c0_i32, %c0_i32_0 : i32, i32
  }
  func.func @transform_8(%arg0: i32) -> (i32, i32) {
    %c0_i32 = arith.constant 0 : i32
    %c0_i32_0 = arith.constant 0 : i32
    %c0_i32_1 = arith.constant 0 : i32
    return %c0_i32, %c0_i32_0 : i32, i32
  }
  func.func @transform_9(%arg0: i32) -> (i32, i32) {
    %c0_i32 = arith.constant 0 : i32
    %c0_i32_0 = arith.constant 0 : i32
    %c0_i32_1 = arith.constant 0 : i32
    return %c0_i32, %c0_i32_0 : i32, i32
  }
  func.func @transform_10(%arg0: i32) -> (i32, i32) {
    %c0_i32 = arith.constant 0 : i32
    %c0_i32_0 = arith.constant 0 : i32
    %c0_i32_1 = arith.constant 0 : i32
    return %c0_i32, %c0_i32_0 : i32, i32
  }
  func.func @transform_11(%arg0: i32) -> (i32, i32) {
    %c0_i32 = arith.constant 0 : i32
    %c0_i32_0 = arith.constant 0 : i32
    %c0_i32_1 = arith.constant 0 : i32
    return %c0_i32, %c0_i32_0 : i32, i32
  }
  func.func @transform_12(%arg0: i32) -> (i32, i32) {
    %c0_i32 = arith.constant 0 : i32
    %c0_i32_0 = arith.constant 0 : i32
    %c0_i32_1 = arith.constant 0 : i32
    return %c0_i32, %c0_i32_0 : i32, i32
  }
  func.func @transform_13(%arg0: i32) -> (i32, i32) {
    %c0_i32 = arith.constant 0 : i32
    %c0_i32_0 = arith.constant 0 : i32
    return %arg0, %c0_i32 : i32, i32
  }
}

module attributes {stable_mosaic.version = 14 : i64} {
  func.func @_mlp_body(%arg0: i32, %arg1: memref<2048x6xf32, #tpu.memory_space<vmem>>, %arg2: memref<6x64xf32, #tpu.memory_space<vmem>>, %arg3: memref<1x64xf32, #tpu.memory_space<vmem>>, %arg4: memref<1x64xf32, #tpu.memory_space<vmem>>, %arg5: memref<1x64xf32, #tpu.memory_space<vmem>>, %arg6: memref<64x96xf32, #tpu.memory_space<vmem>>, %arg7: memref<1x96xf32, #tpu.memory_space<vmem>>, %arg8: memref<1x96xf32, #tpu.memory_space<vmem>>, %arg9: memref<1x96xf32, #tpu.memory_space<vmem>>, %arg10: memref<96x128xf32, #tpu.memory_space<vmem>>, %arg11: memref<1x128xf32, #tpu.memory_space<vmem>>, %arg12: memref<1x128xf32, #tpu.memory_space<vmem>>, %arg13: memref<1x128xf32, #tpu.memory_space<vmem>>, %arg14: memref<16x128xf32, #tpu.memory_space<vmem>>) attributes {dimension_semantics = [#tpu.dimension_semantics<arbitrary>], iteration_bounds = array<i64: 128>, scalar_prefetch = 0 : i64, scratch_operands = 0 : i64, tpu.core_type = #tpu.core_type<tc>, window_params = [{transform_indices = @transform_0, window_bounds = array<i64: 2048, 6>}, {pipeline_mode = #tpu.pipeline_mode<synchronous>, transform_indices = @transform_1, window_bounds = array<i64: 6, 64>}, {pipeline_mode = #tpu.pipeline_mode<synchronous>, transform_indices = @transform_2, window_bounds = array<i64: 1, 64>}, {pipeline_mode = #tpu.pipeline_mode<synchronous>, transform_indices = @transform_3, window_bounds = array<i64: 1, 64>}, {pipeline_mode = #tpu.pipeline_mode<synchronous>, transform_indices = @transform_4, window_bounds = array<i64: 1, 64>}, {pipeline_mode = #tpu.pipeline_mode<synchronous>, transform_indices = @transform_5, window_bounds = array<i64: 64, 96>}, {pipeline_mode = #tpu.pipeline_mode<synchronous>, transform_indices = @transform_6, window_bounds = array<i64: 1, 96>}, {pipeline_mode = #tpu.pipeline_mode<synchronous>, transform_indices = @transform_7, window_bounds = array<i64: 1, 96>}, {pipeline_mode = #tpu.pipeline_mode<synchronous>, transform_indices = @transform_8, window_bounds = array<i64: 1, 96>}, {pipeline_mode = #tpu.pipeline_mode<synchronous>, transform_indices = @transform_9, window_bounds = array<i64: 96, 128>}, {pipeline_mode = #tpu.pipeline_mode<synchronous>, transform_indices = @transform_10, window_bounds = array<i64: 1, 128>}, {pipeline_mode = #tpu.pipeline_mode<synchronous>, transform_indices = @transform_11, window_bounds = array<i64: 1, 128>}, {pipeline_mode = #tpu.pipeline_mode<synchronous>, transform_indices = @transform_12, window_bounds = array<i64: 1, 128>}, {transform_indices = @transform_13, window_bounds = array<i64: 16, 128>}]} {
    %get3A = arith.constant 0 : index
    %get3A_0 = arith.constant 0 : index
    %get3A_1 = vector.load %arg1[%get3A, %get3A_0] : memref<2048x6xf32, #tpu.memory_space<vmem>>, vector<2048x6xf32>
    %get3A_2 = arith.constant 0 : index
    %get3A_3 = arith.constant 0 : index
    %get3A_4 = vector.load %arg2[%get3A_2, %get3A_3] : memref<6x64xf32, #tpu.memory_space<vmem>>, vector<6x64xf32>
    %get3A_5 = arith.constant 0 : index
    %get3A_6 = arith.constant 0 : index
    %get3A_7 = vector.load %arg3[%get3A_5, %get3A_6] : memref<1x64xf32, #tpu.memory_space<vmem>>, vector<1x64xf32>
    %get3A_8 = arith.constant 0 : index
    %get3A_9 = arith.constant 0 : index
    %get3A_10 = vector.load %arg4[%get3A_8, %get3A_9] : memref<1x64xf32, #tpu.memory_space<vmem>>, vector<1x64xf32>
    %get3A_11 = arith.constant 0 : index
    %get3A_12 = arith.constant 0 : index
    %get3A_13 = vector.load %arg5[%get3A_11, %get3A_12] : memref<1x64xf32, #tpu.memory_space<vmem>>, vector<1x64xf32>
    %dot_general3A = arith.constant dense<0.000000e+00> : vector<2048x64xf32>
    %dot_general3A_14 = tpu.matmul %get3A_1, %get3A_4, %dot_general3A {dimension_numbers = #tpu.dot_dimension_numbers<[1], [0], [0], [1], [0, 0, 1, 1], [], []>, transpose_lhs_hint = false} : vector<2048x6xf32>, vector<6x64xf32>, vector<2048x64xf32> -> vector<2048x64xf32>
    %add3A = vector.broadcast %get3A_7 : vector<1x64xf32> to vector<2048x64xf32>
    %add3A_15 = arith.addf %dot_general3A_14, %add3A : vector<2048x64xf32>
    %mul3A = vector.broadcast %get3A_10 : vector<1x64xf32> to vector<2048x64xf32>
    %mul3A_16 = arith.mulf %add3A_15, %mul3A : vector<2048x64xf32>
    %add3A_17 = vector.broadcast %get3A_13 : vector<1x64xf32> to vector<2048x64xf32>
    %add3A_18 = arith.addf %mul3A_16, %add3A_17 : vector<2048x64xf32>
    %max3A = arith.constant 0.000000e+00 : f32
    %max3A_19 = vector.broadcast %max3A : f32 to vector<2048x64xf32>
    %max3A_20 = arith.maximumf %add3A_18, %max3A_19 : vector<2048x64xf32>
    %get3A_21 = arith.constant 0 : index
    %get3A_22 = arith.constant 0 : index
    %get3A_23 = vector.load %arg6[%get3A_21, %get3A_22] : memref<64x96xf32, #tpu.memory_space<vmem>>, vector<64x96xf32>
    %get3A_24 = arith.constant 0 : index
    %get3A_25 = arith.constant 0 : index
    %get3A_26 = vector.load %arg7[%get3A_24, %get3A_25] : memref<1x96xf32, #tpu.memory_space<vmem>>, vector<1x96xf32>
    %get3A_27 = arith.constant 0 : index
    %get3A_28 = arith.constant 0 : index
    %get3A_29 = vector.load %arg8[%get3A_27, %get3A_28] : memref<1x96xf32, #tpu.memory_space<vmem>>, vector<1x96xf32>
    %get3A_30 = arith.constant 0 : index
    %get3A_31 = arith.constant 0 : index
    %get3A_32 = vector.load %arg9[%get3A_30, %get3A_31] : memref<1x96xf32, #tpu.memory_space<vmem>>, vector<1x96xf32>
    %dot_general3A_33 = arith.constant dense<0.000000e+00> : vector<2048x96xf32>
    %dot_general3A_34 = tpu.matmul %max3A_20, %get3A_23, %dot_general3A_33 {dimension_numbers = #tpu.dot_dimension_numbers<[1], [0], [0], [1], [0, 0, 1, 1], [], []>, transpose_lhs_hint = false} : vector<2048x64xf32>, vector<64x96xf32>, vector<2048x96xf32> -> vector<2048x96xf32>
    %add3A_35 = vector.broadcast %get3A_26 : vector<1x96xf32> to vector<2048x96xf32>
    %add3A_36 = arith.addf %dot_general3A_34, %add3A_35 : vector<2048x96xf32>
    %mul3A_37 = vector.broadcast %get3A_29 : vector<1x96xf32> to vector<2048x96xf32>
    %mul3A_38 = arith.mulf %add3A_36, %mul3A_37 : vector<2048x96xf32>
    %add3A_39 = vector.broadcast %get3A_32 : vector<1x96xf32> to vector<2048x96xf32>
    %add3A_40 = arith.addf %mul3A_38, %add3A_39 : vector<2048x96xf32>
    %max3A_41 = arith.constant 0.000000e+00 : f32
    %max3A_42 = vector.broadcast %max3A_41 : f32 to vector<2048x96xf32>
    %max3A_43 = arith.maximumf %add3A_40, %max3A_42 : vector<2048x96xf32>
    %get3A_44 = arith.constant 0 : index
    %get3A_45 = arith.constant 0 : index
    %get3A_46 = vector.load %arg10[%get3A_44, %get3A_45] : memref<96x128xf32, #tpu.memory_space<vmem>>, vector<96x128xf32>
    %get3A_47 = arith.constant 0 : index
    %get3A_48 = arith.constant 0 : index
    %get3A_49 = vector.load %arg11[%get3A_47, %get3A_48] : memref<1x128xf32, #tpu.memory_space<vmem>>, vector<1x128xf32>
    %get3A_50 = arith.constant 0 : index
    %get3A_51 = arith.constant 0 : index
    %get3A_52 = vector.load %arg12[%get3A_50, %get3A_51] : memref<1x128xf32, #tpu.memory_space<vmem>>, vector<1x128xf32>
    %get3A_53 = arith.constant 0 : index
    %get3A_54 = arith.constant 0 : index
    %get3A_55 = vector.load %arg13[%get3A_53, %get3A_54] : memref<1x128xf32, #tpu.memory_space<vmem>>, vector<1x128xf32>
    %dot_general3A_56 = arith.constant dense<0.000000e+00> : vector<2048x128xf32>
    %dot_general3A_57 = tpu.matmul %max3A_43, %get3A_46, %dot_general3A_56 {dimension_numbers = #tpu.dot_dimension_numbers<[1], [0], [0], [1], [0, 0, 1, 1], [], []>, transpose_lhs_hint = false} : vector<2048x96xf32>, vector<96x128xf32>, vector<2048x128xf32> -> vector<2048x128xf32>
    %add3A_58 = vector.broadcast %get3A_49 : vector<1x128xf32> to vector<2048x128xf32>
    %add3A_59 = arith.addf %dot_general3A_57, %add3A_58 : vector<2048x128xf32>
    %mul3A_60 = vector.broadcast %get3A_52 : vector<1x128xf32> to vector<2048x128xf32>
    %mul3A_61 = arith.mulf %add3A_59, %mul3A_60 : vector<2048x128xf32>
    %add3A_62 = vector.broadcast %get3A_55 : vector<1x128xf32> to vector<2048x128xf32>
    %add3A_63 = arith.addf %mul3A_61, %add3A_62 : vector<2048x128xf32>
    %max3A_64 = arith.constant 0.000000e+00 : f32
    %max3A_65 = vector.broadcast %max3A_64 : f32 to vector<2048x128xf32>
    %max3A_66 = arith.maximumf %add3A_63, %max3A_65 : vector<2048x128xf32>
    %slice3A = vector.extract_strided_slice %max3A_66 {offsets = [0, 0], sizes = [128, 128], strides = [1, 1]} : vector<2048x128xf32> to vector<128x128xf32>
    %reduce_max3A = arith.constant dense<0xFF800000> : vector<128xf32>
    %reduce_max3A_67 = vector.multi_reduction <maximumf>, %slice3A, %reduce_max3A [0] : vector<128x128xf32> to vector<128xf32>
    %broadcast_in_dim3A = vector.shape_cast %reduce_max3A_67 : vector<128xf32> to vector<1x128xf32>
    %slice3A_68 = vector.extract_strided_slice %max3A_66 {offsets = [128, 0], sizes = [128, 128], strides = [1, 1]} : vector<2048x128xf32> to vector<128x128xf32>
    %reduce_max3A_69 = arith.constant dense<0xFF800000> : vector<128xf32>
    %reduce_max3A_70 = vector.multi_reduction <maximumf>, %slice3A_68, %reduce_max3A_69 [0] : vector<128x128xf32> to vector<128xf32>
    %broadcast_in_dim3A_71 = vector.shape_cast %reduce_max3A_70 : vector<128xf32> to vector<1x128xf32>
    %slice3A_72 = vector.extract_strided_slice %max3A_66 {offsets = [256, 0], sizes = [128, 128], strides = [1, 1]} : vector<2048x128xf32> to vector<128x128xf32>
    %reduce_max3A_73 = arith.constant dense<0xFF800000> : vector<128xf32>
    %reduce_max3A_74 = vector.multi_reduction <maximumf>, %slice3A_72, %reduce_max3A_73 [0] : vector<128x128xf32> to vector<128xf32>
    %broadcast_in_dim3A_75 = vector.shape_cast %reduce_max3A_74 : vector<128xf32> to vector<1x128xf32>
    %slice3A_76 = vector.extract_strided_slice %max3A_66 {offsets = [384, 0], sizes = [128, 128], strides = [1, 1]} : vector<2048x128xf32> to vector<128x128xf32>
    %reduce_max3A_77 = arith.constant dense<0xFF800000> : vector<128xf32>
    %reduce_max3A_78 = vector.multi_reduction <maximumf>, %slice3A_76, %reduce_max3A_77 [0] : vector<128x128xf32> to vector<128xf32>
    %broadcast_in_dim3A_79 = vector.shape_cast %reduce_max3A_78 : vector<128xf32> to vector<1x128xf32>
    %slice3A_80 = vector.extract_strided_slice %max3A_66 {offsets = [512, 0], sizes = [128, 128], strides = [1, 1]} : vector<2048x128xf32> to vector<128x128xf32>
    %reduce_max3A_81 = arith.constant dense<0xFF800000> : vector<128xf32>
    %reduce_max3A_82 = vector.multi_reduction <maximumf>, %slice3A_80, %reduce_max3A_81 [0] : vector<128x128xf32> to vector<128xf32>
    %broadcast_in_dim3A_83 = vector.shape_cast %reduce_max3A_82 : vector<128xf32> to vector<1x128xf32>
    %slice3A_84 = vector.extract_strided_slice %max3A_66 {offsets = [640, 0], sizes = [128, 128], strides = [1, 1]} : vector<2048x128xf32> to vector<128x128xf32>
    %reduce_max3A_85 = arith.constant dense<0xFF800000> : vector<128xf32>
    %reduce_max3A_86 = vector.multi_reduction <maximumf>, %slice3A_84, %reduce_max3A_85 [0] : vector<128x128xf32> to vector<128xf32>
    %broadcast_in_dim3A_87 = vector.shape_cast %reduce_max3A_86 : vector<128xf32> to vector<1x128xf32>
    %slice3A_88 = vector.extract_strided_slice %max3A_66 {offsets = [768, 0], sizes = [128, 128], strides = [1, 1]} : vector<2048x128xf32> to vector<128x128xf32>
    %reduce_max3A_89 = arith.constant dense<0xFF800000> : vector<128xf32>
    %reduce_max3A_90 = vector.multi_reduction <maximumf>, %slice3A_88, %reduce_max3A_89 [0] : vector<128x128xf32> to vector<128xf32>
    %broadcast_in_dim3A_91 = vector.shape_cast %reduce_max3A_90 : vector<128xf32> to vector<1x128xf32>
    %slice3A_92 = vector.extract_strided_slice %max3A_66 {offsets = [896, 0], sizes = [128, 128], strides = [1, 1]} : vector<2048x128xf32> to vector<128x128xf32>
    %reduce_max3A_93 = arith.constant dense<0xFF800000> : vector<128xf32>
    %reduce_max3A_94 = vector.multi_reduction <maximumf>, %slice3A_92, %reduce_max3A_93 [0] : vector<128x128xf32> to vector<128xf32>
    %broadcast_in_dim3A_95 = vector.shape_cast %reduce_max3A_94 : vector<128xf32> to vector<1x128xf32>
    %slice3A_96 = vector.extract_strided_slice %max3A_66 {offsets = [1024, 0], sizes = [128, 128], strides = [1, 1]} : vector<2048x128xf32> to vector<128x128xf32>
    %reduce_max3A_97 = arith.constant dense<0xFF800000> : vector<128xf32>
    %reduce_max3A_98 = vector.multi_reduction <maximumf>, %slice3A_96, %reduce_max3A_97 [0] : vector<128x128xf32> to vector<128xf32>
    %broadcast_in_dim3A_99 = vector.shape_cast %reduce_max3A_98 : vector<128xf32> to vector<1x128xf32>
    %slice3A_100 = vector.extract_strided_slice %max3A_66 {offsets = [1152, 0], sizes = [128, 128], strides = [1, 1]} : vector<2048x128xf32> to vector<128x128xf32>
    %reduce_max3A_101 = arith.constant dense<0xFF800000> : vector<128xf32>
    %reduce_max3A_102 = vector.multi_reduction <maximumf>, %slice3A_100, %reduce_max3A_101 [0] : vector<128x128xf32> to vector<128xf32>
    %broadcast_in_dim3A_103 = vector.shape_cast %reduce_max3A_102 : vector<128xf32> to vector<1x128xf32>
    %slice3A_104 = vector.extract_strided_slice %max3A_66 {offsets = [1280, 0], sizes = [128, 128], strides = [1, 1]} : vector<2048x128xf32> to vector<128x128xf32>
    %reduce_max3A_105 = arith.constant dense<0xFF800000> : vector<128xf32>
    %reduce_max3A_106 = vector.multi_reduction <maximumf>, %slice3A_104, %reduce_max3A_105 [0] : vector<128x128xf32> to vector<128xf32>
    %broadcast_in_dim3A_107 = vector.shape_cast %reduce_max3A_106 : vector<128xf32> to vector<1x128xf32>
    %slice3A_108 = vector.extract_strided_slice %max3A_66 {offsets = [1408, 0], sizes = [128, 128], strides = [1, 1]} : vector<2048x128xf32> to vector<128x128xf32>
    %reduce_max3A_109 = arith.constant dense<0xFF800000> : vector<128xf32>
    %reduce_max3A_110 = vector.multi_reduction <maximumf>, %slice3A_108, %reduce_max3A_109 [0] : vector<128x128xf32> to vector<128xf32>
    %broadcast_in_dim3A_111 = vector.shape_cast %reduce_max3A_110 : vector<128xf32> to vector<1x128xf32>
    %slice3A_112 = vector.extract_strided_slice %max3A_66 {offsets = [1536, 0], sizes = [128, 128], strides = [1, 1]} : vector<2048x128xf32> to vector<128x128xf32>
    %reduce_max3A_113 = arith.constant dense<0xFF800000> : vector<128xf32>
    %reduce_max3A_114 = vector.multi_reduction <maximumf>, %slice3A_112, %reduce_max3A_113 [0] : vector<128x128xf32> to vector<128xf32>
    %broadcast_in_dim3A_115 = vector.shape_cast %reduce_max3A_114 : vector<128xf32> to vector<1x128xf32>
    %slice3A_116 = vector.extract_strided_slice %max3A_66 {offsets = [1664, 0], sizes = [128, 128], strides = [1, 1]} : vector<2048x128xf32> to vector<128x128xf32>
    %reduce_max3A_117 = arith.constant dense<0xFF800000> : vector<128xf32>
    %reduce_max3A_118 = vector.multi_reduction <maximumf>, %slice3A_116, %reduce_max3A_117 [0] : vector<128x128xf32> to vector<128xf32>
    %broadcast_in_dim3A_119 = vector.shape_cast %reduce_max3A_118 : vector<128xf32> to vector<1x128xf32>
    %slice3A_120 = vector.extract_strided_slice %max3A_66 {offsets = [1792, 0], sizes = [128, 128], strides = [1, 1]} : vector<2048x128xf32> to vector<128x128xf32>
    %reduce_max3A_121 = arith.constant dense<0xFF800000> : vector<128xf32>
    %reduce_max3A_122 = vector.multi_reduction <maximumf>, %slice3A_120, %reduce_max3A_121 [0] : vector<128x128xf32> to vector<128xf32>
    %broadcast_in_dim3A_123 = vector.shape_cast %reduce_max3A_122 : vector<128xf32> to vector<1x128xf32>
    %slice3A_124 = vector.extract_strided_slice %max3A_66 {offsets = [1920, 0], sizes = [128, 128], strides = [1, 1]} : vector<2048x128xf32> to vector<128x128xf32>
    %reduce_max3A_125 = arith.constant dense<0xFF800000> : vector<128xf32>
    %reduce_max3A_126 = vector.multi_reduction <maximumf>, %slice3A_124, %reduce_max3A_125 [0] : vector<128x128xf32> to vector<128xf32>
    %broadcast_in_dim3A_127 = vector.shape_cast %reduce_max3A_126 : vector<128xf32> to vector<1x128xf32>
    %concatenate3A = tpu.concatenate %broadcast_in_dim3A, %broadcast_in_dim3A_71, %broadcast_in_dim3A_75, %broadcast_in_dim3A_79, %broadcast_in_dim3A_83, %broadcast_in_dim3A_87, %broadcast_in_dim3A_91, %broadcast_in_dim3A_95, %broadcast_in_dim3A_99, %broadcast_in_dim3A_103, %broadcast_in_dim3A_107, %broadcast_in_dim3A_111, %broadcast_in_dim3A_115, %broadcast_in_dim3A_119, %broadcast_in_dim3A_123, %broadcast_in_dim3A_127 in 0 : vector<1x128xf32>, vector<1x128xf32>, vector<1x128xf32>, vector<1x128xf32>, vector<1x128xf32>, vector<1x128xf32>, vector<1x128xf32>, vector<1x128xf32>, vector<1x128xf32>, vector<1x128xf32>, vector<1x128xf32>, vector<1x128xf32>, vector<1x128xf32>, vector<1x128xf32>, vector<1x128xf32>, vector<1x128xf32> -> vector<16x128xf32>
    %swap3A = arith.constant 0 : index
    %swap3A_128 = arith.constant 0 : index
    %swap3A_129 = vector.load %arg14[%swap3A, %swap3A_128] : memref<16x128xf32, #tpu.memory_space<vmem>>, vector<16x128xf32>
    tpu.vector_store %arg14[%swap3A, %swap3A_128], %concatenate3A {strides = array<i32>} : memref<16x128xf32, #tpu.memory_space<vmem>>, vector<16x128xf32>,
    return
  }
  func.func @transform_0(%arg0: i32) -> (i32, i32) {
    %c0_i32 = arith.constant 0 : i32
    %c0_i32_0 = arith.constant 0 : i32
    return %arg0, %c0_i32 : i32, i32
  }
  func.func @transform_1(%arg0: i32) -> (i32, i32) {
    %c0_i32 = arith.constant 0 : i32
    %c0_i32_0 = arith.constant 0 : i32
    %c0_i32_1 = arith.constant 0 : i32
    return %c0_i32, %c0_i32_0 : i32, i32
  }
  func.func @transform_2(%arg0: i32) -> (i32, i32) {
    %c0_i32 = arith.constant 0 : i32
    %c0_i32_0 = arith.constant 0 : i32
    %c0_i32_1 = arith.constant 0 : i32
    return %c0_i32, %c0_i32_0 : i32, i32
  }
  func.func @transform_3(%arg0: i32) -> (i32, i32) {
    %c0_i32 = arith.constant 0 : i32
    %c0_i32_0 = arith.constant 0 : i32
    %c0_i32_1 = arith.constant 0 : i32
    return %c0_i32, %c0_i32_0 : i32, i32
  }
  func.func @transform_4(%arg0: i32) -> (i32, i32) {
    %c0_i32 = arith.constant 0 : i32
    %c0_i32_0 = arith.constant 0 : i32
    %c0_i32_1 = arith.constant 0 : i32
    return %c0_i32, %c0_i32_0 : i32, i32
  }
  func.func @transform_5(%arg0: i32) -> (i32, i32) {
    %c0_i32 = arith.constant 0 : i32
    %c0_i32_0 = arith.constant 0 : i32
    %c0_i32_1 = arith.constant 0 : i32
    return %c0_i32, %c0_i32_0 : i32, i32
  }
  func.func @transform_6(%arg0: i32) -> (i32, i32) {
    %c0_i32 = arith.constant 0 : i32
    %c0_i32_0 = arith.constant 0 : i32
    %c0_i32_1 = arith.constant 0 : i32
    return %c0_i32, %c0_i32_0 : i32, i32
  }
  func.func @transform_7(%arg0: i32) -> (i32, i32) {
    %c0_i32 = arith.constant 0 : i32
    %c0_i32_0 = arith.constant 0 : i32
    %c0_i32_1 = arith.constant 0 : i32
    return %c0_i32, %c0_i32_0 : i32, i32
  }
  func.func @transform_8(%arg0: i32) -> (i32, i32) {
    %c0_i32 = arith.constant 0 : i32
    %c0_i32_0 = arith.constant 0 : i32
    %c0_i32_1 = arith.constant 0 : i32
    return %c0_i32, %c0_i32_0 : i32, i32
  }
  func.func @transform_9(%arg0: i32) -> (i32, i32) {
    %c0_i32 = arith.constant 0 : i32
    %c0_i32_0 = arith.constant 0 : i32
    %c0_i32_1 = arith.constant 0 : i32
    return %c0_i32, %c0_i32_0 : i32, i32
  }
  func.func @transform_10(%arg0: i32) -> (i32, i32) {
    %c0_i32 = arith.constant 0 : i32
    %c0_i32_0 = arith.constant 0 : i32
    %c0_i32_1 = arith.constant 0 : i32
    return %c0_i32, %c0_i32_0 : i32, i32
  }
  func.func @transform_11(%arg0: i32) -> (i32, i32) {
    %c0_i32 = arith.constant 0 : i32
    %c0_i32_0 = arith.constant 0 : i32
    %c0_i32_1 = arith.constant 0 : i32
    return %c0_i32, %c0_i32_0 : i32, i32
  }
  func.func @transform_12(%arg0: i32) -> (i32, i32) {
    %c0_i32 = arith.constant 0 : i32
    %c0_i32_0 = arith.constant 0 : i32
    %c0_i32_1 = arith.constant 0 : i32
    return %c0_i32, %c0_i32_0 : i32, i32
  }
  func.func @transform_13(%arg0: i32) -> (i32, i32) {
    %c0_i32 = arith.constant 0 : i32
    %c0_i32_0 = arith.constant 0 : i32
    return %arg0, %c0_i32 : i32, i32
  }
}

module attributes {stable_mosaic.version = 14 : i64} {
  func.func @_fps_body(%arg0: memref<3x4x128xf32, #tpu.memory_space<vmem>>, %arg1: memref<128xi32, #tpu.memory_space<smem>>, %arg2: memref<4x128xf32, #tpu.memory_space<vmem>>) attributes {dimension_semantics = [], scalar_prefetch = 0 : i64, scratch_operands = 1 : i64, tpu.core_type = #tpu.core_type<tc>} {
    %get3A = arith.constant 0 : index
    %get3A_0 = arith.constant 0 : index
    %get3A_1 = arith.constant 0 : index
    %get3A_2 = vector.load %arg0[%get3A, %get3A_0, %get3A_1] : memref<3x4x128xf32, #tpu.memory_space<vmem>>, vector<1x4x128xf32>
    %get3A_3 = vector.shape_cast %get3A_2 : vector<1x4x128xf32> to vector<4x128xf32>
    %get3A_4 = arith.constant 1 : index
    %get3A_5 = arith.constant 0 : index
    %get3A_6 = arith.constant 0 : index
    %get3A_7 = vector.load %arg0[%get3A_4, %get3A_5, %get3A_6] : memref<3x4x128xf32, #tpu.memory_space<vmem>>, vector<1x4x128xf32>
    %get3A_8 = vector.shape_cast %get3A_7 : vector<1x4x128xf32> to vector<4x128xf32>
    %get3A_9 = arith.constant 2 : index
    %get3A_10 = arith.constant 0 : index
    %get3A_11 = arith.constant 0 : index
    %get3A_12 = vector.load %arg0[%get3A_9, %get3A_10, %get3A_11] : memref<3x4x128xf32, #tpu.memory_space<vmem>>, vector<1x4x128xf32>
    %get3A_13 = vector.shape_cast %get3A_12 : vector<1x4x128xf32> to vector<4x128xf32>
    %iota3A = tpu.iota {dimensions = array<i32: 0>} : vector<4x128xi32>
    %mul3A = arith.constant 128 : i32
    %mul3A_14 = vector.broadcast %mul3A : i32 to vector<4x128xi32>
    %mul3A_15 = arith.muli %iota3A, %mul3A_14 : vector<4x128xi32>
    %iota3A_16 = tpu.iota {dimensions = array<i32: 1>} : vector<4x128xi32>
    %add3A = arith.addi %mul3A_15, %iota3A_16 : vector<4x128xi32>
    %broadcast_in_dim3A = arith.constant 1.000000e+10 : f32
    %broadcast_in_dim3A_17 = vector.broadcast %broadcast_in_dim3A : f32 to vector<4x128xf32>
    %swap3A = arith.constant 0 : index
    %swap3A_18 = arith.constant 0 : index
    %swap3A_19 = vector.load %arg2[%swap3A, %swap3A_18] : memref<4x128xf32, #tpu.memory_space<vmem>>, vector<4x128xf32>
    tpu.vector_store %arg2[%swap3A, %swap3A_18], %broadcast_in_dim3A_17 {strides = array<i32>} : memref<4x128xf32, #tpu.memory_space<vmem>>, vector<4x128xf32>,
    %scan3A = arith.constant 0 : i32
    %scan3A_20 = arith.constant 0 : i32
    %scan3A_21 = arith.constant 128 : i32
    %scan3A_22 = arith.addi %scan3A_20, %scan3A_21 : i32
    %scan3A_23 = arith.constant 1 : i32
    %scan3A_24 = scf.for %scan3A_26 = %scan3A_20 to %scan3A_22 step %scan3A_23 iter_args(%scan3A_27 = %scan3A) -> (i32)  : i32 {
      %swap3A_28 = arith.index_cast %scan3A_26 : i32 to index
      %swap3A_29 = memref.load %arg1[%swap3A_28] : memref<128xi32, #tpu.memory_space<smem>>
      memref.store %scan3A_27, %arg1[%swap3A_28] : memref<128xi32, #tpu.memory_space<smem>>
      %eq3A = vector.broadcast %scan3A_27 : i32 to vector<4x128xi32>
      %eq3A_30 = arith.cmpi eq, %add3A, %eq3A : vector<4x128xi32>
      %jit3A = arith.constant 0.000000e+00 : f32
      %broadcast_in_dim3A_31 = vector.broadcast %jit3A : f32 to vector<4x128xf32>
      %select_n3A = arith.select %eq3A_30, %get3A_3, %broadcast_in_dim3A_31 : vector<4x128xi1>, vector<4x128xf32>
      %reduce_sum3A = vector.shape_cast %select_n3A : vector<4x128xf32> to vector<1x4x128xf32>
      %reduce_sum3A_32 = arith.constant dense<0.000000e+00> : vector<1xf32>
      %reduce_sum3A_33 = vector.multi_reduction <add>, %reduce_sum3A, %reduce_sum3A_32 [1, 2] : vector<1x4x128xf32> to vector<1xf32>
      %reduce_sum3A_34 = vector.shape_cast %reduce_sum3A_33 : vector<1xf32> to vector<1x1x1xf32>
      %reduce_sum3A_35 = vector.extract %reduce_sum3A_34[0, 0, 0] : f32 from vector<1x1x1xf32>
      %jit3A_36 = arith.constant 0.000000e+00 : f32
      %broadcast_in_dim3A_37 = vector.broadcast %jit3A_36 : f32 to vector<4x128xf32>
      %select_n3A_38 = arith.select %eq3A_30, %get3A_8, %broadcast_in_dim3A_37 : vector<4x128xi1>, vector<4x128xf32>
      %reduce_sum3A_39 = vector.shape_cast %select_n3A_38 : vector<4x128xf32> to vector<1x4x128xf32>
      %reduce_sum3A_40 = arith.constant dense<0.000000e+00> : vector<1xf32>
      %reduce_sum3A_41 = vector.multi_reduction <add>, %reduce_sum3A_39, %reduce_sum3A_40 [1, 2] : vector<1x4x128xf32> to vector<1xf32>
      %reduce_sum3A_42 = vector.shape_cast %reduce_sum3A_41 : vector<1xf32> to vector<1x1x1xf32>
      %reduce_sum3A_43 = vector.extract %reduce_sum3A_42[0, 0, 0] : f32 from vector<1x1x1xf32>
      %jit3A_44 = arith.constant 0.000000e+00 : f32
      %broadcast_in_dim3A_45 = vector.broadcast %jit3A_44 : f32 to vector<4x128xf32>
      %select_n3A_46 = arith.select %eq3A_30, %get3A_13, %broadcast_in_dim3A_45 : vector<4x128xi1>, vector<4x128xf32>
      %reduce_sum3A_47 = vector.shape_cast %select_n3A_46 : vector<4x128xf32> to vector<1x4x128xf32>
      %reduce_sum3A_48 = arith.constant dense<0.000000e+00> : vector<1xf32>
      %reduce_sum3A_49 = vector.multi_reduction <add>, %reduce_sum3A_47, %reduce_sum3A_48 [1, 2] : vector<1x4x128xf32> to vector<1xf32>
      %reduce_sum3A_50 = vector.shape_cast %reduce_sum3A_49 : vector<1xf32> to vector<1x1x1xf32>
      %reduce_sum3A_51 = vector.extract %reduce_sum3A_50[0, 0, 0] : f32 from vector<1x1x1xf32>
      %sub3A = vector.broadcast %reduce_sum3A_35 : f32 to vector<4x128xf32>
      %sub3A_52 = arith.subf %get3A_3, %sub3A : vector<4x128xf32>
      %sub3A_53 = vector.broadcast %reduce_sum3A_43 : f32 to vector<4x128xf32>
      %sub3A_54 = arith.subf %get3A_8, %sub3A_53 : vector<4x128xf32>
      %sub3A_55 = vector.broadcast %reduce_sum3A_51 : f32 to vector<4x128xf32>
      %sub3A_56 = arith.subf %get3A_13, %sub3A_55 : vector<4x128xf32>
      %mul3A_57 = arith.mulf %sub3A_52, %sub3A_52 : vector<4x128xf32>
      %mul3A_58 = arith.mulf %sub3A_56, %sub3A_56 : vector<4x128xf32>
      %add3A_59 = arith.addf %mul3A_57, %mul3A_58 : vector<4x128xf32>
      %mul3A_60 = arith.mulf %sub3A_54, %sub3A_54 : vector<4x128xf32>
      %add3A_61 = arith.addf %add3A_59, %mul3A_60 : vector<4x128xf32>
      %get3A_62 = arith.constant 0 : index
      %get3A_63 = arith.constant 0 : index
      %get3A_64 = vector.load %arg2[%get3A_62, %get3A_63] : memref<4x128xf32, #tpu.memory_space<vmem>>, vector<4x128xf32>
      %min3A = arith.minimumf %get3A_64, %add3A_61 : vector<4x128xf32>
      %swap3A_65 = arith.constant 0 : index
      %swap3A_66 = arith.constant 0 : index
      %swap3A_67 = vector.load %arg2[%swap3A_65, %swap3A_66] : memref<4x128xf32, #tpu.memory_space<vmem>>, vector<4x128xf32>
      tpu.vector_store %arg2[%swap3A_65, %swap3A_66], %min3A {strides = array<i32>} : memref<4x128xf32, #tpu.memory_space<vmem>>, vector<4x128xf32>,
      %reduce_max3A = vector.shape_cast %min3A : vector<4x128xf32> to vector<1x4x128xf32>
      %reduce_max3A_68 = arith.constant dense<0xFF800000> : vector<1xf32>
      %reduce_max3A_69 = vector.multi_reduction <maximumf>, %reduce_max3A, %reduce_max3A_68 [1, 2] : vector<1x4x128xf32> to vector<1xf32>
      %reduce_max3A_70 = vector.shape_cast %reduce_max3A_69 : vector<1xf32> to vector<1x1x1xf32>
      %reduce_max3A_71 = vector.extract %reduce_max3A_70[0, 0, 0] : f32 from vector<1x1x1xf32>
      %eq3A_72 = vector.broadcast %reduce_max3A_71 : f32 to vector<4x128xf32>
      %eq3A_73 = arith.cmpf oeq, %min3A, %eq3A_72 : vector<4x128xf32>
      %jit3A_74 = arith.constant 512 : i32
      %broadcast_in_dim3A_75 = vector.broadcast %jit3A_74 : i32 to vector<4x128xi32>
      %select_n3A_76 = arith.select %eq3A_73, %add3A, %broadcast_in_dim3A_75 : vector<4x128xi1>, vector<4x128xi32>
      %reduce_min3A = vector.shape_cast %select_n3A_76 : vector<4x128xi32> to vector<1x4x128xi32>
      %reduce_min3A_77 = arith.constant dense<2147483647> : vector<1xi32>
      %reduce_min3A_78 = vector.multi_reduction <minsi>, %reduce_min3A, %reduce_min3A_77 [1, 2] : vector<1x4x128xi32> to vector<1xi32>
      %reduce_min3A_79 = vector.shape_cast %reduce_min3A_78 : vector<1xi32> to vector<1x1x1xi32>
      %reduce_min3A_80 = vector.extract %reduce_min3A_79[0, 0, 0] : i32 from vector<1x1x1xi32>
      scf.yield %reduce_min3A_80 : i32
    }
    %scan3A_25 = arith.constant 128 : i32
    return
  }
}

module attributes {stable_mosaic.version = 14 : i64} {
  func.func @_bq_body(%arg0: i32, %arg1: memref<8x512xi32, #tpu.memory_space<vmem>>, %arg2: memref<8x512xi32, #tpu.memory_space<vmem>>, %arg3: memref<8x512xi32, #tpu.memory_space<vmem>>, %arg4: memref<512x512xf32, #tpu.memory_space<vmem>>, %arg5: memref<8x64xi32, #tpu.memory_space<vmem>>, %arg6: memref<8x64xi32, #tpu.memory_space<vmem>>, %arg7: memref<8x128xi32, #tpu.memory_space<vmem>>, %arg8: memref<8x512xf32, #tpu.memory_space<vmem>>) attributes {dimension_semantics = [#tpu.dimension_semantics<arbitrary>], iteration_bounds = array<i64: 16>, scalar_prefetch = 0 : i64, scratch_operands = 1 : i64, tpu.core_type = #tpu.core_type<tc>, window_params = [{transform_indices = @transform_0, window_bounds = array<i64: 8, 512>}, {transform_indices = @transform_1, window_bounds = array<i64: 8, 512>}, {transform_indices = @transform_2, window_bounds = array<i64: 8, 512>}, {pipeline_mode = #tpu.pipeline_mode<synchronous>, transform_indices = @transform_3, window_bounds = array<i64: 512, 512>}, {transform_indices = @transform_4, window_bounds = array<i64: 8, 64>}, {transform_indices = @transform_5, window_bounds = array<i64: 8, 64>}, {transform_indices = @transform_6, window_bounds = array<i64: 8, 128>}]} {
    %get3A = arith.constant 0 : index
    %get3A_0 = arith.constant 0 : index
    %get3A_1 = vector.load %arg1[%get3A, %get3A_0] : memref<8x512xi32, #tpu.memory_space<vmem>>, vector<8x512xi32>
    %lt3A = arith.constant 512 : i32
    %lt3A_2 = vector.broadcast %lt3A : i32 to vector<8x512xi32>
    %lt3A_3 = arith.cmpi slt, %get3A_1, %lt3A_2 : vector<8x512xi32>
    %jit3A = arith.constant 1.000000e+00 : f32
    %jit3A_4 = arith.constant 0.000000e+00 : f32
    %broadcast_in_dim3A = vector.broadcast %jit3A : f32 to vector<8x512xf32>
    %broadcast_in_dim3A_5 = vector.broadcast %jit3A_4 : f32 to vector<8x512xf32>
    %select_n3A = arith.select %lt3A_3, %broadcast_in_dim3A, %broadcast_in_dim3A_5 : vector<8x512xi1>, vector<8x512xf32>
    %broadcast_in_dim3A_6 = arith.constant 0.000000e+00 : f32
    %broadcast_in_dim3A_7 = vector.broadcast %broadcast_in_dim3A_6 : f32 to vector<8x1xf32>
    %get3A_8 = arith.constant 0 : index
    %get3A_9 = arith.constant 0 : index
    %get3A_10 = vector.load %arg4[%get3A_8, %get3A_9] : memref<512x512xf32, #tpu.memory_space<vmem>>, vector<512x512xf32>
    %dot_general3A = arith.constant dense<0.000000e+00> : vector<8x512xf32>
    %dot_general3A_11 = tpu.matmul %select_n3A, %get3A_10, %dot_general3A {dimension_numbers = #tpu.dot_dimension_numbers<[1], [0], [0], [1], [0, 0, 1, 1], [], []>, transpose_lhs_hint = false} : vector<8x512xf32>, vector<512x512xf32>, vector<8x512xf32> -> vector<8x512xf32>
    %add3A = vector.broadcast %broadcast_in_dim3A_7 : vector<8x1xf32> to vector<8x512xf32>
    %add3A_12 = arith.addf %dot_general3A_11, %add3A : vector<8x512xf32>
    %slice3A = vector.extract_strided_slice %add3A_12 {offsets = [0, 511], sizes = [8, 1], strides = [1, 1]} : vector<8x512xf32> to vector<8x1xf32>
    %swap3A = arith.constant 0 : index
    %swap3A_13 = arith.constant 0 : index
    %swap3A_14 = vector.load %arg8[%swap3A, %swap3A_13] : memref<8x512xf32, #tpu.memory_space<vmem>>, vector<8x512xf32>
    tpu.vector_store %arg8[%swap3A, %swap3A_13], %add3A_12 {strides = array<i32>} : memref<8x512xf32, #tpu.memory_space<vmem>>, vector<8x512xf32>,
    %get3A_15 = arith.constant 0 : index
    %get3A_16 = arith.constant 0 : index
    %get3A_17 = vector.load %arg8[%get3A_15, %get3A_16] : memref<8x512xf32, #tpu.memory_space<vmem>>, vector<8x512xf32>
    %iota3A = tpu.iota {dimensions = array<i32: 1>} : vector<8x64xi32>
    %broadcast_in_dim3A_18 = arith.constant 0 : i32
    %broadcast_in_dim3A_19 = vector.broadcast %broadcast_in_dim3A_18 : i32 to vector<8x64xi32>
    %scan3A = arith.constant 0 : i32
    %scan3A_20 = arith.constant 64 : i32
    %scan3A_21 = arith.addi %scan3A, %scan3A_20 : i32
    %scan3A_22 = arith.constant 1 : i32
    %scan3A_23 = scf.for %scan3A_126 = %scan3A to %scan3A_21 step %scan3A_22 iter_args(%scan3A_127 = %broadcast_in_dim3A_19) -> (vector<8x64xi32>)  : i32 {
      %convert_element_type3A_128 = arith.sitofp %scan3A_126 : i32 to f32
      %le3A = vector.broadcast %convert_element_type3A_128 : f32 to vector<8x512xf32>
      %le3A_129 = arith.cmpf ole, %get3A_17, %le3A : vector<8x512xf32>
      %jit3A_130 = arith.constant 1.000000e+00 : f32
      %jit3A_131 = arith.constant 0.000000e+00 : f32
      %broadcast_in_dim3A_132 = vector.broadcast %jit3A_130 : f32 to vector<8x512xf32>
      %broadcast_in_dim3A_133 = vector.broadcast %jit3A_131 : f32 to vector<8x512xf32>
      %select_n3A_134 = arith.select %le3A_129, %broadcast_in_dim3A_132, %broadcast_in_dim3A_133 : vector<8x512xi1>, vector<8x512xf32>
      %reduce_sum3A = arith.constant dense<0.000000e+00> : vector<8xf32>
      %reduce_sum3A_135 = vector.multi_reduction <add>, %select_n3A_134, %reduce_sum3A [1] : vector<8x512xf32> to vector<8xf32>
      %broadcast_in_dim3A_136 = vector.shape_cast %reduce_sum3A_135 : vector<8xf32> to vector<8x1xf32>
      %eq3A = vector.broadcast %scan3A_126 : i32 to vector<8x64xi32>
      %eq3A_137 = arith.cmpi eq, %iota3A, %eq3A : vector<8x64xi32>
      %convert_element_type3A_138 = arith.fptosi %broadcast_in_dim3A_136 : vector<8x1xf32> to vector<8x1xi32>
      %jit3A_139 = arith.constant 0 : i32
      %broadcast_in_dim3A_140 = vector.shape_cast %convert_element_type3A_138 : vector<8x1xi32> to vector<8x1xi32>
      %broadcast_in_dim3A_141 = vector.broadcast %broadcast_in_dim3A_140 : vector<8x1xi32> to vector<8x64xi32>
      %broadcast_in_dim3A_142 = vector.broadcast %jit3A_139 : i32 to vector<8x64xi32>
      %select_n3A_143 = arith.select %eq3A_137, %broadcast_in_dim3A_141, %broadcast_in_dim3A_142 : vector<8x64xi1>, vector<8x64xi32>
      %add3A_144 = arith.addi %scan3A_127, %select_n3A_143 : vector<8x64xi32>
      scf.yield %add3A_144 : vector<8x64xi32>
    }
    %scan3A_24 = arith.constant 64 : i32
    %slice3A_25 = vector.extract_strided_slice %scan3A_23 {offsets = [0, 0], sizes = [8, 1], strides = [1, 1]} : vector<8x64xi32> to vector<8x1xi32>
    %convert_element_type3A = arith.fptosi %slice3A : vector<8x1xf32> to vector<8x1xi32>
    %lt3A_26 = vector.broadcast %convert_element_type3A : vector<8x1xi32> to vector<8x64xi32>
    %lt3A_27 = arith.cmpi slt, %iota3A, %lt3A_26 : vector<8x64xi32>
    %broadcast_in_dim3A_28 = vector.shape_cast %slice3A_25 : vector<8x1xi32> to vector<8x1xi32>
    %broadcast_in_dim3A_29 = vector.broadcast %broadcast_in_dim3A_28 : vector<8x1xi32> to vector<8x64xi32>
    %select_n3A_30 = arith.select %lt3A_27, %scan3A_23, %broadcast_in_dim3A_29 : vector<8x64xi1>, vector<8x64xi32>
    %swap3A_31 = arith.constant 0 : index
    %swap3A_32 = arith.constant 0 : index
    %swap3A_33 = vector.load %arg5[%swap3A_31, %swap3A_32] : memref<8x64xi32, #tpu.memory_space<vmem>>, vector<8x64xi32>
    tpu.vector_store %arg5[%swap3A_31, %swap3A_32], %select_n3A_30 {strides = array<i32>} : memref<8x64xi32, #tpu.memory_space<vmem>>, vector<8x64xi32>,
    %get3A_34 = arith.constant 0 : index
    %get3A_35 = arith.constant 0 : index
    %get3A_36 = vector.load %arg2[%get3A_34, %get3A_35] : memref<8x512xi32, #tpu.memory_space<vmem>>, vector<8x512xi32>
    %lt3A_37 = arith.constant 512 : i32
    %lt3A_38 = vector.broadcast %lt3A_37 : i32 to vector<8x512xi32>
    %lt3A_39 = arith.cmpi slt, %get3A_36, %lt3A_38 : vector<8x512xi32>
    %jit3A_40 = arith.constant 1.000000e+00 : f32
    %jit3A_41 = arith.constant 0.000000e+00 : f32
    %broadcast_in_dim3A_42 = vector.broadcast %jit3A_40 : f32 to vector<8x512xf32>
    %broadcast_in_dim3A_43 = vector.broadcast %jit3A_41 : f32 to vector<8x512xf32>
    %select_n3A_44 = arith.select %lt3A_39, %broadcast_in_dim3A_42, %broadcast_in_dim3A_43 : vector<8x512xi1>, vector<8x512xf32>
    %broadcast_in_dim3A_45 = arith.constant 0.000000e+00 : f32
    %broadcast_in_dim3A_46 = vector.broadcast %broadcast_in_dim3A_45 : f32 to vector<8x1xf32>
    %get3A_47 = arith.constant 0 : index
    %get3A_48 = arith.constant 0 : index
    %get3A_49 = vector.load %arg4[%get3A_47, %get3A_48] : memref<512x512xf32, #tpu.memory_space<vmem>>, vector<512x512xf32>
    %dot_general3A_50 = arith.constant dense<0.000000e+00> : vector<8x512xf32>
    %dot_general3A_51 = tpu.matmul %select_n3A_44, %get3A_49, %dot_general3A_50 {dimension_numbers = #tpu.dot_dimension_numbers<[1], [0], [0], [1], [0, 0, 1, 1], [], []>, transpose_lhs_hint = false} : vector<8x512xf32>, vector<512x512xf32>, vector<8x512xf32> -> vector<8x512xf32>
    %add3A_52 = vector.broadcast %broadcast_in_dim3A_46 : vector<8x1xf32> to vector<8x512xf32>
    %add3A_53 = arith.addf %dot_general3A_51, %add3A_52 : vector<8x512xf32>
    %slice3A_54 = vector.extract_strided_slice %add3A_53 {offsets = [0, 511], sizes = [8, 1], strides = [1, 1]} : vector<8x512xf32> to vector<8x1xf32>
    %swap3A_55 = arith.constant 0 : index
    %swap3A_56 = arith.constant 0 : index
    %swap3A_57 = vector.load %arg8[%swap3A_55, %swap3A_56] : memref<8x512xf32, #tpu.memory_space<vmem>>, vector<8x512xf32>
    tpu.vector_store %arg8[%swap3A_55, %swap3A_56], %add3A_53 {strides = array<i32>} : memref<8x512xf32, #tpu.memory_space<vmem>>, vector<8x512xf32>,
    %get3A_58 = arith.constant 0 : index
    %get3A_59 = arith.constant 0 : index
    %get3A_60 = vector.load %arg8[%get3A_58, %get3A_59] : memref<8x512xf32, #tpu.memory_space<vmem>>, vector<8x512xf32>
    %iota3A_61 = tpu.iota {dimensions = array<i32: 1>} : vector<8x64xi32>
    %broadcast_in_dim3A_62 = arith.constant 0 : i32
    %broadcast_in_dim3A_63 = vector.broadcast %broadcast_in_dim3A_62 : i32 to vector<8x64xi32>
    %scan3A_64 = arith.constant 0 : i32
    %scan3A_65 = arith.constant 64 : i32
    %scan3A_66 = arith.addi %scan3A_64, %scan3A_65 : i32
    %scan3A_67 = arith.constant 1 : i32
    %scan3A_68 = scf.for %scan3A_126 = %scan3A_64 to %scan3A_66 step %scan3A_67 iter_args(%scan3A_127 = %broadcast_in_dim3A_63) -> (vector<8x64xi32>)  : i32 {
      %convert_element_type3A_128 = arith.sitofp %scan3A_126 : i32 to f32
      %le3A = vector.broadcast %convert_element_type3A_128 : f32 to vector<8x512xf32>
      %le3A_129 = arith.cmpf ole, %get3A_60, %le3A : vector<8x512xf32>
      %jit3A_130 = arith.constant 1.000000e+00 : f32
      %jit3A_131 = arith.constant 0.000000e+00 : f32
      %broadcast_in_dim3A_132 = vector.broadcast %jit3A_130 : f32 to vector<8x512xf32>
      %broadcast_in_dim3A_133 = vector.broadcast %jit3A_131 : f32 to vector<8x512xf32>
      %select_n3A_134 = arith.select %le3A_129, %broadcast_in_dim3A_132, %broadcast_in_dim3A_133 : vector<8x512xi1>, vector<8x512xf32>
      %reduce_sum3A = arith.constant dense<0.000000e+00> : vector<8xf32>
      %reduce_sum3A_135 = vector.multi_reduction <add>, %select_n3A_134, %reduce_sum3A [1] : vector<8x512xf32> to vector<8xf32>
      %broadcast_in_dim3A_136 = vector.shape_cast %reduce_sum3A_135 : vector<8xf32> to vector<8x1xf32>
      %eq3A = vector.broadcast %scan3A_126 : i32 to vector<8x64xi32>
      %eq3A_137 = arith.cmpi eq, %iota3A_61, %eq3A : vector<8x64xi32>
      %convert_element_type3A_138 = arith.fptosi %broadcast_in_dim3A_136 : vector<8x1xf32> to vector<8x1xi32>
      %jit3A_139 = arith.constant 0 : i32
      %broadcast_in_dim3A_140 = vector.shape_cast %convert_element_type3A_138 : vector<8x1xi32> to vector<8x1xi32>
      %broadcast_in_dim3A_141 = vector.broadcast %broadcast_in_dim3A_140 : vector<8x1xi32> to vector<8x64xi32>
      %broadcast_in_dim3A_142 = vector.broadcast %jit3A_139 : i32 to vector<8x64xi32>
      %select_n3A_143 = arith.select %eq3A_137, %broadcast_in_dim3A_141, %broadcast_in_dim3A_142 : vector<8x64xi1>, vector<8x64xi32>
      %add3A_144 = arith.addi %scan3A_127, %select_n3A_143 : vector<8x64xi32>
      scf.yield %add3A_144 : vector<8x64xi32>
    }
    %scan3A_69 = arith.constant 64 : i32
    %slice3A_70 = vector.extract_strided_slice %scan3A_68 {offsets = [0, 0], sizes = [8, 1], strides = [1, 1]} : vector<8x64xi32> to vector<8x1xi32>
    %convert_element_type3A_71 = arith.fptosi %slice3A_54 : vector<8x1xf32> to vector<8x1xi32>
    %lt3A_72 = vector.broadcast %convert_element_type3A_71 : vector<8x1xi32> to vector<8x64xi32>
    %lt3A_73 = arith.cmpi slt, %iota3A_61, %lt3A_72 : vector<8x64xi32>
    %broadcast_in_dim3A_74 = vector.shape_cast %slice3A_70 : vector<8x1xi32> to vector<8x1xi32>
    %broadcast_in_dim3A_75 = vector.broadcast %broadcast_in_dim3A_74 : vector<8x1xi32> to vector<8x64xi32>
    %select_n3A_76 = arith.select %lt3A_73, %scan3A_68, %broadcast_in_dim3A_75 : vector<8x64xi1>, vector<8x64xi32>
    %swap3A_77 = arith.constant 0 : index
    %swap3A_78 = arith.constant 0 : index
    %swap3A_79 = vector.load %arg6[%swap3A_77, %swap3A_78] : memref<8x64xi32, #tpu.memory_space<vmem>>, vector<8x64xi32>
    tpu.vector_store %arg6[%swap3A_77, %swap3A_78], %select_n3A_76 {strides = array<i32>} : memref<8x64xi32, #tpu.memory_space<vmem>>, vector<8x64xi32>,
    %get3A_80 = arith.constant 0 : index
    %get3A_81 = arith.constant 0 : index
    %get3A_82 = vector.load %arg3[%get3A_80, %get3A_81] : memref<8x512xi32, #tpu.memory_space<vmem>>, vector<8x512xi32>
    %lt3A_83 = arith.constant 512 : i32
    %lt3A_84 = vector.broadcast %lt3A_83 : i32 to vector<8x512xi32>
    %lt3A_85 = arith.cmpi slt, %get3A_82, %lt3A_84 : vector<8x512xi32>
    %jit3A_86 = arith.constant 1.000000e+00 : f32
    %jit3A_87 = arith.constant 0.000000e+00 : f32
    %broadcast_in_dim3A_88 = vector.broadcast %jit3A_86 : f32 to vector<8x512xf32>
    %broadcast_in_dim3A_89 = vector.broadcast %jit3A_87 : f32 to vector<8x512xf32>
    %select_n3A_90 = arith.select %lt3A_85, %broadcast_in_dim3A_88, %broadcast_in_dim3A_89 : vector<8x512xi1>, vector<8x512xf32>
    %broadcast_in_dim3A_91 = arith.constant 0.000000e+00 : f32
    %broadcast_in_dim3A_92 = vector.broadcast %broadcast_in_dim3A_91 : f32 to vector<8x1xf32>
    %get3A_93 = arith.constant 0 : index
    %get3A_94 = arith.constant 0 : index
    %get3A_95 = vector.load %arg4[%get3A_93, %get3A_94] : memref<512x512xf32, #tpu.memory_space<vmem>>, vector<512x512xf32>
    %dot_general3A_96 = arith.constant dense<0.000000e+00> : vector<8x512xf32>
    %dot_general3A_97 = tpu.matmul %select_n3A_90, %get3A_95, %dot_general3A_96 {dimension_numbers = #tpu.dot_dimension_numbers<[1], [0], [0], [1], [0, 0, 1, 1], [], []>, transpose_lhs_hint = false} : vector<8x512xf32>, vector<512x512xf32>, vector<8x512xf32> -> vector<8x512xf32>
    %add3A_98 = vector.broadcast %broadcast_in_dim3A_92 : vector<8x1xf32> to vector<8x512xf32>
    %add3A_99 = arith.addf %dot_general3A_97, %add3A_98 : vector<8x512xf32>
    %slice3A_100 = vector.extract_strided_slice %add3A_99 {offsets = [0, 511], sizes = [8, 1], strides = [1, 1]} : vector<8x512xf32> to vector<8x1xf32>
    %swap3A_101 = arith.constant 0 : index
    %swap3A_102 = arith.constant 0 : index
    %swap3A_103 = vector.load %arg8[%swap3A_101, %swap3A_102] : memref<8x512xf32, #tpu.memory_space<vmem>>, vector<8x512xf32>
    tpu.vector_store %arg8[%swap3A_101, %swap3A_102], %add3A_99 {strides = array<i32>} : memref<8x512xf32, #tpu.memory_space<vmem>>, vector<8x512xf32>,
    %get3A_104 = arith.constant 0 : index
    %get3A_105 = arith.constant 0 : index
    %get3A_106 = vector.load %arg8[%get3A_104, %get3A_105] : memref<8x512xf32, #tpu.memory_space<vmem>>, vector<8x512xf32>
    %iota3A_107 = tpu.iota {dimensions = array<i32: 1>} : vector<8x128xi32>
    %broadcast_in_dim3A_108 = arith.constant 0 : i32
    %broadcast_in_dim3A_109 = vector.broadcast %broadcast_in_dim3A_108 : i32 to vector<8x128xi32>
    %scan3A_110 = arith.constant 0 : i32
    %scan3A_111 = arith.constant 128 : i32
    %scan3A_112 = arith.addi %scan3A_110, %scan3A_111 : i32
    %scan3A_113 = arith.constant 1 : i32
    %scan3A_114 = scf.for %scan3A_126 = %scan3A_110 to %scan3A_112 step %scan3A_113 iter_args(%scan3A_127 = %broadcast_in_dim3A_109) -> (vector<8x128xi32>)  : i32 {
      %convert_element_type3A_128 = arith.sitofp %scan3A_126 : i32 to f32
      %le3A = vector.broadcast %convert_element_type3A_128 : f32 to vector<8x512xf32>
      %le3A_129 = arith.cmpf ole, %get3A_106, %le3A : vector<8x512xf32>
      %jit3A_130 = arith.constant 1.000000e+00 : f32
      %jit3A_131 = arith.constant 0.000000e+00 : f32
      %broadcast_in_dim3A_132 = vector.broadcast %jit3A_130 : f32 to vector<8x512xf32>
      %broadcast_in_dim3A_133 = vector.broadcast %jit3A_131 : f32 to vector<8x512xf32>
      %select_n3A_134 = arith.select %le3A_129, %broadcast_in_dim3A_132, %broadcast_in_dim3A_133 : vector<8x512xi1>, vector<8x512xf32>
      %reduce_sum3A = arith.constant dense<0.000000e+00> : vector<8xf32>
      %reduce_sum3A_135 = vector.multi_reduction <add>, %select_n3A_134, %reduce_sum3A [1] : vector<8x512xf32> to vector<8xf32>
      %broadcast_in_dim3A_136 = vector.shape_cast %reduce_sum3A_135 : vector<8xf32> to vector<8x1xf32>
      %eq3A = vector.broadcast %scan3A_126 : i32 to vector<8x128xi32>
      %eq3A_137 = arith.cmpi eq, %iota3A_107, %eq3A : vector<8x128xi32>
      %convert_element_type3A_138 = arith.fptosi %broadcast_in_dim3A_136 : vector<8x1xf32> to vector<8x1xi32>
      %jit3A_139 = arith.constant 0 : i32
      %broadcast_in_dim3A_140 = vector.shape_cast %convert_element_type3A_138 : vector<8x1xi32> to vector<8x1xi32>
      %broadcast_in_dim3A_141 = vector.broadcast %broadcast_in_dim3A_140 : vector<8x1xi32> to vector<8x128xi32>
      %broadcast_in_dim3A_142 = vector.broadcast %jit3A_139 : i32 to vector<8x128xi32>
      %select_n3A_143 = arith.select %eq3A_137, %broadcast_in_dim3A_141, %broadcast_in_dim3A_142 : vector<8x128xi1>, vector<8x128xi32>
      %add3A_144 = arith.addi %scan3A_127, %select_n3A_143 : vector<8x128xi32>
      scf.yield %add3A_144 : vector<8x128xi32>
    }
    %scan3A_115 = arith.constant 128 : i32
    %slice3A_116 = vector.extract_strided_slice %scan3A_114 {offsets = [0, 0], sizes = [8, 1], strides = [1, 1]} : vector<8x128xi32> to vector<8x1xi32>
    %convert_element_type3A_117 = arith.fptosi %slice3A_100 : vector<8x1xf32> to vector<8x1xi32>
    %lt3A_118 = vector.broadcast %convert_element_type3A_117 : vector<8x1xi32> to vector<8x128xi32>
    %lt3A_119 = arith.cmpi slt, %iota3A_107, %lt3A_118 : vector<8x128xi32>
    %broadcast_in_dim3A_120 = vector.shape_cast %slice3A_116 : vector<8x1xi32> to vector<8x1xi32>
    %broadcast_in_dim3A_121 = vector.broadcast %broadcast_in_dim3A_120 : vector<8x1xi32> to vector<8x128xi32>
    %select_n3A_122 = arith.select %lt3A_119, %scan3A_114, %broadcast_in_dim3A_121 : vector<8x128xi1>, vector<8x128xi32>
    %swap3A_123 = arith.constant 0 : index
    %swap3A_124 = arith.constant 0 : index
    %swap3A_125 = vector.load %arg7[%swap3A_123, %swap3A_124] : memref<8x128xi32, #tpu.memory_space<vmem>>, vector<8x128xi32>
    tpu.vector_store %arg7[%swap3A_123, %swap3A_124], %select_n3A_122 {strides = array<i32>} : memref<8x128xi32, #tpu.memory_space<vmem>>, vector<8x128xi32>,
    return
  }
  func.func @transform_0(%arg0: i32) -> (i32, i32) {
    %c0_i32 = arith.constant 0 : i32
    %c0_i32_0 = arith.constant 0 : i32
    return %arg0, %c0_i32 : i32, i32
  }
  func.func @transform_1(%arg0: i32) -> (i32, i32) {
    %c0_i32 = arith.constant 0 : i32
    %c0_i32_0 = arith.constant 0 : i32
    return %arg0, %c0_i32 : i32, i32
  }
  func.func @transform_2(%arg0: i32) -> (i32, i32) {
    %c0_i32 = arith.constant 0 : i32
    %c0_i32_0 = arith.constant 0 : i32
    return %arg0, %c0_i32 : i32, i32
  }
  func.func @transform_3(%arg0: i32) -> (i32, i32) {
    %c0_i32 = arith.constant 0 : i32
    %c0_i32_0 = arith.constant 0 : i32
    %c0_i32_1 = arith.constant 0 : i32
    return %c0_i32, %c0_i32_0 : i32, i32
  }
  func.func @transform_4(%arg0: i32) -> (i32, i32) {
    %c0_i32 = arith.constant 0 : i32
    %c0_i32_0 = arith.constant 0 : i32
    return %arg0, %c0_i32 : i32, i32
  }
  func.func @transform_5(%arg0: i32) -> (i32, i32) {
    %c0_i32 = arith.constant 0 : i32
    %c0_i32_0 = arith.constant 0 : i32
    return %arg0, %c0_i32 : i32, i32
  }
  func.func @transform_6(%arg0: i32) -> (i32, i32) {
    %c0_i32 = arith.constant 0 : i32
    %c0_i32_0 = arith.constant 0 : i32
    return %arg0, %c0_i32 : i32, i32
  }
}

module attributes {stable_mosaic.version = 14 : i64} {
  func.func @_mlp_body(%arg0: i32, %arg1: memref<1024x323xf32, #tpu.memory_space<vmem>>, %arg2: memref<323x64xf32, #tpu.memory_space<vmem>>, %arg3: memref<1x64xf32, #tpu.memory_space<vmem>>, %arg4: memref<1x64xf32, #tpu.memory_space<vmem>>, %arg5: memref<1x64xf32, #tpu.memory_space<vmem>>, %arg6: memref<64x64xf32, #tpu.memory_space<vmem>>, %arg7: memref<1x64xf32, #tpu.memory_space<vmem>>, %arg8: memref<1x64xf32, #tpu.memory_space<vmem>>, %arg9: memref<1x64xf32, #tpu.memory_space<vmem>>, %arg10: memref<64x128xf32, #tpu.memory_space<vmem>>, %arg11: memref<1x128xf32, #tpu.memory_space<vmem>>, %arg12: memref<1x128xf32, #tpu.memory_space<vmem>>, %arg13: memref<1x128xf32, #tpu.memory_space<vmem>>, %arg14: memref<16x128xf32, #tpu.memory_space<vmem>>) attributes {dimension_semantics = [#tpu.dimension_semantics<arbitrary>], iteration_bounds = array<i64: 32>, scalar_prefetch = 0 : i64, scratch_operands = 0 : i64, tpu.core_type = #tpu.core_type<tc>, window_params = [{transform_indices = @transform_0, window_bounds = array<i64: 1024, 323>}, {pipeline_mode = #tpu.pipeline_mode<synchronous>, transform_indices = @transform_1, window_bounds = array<i64: 323, 64>}, {pipeline_mode = #tpu.pipeline_mode<synchronous>, transform_indices = @transform_2, window_bounds = array<i64: 1, 64>}, {pipeline_mode = #tpu.pipeline_mode<synchronous>, transform_indices = @transform_3, window_bounds = array<i64: 1, 64>}, {pipeline_mode = #tpu.pipeline_mode<synchronous>, transform_indices = @transform_4, window_bounds = array<i64: 1, 64>}, {pipeline_mode = #tpu.pipeline_mode<synchronous>, transform_indices = @transform_5, window_bounds = array<i64: 64, 64>}, {pipeline_mode = #tpu.pipeline_mode<synchronous>, transform_indices = @transform_6, window_bounds = array<i64: 1, 64>}, {pipeline_mode = #tpu.pipeline_mode<synchronous>, transform_indices = @transform_7, window_bounds = array<i64: 1, 64>}, {pipeline_mode = #tpu.pipeline_mode<synchronous>, transform_indices = @transform_8, window_bounds = array<i64: 1, 64>}, {pipeline_mode = #tpu.pipeline_mode<synchronous>, transform_indices = @transform_9, window_bounds = array<i64: 64, 128>}, {pipeline_mode = #tpu.pipeline_mode<synchronous>, transform_indices = @transform_10, window_bounds = array<i64: 1, 128>}, {pipeline_mode = #tpu.pipeline_mode<synchronous>, transform_indices = @transform_11, window_bounds = array<i64: 1, 128>}, {pipeline_mode = #tpu.pipeline_mode<synchronous>, transform_indices = @transform_12, window_bounds = array<i64: 1, 128>}, {transform_indices = @transform_13, window_bounds = array<i64: 16, 128>}]} {
    %get3A = arith.constant 0 : index
    %get3A_0 = arith.constant 0 : index
    %get3A_1 = vector.load %arg1[%get3A, %get3A_0] : memref<1024x323xf32, #tpu.memory_space<vmem>>, vector<1024x323xf32>
    %get3A_2 = arith.constant 0 : index
    %get3A_3 = arith.constant 0 : index
    %get3A_4 = vector.load %arg2[%get3A_2, %get3A_3] : memref<323x64xf32, #tpu.memory_space<vmem>>, vector<323x64xf32>
    %get3A_5 = arith.constant 0 : index
    %get3A_6 = arith.constant 0 : index
    %get3A_7 = vector.load %arg3[%get3A_5, %get3A_6] : memref<1x64xf32, #tpu.memory_space<vmem>>, vector<1x64xf32>
    %get3A_8 = arith.constant 0 : index
    %get3A_9 = arith.constant 0 : index
    %get3A_10 = vector.load %arg4[%get3A_8, %get3A_9] : memref<1x64xf32, #tpu.memory_space<vmem>>, vector<1x64xf32>
    %get3A_11 = arith.constant 0 : index
    %get3A_12 = arith.constant 0 : index
    %get3A_13 = vector.load %arg5[%get3A_11, %get3A_12] : memref<1x64xf32, #tpu.memory_space<vmem>>, vector<1x64xf32>
    %dot_general3A = arith.constant dense<0.000000e+00> : vector<1024x64xf32>
    %dot_general3A_14 = tpu.matmul %get3A_1, %get3A_4, %dot_general3A {dimension_numbers = #tpu.dot_dimension_numbers<[1], [0], [0], [1], [0, 0, 1, 1], [], []>, transpose_lhs_hint = false} : vector<1024x323xf32>, vector<323x64xf32>, vector<1024x64xf32> -> vector<1024x64xf32>
    %add3A = vector.broadcast %get3A_7 : vector<1x64xf32> to vector<1024x64xf32>
    %add3A_15 = arith.addf %dot_general3A_14, %add3A : vector<1024x64xf32>
    %mul3A = vector.broadcast %get3A_10 : vector<1x64xf32> to vector<1024x64xf32>
    %mul3A_16 = arith.mulf %add3A_15, %mul3A : vector<1024x64xf32>
    %add3A_17 = vector.broadcast %get3A_13 : vector<1x64xf32> to vector<1024x64xf32>
    %add3A_18 = arith.addf %mul3A_16, %add3A_17 : vector<1024x64xf32>
    %max3A = arith.constant 0.000000e+00 : f32
    %max3A_19 = vector.broadcast %max3A : f32 to vector<1024x64xf32>
    %max3A_20 = arith.maximumf %add3A_18, %max3A_19 : vector<1024x64xf32>
    %get3A_21 = arith.constant 0 : index
    %get3A_22 = arith.constant 0 : index
    %get3A_23 = vector.load %arg6[%get3A_21, %get3A_22] : memref<64x64xf32, #tpu.memory_space<vmem>>, vector<64x64xf32>
    %get3A_24 = arith.constant 0 : index
    %get3A_25 = arith.constant 0 : index
    %get3A_26 = vector.load %arg7[%get3A_24, %get3A_25] : memref<1x64xf32, #tpu.memory_space<vmem>>, vector<1x64xf32>
    %get3A_27 = arith.constant 0 : index
    %get3A_28 = arith.constant 0 : index
    %get3A_29 = vector.load %arg8[%get3A_27, %get3A_28] : memref<1x64xf32, #tpu.memory_space<vmem>>, vector<1x64xf32>
    %get3A_30 = arith.constant 0 : index
    %get3A_31 = arith.constant 0 : index
    %get3A_32 = vector.load %arg9[%get3A_30, %get3A_31] : memref<1x64xf32, #tpu.memory_space<vmem>>, vector<1x64xf32>
    %dot_general3A_33 = arith.constant dense<0.000000e+00> : vector<1024x64xf32>
    %dot_general3A_34 = tpu.matmul %max3A_20, %get3A_23, %dot_general3A_33 {dimension_numbers = #tpu.dot_dimension_numbers<[1], [0], [0], [1], [0, 0, 1, 1], [], []>, transpose_lhs_hint = false} : vector<1024x64xf32>, vector<64x64xf32>, vector<1024x64xf32> -> vector<1024x64xf32>
    %add3A_35 = vector.broadcast %get3A_26 : vector<1x64xf32> to vector<1024x64xf32>
    %add3A_36 = arith.addf %dot_general3A_34, %add3A_35 : vector<1024x64xf32>
    %mul3A_37 = vector.broadcast %get3A_29 : vector<1x64xf32> to vector<1024x64xf32>
    %mul3A_38 = arith.mulf %add3A_36, %mul3A_37 : vector<1024x64xf32>
    %add3A_39 = vector.broadcast %get3A_32 : vector<1x64xf32> to vector<1024x64xf32>
    %add3A_40 = arith.addf %mul3A_38, %add3A_39 : vector<1024x64xf32>
    %max3A_41 = arith.constant 0.000000e+00 : f32
    %max3A_42 = vector.broadcast %max3A_41 : f32 to vector<1024x64xf32>
    %max3A_43 = arith.maximumf %add3A_40, %max3A_42 : vector<1024x64xf32>
    %get3A_44 = arith.constant 0 : index
    %get3A_45 = arith.constant 0 : index
    %get3A_46 = vector.load %arg10[%get3A_44, %get3A_45] : memref<64x128xf32, #tpu.memory_space<vmem>>, vector<64x128xf32>
    %get3A_47 = arith.constant 0 : index
    %get3A_48 = arith.constant 0 : index
    %get3A_49 = vector.load %arg11[%get3A_47, %get3A_48] : memref<1x128xf32, #tpu.memory_space<vmem>>, vector<1x128xf32>
    %get3A_50 = arith.constant 0 : index
    %get3A_51 = arith.constant 0 : index
    %get3A_52 = vector.load %arg12[%get3A_50, %get3A_51] : memref<1x128xf32, #tpu.memory_space<vmem>>, vector<1x128xf32>
    %get3A_53 = arith.constant 0 : index
    %get3A_54 = arith.constant 0 : index
    %get3A_55 = vector.load %arg13[%get3A_53, %get3A_54] : memref<1x128xf32, #tpu.memory_space<vmem>>, vector<1x128xf32>
    %dot_general3A_56 = arith.constant dense<0.000000e+00> : vector<1024x128xf32>
    %dot_general3A_57 = tpu.matmul %max3A_43, %get3A_46, %dot_general3A_56 {dimension_numbers = #tpu.dot_dimension_numbers<[1], [0], [0], [1], [0, 0, 1, 1], [], []>, transpose_lhs_hint = false} : vector<1024x64xf32>, vector<64x128xf32>, vector<1024x128xf32> -> vector<1024x128xf32>
    %add3A_58 = vector.broadcast %get3A_49 : vector<1x128xf32> to vector<1024x128xf32>
    %add3A_59 = arith.addf %dot_general3A_57, %add3A_58 : vector<1024x128xf32>
    %mul3A_60 = vector.broadcast %get3A_52 : vector<1x128xf32> to vector<1024x128xf32>
    %mul3A_61 = arith.mulf %add3A_59, %mul3A_60 : vector<1024x128xf32>
    %add3A_62 = vector.broadcast %get3A_55 : vector<1x128xf32> to vector<1024x128xf32>
    %add3A_63 = arith.addf %mul3A_61, %add3A_62 : vector<1024x128xf32>
    %max3A_64 = arith.constant 0.000000e+00 : f32
    %max3A_65 = vector.broadcast %max3A_64 : f32 to vector<1024x128xf32>
    %max3A_66 = arith.maximumf %add3A_63, %max3A_65 : vector<1024x128xf32>
    %slice3A = vector.extract_strided_slice %max3A_66 {offsets = [0, 0], sizes = [64, 128], strides = [1, 1]} : vector<1024x128xf32> to vector<64x128xf32>
    %reduce_max3A = arith.constant dense<0xFF800000> : vector<128xf32>
    %reduce_max3A_67 = vector.multi_reduction <maximumf>, %slice3A, %reduce_max3A [0] : vector<64x128xf32> to vector<128xf32>
    %broadcast_in_dim3A = vector.shape_cast %reduce_max3A_67 : vector<128xf32> to vector<1x128xf32>
    %slice3A_68 = vector.extract_strided_slice %max3A_66 {offsets = [64, 0], sizes = [64, 128], strides = [1, 1]} : vector<1024x128xf32> to vector<64x128xf32>
    %reduce_max3A_69 = arith.constant dense<0xFF800000> : vector<128xf32>
    %reduce_max3A_70 = vector.multi_reduction <maximumf>, %slice3A_68, %reduce_max3A_69 [0] : vector<64x128xf32> to vector<128xf32>
    %broadcast_in_dim3A_71 = vector.shape_cast %reduce_max3A_70 : vector<128xf32> to vector<1x128xf32>
    %slice3A_72 = vector.extract_strided_slice %max3A_66 {offsets = [128, 0], sizes = [64, 128], strides = [1, 1]} : vector<1024x128xf32> to vector<64x128xf32>
    %reduce_max3A_73 = arith.constant dense<0xFF800000> : vector<128xf32>
    %reduce_max3A_74 = vector.multi_reduction <maximumf>, %slice3A_72, %reduce_max3A_73 [0] : vector<64x128xf32> to vector<128xf32>
    %broadcast_in_dim3A_75 = vector.shape_cast %reduce_max3A_74 : vector<128xf32> to vector<1x128xf32>
    %slice3A_76 = vector.extract_strided_slice %max3A_66 {offsets = [192, 0], sizes = [64, 128], strides = [1, 1]} : vector<1024x128xf32> to vector<64x128xf32>
    %reduce_max3A_77 = arith.constant dense<0xFF800000> : vector<128xf32>
    %reduce_max3A_78 = vector.multi_reduction <maximumf>, %slice3A_76, %reduce_max3A_77 [0] : vector<64x128xf32> to vector<128xf32>
    %broadcast_in_dim3A_79 = vector.shape_cast %reduce_max3A_78 : vector<128xf32> to vector<1x128xf32>
    %slice3A_80 = vector.extract_strided_slice %max3A_66 {offsets = [256, 0], sizes = [64, 128], strides = [1, 1]} : vector<1024x128xf32> to vector<64x128xf32>
    %reduce_max3A_81 = arith.constant dense<0xFF800000> : vector<128xf32>
    %reduce_max3A_82 = vector.multi_reduction <maximumf>, %slice3A_80, %reduce_max3A_81 [0] : vector<64x128xf32> to vector<128xf32>
    %broadcast_in_dim3A_83 = vector.shape_cast %reduce_max3A_82 : vector<128xf32> to vector<1x128xf32>
    %slice3A_84 = vector.extract_strided_slice %max3A_66 {offsets = [320, 0], sizes = [64, 128], strides = [1, 1]} : vector<1024x128xf32> to vector<64x128xf32>
    %reduce_max3A_85 = arith.constant dense<0xFF800000> : vector<128xf32>
    %reduce_max3A_86 = vector.multi_reduction <maximumf>, %slice3A_84, %reduce_max3A_85 [0] : vector<64x128xf32> to vector<128xf32>
    %broadcast_in_dim3A_87 = vector.shape_cast %reduce_max3A_86 : vector<128xf32> to vector<1x128xf32>
    %slice3A_88 = vector.extract_strided_slice %max3A_66 {offsets = [384, 0], sizes = [64, 128], strides = [1, 1]} : vector<1024x128xf32> to vector<64x128xf32>
    %reduce_max3A_89 = arith.constant dense<0xFF800000> : vector<128xf32>
    %reduce_max3A_90 = vector.multi_reduction <maximumf>, %slice3A_88, %reduce_max3A_89 [0] : vector<64x128xf32> to vector<128xf32>
    %broadcast_in_dim3A_91 = vector.shape_cast %reduce_max3A_90 : vector<128xf32> to vector<1x128xf32>
    %slice3A_92 = vector.extract_strided_slice %max3A_66 {offsets = [448, 0], sizes = [64, 128], strides = [1, 1]} : vector<1024x128xf32> to vector<64x128xf32>
    %reduce_max3A_93 = arith.constant dense<0xFF800000> : vector<128xf32>
    %reduce_max3A_94 = vector.multi_reduction <maximumf>, %slice3A_92, %reduce_max3A_93 [0] : vector<64x128xf32> to vector<128xf32>
    %broadcast_in_dim3A_95 = vector.shape_cast %reduce_max3A_94 : vector<128xf32> to vector<1x128xf32>
    %slice3A_96 = vector.extract_strided_slice %max3A_66 {offsets = [512, 0], sizes = [64, 128], strides = [1, 1]} : vector<1024x128xf32> to vector<64x128xf32>
    %reduce_max3A_97 = arith.constant dense<0xFF800000> : vector<128xf32>
    %reduce_max3A_98 = vector.multi_reduction <maximumf>, %slice3A_96, %reduce_max3A_97 [0] : vector<64x128xf32> to vector<128xf32>
    %broadcast_in_dim3A_99 = vector.shape_cast %reduce_max3A_98 : vector<128xf32> to vector<1x128xf32>
    %slice3A_100 = vector.extract_strided_slice %max3A_66 {offsets = [576, 0], sizes = [64, 128], strides = [1, 1]} : vector<1024x128xf32> to vector<64x128xf32>
    %reduce_max3A_101 = arith.constant dense<0xFF800000> : vector<128xf32>
    %reduce_max3A_102 = vector.multi_reduction <maximumf>, %slice3A_100, %reduce_max3A_101 [0] : vector<64x128xf32> to vector<128xf32>
    %broadcast_in_dim3A_103 = vector.shape_cast %reduce_max3A_102 : vector<128xf32> to vector<1x128xf32>
    %slice3A_104 = vector.extract_strided_slice %max3A_66 {offsets = [640, 0], sizes = [64, 128], strides = [1, 1]} : vector<1024x128xf32> to vector<64x128xf32>
    %reduce_max3A_105 = arith.constant dense<0xFF800000> : vector<128xf32>
    %reduce_max3A_106 = vector.multi_reduction <maximumf>, %slice3A_104, %reduce_max3A_105 [0] : vector<64x128xf32> to vector<128xf32>
    %broadcast_in_dim3A_107 = vector.shape_cast %reduce_max3A_106 : vector<128xf32> to vector<1x128xf32>
    %slice3A_108 = vector.extract_strided_slice %max3A_66 {offsets = [704, 0], sizes = [64, 128], strides = [1, 1]} : vector<1024x128xf32> to vector<64x128xf32>
    %reduce_max3A_109 = arith.constant dense<0xFF800000> : vector<128xf32>
    %reduce_max3A_110 = vector.multi_reduction <maximumf>, %slice3A_108, %reduce_max3A_109 [0] : vector<64x128xf32> to vector<128xf32>
    %broadcast_in_dim3A_111 = vector.shape_cast %reduce_max3A_110 : vector<128xf32> to vector<1x128xf32>
    %slice3A_112 = vector.extract_strided_slice %max3A_66 {offsets = [768, 0], sizes = [64, 128], strides = [1, 1]} : vector<1024x128xf32> to vector<64x128xf32>
    %reduce_max3A_113 = arith.constant dense<0xFF800000> : vector<128xf32>
    %reduce_max3A_114 = vector.multi_reduction <maximumf>, %slice3A_112, %reduce_max3A_113 [0] : vector<64x128xf32> to vector<128xf32>
    %broadcast_in_dim3A_115 = vector.shape_cast %reduce_max3A_114 : vector<128xf32> to vector<1x128xf32>
    %slice3A_116 = vector.extract_strided_slice %max3A_66 {offsets = [832, 0], sizes = [64, 128], strides = [1, 1]} : vector<1024x128xf32> to vector<64x128xf32>
    %reduce_max3A_117 = arith.constant dense<0xFF800000> : vector<128xf32>
    %reduce_max3A_118 = vector.multi_reduction <maximumf>, %slice3A_116, %reduce_max3A_117 [0] : vector<64x128xf32> to vector<128xf32>
    %broadcast_in_dim3A_119 = vector.shape_cast %reduce_max3A_118 : vector<128xf32> to vector<1x128xf32>
    %slice3A_120 = vector.extract_strided_slice %max3A_66 {offsets = [896, 0], sizes = [64, 128], strides = [1, 1]} : vector<1024x128xf32> to vector<64x128xf32>
    %reduce_max3A_121 = arith.constant dense<0xFF800000> : vector<128xf32>
    %reduce_max3A_122 = vector.multi_reduction <maximumf>, %slice3A_120, %reduce_max3A_121 [0] : vector<64x128xf32> to vector<128xf32>
    %broadcast_in_dim3A_123 = vector.shape_cast %reduce_max3A_122 : vector<128xf32> to vector<1x128xf32>
    %slice3A_124 = vector.extract_strided_slice %max3A_66 {offsets = [960, 0], sizes = [64, 128], strides = [1, 1]} : vector<1024x128xf32> to vector<64x128xf32>
    %reduce_max3A_125 = arith.constant dense<0xFF800000> : vector<128xf32>
    %reduce_max3A_126 = vector.multi_reduction <maximumf>, %slice3A_124, %reduce_max3A_125 [0] : vector<64x128xf32> to vector<128xf32>
    %broadcast_in_dim3A_127 = vector.shape_cast %reduce_max3A_126 : vector<128xf32> to vector<1x128xf32>
    %concatenate3A = tpu.concatenate %broadcast_in_dim3A, %broadcast_in_dim3A_71, %broadcast_in_dim3A_75, %broadcast_in_dim3A_79, %broadcast_in_dim3A_83, %broadcast_in_dim3A_87, %broadcast_in_dim3A_91, %broadcast_in_dim3A_95, %broadcast_in_dim3A_99, %broadcast_in_dim3A_103, %broadcast_in_dim3A_107, %broadcast_in_dim3A_111, %broadcast_in_dim3A_115, %broadcast_in_dim3A_119, %broadcast_in_dim3A_123, %broadcast_in_dim3A_127 in 0 : vector<1x128xf32>, vector<1x128xf32>, vector<1x128xf32>, vector<1x128xf32>, vector<1x128xf32>, vector<1x128xf32>, vector<1x128xf32>, vector<1x128xf32>, vector<1x128xf32>, vector<1x128xf32>, vector<1x128xf32>, vector<1x128xf32>, vector<1x128xf32>, vector<1x128xf32>, vector<1x128xf32>, vector<1x128xf32> -> vector<16x128xf32>
    %swap3A = arith.constant 0 : index
    %swap3A_128 = arith.constant 0 : index
    %swap3A_129 = vector.load %arg14[%swap3A, %swap3A_128] : memref<16x128xf32, #tpu.memory_space<vmem>>, vector<16x128xf32>
    tpu.vector_store %arg14[%swap3A, %swap3A_128], %concatenate3A {strides = array<i32>} : memref<16x128xf32, #tpu.memory_space<vmem>>, vector<16x128xf32>,
    return
  }
  func.func @transform_0(%arg0: i32) -> (i32, i32) {
    %c0_i32 = arith.constant 0 : i32
    %c0_i32_0 = arith.constant 0 : i32
    return %arg0, %c0_i32 : i32, i32
  }
  func.func @transform_1(%arg0: i32) -> (i32, i32) {
    %c0_i32 = arith.constant 0 : i32
    %c0_i32_0 = arith.constant 0 : i32
    %c0_i32_1 = arith.constant 0 : i32
    return %c0_i32, %c0_i32_0 : i32, i32
  }
  func.func @transform_2(%arg0: i32) -> (i32, i32) {
    %c0_i32 = arith.constant 0 : i32
    %c0_i32_0 = arith.constant 0 : i32
    %c0_i32_1 = arith.constant 0 : i32
    return %c0_i32, %c0_i32_0 : i32, i32
  }
  func.func @transform_3(%arg0: i32) -> (i32, i32) {
    %c0_i32 = arith.constant 0 : i32
    %c0_i32_0 = arith.constant 0 : i32
    %c0_i32_1 = arith.constant 0 : i32
    return %c0_i32, %c0_i32_0 : i32, i32
  }
  func.func @transform_4(%arg0: i32) -> (i32, i32) {
    %c0_i32 = arith.constant 0 : i32
    %c0_i32_0 = arith.constant 0 : i32
    %c0_i32_1 = arith.constant 0 : i32
    return %c0_i32, %c0_i32_0 : i32, i32
  }
  func.func @transform_5(%arg0: i32) -> (i32, i32) {
    %c0_i32 = arith.constant 0 : i32
    %c0_i32_0 = arith.constant 0 : i32
    %c0_i32_1 = arith.constant 0 : i32
    return %c0_i32, %c0_i32_0 : i32, i32
  }
  func.func @transform_6(%arg0: i32) -> (i32, i32) {
    %c0_i32 = arith.constant 0 : i32
    %c0_i32_0 = arith.constant 0 : i32
    %c0_i32_1 = arith.constant 0 : i32
    return %c0_i32, %c0_i32_0 : i32, i32
  }
  func.func @transform_7(%arg0: i32) -> (i32, i32) {
    %c0_i32 = arith.constant 0 : i32
    %c0_i32_0 = arith.constant 0 : i32
    %c0_i32_1 = arith.constant 0 : i32
    return %c0_i32, %c0_i32_0 : i32, i32
  }
  func.func @transform_8(%arg0: i32) -> (i32, i32) {
    %c0_i32 = arith.constant 0 : i32
    %c0_i32_0 = arith.constant 0 : i32
    %c0_i32_1 = arith.constant 0 : i32
    return %c0_i32, %c0_i32_0 : i32, i32
  }
  func.func @transform_9(%arg0: i32) -> (i32, i32) {
    %c0_i32 = arith.constant 0 : i32
    %c0_i32_0 = arith.constant 0 : i32
    %c0_i32_1 = arith.constant 0 : i32
    return %c0_i32, %c0_i32_0 : i32, i32
  }
  func.func @transform_10(%arg0: i32) -> (i32, i32) {
    %c0_i32 = arith.constant 0 : i32
    %c0_i32_0 = arith.constant 0 : i32
    %c0_i32_1 = arith.constant 0 : i32
    return %c0_i32, %c0_i32_0 : i32, i32
  }
  func.func @transform_11(%arg0: i32) -> (i32, i32) {
    %c0_i32 = arith.constant 0 : i32
    %c0_i32_0 = arith.constant 0 : i32
    %c0_i32_1 = arith.constant 0 : i32
    return %c0_i32, %c0_i32_0 : i32, i32
  }
  func.func @transform_12(%arg0: i32) -> (i32, i32) {
    %c0_i32 = arith.constant 0 : i32
    %c0_i32_0 = arith.constant 0 : i32
    %c0_i32_1 = arith.constant 0 : i32
    return %c0_i32, %c0_i32_0 : i32, i32
  }
  func.func @transform_13(%arg0: i32) -> (i32, i32) {
    %c0_i32 = arith.constant 0 : i32
    %c0_i32_0 = arith.constant 0 : i32
    return %arg0, %c0_i32 : i32, i32
  }
}

module attributes {stable_mosaic.version = 14 : i64} {
  func.func @_mlp_body(%arg0: i32, %arg1: memref<1024x323xf32, #tpu.memory_space<vmem>>, %arg2: memref<323x128xf32, #tpu.memory_space<vmem>>, %arg3: memref<1x128xf32, #tpu.memory_space<vmem>>, %arg4: memref<1x128xf32, #tpu.memory_space<vmem>>, %arg5: memref<1x128xf32, #tpu.memory_space<vmem>>, %arg6: memref<128x128xf32, #tpu.memory_space<vmem>>, %arg7: memref<1x128xf32, #tpu.memory_space<vmem>>, %arg8: memref<1x128xf32, #tpu.memory_space<vmem>>, %arg9: memref<1x128xf32, #tpu.memory_space<vmem>>, %arg10: memref<128x256xf32, #tpu.memory_space<vmem>>, %arg11: memref<1x256xf32, #tpu.memory_space<vmem>>, %arg12: memref<1x256xf32, #tpu.memory_space<vmem>>, %arg13: memref<1x256xf32, #tpu.memory_space<vmem>>, %arg14: memref<16x256xf32, #tpu.memory_space<vmem>>) attributes {dimension_semantics = [#tpu.dimension_semantics<arbitrary>], iteration_bounds = array<i64: 32>, scalar_prefetch = 0 : i64, scratch_operands = 0 : i64, tpu.core_type = #tpu.core_type<tc>, window_params = [{transform_indices = @transform_0, window_bounds = array<i64: 1024, 323>}, {pipeline_mode = #tpu.pipeline_mode<synchronous>, transform_indices = @transform_1, window_bounds = array<i64: 323, 128>}, {pipeline_mode = #tpu.pipeline_mode<synchronous>, transform_indices = @transform_2, window_bounds = array<i64: 1, 128>}, {pipeline_mode = #tpu.pipeline_mode<synchronous>, transform_indices = @transform_3, window_bounds = array<i64: 1, 128>}, {pipeline_mode = #tpu.pipeline_mode<synchronous>, transform_indices = @transform_4, window_bounds = array<i64: 1, 128>}, {pipeline_mode = #tpu.pipeline_mode<synchronous>, transform_indices = @transform_5, window_bounds = array<i64: 128, 128>}, {pipeline_mode = #tpu.pipeline_mode<synchronous>, transform_indices = @transform_6, window_bounds = array<i64: 1, 128>}, {pipeline_mode = #tpu.pipeline_mode<synchronous>, transform_indices = @transform_7, window_bounds = array<i64: 1, 128>}, {pipeline_mode = #tpu.pipeline_mode<synchronous>, transform_indices = @transform_8, window_bounds = array<i64: 1, 128>}, {pipeline_mode = #tpu.pipeline_mode<synchronous>, transform_indices = @transform_9, window_bounds = array<i64: 128, 256>}, {pipeline_mode = #tpu.pipeline_mode<synchronous>, transform_indices = @transform_10, window_bounds = array<i64: 1, 256>}, {pipeline_mode = #tpu.pipeline_mode<synchronous>, transform_indices = @transform_11, window_bounds = array<i64: 1, 256>}, {pipeline_mode = #tpu.pipeline_mode<synchronous>, transform_indices = @transform_12, window_bounds = array<i64: 1, 256>}, {transform_indices = @transform_13, window_bounds = array<i64: 16, 256>}]} {
    %get3A = arith.constant 0 : index
    %get3A_0 = arith.constant 0 : index
    %get3A_1 = vector.load %arg1[%get3A, %get3A_0] : memref<1024x323xf32, #tpu.memory_space<vmem>>, vector<1024x323xf32>
    %get3A_2 = arith.constant 0 : index
    %get3A_3 = arith.constant 0 : index
    %get3A_4 = vector.load %arg2[%get3A_2, %get3A_3] : memref<323x128xf32, #tpu.memory_space<vmem>>, vector<323x128xf32>
    %get3A_5 = arith.constant 0 : index
    %get3A_6 = arith.constant 0 : index
    %get3A_7 = vector.load %arg3[%get3A_5, %get3A_6] : memref<1x128xf32, #tpu.memory_space<vmem>>, vector<1x128xf32>
    %get3A_8 = arith.constant 0 : index
    %get3A_9 = arith.constant 0 : index
    %get3A_10 = vector.load %arg4[%get3A_8, %get3A_9] : memref<1x128xf32, #tpu.memory_space<vmem>>, vector<1x128xf32>
    %get3A_11 = arith.constant 0 : index
    %get3A_12 = arith.constant 0 : index
    %get3A_13 = vector.load %arg5[%get3A_11, %get3A_12] : memref<1x128xf32, #tpu.memory_space<vmem>>, vector<1x128xf32>
    %dot_general3A = arith.constant dense<0.000000e+00> : vector<1024x128xf32>
    %dot_general3A_14 = tpu.matmul %get3A_1, %get3A_4, %dot_general3A {dimension_numbers = #tpu.dot_dimension_numbers<[1], [0], [0], [1], [0, 0, 1, 1], [], []>, transpose_lhs_hint = false} : vector<1024x323xf32>, vector<323x128xf32>, vector<1024x128xf32> -> vector<1024x128xf32>
    %add3A = vector.broadcast %get3A_7 : vector<1x128xf32> to vector<1024x128xf32>
    %add3A_15 = arith.addf %dot_general3A_14, %add3A : vector<1024x128xf32>
    %mul3A = vector.broadcast %get3A_10 : vector<1x128xf32> to vector<1024x128xf32>
    %mul3A_16 = arith.mulf %add3A_15, %mul3A : vector<1024x128xf32>
    %add3A_17 = vector.broadcast %get3A_13 : vector<1x128xf32> to vector<1024x128xf32>
    %add3A_18 = arith.addf %mul3A_16, %add3A_17 : vector<1024x128xf32>
    %max3A = arith.constant 0.000000e+00 : f32
    %max3A_19 = vector.broadcast %max3A : f32 to vector<1024x128xf32>
    %max3A_20 = arith.maximumf %add3A_18, %max3A_19 : vector<1024x128xf32>
    %get3A_21 = arith.constant 0 : index
    %get3A_22 = arith.constant 0 : index
    %get3A_23 = vector.load %arg6[%get3A_21, %get3A_22] : memref<128x128xf32, #tpu.memory_space<vmem>>, vector<128x128xf32>
    %get3A_24 = arith.constant 0 : index
    %get3A_25 = arith.constant 0 : index
    %get3A_26 = vector.load %arg7[%get3A_24, %get3A_25] : memref<1x128xf32, #tpu.memory_space<vmem>>, vector<1x128xf32>
    %get3A_27 = arith.constant 0 : index
    %get3A_28 = arith.constant 0 : index
    %get3A_29 = vector.load %arg8[%get3A_27, %get3A_28] : memref<1x128xf32, #tpu.memory_space<vmem>>, vector<1x128xf32>
    %get3A_30 = arith.constant 0 : index
    %get3A_31 = arith.constant 0 : index
    %get3A_32 = vector.load %arg9[%get3A_30, %get3A_31] : memref<1x128xf32, #tpu.memory_space<vmem>>, vector<1x128xf32>
    %dot_general3A_33 = arith.constant dense<0.000000e+00> : vector<1024x128xf32>
    %dot_general3A_34 = tpu.matmul %max3A_20, %get3A_23, %dot_general3A_33 {dimension_numbers = #tpu.dot_dimension_numbers<[1], [0], [0], [1], [0, 0, 1, 1], [], []>, transpose_lhs_hint = false} : vector<1024x128xf32>, vector<128x128xf32>, vector<1024x128xf32> -> vector<1024x128xf32>
    %add3A_35 = vector.broadcast %get3A_26 : vector<1x128xf32> to vector<1024x128xf32>
    %add3A_36 = arith.addf %dot_general3A_34, %add3A_35 : vector<1024x128xf32>
    %mul3A_37 = vector.broadcast %get3A_29 : vector<1x128xf32> to vector<1024x128xf32>
    %mul3A_38 = arith.mulf %add3A_36, %mul3A_37 : vector<1024x128xf32>
    %add3A_39 = vector.broadcast %get3A_32 : vector<1x128xf32> to vector<1024x128xf32>
    %add3A_40 = arith.addf %mul3A_38, %add3A_39 : vector<1024x128xf32>
    %max3A_41 = arith.constant 0.000000e+00 : f32
    %max3A_42 = vector.broadcast %max3A_41 : f32 to vector<1024x128xf32>
    %max3A_43 = arith.maximumf %add3A_40, %max3A_42 : vector<1024x128xf32>
    %get3A_44 = arith.constant 0 : index
    %get3A_45 = arith.constant 0 : index
    %get3A_46 = vector.load %arg10[%get3A_44, %get3A_45] : memref<128x256xf32, #tpu.memory_space<vmem>>, vector<128x256xf32>
    %get3A_47 = arith.constant 0 : index
    %get3A_48 = arith.constant 0 : index
    %get3A_49 = vector.load %arg11[%get3A_47, %get3A_48] : memref<1x256xf32, #tpu.memory_space<vmem>>, vector<1x256xf32>
    %get3A_50 = arith.constant 0 : index
    %get3A_51 = arith.constant 0 : index
    %get3A_52 = vector.load %arg12[%get3A_50, %get3A_51] : memref<1x256xf32, #tpu.memory_space<vmem>>, vector<1x256xf32>
    %get3A_53 = arith.constant 0 : index
    %get3A_54 = arith.constant 0 : index
    %get3A_55 = vector.load %arg13[%get3A_53, %get3A_54] : memref<1x256xf32, #tpu.memory_space<vmem>>, vector<1x256xf32>
    %dot_general3A_56 = arith.constant dense<0.000000e+00> : vector<1024x256xf32>
    %dot_general3A_57 = tpu.matmul %max3A_43, %get3A_46, %dot_general3A_56 {dimension_numbers = #tpu.dot_dimension_numbers<[1], [0], [0], [1], [0, 0, 1, 1], [], []>, transpose_lhs_hint = false} : vector<1024x128xf32>, vector<128x256xf32>, vector<1024x256xf32> -> vector<1024x256xf32>
    %add3A_58 = vector.broadcast %get3A_49 : vector<1x256xf32> to vector<1024x256xf32>
    %add3A_59 = arith.addf %dot_general3A_57, %add3A_58 : vector<1024x256xf32>
    %mul3A_60 = vector.broadcast %get3A_52 : vector<1x256xf32> to vector<1024x256xf32>
    %mul3A_61 = arith.mulf %add3A_59, %mul3A_60 : vector<1024x256xf32>
    %add3A_62 = vector.broadcast %get3A_55 : vector<1x256xf32> to vector<1024x256xf32>
    %add3A_63 = arith.addf %mul3A_61, %add3A_62 : vector<1024x256xf32>
    %max3A_64 = arith.constant 0.000000e+00 : f32
    %max3A_65 = vector.broadcast %max3A_64 : f32 to vector<1024x256xf32>
    %max3A_66 = arith.maximumf %add3A_63, %max3A_65 : vector<1024x256xf32>
    %slice3A = vector.extract_strided_slice %max3A_66 {offsets = [0, 0], sizes = [64, 256], strides = [1, 1]} : vector<1024x256xf32> to vector<64x256xf32>
    %reduce_max3A = arith.constant dense<0xFF800000> : vector<256xf32>
    %reduce_max3A_67 = vector.multi_reduction <maximumf>, %slice3A, %reduce_max3A [0] : vector<64x256xf32> to vector<256xf32>
    %broadcast_in_dim3A = vector.shape_cast %reduce_max3A_67 : vector<256xf32> to vector<1x256xf32>
    %slice3A_68 = vector.extract_strided_slice %max3A_66 {offsets = [64, 0], sizes = [64, 256], strides = [1, 1]} : vector<1024x256xf32> to vector<64x256xf32>
    %reduce_max3A_69 = arith.constant dense<0xFF800000> : vector<256xf32>
    %reduce_max3A_70 = vector.multi_reduction <maximumf>, %slice3A_68, %reduce_max3A_69 [0] : vector<64x256xf32> to vector<256xf32>
    %broadcast_in_dim3A_71 = vector.shape_cast %reduce_max3A_70 : vector<256xf32> to vector<1x256xf32>
    %slice3A_72 = vector.extract_strided_slice %max3A_66 {offsets = [128, 0], sizes = [64, 256], strides = [1, 1]} : vector<1024x256xf32> to vector<64x256xf32>
    %reduce_max3A_73 = arith.constant dense<0xFF800000> : vector<256xf32>
    %reduce_max3A_74 = vector.multi_reduction <maximumf>, %slice3A_72, %reduce_max3A_73 [0] : vector<64x256xf32> to vector<256xf32>
    %broadcast_in_dim3A_75 = vector.shape_cast %reduce_max3A_74 : vector<256xf32> to vector<1x256xf32>
    %slice3A_76 = vector.extract_strided_slice %max3A_66 {offsets = [192, 0], sizes = [64, 256], strides = [1, 1]} : vector<1024x256xf32> to vector<64x256xf32>
    %reduce_max3A_77 = arith.constant dense<0xFF800000> : vector<256xf32>
    %reduce_max3A_78 = vector.multi_reduction <maximumf>, %slice3A_76, %reduce_max3A_77 [0] : vector<64x256xf32> to vector<256xf32>
    %broadcast_in_dim3A_79 = vector.shape_cast %reduce_max3A_78 : vector<256xf32> to vector<1x256xf32>
    %slice3A_80 = vector.extract_strided_slice %max3A_66 {offsets = [256, 0], sizes = [64, 256], strides = [1, 1]} : vector<1024x256xf32> to vector<64x256xf32>
    %reduce_max3A_81 = arith.constant dense<0xFF800000> : vector<256xf32>
    %reduce_max3A_82 = vector.multi_reduction <maximumf>, %slice3A_80, %reduce_max3A_81 [0] : vector<64x256xf32> to vector<256xf32>
    %broadcast_in_dim3A_83 = vector.shape_cast %reduce_max3A_82 : vector<256xf32> to vector<1x256xf32>
    %slice3A_84 = vector.extract_strided_slice %max3A_66 {offsets = [320, 0], sizes = [64, 256], strides = [1, 1]} : vector<1024x256xf32> to vector<64x256xf32>
    %reduce_max3A_85 = arith.constant dense<0xFF800000> : vector<256xf32>
    %reduce_max3A_86 = vector.multi_reduction <maximumf>, %slice3A_84, %reduce_max3A_85 [0] : vector<64x256xf32> to vector<256xf32>
    %broadcast_in_dim3A_87 = vector.shape_cast %reduce_max3A_86 : vector<256xf32> to vector<1x256xf32>
    %slice3A_88 = vector.extract_strided_slice %max3A_66 {offsets = [384, 0], sizes = [64, 256], strides = [1, 1]} : vector<1024x256xf32> to vector<64x256xf32>
    %reduce_max3A_89 = arith.constant dense<0xFF800000> : vector<256xf32>
    %reduce_max3A_90 = vector.multi_reduction <maximumf>, %slice3A_88, %reduce_max3A_89 [0] : vector<64x256xf32> to vector<256xf32>
    %broadcast_in_dim3A_91 = vector.shape_cast %reduce_max3A_90 : vector<256xf32> to vector<1x256xf32>
    %slice3A_92 = vector.extract_strided_slice %max3A_66 {offsets = [448, 0], sizes = [64, 256], strides = [1, 1]} : vector<1024x256xf32> to vector<64x256xf32>
    %reduce_max3A_93 = arith.constant dense<0xFF800000> : vector<256xf32>
    %reduce_max3A_94 = vector.multi_reduction <maximumf>, %slice3A_92, %reduce_max3A_93 [0] : vector<64x256xf32> to vector<256xf32>
    %broadcast_in_dim3A_95 = vector.shape_cast %reduce_max3A_94 : vector<256xf32> to vector<1x256xf32>
    %slice3A_96 = vector.extract_strided_slice %max3A_66 {offsets = [512, 0], sizes = [64, 256], strides = [1, 1]} : vector<1024x256xf32> to vector<64x256xf32>
    %reduce_max3A_97 = arith.constant dense<0xFF800000> : vector<256xf32>
    %reduce_max3A_98 = vector.multi_reduction <maximumf>, %slice3A_96, %reduce_max3A_97 [0] : vector<64x256xf32> to vector<256xf32>
    %broadcast_in_dim3A_99 = vector.shape_cast %reduce_max3A_98 : vector<256xf32> to vector<1x256xf32>
    %slice3A_100 = vector.extract_strided_slice %max3A_66 {offsets = [576, 0], sizes = [64, 256], strides = [1, 1]} : vector<1024x256xf32> to vector<64x256xf32>
    %reduce_max3A_101 = arith.constant dense<0xFF800000> : vector<256xf32>
    %reduce_max3A_102 = vector.multi_reduction <maximumf>, %slice3A_100, %reduce_max3A_101 [0] : vector<64x256xf32> to vector<256xf32>
    %broadcast_in_dim3A_103 = vector.shape_cast %reduce_max3A_102 : vector<256xf32> to vector<1x256xf32>
    %slice3A_104 = vector.extract_strided_slice %max3A_66 {offsets = [640, 0], sizes = [64, 256], strides = [1, 1]} : vector<1024x256xf32> to vector<64x256xf32>
    %reduce_max3A_105 = arith.constant dense<0xFF800000> : vector<256xf32>
    %reduce_max3A_106 = vector.multi_reduction <maximumf>, %slice3A_104, %reduce_max3A_105 [0] : vector<64x256xf32> to vector<256xf32>
    %broadcast_in_dim3A_107 = vector.shape_cast %reduce_max3A_106 : vector<256xf32> to vector<1x256xf32>
    %slice3A_108 = vector.extract_strided_slice %max3A_66 {offsets = [704, 0], sizes = [64, 256], strides = [1, 1]} : vector<1024x256xf32> to vector<64x256xf32>
    %reduce_max3A_109 = arith.constant dense<0xFF800000> : vector<256xf32>
    %reduce_max3A_110 = vector.multi_reduction <maximumf>, %slice3A_108, %reduce_max3A_109 [0] : vector<64x256xf32> to vector<256xf32>
    %broadcast_in_dim3A_111 = vector.shape_cast %reduce_max3A_110 : vector<256xf32> to vector<1x256xf32>
    %slice3A_112 = vector.extract_strided_slice %max3A_66 {offsets = [768, 0], sizes = [64, 256], strides = [1, 1]} : vector<1024x256xf32> to vector<64x256xf32>
    %reduce_max3A_113 = arith.constant dense<0xFF800000> : vector<256xf32>
    %reduce_max3A_114 = vector.multi_reduction <maximumf>, %slice3A_112, %reduce_max3A_113 [0] : vector<64x256xf32> to vector<256xf32>
    %broadcast_in_dim3A_115 = vector.shape_cast %reduce_max3A_114 : vector<256xf32> to vector<1x256xf32>
    %slice3A_116 = vector.extract_strided_slice %max3A_66 {offsets = [832, 0], sizes = [64, 256], strides = [1, 1]} : vector<1024x256xf32> to vector<64x256xf32>
    %reduce_max3A_117 = arith.constant dense<0xFF800000> : vector<256xf32>
    %reduce_max3A_118 = vector.multi_reduction <maximumf>, %slice3A_116, %reduce_max3A_117 [0] : vector<64x256xf32> to vector<256xf32>
    %broadcast_in_dim3A_119 = vector.shape_cast %reduce_max3A_118 : vector<256xf32> to vector<1x256xf32>
    %slice3A_120 = vector.extract_strided_slice %max3A_66 {offsets = [896, 0], sizes = [64, 256], strides = [1, 1]} : vector<1024x256xf32> to vector<64x256xf32>
    %reduce_max3A_121 = arith.constant dense<0xFF800000> : vector<256xf32>
    %reduce_max3A_122 = vector.multi_reduction <maximumf>, %slice3A_120, %reduce_max3A_121 [0] : vector<64x256xf32> to vector<256xf32>
    %broadcast_in_dim3A_123 = vector.shape_cast %reduce_max3A_122 : vector<256xf32> to vector<1x256xf32>
    %slice3A_124 = vector.extract_strided_slice %max3A_66 {offsets = [960, 0], sizes = [64, 256], strides = [1, 1]} : vector<1024x256xf32> to vector<64x256xf32>
    %reduce_max3A_125 = arith.constant dense<0xFF800000> : vector<256xf32>
    %reduce_max3A_126 = vector.multi_reduction <maximumf>, %slice3A_124, %reduce_max3A_125 [0] : vector<64x256xf32> to vector<256xf32>
    %broadcast_in_dim3A_127 = vector.shape_cast %reduce_max3A_126 : vector<256xf32> to vector<1x256xf32>
    %concatenate3A = tpu.concatenate %broadcast_in_dim3A, %broadcast_in_dim3A_71, %broadcast_in_dim3A_75, %broadcast_in_dim3A_79, %broadcast_in_dim3A_83, %broadcast_in_dim3A_87, %broadcast_in_dim3A_91, %broadcast_in_dim3A_95, %broadcast_in_dim3A_99, %broadcast_in_dim3A_103, %broadcast_in_dim3A_107, %broadcast_in_dim3A_111, %broadcast_in_dim3A_115, %broadcast_in_dim3A_119, %broadcast_in_dim3A_123, %broadcast_in_dim3A_127 in 0 : vector<1x256xf32>, vector<1x256xf32>, vector<1x256xf32>, vector<1x256xf32>, vector<1x256xf32>, vector<1x256xf32>, vector<1x256xf32>, vector<1x256xf32>, vector<1x256xf32>, vector<1x256xf32>, vector<1x256xf32>, vector<1x256xf32>, vector<1x256xf32>, vector<1x256xf32>, vector<1x256xf32>, vector<1x256xf32> -> vector<16x256xf32>
    %swap3A = arith.constant 0 : index
    %swap3A_128 = arith.constant 0 : index
    %swap3A_129 = vector.load %arg14[%swap3A, %swap3A_128] : memref<16x256xf32, #tpu.memory_space<vmem>>, vector<16x256xf32>
    tpu.vector_store %arg14[%swap3A, %swap3A_128], %concatenate3A {strides = array<i32>} : memref<16x256xf32, #tpu.memory_space<vmem>>, vector<16x256xf32>,
    return
  }
  func.func @transform_0(%arg0: i32) -> (i32, i32) {
    %c0_i32 = arith.constant 0 : i32
    %c0_i32_0 = arith.constant 0 : i32
    return %arg0, %c0_i32 : i32, i32
  }
  func.func @transform_1(%arg0: i32) -> (i32, i32) {
    %c0_i32 = arith.constant 0 : i32
    %c0_i32_0 = arith.constant 0 : i32
    %c0_i32_1 = arith.constant 0 : i32
    return %c0_i32, %c0_i32_0 : i32, i32
  }
  func.func @transform_2(%arg0: i32) -> (i32, i32) {
    %c0_i32 = arith.constant 0 : i32
    %c0_i32_0 = arith.constant 0 : i32
    %c0_i32_1 = arith.constant 0 : i32
    return %c0_i32, %c0_i32_0 : i32, i32
  }
  func.func @transform_3(%arg0: i32) -> (i32, i32) {
    %c0_i32 = arith.constant 0 : i32
    %c0_i32_0 = arith.constant 0 : i32
    %c0_i32_1 = arith.constant 0 : i32
    return %c0_i32, %c0_i32_0 : i32, i32
  }
  func.func @transform_4(%arg0: i32) -> (i32, i32) {
    %c0_i32 = arith.constant 0 : i32
    %c0_i32_0 = arith.constant 0 : i32
    %c0_i32_1 = arith.constant 0 : i32
    return %c0_i32, %c0_i32_0 : i32, i32
  }
  func.func @transform_5(%arg0: i32) -> (i32, i32) {
    %c0_i32 = arith.constant 0 : i32
    %c0_i32_0 = arith.constant 0 : i32
    %c0_i32_1 = arith.constant 0 : i32
    return %c0_i32, %c0_i32_0 : i32, i32
  }
  func.func @transform_6(%arg0: i32) -> (i32, i32) {
    %c0_i32 = arith.constant 0 : i32
    %c0_i32_0 = arith.constant 0 : i32
    %c0_i32_1 = arith.constant 0 : i32
    return %c0_i32, %c0_i32_0 : i32, i32
  }
  func.func @transform_7(%arg0: i32) -> (i32, i32) {
    %c0_i32 = arith.constant 0 : i32
    %c0_i32_0 = arith.constant 0 : i32
    %c0_i32_1 = arith.constant 0 : i32
    return %c0_i32, %c0_i32_0 : i32, i32
  }
  func.func @transform_8(%arg0: i32) -> (i32, i32) {
    %c0_i32 = arith.constant 0 : i32
    %c0_i32_0 = arith.constant 0 : i32
    %c0_i32_1 = arith.constant 0 : i32
    return %c0_i32, %c0_i32_0 : i32, i32
  }
  func.func @transform_9(%arg0: i32) -> (i32, i32) {
    %c0_i32 = arith.constant 0 : i32
    %c0_i32_0 = arith.constant 0 : i32
    %c0_i32_1 = arith.constant 0 : i32
    return %c0_i32, %c0_i32_0 : i32, i32
  }
  func.func @transform_10(%arg0: i32) -> (i32, i32) {
    %c0_i32 = arith.constant 0 : i32
    %c0_i32_0 = arith.constant 0 : i32
    %c0_i32_1 = arith.constant 0 : i32
    return %c0_i32, %c0_i32_0 : i32, i32
  }
  func.func @transform_11(%arg0: i32) -> (i32, i32) {
    %c0_i32 = arith.constant 0 : i32
    %c0_i32_0 = arith.constant 0 : i32
    %c0_i32_1 = arith.constant 0 : i32
    return %c0_i32, %c0_i32_0 : i32, i32
  }
  func.func @transform_12(%arg0: i32) -> (i32, i32) {
    %c0_i32 = arith.constant 0 : i32
    %c0_i32_0 = arith.constant 0 : i32
    %c0_i32_1 = arith.constant 0 : i32
    return %c0_i32, %c0_i32_0 : i32, i32
  }
  func.func @transform_13(%arg0: i32) -> (i32, i32) {
    %c0_i32 = arith.constant 0 : i32
    %c0_i32_0 = arith.constant 0 : i32
    return %arg0, %c0_i32 : i32, i32
  }
}

module attributes {stable_mosaic.version = 14 : i64} {
  func.func @_mlp_body(%arg0: i32, %arg1: memref<2048x323xf32, #tpu.memory_space<vmem>>, %arg2: memref<323x128xf32, #tpu.memory_space<vmem>>, %arg3: memref<1x128xf32, #tpu.memory_space<vmem>>, %arg4: memref<1x128xf32, #tpu.memory_space<vmem>>, %arg5: memref<1x128xf32, #tpu.memory_space<vmem>>, %arg6: memref<128x128xf32, #tpu.memory_space<vmem>>, %arg7: memref<1x128xf32, #tpu.memory_space<vmem>>, %arg8: memref<1x128xf32, #tpu.memory_space<vmem>>, %arg9: memref<1x128xf32, #tpu.memory_space<vmem>>, %arg10: memref<128x256xf32, #tpu.memory_space<vmem>>, %arg11: memref<1x256xf32, #tpu.memory_space<vmem>>, %arg12: memref<1x256xf32, #tpu.memory_space<vmem>>, %arg13: memref<1x256xf32, #tpu.memory_space<vmem>>, %arg14: memref<16x256xf32, #tpu.memory_space<vmem>>) attributes {dimension_semantics = [#tpu.dimension_semantics<arbitrary>], iteration_bounds = array<i64: 32>, scalar_prefetch = 0 : i64, scratch_operands = 0 : i64, tpu.core_type = #tpu.core_type<tc>, window_params = [{transform_indices = @transform_0, window_bounds = array<i64: 2048, 323>}, {pipeline_mode = #tpu.pipeline_mode<synchronous>, transform_indices = @transform_1, window_bounds = array<i64: 323, 128>}, {pipeline_mode = #tpu.pipeline_mode<synchronous>, transform_indices = @transform_2, window_bounds = array<i64: 1, 128>}, {pipeline_mode = #tpu.pipeline_mode<synchronous>, transform_indices = @transform_3, window_bounds = array<i64: 1, 128>}, {pipeline_mode = #tpu.pipeline_mode<synchronous>, transform_indices = @transform_4, window_bounds = array<i64: 1, 128>}, {pipeline_mode = #tpu.pipeline_mode<synchronous>, transform_indices = @transform_5, window_bounds = array<i64: 128, 128>}, {pipeline_mode = #tpu.pipeline_mode<synchronous>, transform_indices = @transform_6, window_bounds = array<i64: 1, 128>}, {pipeline_mode = #tpu.pipeline_mode<synchronous>, transform_indices = @transform_7, window_bounds = array<i64: 1, 128>}, {pipeline_mode = #tpu.pipeline_mode<synchronous>, transform_indices = @transform_8, window_bounds = array<i64: 1, 128>}, {pipeline_mode = #tpu.pipeline_mode<synchronous>, transform_indices = @transform_9, window_bounds = array<i64: 128, 256>}, {pipeline_mode = #tpu.pipeline_mode<synchronous>, transform_indices = @transform_10, window_bounds = array<i64: 1, 256>}, {pipeline_mode = #tpu.pipeline_mode<synchronous>, transform_indices = @transform_11, window_bounds = array<i64: 1, 256>}, {pipeline_mode = #tpu.pipeline_mode<synchronous>, transform_indices = @transform_12, window_bounds = array<i64: 1, 256>}, {transform_indices = @transform_13, window_bounds = array<i64: 16, 256>}]} {
    %get3A = arith.constant 0 : index
    %get3A_0 = arith.constant 0 : index
    %get3A_1 = vector.load %arg1[%get3A, %get3A_0] : memref<2048x323xf32, #tpu.memory_space<vmem>>, vector<2048x323xf32>
    %get3A_2 = arith.constant 0 : index
    %get3A_3 = arith.constant 0 : index
    %get3A_4 = vector.load %arg2[%get3A_2, %get3A_3] : memref<323x128xf32, #tpu.memory_space<vmem>>, vector<323x128xf32>
    %get3A_5 = arith.constant 0 : index
    %get3A_6 = arith.constant 0 : index
    %get3A_7 = vector.load %arg3[%get3A_5, %get3A_6] : memref<1x128xf32, #tpu.memory_space<vmem>>, vector<1x128xf32>
    %get3A_8 = arith.constant 0 : index
    %get3A_9 = arith.constant 0 : index
    %get3A_10 = vector.load %arg4[%get3A_8, %get3A_9] : memref<1x128xf32, #tpu.memory_space<vmem>>, vector<1x128xf32>
    %get3A_11 = arith.constant 0 : index
    %get3A_12 = arith.constant 0 : index
    %get3A_13 = vector.load %arg5[%get3A_11, %get3A_12] : memref<1x128xf32, #tpu.memory_space<vmem>>, vector<1x128xf32>
    %dot_general3A = arith.constant dense<0.000000e+00> : vector<2048x128xf32>
    %dot_general3A_14 = tpu.matmul %get3A_1, %get3A_4, %dot_general3A {dimension_numbers = #tpu.dot_dimension_numbers<[1], [0], [0], [1], [0, 0, 1, 1], [], []>, transpose_lhs_hint = false} : vector<2048x323xf32>, vector<323x128xf32>, vector<2048x128xf32> -> vector<2048x128xf32>
    %add3A = vector.broadcast %get3A_7 : vector<1x128xf32> to vector<2048x128xf32>
    %add3A_15 = arith.addf %dot_general3A_14, %add3A : vector<2048x128xf32>
    %mul3A = vector.broadcast %get3A_10 : vector<1x128xf32> to vector<2048x128xf32>
    %mul3A_16 = arith.mulf %add3A_15, %mul3A : vector<2048x128xf32>
    %add3A_17 = vector.broadcast %get3A_13 : vector<1x128xf32> to vector<2048x128xf32>
    %add3A_18 = arith.addf %mul3A_16, %add3A_17 : vector<2048x128xf32>
    %max3A = arith.constant 0.000000e+00 : f32
    %max3A_19 = vector.broadcast %max3A : f32 to vector<2048x128xf32>
    %max3A_20 = arith.maximumf %add3A_18, %max3A_19 : vector<2048x128xf32>
    %get3A_21 = arith.constant 0 : index
    %get3A_22 = arith.constant 0 : index
    %get3A_23 = vector.load %arg6[%get3A_21, %get3A_22] : memref<128x128xf32, #tpu.memory_space<vmem>>, vector<128x128xf32>
    %get3A_24 = arith.constant 0 : index
    %get3A_25 = arith.constant 0 : index
    %get3A_26 = vector.load %arg7[%get3A_24, %get3A_25] : memref<1x128xf32, #tpu.memory_space<vmem>>, vector<1x128xf32>
    %get3A_27 = arith.constant 0 : index
    %get3A_28 = arith.constant 0 : index
    %get3A_29 = vector.load %arg8[%get3A_27, %get3A_28] : memref<1x128xf32, #tpu.memory_space<vmem>>, vector<1x128xf32>
    %get3A_30 = arith.constant 0 : index
    %get3A_31 = arith.constant 0 : index
    %get3A_32 = vector.load %arg9[%get3A_30, %get3A_31] : memref<1x128xf32, #tpu.memory_space<vmem>>, vector<1x128xf32>
    %dot_general3A_33 = arith.constant dense<0.000000e+00> : vector<2048x128xf32>
    %dot_general3A_34 = tpu.matmul %max3A_20, %get3A_23, %dot_general3A_33 {dimension_numbers = #tpu.dot_dimension_numbers<[1], [0], [0], [1], [0, 0, 1, 1], [], []>, transpose_lhs_hint = false} : vector<2048x128xf32>, vector<128x128xf32>, vector<2048x128xf32> -> vector<2048x128xf32>
    %add3A_35 = vector.broadcast %get3A_26 : vector<1x128xf32> to vector<2048x128xf32>
    %add3A_36 = arith.addf %dot_general3A_34, %add3A_35 : vector<2048x128xf32>
    %mul3A_37 = vector.broadcast %get3A_29 : vector<1x128xf32> to vector<2048x128xf32>
    %mul3A_38 = arith.mulf %add3A_36, %mul3A_37 : vector<2048x128xf32>
    %add3A_39 = vector.broadcast %get3A_32 : vector<1x128xf32> to vector<2048x128xf32>
    %add3A_40 = arith.addf %mul3A_38, %add3A_39 : vector<2048x128xf32>
    %max3A_41 = arith.constant 0.000000e+00 : f32
    %max3A_42 = vector.broadcast %max3A_41 : f32 to vector<2048x128xf32>
    %max3A_43 = arith.maximumf %add3A_40, %max3A_42 : vector<2048x128xf32>
    %get3A_44 = arith.constant 0 : index
    %get3A_45 = arith.constant 0 : index
    %get3A_46 = vector.load %arg10[%get3A_44, %get3A_45] : memref<128x256xf32, #tpu.memory_space<vmem>>, vector<128x256xf32>
    %get3A_47 = arith.constant 0 : index
    %get3A_48 = arith.constant 0 : index
    %get3A_49 = vector.load %arg11[%get3A_47, %get3A_48] : memref<1x256xf32, #tpu.memory_space<vmem>>, vector<1x256xf32>
    %get3A_50 = arith.constant 0 : index
    %get3A_51 = arith.constant 0 : index
    %get3A_52 = vector.load %arg12[%get3A_50, %get3A_51] : memref<1x256xf32, #tpu.memory_space<vmem>>, vector<1x256xf32>
    %get3A_53 = arith.constant 0 : index
    %get3A_54 = arith.constant 0 : index
    %get3A_55 = vector.load %arg13[%get3A_53, %get3A_54] : memref<1x256xf32, #tpu.memory_space<vmem>>, vector<1x256xf32>
    %dot_general3A_56 = arith.constant dense<0.000000e+00> : vector<2048x256xf32>
    %dot_general3A_57 = tpu.matmul %max3A_43, %get3A_46, %dot_general3A_56 {dimension_numbers = #tpu.dot_dimension_numbers<[1], [0], [0], [1], [0, 0, 1, 1], [], []>, transpose_lhs_hint = false} : vector<2048x128xf32>, vector<128x256xf32>, vector<2048x256xf32> -> vector<2048x256xf32>
    %add3A_58 = vector.broadcast %get3A_49 : vector<1x256xf32> to vector<2048x256xf32>
    %add3A_59 = arith.addf %dot_general3A_57, %add3A_58 : vector<2048x256xf32>
    %mul3A_60 = vector.broadcast %get3A_52 : vector<1x256xf32> to vector<2048x256xf32>
    %mul3A_61 = arith.mulf %add3A_59, %mul3A_60 : vector<2048x256xf32>
    %add3A_62 = vector.broadcast %get3A_55 : vector<1x256xf32> to vector<2048x256xf32>
    %add3A_63 = arith.addf %mul3A_61, %add3A_62 : vector<2048x256xf32>
    %max3A_64 = arith.constant 0.000000e+00 : f32
    %max3A_65 = vector.broadcast %max3A_64 : f32 to vector<2048x256xf32>
    %max3A_66 = arith.maximumf %add3A_63, %max3A_65 : vector<2048x256xf32>
    %slice3A = vector.extract_strided_slice %max3A_66 {offsets = [0, 0], sizes = [128, 256], strides = [1, 1]} : vector<2048x256xf32> to vector<128x256xf32>
    %reduce_max3A = arith.constant dense<0xFF800000> : vector<256xf32>
    %reduce_max3A_67 = vector.multi_reduction <maximumf>, %slice3A, %reduce_max3A [0] : vector<128x256xf32> to vector<256xf32>
    %broadcast_in_dim3A = vector.shape_cast %reduce_max3A_67 : vector<256xf32> to vector<1x256xf32>
    %slice3A_68 = vector.extract_strided_slice %max3A_66 {offsets = [128, 0], sizes = [128, 256], strides = [1, 1]} : vector<2048x256xf32> to vector<128x256xf32>
    %reduce_max3A_69 = arith.constant dense<0xFF800000> : vector<256xf32>
    %reduce_max3A_70 = vector.multi_reduction <maximumf>, %slice3A_68, %reduce_max3A_69 [0] : vector<128x256xf32> to vector<256xf32>
    %broadcast_in_dim3A_71 = vector.shape_cast %reduce_max3A_70 : vector<256xf32> to vector<1x256xf32>
    %slice3A_72 = vector.extract_strided_slice %max3A_66 {offsets = [256, 0], sizes = [128, 256], strides = [1, 1]} : vector<2048x256xf32> to vector<128x256xf32>
    %reduce_max3A_73 = arith.constant dense<0xFF800000> : vector<256xf32>
    %reduce_max3A_74 = vector.multi_reduction <maximumf>, %slice3A_72, %reduce_max3A_73 [0] : vector<128x256xf32> to vector<256xf32>
    %broadcast_in_dim3A_75 = vector.shape_cast %reduce_max3A_74 : vector<256xf32> to vector<1x256xf32>
    %slice3A_76 = vector.extract_strided_slice %max3A_66 {offsets = [384, 0], sizes = [128, 256], strides = [1, 1]} : vector<2048x256xf32> to vector<128x256xf32>
    %reduce_max3A_77 = arith.constant dense<0xFF800000> : vector<256xf32>
    %reduce_max3A_78 = vector.multi_reduction <maximumf>, %slice3A_76, %reduce_max3A_77 [0] : vector<128x256xf32> to vector<256xf32>
    %broadcast_in_dim3A_79 = vector.shape_cast %reduce_max3A_78 : vector<256xf32> to vector<1x256xf32>
    %slice3A_80 = vector.extract_strided_slice %max3A_66 {offsets = [512, 0], sizes = [128, 256], strides = [1, 1]} : vector<2048x256xf32> to vector<128x256xf32>
    %reduce_max3A_81 = arith.constant dense<0xFF800000> : vector<256xf32>
    %reduce_max3A_82 = vector.multi_reduction <maximumf>, %slice3A_80, %reduce_max3A_81 [0] : vector<128x256xf32> to vector<256xf32>
    %broadcast_in_dim3A_83 = vector.shape_cast %reduce_max3A_82 : vector<256xf32> to vector<1x256xf32>
    %slice3A_84 = vector.extract_strided_slice %max3A_66 {offsets = [640, 0], sizes = [128, 256], strides = [1, 1]} : vector<2048x256xf32> to vector<128x256xf32>
    %reduce_max3A_85 = arith.constant dense<0xFF800000> : vector<256xf32>
    %reduce_max3A_86 = vector.multi_reduction <maximumf>, %slice3A_84, %reduce_max3A_85 [0] : vector<128x256xf32> to vector<256xf32>
    %broadcast_in_dim3A_87 = vector.shape_cast %reduce_max3A_86 : vector<256xf32> to vector<1x256xf32>
    %slice3A_88 = vector.extract_strided_slice %max3A_66 {offsets = [768, 0], sizes = [128, 256], strides = [1, 1]} : vector<2048x256xf32> to vector<128x256xf32>
    %reduce_max3A_89 = arith.constant dense<0xFF800000> : vector<256xf32>
    %reduce_max3A_90 = vector.multi_reduction <maximumf>, %slice3A_88, %reduce_max3A_89 [0] : vector<128x256xf32> to vector<256xf32>
    %broadcast_in_dim3A_91 = vector.shape_cast %reduce_max3A_90 : vector<256xf32> to vector<1x256xf32>
    %slice3A_92 = vector.extract_strided_slice %max3A_66 {offsets = [896, 0], sizes = [128, 256], strides = [1, 1]} : vector<2048x256xf32> to vector<128x256xf32>
    %reduce_max3A_93 = arith.constant dense<0xFF800000> : vector<256xf32>
    %reduce_max3A_94 = vector.multi_reduction <maximumf>, %slice3A_92, %reduce_max3A_93 [0] : vector<128x256xf32> to vector<256xf32>
    %broadcast_in_dim3A_95 = vector.shape_cast %reduce_max3A_94 : vector<256xf32> to vector<1x256xf32>
    %slice3A_96 = vector.extract_strided_slice %max3A_66 {offsets = [1024, 0], sizes = [128, 256], strides = [1, 1]} : vector<2048x256xf32> to vector<128x256xf32>
    %reduce_max3A_97 = arith.constant dense<0xFF800000> : vector<256xf32>
    %reduce_max3A_98 = vector.multi_reduction <maximumf>, %slice3A_96, %reduce_max3A_97 [0] : vector<128x256xf32> to vector<256xf32>
    %broadcast_in_dim3A_99 = vector.shape_cast %reduce_max3A_98 : vector<256xf32> to vector<1x256xf32>
    %slice3A_100 = vector.extract_strided_slice %max3A_66 {offsets = [1152, 0], sizes = [128, 256], strides = [1, 1]} : vector<2048x256xf32> to vector<128x256xf32>
    %reduce_max3A_101 = arith.constant dense<0xFF800000> : vector<256xf32>
    %reduce_max3A_102 = vector.multi_reduction <maximumf>, %slice3A_100, %reduce_max3A_101 [0] : vector<128x256xf32> to vector<256xf32>
    %broadcast_in_dim3A_103 = vector.shape_cast %reduce_max3A_102 : vector<256xf32> to vector<1x256xf32>
    %slice3A_104 = vector.extract_strided_slice %max3A_66 {offsets = [1280, 0], sizes = [128, 256], strides = [1, 1]} : vector<2048x256xf32> to vector<128x256xf32>
    %reduce_max3A_105 = arith.constant dense<0xFF800000> : vector<256xf32>
    %reduce_max3A_106 = vector.multi_reduction <maximumf>, %slice3A_104, %reduce_max3A_105 [0] : vector<128x256xf32> to vector<256xf32>
    %broadcast_in_dim3A_107 = vector.shape_cast %reduce_max3A_106 : vector<256xf32> to vector<1x256xf32>
    %slice3A_108 = vector.extract_strided_slice %max3A_66 {offsets = [1408, 0], sizes = [128, 256], strides = [1, 1]} : vector<2048x256xf32> to vector<128x256xf32>
    %reduce_max3A_109 = arith.constant dense<0xFF800000> : vector<256xf32>
    %reduce_max3A_110 = vector.multi_reduction <maximumf>, %slice3A_108, %reduce_max3A_109 [0] : vector<128x256xf32> to vector<256xf32>
    %broadcast_in_dim3A_111 = vector.shape_cast %reduce_max3A_110 : vector<256xf32> to vector<1x256xf32>
    %slice3A_112 = vector.extract_strided_slice %max3A_66 {offsets = [1536, 0], sizes = [128, 256], strides = [1, 1]} : vector<2048x256xf32> to vector<128x256xf32>
    %reduce_max3A_113 = arith.constant dense<0xFF800000> : vector<256xf32>
    %reduce_max3A_114 = vector.multi_reduction <maximumf>, %slice3A_112, %reduce_max3A_113 [0] : vector<128x256xf32> to vector<256xf32>
    %broadcast_in_dim3A_115 = vector.shape_cast %reduce_max3A_114 : vector<256xf32> to vector<1x256xf32>
    %slice3A_116 = vector.extract_strided_slice %max3A_66 {offsets = [1664, 0], sizes = [128, 256], strides = [1, 1]} : vector<2048x256xf32> to vector<128x256xf32>
    %reduce_max3A_117 = arith.constant dense<0xFF800000> : vector<256xf32>
    %reduce_max3A_118 = vector.multi_reduction <maximumf>, %slice3A_116, %reduce_max3A_117 [0] : vector<128x256xf32> to vector<256xf32>
    %broadcast_in_dim3A_119 = vector.shape_cast %reduce_max3A_118 : vector<256xf32> to vector<1x256xf32>
    %slice3A_120 = vector.extract_strided_slice %max3A_66 {offsets = [1792, 0], sizes = [128, 256], strides = [1, 1]} : vector<2048x256xf32> to vector<128x256xf32>
    %reduce_max3A_121 = arith.constant dense<0xFF800000> : vector<256xf32>
    %reduce_max3A_122 = vector.multi_reduction <maximumf>, %slice3A_120, %reduce_max3A_121 [0] : vector<128x256xf32> to vector<256xf32>
    %broadcast_in_dim3A_123 = vector.shape_cast %reduce_max3A_122 : vector<256xf32> to vector<1x256xf32>
    %slice3A_124 = vector.extract_strided_slice %max3A_66 {offsets = [1920, 0], sizes = [128, 256], strides = [1, 1]} : vector<2048x256xf32> to vector<128x256xf32>
    %reduce_max3A_125 = arith.constant dense<0xFF800000> : vector<256xf32>
    %reduce_max3A_126 = vector.multi_reduction <maximumf>, %slice3A_124, %reduce_max3A_125 [0] : vector<128x256xf32> to vector<256xf32>
    %broadcast_in_dim3A_127 = vector.shape_cast %reduce_max3A_126 : vector<256xf32> to vector<1x256xf32>
    %concatenate3A = tpu.concatenate %broadcast_in_dim3A, %broadcast_in_dim3A_71, %broadcast_in_dim3A_75, %broadcast_in_dim3A_79, %broadcast_in_dim3A_83, %broadcast_in_dim3A_87, %broadcast_in_dim3A_91, %broadcast_in_dim3A_95, %broadcast_in_dim3A_99, %broadcast_in_dim3A_103, %broadcast_in_dim3A_107, %broadcast_in_dim3A_111, %broadcast_in_dim3A_115, %broadcast_in_dim3A_119, %broadcast_in_dim3A_123, %broadcast_in_dim3A_127 in 0 : vector<1x256xf32>, vector<1x256xf32>, vector<1x256xf32>, vector<1x256xf32>, vector<1x256xf32>, vector<1x256xf32>, vector<1x256xf32>, vector<1x256xf32>, vector<1x256xf32>, vector<1x256xf32>, vector<1x256xf32>, vector<1x256xf32>, vector<1x256xf32>, vector<1x256xf32>, vector<1x256xf32>, vector<1x256xf32> -> vector<16x256xf32>
    %swap3A = arith.constant 0 : index
    %swap3A_128 = arith.constant 0 : index
    %swap3A_129 = vector.load %arg14[%swap3A, %swap3A_128] : memref<16x256xf32, #tpu.memory_space<vmem>>, vector<16x256xf32>
    tpu.vector_store %arg14[%swap3A, %swap3A_128], %concatenate3A {strides = array<i32>} : memref<16x256xf32, #tpu.memory_space<vmem>>, vector<16x256xf32>,
    return
  }
  func.func @transform_0(%arg0: i32) -> (i32, i32) {
    %c0_i32 = arith.constant 0 : i32
    %c0_i32_0 = arith.constant 0 : i32
    return %arg0, %c0_i32 : i32, i32
  }
  func.func @transform_1(%arg0: i32) -> (i32, i32) {
    %c0_i32 = arith.constant 0 : i32
    %c0_i32_0 = arith.constant 0 : i32
    %c0_i32_1 = arith.constant 0 : i32
    return %c0_i32, %c0_i32_0 : i32, i32
  }
  func.func @transform_2(%arg0: i32) -> (i32, i32) {
    %c0_i32 = arith.constant 0 : i32
    %c0_i32_0 = arith.constant 0 : i32
    %c0_i32_1 = arith.constant 0 : i32
    return %c0_i32, %c0_i32_0 : i32, i32
  }
  func.func @transform_3(%arg0: i32) -> (i32, i32) {
    %c0_i32 = arith.constant 0 : i32
    %c0_i32_0 = arith.constant 0 : i32
    %c0_i32_1 = arith.constant 0 : i32
    return %c0_i32, %c0_i32_0 : i32, i32
  }
  func.func @transform_4(%arg0: i32) -> (i32, i32) {
    %c0_i32 = arith.constant 0 : i32
    %c0_i32_0 = arith.constant 0 : i32
    %c0_i32_1 = arith.constant 0 : i32
    return %c0_i32, %c0_i32_0 : i32, i32
  }
  func.func @transform_5(%arg0: i32) -> (i32, i32) {
    %c0_i32 = arith.constant 0 : i32
    %c0_i32_0 = arith.constant 0 : i32
    %c0_i32_1 = arith.constant 0 : i32
    return %c0_i32, %c0_i32_0 : i32, i32
  }
  func.func @transform_6(%arg0: i32) -> (i32, i32) {
    %c0_i32 = arith.constant 0 : i32
    %c0_i32_0 = arith.constant 0 : i32
    %c0_i32_1 = arith.constant 0 : i32
    return %c0_i32, %c0_i32_0 : i32, i32
  }
  func.func @transform_7(%arg0: i32) -> (i32, i32) {
    %c0_i32 = arith.constant 0 : i32
    %c0_i32_0 = arith.constant 0 : i32
    %c0_i32_1 = arith.constant 0 : i32
    return %c0_i32, %c0_i32_0 : i32, i32
  }
  func.func @transform_8(%arg0: i32) -> (i32, i32) {
    %c0_i32 = arith.constant 0 : i32
    %c0_i32_0 = arith.constant 0 : i32
    %c0_i32_1 = arith.constant 0 : i32
    return %c0_i32, %c0_i32_0 : i32, i32
  }
  func.func @transform_9(%arg0: i32) -> (i32, i32) {
    %c0_i32 = arith.constant 0 : i32
    %c0_i32_0 = arith.constant 0 : i32
    %c0_i32_1 = arith.constant 0 : i32
    return %c0_i32, %c0_i32_0 : i32, i32
  }
  func.func @transform_10(%arg0: i32) -> (i32, i32) {
    %c0_i32 = arith.constant 0 : i32
    %c0_i32_0 = arith.constant 0 : i32
    %c0_i32_1 = arith.constant 0 : i32
    return %c0_i32, %c0_i32_0 : i32, i32
  }
  func.func @transform_11(%arg0: i32) -> (i32, i32) {
    %c0_i32 = arith.constant 0 : i32
    %c0_i32_0 = arith.constant 0 : i32
    %c0_i32_1 = arith.constant 0 : i32
    return %c0_i32, %c0_i32_0 : i32, i32
  }
  func.func @transform_12(%arg0: i32) -> (i32, i32) {
    %c0_i32 = arith.constant 0 : i32
    %c0_i32_0 = arith.constant 0 : i32
    %c0_i32_1 = arith.constant 0 : i32
    return %c0_i32, %c0_i32_0 : i32, i32
  }
  func.func @transform_13(%arg0: i32) -> (i32, i32) {
    %c0_i32 = arith.constant 0 : i32
    %c0_i32_0 = arith.constant 0 : i32
    return %arg0, %c0_i32 : i32, i32
  }
}

module attributes {stable_mosaic.version = 14 : i64} {
  func.func @_mlp_body(%arg0: i32, %arg1: memref<1024x643xf32, #tpu.memory_space<vmem>>, %arg2: memref<643x64xf32, #tpu.memory_space<vmem>>, %arg3: memref<1x64xf32, #tpu.memory_space<vmem>>, %arg4: memref<1x64xf32, #tpu.memory_space<vmem>>, %arg5: memref<1x64xf32, #tpu.memory_space<vmem>>, %arg6: memref<64x64xf32, #tpu.memory_space<vmem>>, %arg7: memref<1x64xf32, #tpu.memory_space<vmem>>, %arg8: memref<1x64xf32, #tpu.memory_space<vmem>>, %arg9: memref<1x64xf32, #tpu.memory_space<vmem>>, %arg10: memref<64x128xf32, #tpu.memory_space<vmem>>, %arg11: memref<1x128xf32, #tpu.memory_space<vmem>>, %arg12: memref<1x128xf32, #tpu.memory_space<vmem>>, %arg13: memref<1x128xf32, #tpu.memory_space<vmem>>, %arg14: memref<16x128xf32, #tpu.memory_space<vmem>>) attributes {dimension_semantics = [#tpu.dimension_semantics<arbitrary>], iteration_bounds = array<i64: 8>, scalar_prefetch = 0 : i64, scratch_operands = 0 : i64, tpu.core_type = #tpu.core_type<tc>, window_params = [{transform_indices = @transform_0, window_bounds = array<i64: 1024, 643>}, {pipeline_mode = #tpu.pipeline_mode<synchronous>, transform_indices = @transform_1, window_bounds = array<i64: 643, 64>}, {pipeline_mode = #tpu.pipeline_mode<synchronous>, transform_indices = @transform_2, window_bounds = array<i64: 1, 64>}, {pipeline_mode = #tpu.pipeline_mode<synchronous>, transform_indices = @transform_3, window_bounds = array<i64: 1, 64>}, {pipeline_mode = #tpu.pipeline_mode<synchronous>, transform_indices = @transform_4, window_bounds = array<i64: 1, 64>}, {pipeline_mode = #tpu.pipeline_mode<synchronous>, transform_indices = @transform_5, window_bounds = array<i64: 64, 64>}, {pipeline_mode = #tpu.pipeline_mode<synchronous>, transform_indices = @transform_6, window_bounds = array<i64: 1, 64>}, {pipeline_mode = #tpu.pipeline_mode<synchronous>, transform_indices = @transform_7, window_bounds = array<i64: 1, 64>}, {pipeline_mode = #tpu.pipeline_mode<synchronous>, transform_indices = @transform_8, window_bounds = array<i64: 1, 64>}, {pipeline_mode = #tpu.pipeline_mode<synchronous>, transform_indices = @transform_9, window_bounds = array<i64: 64, 128>}, {pipeline_mode = #tpu.pipeline_mode<synchronous>, transform_indices = @transform_10, window_bounds = array<i64: 1, 128>}, {pipeline_mode = #tpu.pipeline_mode<synchronous>, transform_indices = @transform_11, window_bounds = array<i64: 1, 128>}, {pipeline_mode = #tpu.pipeline_mode<synchronous>, transform_indices = @transform_12, window_bounds = array<i64: 1, 128>}, {transform_indices = @transform_13, window_bounds = array<i64: 16, 128>}]} {
    %get3A = arith.constant 0 : index
    %get3A_0 = arith.constant 0 : index
    %get3A_1 = vector.load %arg1[%get3A, %get3A_0] : memref<1024x643xf32, #tpu.memory_space<vmem>>, vector<1024x643xf32>
    %get3A_2 = arith.constant 0 : index
    %get3A_3 = arith.constant 0 : index
    %get3A_4 = vector.load %arg2[%get3A_2, %get3A_3] : memref<643x64xf32, #tpu.memory_space<vmem>>, vector<643x64xf32>
    %get3A_5 = arith.constant 0 : index
    %get3A_6 = arith.constant 0 : index
    %get3A_7 = vector.load %arg3[%get3A_5, %get3A_6] : memref<1x64xf32, #tpu.memory_space<vmem>>, vector<1x64xf32>
    %get3A_8 = arith.constant 0 : index
    %get3A_9 = arith.constant 0 : index
    %get3A_10 = vector.load %arg4[%get3A_8, %get3A_9] : memref<1x64xf32, #tpu.memory_space<vmem>>, vector<1x64xf32>
    %get3A_11 = arith.constant 0 : index
    %get3A_12 = arith.constant 0 : index
    %get3A_13 = vector.load %arg5[%get3A_11, %get3A_12] : memref<1x64xf32, #tpu.memory_space<vmem>>, vector<1x64xf32>
    %dot_general3A = arith.constant dense<0.000000e+00> : vector<1024x64xf32>
    %dot_general3A_14 = tpu.matmul %get3A_1, %get3A_4, %dot_general3A {dimension_numbers = #tpu.dot_dimension_numbers<[1], [0], [0], [1], [0, 0, 1, 1], [], []>, transpose_lhs_hint = false} : vector<1024x643xf32>, vector<643x64xf32>, vector<1024x64xf32> -> vector<1024x64xf32>
    %add3A = vector.broadcast %get3A_7 : vector<1x64xf32> to vector<1024x64xf32>
    %add3A_15 = arith.addf %dot_general3A_14, %add3A : vector<1024x64xf32>
    %mul3A = vector.broadcast %get3A_10 : vector<1x64xf32> to vector<1024x64xf32>
    %mul3A_16 = arith.mulf %add3A_15, %mul3A : vector<1024x64xf32>
    %add3A_17 = vector.broadcast %get3A_13 : vector<1x64xf32> to vector<1024x64xf32>
    %add3A_18 = arith.addf %mul3A_16, %add3A_17 : vector<1024x64xf32>
    %max3A = arith.constant 0.000000e+00 : f32
    %max3A_19 = vector.broadcast %max3A : f32 to vector<1024x64xf32>
    %max3A_20 = arith.maximumf %add3A_18, %max3A_19 : vector<1024x64xf32>
    %get3A_21 = arith.constant 0 : index
    %get3A_22 = arith.constant 0 : index
    %get3A_23 = vector.load %arg6[%get3A_21, %get3A_22] : memref<64x64xf32, #tpu.memory_space<vmem>>, vector<64x64xf32>
    %get3A_24 = arith.constant 0 : index
    %get3A_25 = arith.constant 0 : index
    %get3A_26 = vector.load %arg7[%get3A_24, %get3A_25] : memref<1x64xf32, #tpu.memory_space<vmem>>, vector<1x64xf32>
    %get3A_27 = arith.constant 0 : index
    %get3A_28 = arith.constant 0 : index
    %get3A_29 = vector.load %arg8[%get3A_27, %get3A_28] : memref<1x64xf32, #tpu.memory_space<vmem>>, vector<1x64xf32>
    %get3A_30 = arith.constant 0 : index
    %get3A_31 = arith.constant 0 : index
    %get3A_32 = vector.load %arg9[%get3A_30, %get3A_31] : memref<1x64xf32, #tpu.memory_space<vmem>>, vector<1x64xf32>
    %dot_general3A_33 = arith.constant dense<0.000000e+00> : vector<1024x64xf32>
    %dot_general3A_34 = tpu.matmul %max3A_20, %get3A_23, %dot_general3A_33 {dimension_numbers = #tpu.dot_dimension_numbers<[1], [0], [0], [1], [0, 0, 1, 1], [], []>, transpose_lhs_hint = false} : vector<1024x64xf32>, vector<64x64xf32>, vector<1024x64xf32> -> vector<1024x64xf32>
    %add3A_35 = vector.broadcast %get3A_26 : vector<1x64xf32> to vector<1024x64xf32>
    %add3A_36 = arith.addf %dot_general3A_34, %add3A_35 : vector<1024x64xf32>
    %mul3A_37 = vector.broadcast %get3A_29 : vector<1x64xf32> to vector<1024x64xf32>
    %mul3A_38 = arith.mulf %add3A_36, %mul3A_37 : vector<1024x64xf32>
    %add3A_39 = vector.broadcast %get3A_32 : vector<1x64xf32> to vector<1024x64xf32>
    %add3A_40 = arith.addf %mul3A_38, %add3A_39 : vector<1024x64xf32>
    %max3A_41 = arith.constant 0.000000e+00 : f32
    %max3A_42 = vector.broadcast %max3A_41 : f32 to vector<1024x64xf32>
    %max3A_43 = arith.maximumf %add3A_40, %max3A_42 : vector<1024x64xf32>
    %get3A_44 = arith.constant 0 : index
    %get3A_45 = arith.constant 0 : index
    %get3A_46 = vector.load %arg10[%get3A_44, %get3A_45] : memref<64x128xf32, #tpu.memory_space<vmem>>, vector<64x128xf32>
    %get3A_47 = arith.constant 0 : index
    %get3A_48 = arith.constant 0 : index
    %get3A_49 = vector.load %arg11[%get3A_47, %get3A_48] : memref<1x128xf32, #tpu.memory_space<vmem>>, vector<1x128xf32>
    %get3A_50 = arith.constant 0 : index
    %get3A_51 = arith.constant 0 : index
    %get3A_52 = vector.load %arg12[%get3A_50, %get3A_51] : memref<1x128xf32, #tpu.memory_space<vmem>>, vector<1x128xf32>
    %get3A_53 = arith.constant 0 : index
    %get3A_54 = arith.constant 0 : index
    %get3A_55 = vector.load %arg13[%get3A_53, %get3A_54] : memref<1x128xf32, #tpu.memory_space<vmem>>, vector<1x128xf32>
    %dot_general3A_56 = arith.constant dense<0.000000e+00> : vector<1024x128xf32>
    %dot_general3A_57 = tpu.matmul %max3A_43, %get3A_46, %dot_general3A_56 {dimension_numbers = #tpu.dot_dimension_numbers<[1], [0], [0], [1], [0, 0, 1, 1], [], []>, transpose_lhs_hint = false} : vector<1024x64xf32>, vector<64x128xf32>, vector<1024x128xf32> -> vector<1024x128xf32>
    %add3A_58 = vector.broadcast %get3A_49 : vector<1x128xf32> to vector<1024x128xf32>
    %add3A_59 = arith.addf %dot_general3A_57, %add3A_58 : vector<1024x128xf32>
    %mul3A_60 = vector.broadcast %get3A_52 : vector<1x128xf32> to vector<1024x128xf32>
    %mul3A_61 = arith.mulf %add3A_59, %mul3A_60 : vector<1024x128xf32>
    %add3A_62 = vector.broadcast %get3A_55 : vector<1x128xf32> to vector<1024x128xf32>
    %add3A_63 = arith.addf %mul3A_61, %add3A_62 : vector<1024x128xf32>
    %max3A_64 = arith.constant 0.000000e+00 : f32
    %max3A_65 = vector.broadcast %max3A_64 : f32 to vector<1024x128xf32>
    %max3A_66 = arith.maximumf %add3A_63, %max3A_65 : vector<1024x128xf32>
    %slice3A = vector.extract_strided_slice %max3A_66 {offsets = [0, 0], sizes = [64, 128], strides = [1, 1]} : vector<1024x128xf32> to vector<64x128xf32>
    %reduce_max3A = arith.constant dense<0xFF800000> : vector<128xf32>
    %reduce_max3A_67 = vector.multi_reduction <maximumf>, %slice3A, %reduce_max3A [0] : vector<64x128xf32> to vector<128xf32>
    %broadcast_in_dim3A = vector.shape_cast %reduce_max3A_67 : vector<128xf32> to vector<1x128xf32>
    %slice3A_68 = vector.extract_strided_slice %max3A_66 {offsets = [64, 0], sizes = [64, 128], strides = [1, 1]} : vector<1024x128xf32> to vector<64x128xf32>
    %reduce_max3A_69 = arith.constant dense<0xFF800000> : vector<128xf32>
    %reduce_max3A_70 = vector.multi_reduction <maximumf>, %slice3A_68, %reduce_max3A_69 [0] : vector<64x128xf32> to vector<128xf32>
    %broadcast_in_dim3A_71 = vector.shape_cast %reduce_max3A_70 : vector<128xf32> to vector<1x128xf32>
    %slice3A_72 = vector.extract_strided_slice %max3A_66 {offsets = [128, 0], sizes = [64, 128], strides = [1, 1]} : vector<1024x128xf32> to vector<64x128xf32>
    %reduce_max3A_73 = arith.constant dense<0xFF800000> : vector<128xf32>
    %reduce_max3A_74 = vector.multi_reduction <maximumf>, %slice3A_72, %reduce_max3A_73 [0] : vector<64x128xf32> to vector<128xf32>
    %broadcast_in_dim3A_75 = vector.shape_cast %reduce_max3A_74 : vector<128xf32> to vector<1x128xf32>
    %slice3A_76 = vector.extract_strided_slice %max3A_66 {offsets = [192, 0], sizes = [64, 128], strides = [1, 1]} : vector<1024x128xf32> to vector<64x128xf32>
    %reduce_max3A_77 = arith.constant dense<0xFF800000> : vector<128xf32>
    %reduce_max3A_78 = vector.multi_reduction <maximumf>, %slice3A_76, %reduce_max3A_77 [0] : vector<64x128xf32> to vector<128xf32>
    %broadcast_in_dim3A_79 = vector.shape_cast %reduce_max3A_78 : vector<128xf32> to vector<1x128xf32>
    %slice3A_80 = vector.extract_strided_slice %max3A_66 {offsets = [256, 0], sizes = [64, 128], strides = [1, 1]} : vector<1024x128xf32> to vector<64x128xf32>
    %reduce_max3A_81 = arith.constant dense<0xFF800000> : vector<128xf32>
    %reduce_max3A_82 = vector.multi_reduction <maximumf>, %slice3A_80, %reduce_max3A_81 [0] : vector<64x128xf32> to vector<128xf32>
    %broadcast_in_dim3A_83 = vector.shape_cast %reduce_max3A_82 : vector<128xf32> to vector<1x128xf32>
    %slice3A_84 = vector.extract_strided_slice %max3A_66 {offsets = [320, 0], sizes = [64, 128], strides = [1, 1]} : vector<1024x128xf32> to vector<64x128xf32>
    %reduce_max3A_85 = arith.constant dense<0xFF800000> : vector<128xf32>
    %reduce_max3A_86 = vector.multi_reduction <maximumf>, %slice3A_84, %reduce_max3A_85 [0] : vector<64x128xf32> to vector<128xf32>
    %broadcast_in_dim3A_87 = vector.shape_cast %reduce_max3A_86 : vector<128xf32> to vector<1x128xf32>
    %slice3A_88 = vector.extract_strided_slice %max3A_66 {offsets = [384, 0], sizes = [64, 128], strides = [1, 1]} : vector<1024x128xf32> to vector<64x128xf32>
    %reduce_max3A_89 = arith.constant dense<0xFF800000> : vector<128xf32>
    %reduce_max3A_90 = vector.multi_reduction <maximumf>, %slice3A_88, %reduce_max3A_89 [0] : vector<64x128xf32> to vector<128xf32>
    %broadcast_in_dim3A_91 = vector.shape_cast %reduce_max3A_90 : vector<128xf32> to vector<1x128xf32>
    %slice3A_92 = vector.extract_strided_slice %max3A_66 {offsets = [448, 0], sizes = [64, 128], strides = [1, 1]} : vector<1024x128xf32> to vector<64x128xf32>
    %reduce_max3A_93 = arith.constant dense<0xFF800000> : vector<128xf32>
    %reduce_max3A_94 = vector.multi_reduction <maximumf>, %slice3A_92, %reduce_max3A_93 [0] : vector<64x128xf32> to vector<128xf32>
    %broadcast_in_dim3A_95 = vector.shape_cast %reduce_max3A_94 : vector<128xf32> to vector<1x128xf32>
    %slice3A_96 = vector.extract_strided_slice %max3A_66 {offsets = [512, 0], sizes = [64, 128], strides = [1, 1]} : vector<1024x128xf32> to vector<64x128xf32>
    %reduce_max3A_97 = arith.constant dense<0xFF800000> : vector<128xf32>
    %reduce_max3A_98 = vector.multi_reduction <maximumf>, %slice3A_96, %reduce_max3A_97 [0] : vector<64x128xf32> to vector<128xf32>
    %broadcast_in_dim3A_99 = vector.shape_cast %reduce_max3A_98 : vector<128xf32> to vector<1x128xf32>
    %slice3A_100 = vector.extract_strided_slice %max3A_66 {offsets = [576, 0], sizes = [64, 128], strides = [1, 1]} : vector<1024x128xf32> to vector<64x128xf32>
    %reduce_max3A_101 = arith.constant dense<0xFF800000> : vector<128xf32>
    %reduce_max3A_102 = vector.multi_reduction <maximumf>, %slice3A_100, %reduce_max3A_101 [0] : vector<64x128xf32> to vector<128xf32>
    %broadcast_in_dim3A_103 = vector.shape_cast %reduce_max3A_102 : vector<128xf32> to vector<1x128xf32>
    %slice3A_104 = vector.extract_strided_slice %max3A_66 {offsets = [640, 0], sizes = [64, 128], strides = [1, 1]} : vector<1024x128xf32> to vector<64x128xf32>
    %reduce_max3A_105 = arith.constant dense<0xFF800000> : vector<128xf32>
    %reduce_max3A_106 = vector.multi_reduction <maximumf>, %slice3A_104, %reduce_max3A_105 [0] : vector<64x128xf32> to vector<128xf32>
    %broadcast_in_dim3A_107 = vector.shape_cast %reduce_max3A_106 : vector<128xf32> to vector<1x128xf32>
    %slice3A_108 = vector.extract_strided_slice %max3A_66 {offsets = [704, 0], sizes = [64, 128], strides = [1, 1]} : vector<1024x128xf32> to vector<64x128xf32>
    %reduce_max3A_109 = arith.constant dense<0xFF800000> : vector<128xf32>
    %reduce_max3A_110 = vector.multi_reduction <maximumf>, %slice3A_108, %reduce_max3A_109 [0] : vector<64x128xf32> to vector<128xf32>
    %broadcast_in_dim3A_111 = vector.shape_cast %reduce_max3A_110 : vector<128xf32> to vector<1x128xf32>
    %slice3A_112 = vector.extract_strided_slice %max3A_66 {offsets = [768, 0], sizes = [64, 128], strides = [1, 1]} : vector<1024x128xf32> to vector<64x128xf32>
    %reduce_max3A_113 = arith.constant dense<0xFF800000> : vector<128xf32>
    %reduce_max3A_114 = vector.multi_reduction <maximumf>, %slice3A_112, %reduce_max3A_113 [0] : vector<64x128xf32> to vector<128xf32>
    %broadcast_in_dim3A_115 = vector.shape_cast %reduce_max3A_114 : vector<128xf32> to vector<1x128xf32>
    %slice3A_116 = vector.extract_strided_slice %max3A_66 {offsets = [832, 0], sizes = [64, 128], strides = [1, 1]} : vector<1024x128xf32> to vector<64x128xf32>
    %reduce_max3A_117 = arith.constant dense<0xFF800000> : vector<128xf32>
    %reduce_max3A_118 = vector.multi_reduction <maximumf>, %slice3A_116, %reduce_max3A_117 [0] : vector<64x128xf32> to vector<128xf32>
    %broadcast_in_dim3A_119 = vector.shape_cast %reduce_max3A_118 : vector<128xf32> to vector<1x128xf32>
    %slice3A_120 = vector.extract_strided_slice %max3A_66 {offsets = [896, 0], sizes = [64, 128], strides = [1, 1]} : vector<1024x128xf32> to vector<64x128xf32>
    %reduce_max3A_121 = arith.constant dense<0xFF800000> : vector<128xf32>
    %reduce_max3A_122 = vector.multi_reduction <maximumf>, %slice3A_120, %reduce_max3A_121 [0] : vector<64x128xf32> to vector<128xf32>
    %broadcast_in_dim3A_123 = vector.shape_cast %reduce_max3A_122 : vector<128xf32> to vector<1x128xf32>
    %slice3A_124 = vector.extract_strided_slice %max3A_66 {offsets = [960, 0], sizes = [64, 128], strides = [1, 1]} : vector<1024x128xf32> to vector<64x128xf32>
    %reduce_max3A_125 = arith.constant dense<0xFF800000> : vector<128xf32>
    %reduce_max3A_126 = vector.multi_reduction <maximumf>, %slice3A_124, %reduce_max3A_125 [0] : vector<64x128xf32> to vector<128xf32>
    %broadcast_in_dim3A_127 = vector.shape_cast %reduce_max3A_126 : vector<128xf32> to vector<1x128xf32>
    %concatenate3A = tpu.concatenate %broadcast_in_dim3A, %broadcast_in_dim3A_71, %broadcast_in_dim3A_75, %broadcast_in_dim3A_79, %broadcast_in_dim3A_83, %broadcast_in_dim3A_87, %broadcast_in_dim3A_91, %broadcast_in_dim3A_95, %broadcast_in_dim3A_99, %broadcast_in_dim3A_103, %broadcast_in_dim3A_107, %broadcast_in_dim3A_111, %broadcast_in_dim3A_115, %broadcast_in_dim3A_119, %broadcast_in_dim3A_123, %broadcast_in_dim3A_127 in 0 : vector<1x128xf32>, vector<1x128xf32>, vector<1x128xf32>, vector<1x128xf32>, vector<1x128xf32>, vector<1x128xf32>, vector<1x128xf32>, vector<1x128xf32>, vector<1x128xf32>, vector<1x128xf32>, vector<1x128xf32>, vector<1x128xf32>, vector<1x128xf32>, vector<1x128xf32>, vector<1x128xf32>, vector<1x128xf32> -> vector<16x128xf32>
    %swap3A = arith.constant 0 : index
    %swap3A_128 = arith.constant 0 : index
    %swap3A_129 = vector.load %arg14[%swap3A, %swap3A_128] : memref<16x128xf32, #tpu.memory_space<vmem>>, vector<16x128xf32>
    tpu.vector_store %arg14[%swap3A, %swap3A_128], %concatenate3A {strides = array<i32>} : memref<16x128xf32, #tpu.memory_space<vmem>>, vector<16x128xf32>,
    return
  }
  func.func @transform_0(%arg0: i32) -> (i32, i32) {
    %c0_i32 = arith.constant 0 : i32
    %c0_i32_0 = arith.constant 0 : i32
    return %arg0, %c0_i32 : i32, i32
  }
  func.func @transform_1(%arg0: i32) -> (i32, i32) {
    %c0_i32 = arith.constant 0 : i32
    %c0_i32_0 = arith.constant 0 : i32
    %c0_i32_1 = arith.constant 0 : i32
    return %c0_i32, %c0_i32_0 : i32, i32
  }
  func.func @transform_2(%arg0: i32) -> (i32, i32) {
    %c0_i32 = arith.constant 0 : i32
    %c0_i32_0 = arith.constant 0 : i32
    %c0_i32_1 = arith.constant 0 : i32
    return %c0_i32, %c0_i32_0 : i32, i32
  }
  func.func @transform_3(%arg0: i32) -> (i32, i32) {
    %c0_i32 = arith.constant 0 : i32
    %c0_i32_0 = arith.constant 0 : i32
    %c0_i32_1 = arith.constant 0 : i32
    return %c0_i32, %c0_i32_0 : i32, i32
  }
  func.func @transform_4(%arg0: i32) -> (i32, i32) {
    %c0_i32 = arith.constant 0 : i32
    %c0_i32_0 = arith.constant 0 : i32
    %c0_i32_1 = arith.constant 0 : i32
    return %c0_i32, %c0_i32_0 : i32, i32
  }
  func.func @transform_5(%arg0: i32) -> (i32, i32) {
    %c0_i32 = arith.constant 0 : i32
    %c0_i32_0 = arith.constant 0 : i32
    %c0_i32_1 = arith.constant 0 : i32
    return %c0_i32, %c0_i32_0 : i32, i32
  }
  func.func @transform_6(%arg0: i32) -> (i32, i32) {
    %c0_i32 = arith.constant 0 : i32
    %c0_i32_0 = arith.constant 0 : i32
    %c0_i32_1 = arith.constant 0 : i32
    return %c0_i32, %c0_i32_0 : i32, i32
  }
  func.func @transform_7(%arg0: i32) -> (i32, i32) {
    %c0_i32 = arith.constant 0 : i32
    %c0_i32_0 = arith.constant 0 : i32
    %c0_i32_1 = arith.constant 0 : i32
    return %c0_i32, %c0_i32_0 : i32, i32
  }
  func.func @transform_8(%arg0: i32) -> (i32, i32) {
    %c0_i32 = arith.constant 0 : i32
    %c0_i32_0 = arith.constant 0 : i32
    %c0_i32_1 = arith.constant 0 : i32
    return %c0_i32, %c0_i32_0 : i32, i32
  }
  func.func @transform_9(%arg0: i32) -> (i32, i32) {
    %c0_i32 = arith.constant 0 : i32
    %c0_i32_0 = arith.constant 0 : i32
    %c0_i32_1 = arith.constant 0 : i32
    return %c0_i32, %c0_i32_0 : i32, i32
  }
  func.func @transform_10(%arg0: i32) -> (i32, i32) {
    %c0_i32 = arith.constant 0 : i32
    %c0_i32_0 = arith.constant 0 : i32
    %c0_i32_1 = arith.constant 0 : i32
    return %c0_i32, %c0_i32_0 : i32, i32
  }
  func.func @transform_11(%arg0: i32) -> (i32, i32) {
    %c0_i32 = arith.constant 0 : i32
    %c0_i32_0 = arith.constant 0 : i32
    %c0_i32_1 = arith.constant 0 : i32
    return %c0_i32, %c0_i32_0 : i32, i32
  }
  func.func @transform_12(%arg0: i32) -> (i32, i32) {
    %c0_i32 = arith.constant 0 : i32
    %c0_i32_0 = arith.constant 0 : i32
    %c0_i32_1 = arith.constant 0 : i32
    return %c0_i32, %c0_i32_0 : i32, i32
  }
  func.func @transform_13(%arg0: i32) -> (i32, i32) {
    %c0_i32 = arith.constant 0 : i32
    %c0_i32_0 = arith.constant 0 : i32
    return %arg0, %c0_i32 : i32, i32
  }
}

module attributes {stable_mosaic.version = 14 : i64} {
  func.func @_mlp_body(%arg0: i32, %arg1: memref<1024x643xf32, #tpu.memory_space<vmem>>, %arg2: memref<643x128xf32, #tpu.memory_space<vmem>>, %arg3: memref<1x128xf32, #tpu.memory_space<vmem>>, %arg4: memref<1x128xf32, #tpu.memory_space<vmem>>, %arg5: memref<1x128xf32, #tpu.memory_space<vmem>>, %arg6: memref<128x128xf32, #tpu.memory_space<vmem>>, %arg7: memref<1x128xf32, #tpu.memory_space<vmem>>, %arg8: memref<1x128xf32, #tpu.memory_space<vmem>>, %arg9: memref<1x128xf32, #tpu.memory_space<vmem>>, %arg10: memref<128x256xf32, #tpu.memory_space<vmem>>, %arg11: memref<1x256xf32, #tpu.memory_space<vmem>>, %arg12: memref<1x256xf32, #tpu.memory_space<vmem>>, %arg13: memref<1x256xf32, #tpu.memory_space<vmem>>, %arg14: memref<16x256xf32, #tpu.memory_space<vmem>>) attributes {dimension_semantics = [#tpu.dimension_semantics<arbitrary>], iteration_bounds = array<i64: 8>, scalar_prefetch = 0 : i64, scratch_operands = 0 : i64, tpu.core_type = #tpu.core_type<tc>, window_params = [{transform_indices = @transform_0, window_bounds = array<i64: 1024, 643>}, {pipeline_mode = #tpu.pipeline_mode<synchronous>, transform_indices = @transform_1, window_bounds = array<i64: 643, 128>}, {pipeline_mode = #tpu.pipeline_mode<synchronous>, transform_indices = @transform_2, window_bounds = array<i64: 1, 128>}, {pipeline_mode = #tpu.pipeline_mode<synchronous>, transform_indices = @transform_3, window_bounds = array<i64: 1, 128>}, {pipeline_mode = #tpu.pipeline_mode<synchronous>, transform_indices = @transform_4, window_bounds = array<i64: 1, 128>}, {pipeline_mode = #tpu.pipeline_mode<synchronous>, transform_indices = @transform_5, window_bounds = array<i64: 128, 128>}, {pipeline_mode = #tpu.pipeline_mode<synchronous>, transform_indices = @transform_6, window_bounds = array<i64: 1, 128>}, {pipeline_mode = #tpu.pipeline_mode<synchronous>, transform_indices = @transform_7, window_bounds = array<i64: 1, 128>}, {pipeline_mode = #tpu.pipeline_mode<synchronous>, transform_indices = @transform_8, window_bounds = array<i64: 1, 128>}, {pipeline_mode = #tpu.pipeline_mode<synchronous>, transform_indices = @transform_9, window_bounds = array<i64: 128, 256>}, {pipeline_mode = #tpu.pipeline_mode<synchronous>, transform_indices = @transform_10, window_bounds = array<i64: 1, 256>}, {pipeline_mode = #tpu.pipeline_mode<synchronous>, transform_indices = @transform_11, window_bounds = array<i64: 1, 256>}, {pipeline_mode = #tpu.pipeline_mode<synchronous>, transform_indices = @transform_12, window_bounds = array<i64: 1, 256>}, {transform_indices = @transform_13, window_bounds = array<i64: 16, 256>}]} {
    %get3A = arith.constant 0 : index
    %get3A_0 = arith.constant 0 : index
    %get3A_1 = vector.load %arg1[%get3A, %get3A_0] : memref<1024x643xf32, #tpu.memory_space<vmem>>, vector<1024x643xf32>
    %get3A_2 = arith.constant 0 : index
    %get3A_3 = arith.constant 0 : index
    %get3A_4 = vector.load %arg2[%get3A_2, %get3A_3] : memref<643x128xf32, #tpu.memory_space<vmem>>, vector<643x128xf32>
    %get3A_5 = arith.constant 0 : index
    %get3A_6 = arith.constant 0 : index
    %get3A_7 = vector.load %arg3[%get3A_5, %get3A_6] : memref<1x128xf32, #tpu.memory_space<vmem>>, vector<1x128xf32>
    %get3A_8 = arith.constant 0 : index
    %get3A_9 = arith.constant 0 : index
    %get3A_10 = vector.load %arg4[%get3A_8, %get3A_9] : memref<1x128xf32, #tpu.memory_space<vmem>>, vector<1x128xf32>
    %get3A_11 = arith.constant 0 : index
    %get3A_12 = arith.constant 0 : index
    %get3A_13 = vector.load %arg5[%get3A_11, %get3A_12] : memref<1x128xf32, #tpu.memory_space<vmem>>, vector<1x128xf32>
    %dot_general3A = arith.constant dense<0.000000e+00> : vector<1024x128xf32>
    %dot_general3A_14 = tpu.matmul %get3A_1, %get3A_4, %dot_general3A {dimension_numbers = #tpu.dot_dimension_numbers<[1], [0], [0], [1], [0, 0, 1, 1], [], []>, transpose_lhs_hint = false} : vector<1024x643xf32>, vector<643x128xf32>, vector<1024x128xf32> -> vector<1024x128xf32>
    %add3A = vector.broadcast %get3A_7 : vector<1x128xf32> to vector<1024x128xf32>
    %add3A_15 = arith.addf %dot_general3A_14, %add3A : vector<1024x128xf32>
    %mul3A = vector.broadcast %get3A_10 : vector<1x128xf32> to vector<1024x128xf32>
    %mul3A_16 = arith.mulf %add3A_15, %mul3A : vector<1024x128xf32>
    %add3A_17 = vector.broadcast %get3A_13 : vector<1x128xf32> to vector<1024x128xf32>
    %add3A_18 = arith.addf %mul3A_16, %add3A_17 : vector<1024x128xf32>
    %max3A = arith.constant 0.000000e+00 : f32
    %max3A_19 = vector.broadcast %max3A : f32 to vector<1024x128xf32>
    %max3A_20 = arith.maximumf %add3A_18, %max3A_19 : vector<1024x128xf32>
    %get3A_21 = arith.constant 0 : index
    %get3A_22 = arith.constant 0 : index
    %get3A_23 = vector.load %arg6[%get3A_21, %get3A_22] : memref<128x128xf32, #tpu.memory_space<vmem>>, vector<128x128xf32>
    %get3A_24 = arith.constant 0 : index
    %get3A_25 = arith.constant 0 : index
    %get3A_26 = vector.load %arg7[%get3A_24, %get3A_25] : memref<1x128xf32, #tpu.memory_space<vmem>>, vector<1x128xf32>
    %get3A_27 = arith.constant 0 : index
    %get3A_28 = arith.constant 0 : index
    %get3A_29 = vector.load %arg8[%get3A_27, %get3A_28] : memref<1x128xf32, #tpu.memory_space<vmem>>, vector<1x128xf32>
    %get3A_30 = arith.constant 0 : index
    %get3A_31 = arith.constant 0 : index
    %get3A_32 = vector.load %arg9[%get3A_30, %get3A_31] : memref<1x128xf32, #tpu.memory_space<vmem>>, vector<1x128xf32>
    %dot_general3A_33 = arith.constant dense<0.000000e+00> : vector<1024x128xf32>
    %dot_general3A_34 = tpu.matmul %max3A_20, %get3A_23, %dot_general3A_33 {dimension_numbers = #tpu.dot_dimension_numbers<[1], [0], [0], [1], [0, 0, 1, 1], [], []>, transpose_lhs_hint = false} : vector<1024x128xf32>, vector<128x128xf32>, vector<1024x128xf32> -> vector<1024x128xf32>
    %add3A_35 = vector.broadcast %get3A_26 : vector<1x128xf32> to vector<1024x128xf32>
    %add3A_36 = arith.addf %dot_general3A_34, %add3A_35 : vector<1024x128xf32>
    %mul3A_37 = vector.broadcast %get3A_29 : vector<1x128xf32> to vector<1024x128xf32>
    %mul3A_38 = arith.mulf %add3A_36, %mul3A_37 : vector<1024x128xf32>
    %add3A_39 = vector.broadcast %get3A_32 : vector<1x128xf32> to vector<1024x128xf32>
    %add3A_40 = arith.addf %mul3A_38, %add3A_39 : vector<1024x128xf32>
    %max3A_41 = arith.constant 0.000000e+00 : f32
    %max3A_42 = vector.broadcast %max3A_41 : f32 to vector<1024x128xf32>
    %max3A_43 = arith.maximumf %add3A_40, %max3A_42 : vector<1024x128xf32>
    %get3A_44 = arith.constant 0 : index
    %get3A_45 = arith.constant 0 : index
    %get3A_46 = vector.load %arg10[%get3A_44, %get3A_45] : memref<128x256xf32, #tpu.memory_space<vmem>>, vector<128x256xf32>
    %get3A_47 = arith.constant 0 : index
    %get3A_48 = arith.constant 0 : index
    %get3A_49 = vector.load %arg11[%get3A_47, %get3A_48] : memref<1x256xf32, #tpu.memory_space<vmem>>, vector<1x256xf32>
    %get3A_50 = arith.constant 0 : index
    %get3A_51 = arith.constant 0 : index
    %get3A_52 = vector.load %arg12[%get3A_50, %get3A_51] : memref<1x256xf32, #tpu.memory_space<vmem>>, vector<1x256xf32>
    %get3A_53 = arith.constant 0 : index
    %get3A_54 = arith.constant 0 : index
    %get3A_55 = vector.load %arg13[%get3A_53, %get3A_54] : memref<1x256xf32, #tpu.memory_space<vmem>>, vector<1x256xf32>
    %dot_general3A_56 = arith.constant dense<0.000000e+00> : vector<1024x256xf32>
    %dot_general3A_57 = tpu.matmul %max3A_43, %get3A_46, %dot_general3A_56 {dimension_numbers = #tpu.dot_dimension_numbers<[1], [0], [0], [1], [0, 0, 1, 1], [], []>, transpose_lhs_hint = false} : vector<1024x128xf32>, vector<128x256xf32>, vector<1024x256xf32> -> vector<1024x256xf32>
    %add3A_58 = vector.broadcast %get3A_49 : vector<1x256xf32> to vector<1024x256xf32>
    %add3A_59 = arith.addf %dot_general3A_57, %add3A_58 : vector<1024x256xf32>
    %mul3A_60 = vector.broadcast %get3A_52 : vector<1x256xf32> to vector<1024x256xf32>
    %mul3A_61 = arith.mulf %add3A_59, %mul3A_60 : vector<1024x256xf32>
    %add3A_62 = vector.broadcast %get3A_55 : vector<1x256xf32> to vector<1024x256xf32>
    %add3A_63 = arith.addf %mul3A_61, %add3A_62 : vector<1024x256xf32>
    %max3A_64 = arith.constant 0.000000e+00 : f32
    %max3A_65 = vector.broadcast %max3A_64 : f32 to vector<1024x256xf32>
    %max3A_66 = arith.maximumf %add3A_63, %max3A_65 : vector<1024x256xf32>
    %slice3A = vector.extract_strided_slice %max3A_66 {offsets = [0, 0], sizes = [64, 256], strides = [1, 1]} : vector<1024x256xf32> to vector<64x256xf32>
    %reduce_max3A = arith.constant dense<0xFF800000> : vector<256xf32>
    %reduce_max3A_67 = vector.multi_reduction <maximumf>, %slice3A, %reduce_max3A [0] : vector<64x256xf32> to vector<256xf32>
    %broadcast_in_dim3A = vector.shape_cast %reduce_max3A_67 : vector<256xf32> to vector<1x256xf32>
    %slice3A_68 = vector.extract_strided_slice %max3A_66 {offsets = [64, 0], sizes = [64, 256], strides = [1, 1]} : vector<1024x256xf32> to vector<64x256xf32>
    %reduce_max3A_69 = arith.constant dense<0xFF800000> : vector<256xf32>
    %reduce_max3A_70 = vector.multi_reduction <maximumf>, %slice3A_68, %reduce_max3A_69 [0] : vector<64x256xf32> to vector<256xf32>
    %broadcast_in_dim3A_71 = vector.shape_cast %reduce_max3A_70 : vector<256xf32> to vector<1x256xf32>
    %slice3A_72 = vector.extract_strided_slice %max3A_66 {offsets = [128, 0], sizes = [64, 256], strides = [1, 1]} : vector<1024x256xf32> to vector<64x256xf32>
    %reduce_max3A_73 = arith.constant dense<0xFF800000> : vector<256xf32>
    %reduce_max3A_74 = vector.multi_reduction <maximumf>, %slice3A_72, %reduce_max3A_73 [0] : vector<64x256xf32> to vector<256xf32>
    %broadcast_in_dim3A_75 = vector.shape_cast %reduce_max3A_74 : vector<256xf32> to vector<1x256xf32>
    %slice3A_76 = vector.extract_strided_slice %max3A_66 {offsets = [192, 0], sizes = [64, 256], strides = [1, 1]} : vector<1024x256xf32> to vector<64x256xf32>
    %reduce_max3A_77 = arith.constant dense<0xFF800000> : vector<256xf32>
    %reduce_max3A_78 = vector.multi_reduction <maximumf>, %slice3A_76, %reduce_max3A_77 [0] : vector<64x256xf32> to vector<256xf32>
    %broadcast_in_dim3A_79 = vector.shape_cast %reduce_max3A_78 : vector<256xf32> to vector<1x256xf32>
    %slice3A_80 = vector.extract_strided_slice %max3A_66 {offsets = [256, 0], sizes = [64, 256], strides = [1, 1]} : vector<1024x256xf32> to vector<64x256xf32>
    %reduce_max3A_81 = arith.constant dense<0xFF800000> : vector<256xf32>
    %reduce_max3A_82 = vector.multi_reduction <maximumf>, %slice3A_80, %reduce_max3A_81 [0] : vector<64x256xf32> to vector<256xf32>
    %broadcast_in_dim3A_83 = vector.shape_cast %reduce_max3A_82 : vector<256xf32> to vector<1x256xf32>
    %slice3A_84 = vector.extract_strided_slice %max3A_66 {offsets = [320, 0], sizes = [64, 256], strides = [1, 1]} : vector<1024x256xf32> to vector<64x256xf32>
    %reduce_max3A_85 = arith.constant dense<0xFF800000> : vector<256xf32>
    %reduce_max3A_86 = vector.multi_reduction <maximumf>, %slice3A_84, %reduce_max3A_85 [0] : vector<64x256xf32> to vector<256xf32>
    %broadcast_in_dim3A_87 = vector.shape_cast %reduce_max3A_86 : vector<256xf32> to vector<1x256xf32>
    %slice3A_88 = vector.extract_strided_slice %max3A_66 {offsets = [384, 0], sizes = [64, 256], strides = [1, 1]} : vector<1024x256xf32> to vector<64x256xf32>
    %reduce_max3A_89 = arith.constant dense<0xFF800000> : vector<256xf32>
    %reduce_max3A_90 = vector.multi_reduction <maximumf>, %slice3A_88, %reduce_max3A_89 [0] : vector<64x256xf32> to vector<256xf32>
    %broadcast_in_dim3A_91 = vector.shape_cast %reduce_max3A_90 : vector<256xf32> to vector<1x256xf32>
    %slice3A_92 = vector.extract_strided_slice %max3A_66 {offsets = [448, 0], sizes = [64, 256], strides = [1, 1]} : vector<1024x256xf32> to vector<64x256xf32>
    %reduce_max3A_93 = arith.constant dense<0xFF800000> : vector<256xf32>
    %reduce_max3A_94 = vector.multi_reduction <maximumf>, %slice3A_92, %reduce_max3A_93 [0] : vector<64x256xf32> to vector<256xf32>
    %broadcast_in_dim3A_95 = vector.shape_cast %reduce_max3A_94 : vector<256xf32> to vector<1x256xf32>
    %slice3A_96 = vector.extract_strided_slice %max3A_66 {offsets = [512, 0], sizes = [64, 256], strides = [1, 1]} : vector<1024x256xf32> to vector<64x256xf32>
    %reduce_max3A_97 = arith.constant dense<0xFF800000> : vector<256xf32>
    %reduce_max3A_98 = vector.multi_reduction <maximumf>, %slice3A_96, %reduce_max3A_97 [0] : vector<64x256xf32> to vector<256xf32>
    %broadcast_in_dim3A_99 = vector.shape_cast %reduce_max3A_98 : vector<256xf32> to vector<1x256xf32>
    %slice3A_100 = vector.extract_strided_slice %max3A_66 {offsets = [576, 0], sizes = [64, 256], strides = [1, 1]} : vector<1024x256xf32> to vector<64x256xf32>
    %reduce_max3A_101 = arith.constant dense<0xFF800000> : vector<256xf32>
    %reduce_max3A_102 = vector.multi_reduction <maximumf>, %slice3A_100, %reduce_max3A_101 [0] : vector<64x256xf32> to vector<256xf32>
    %broadcast_in_dim3A_103 = vector.shape_cast %reduce_max3A_102 : vector<256xf32> to vector<1x256xf32>
    %slice3A_104 = vector.extract_strided_slice %max3A_66 {offsets = [640, 0], sizes = [64, 256], strides = [1, 1]} : vector<1024x256xf32> to vector<64x256xf32>
    %reduce_max3A_105 = arith.constant dense<0xFF800000> : vector<256xf32>
    %reduce_max3A_106 = vector.multi_reduction <maximumf>, %slice3A_104, %reduce_max3A_105 [0] : vector<64x256xf32> to vector<256xf32>
    %broadcast_in_dim3A_107 = vector.shape_cast %reduce_max3A_106 : vector<256xf32> to vector<1x256xf32>
    %slice3A_108 = vector.extract_strided_slice %max3A_66 {offsets = [704, 0], sizes = [64, 256], strides = [1, 1]} : vector<1024x256xf32> to vector<64x256xf32>
    %reduce_max3A_109 = arith.constant dense<0xFF800000> : vector<256xf32>
    %reduce_max3A_110 = vector.multi_reduction <maximumf>, %slice3A_108, %reduce_max3A_109 [0] : vector<64x256xf32> to vector<256xf32>
    %broadcast_in_dim3A_111 = vector.shape_cast %reduce_max3A_110 : vector<256xf32> to vector<1x256xf32>
    %slice3A_112 = vector.extract_strided_slice %max3A_66 {offsets = [768, 0], sizes = [64, 256], strides = [1, 1]} : vector<1024x256xf32> to vector<64x256xf32>
    %reduce_max3A_113 = arith.constant dense<0xFF800000> : vector<256xf32>
    %reduce_max3A_114 = vector.multi_reduction <maximumf>, %slice3A_112, %reduce_max3A_113 [0] : vector<64x256xf32> to vector<256xf32>
    %broadcast_in_dim3A_115 = vector.shape_cast %reduce_max3A_114 : vector<256xf32> to vector<1x256xf32>
    %slice3A_116 = vector.extract_strided_slice %max3A_66 {offsets = [832, 0], sizes = [64, 256], strides = [1, 1]} : vector<1024x256xf32> to vector<64x256xf32>
    %reduce_max3A_117 = arith.constant dense<0xFF800000> : vector<256xf32>
    %reduce_max3A_118 = vector.multi_reduction <maximumf>, %slice3A_116, %reduce_max3A_117 [0] : vector<64x256xf32> to vector<256xf32>
    %broadcast_in_dim3A_119 = vector.shape_cast %reduce_max3A_118 : vector<256xf32> to vector<1x256xf32>
    %slice3A_120 = vector.extract_strided_slice %max3A_66 {offsets = [896, 0], sizes = [64, 256], strides = [1, 1]} : vector<1024x256xf32> to vector<64x256xf32>
    %reduce_max3A_121 = arith.constant dense<0xFF800000> : vector<256xf32>
    %reduce_max3A_122 = vector.multi_reduction <maximumf>, %slice3A_120, %reduce_max3A_121 [0] : vector<64x256xf32> to vector<256xf32>
    %broadcast_in_dim3A_123 = vector.shape_cast %reduce_max3A_122 : vector<256xf32> to vector<1x256xf32>
    %slice3A_124 = vector.extract_strided_slice %max3A_66 {offsets = [960, 0], sizes = [64, 256], strides = [1, 1]} : vector<1024x256xf32> to vector<64x256xf32>
    %reduce_max3A_125 = arith.constant dense<0xFF800000> : vector<256xf32>
    %reduce_max3A_126 = vector.multi_reduction <maximumf>, %slice3A_124, %reduce_max3A_125 [0] : vector<64x256xf32> to vector<256xf32>
    %broadcast_in_dim3A_127 = vector.shape_cast %reduce_max3A_126 : vector<256xf32> to vector<1x256xf32>
    %concatenate3A = tpu.concatenate %broadcast_in_dim3A, %broadcast_in_dim3A_71, %broadcast_in_dim3A_75, %broadcast_in_dim3A_79, %broadcast_in_dim3A_83, %broadcast_in_dim3A_87, %broadcast_in_dim3A_91, %broadcast_in_dim3A_95, %broadcast_in_dim3A_99, %broadcast_in_dim3A_103, %broadcast_in_dim3A_107, %broadcast_in_dim3A_111, %broadcast_in_dim3A_115, %broadcast_in_dim3A_119, %broadcast_in_dim3A_123, %broadcast_in_dim3A_127 in 0 : vector<1x256xf32>, vector<1x256xf32>, vector<1x256xf32>, vector<1x256xf32>, vector<1x256xf32>, vector<1x256xf32>, vector<1x256xf32>, vector<1x256xf32>, vector<1x256xf32>, vector<1x256xf32>, vector<1x256xf32>, vector<1x256xf32>, vector<1x256xf32>, vector<1x256xf32>, vector<1x256xf32>, vector<1x256xf32> -> vector<16x256xf32>
    %swap3A = arith.constant 0 : index
    %swap3A_128 = arith.constant 0 : index
    %swap3A_129 = vector.load %arg14[%swap3A, %swap3A_128] : memref<16x256xf32, #tpu.memory_space<vmem>>, vector<16x256xf32>
    tpu.vector_store %arg14[%swap3A, %swap3A_128], %concatenate3A {strides = array<i32>} : memref<16x256xf32, #tpu.memory_space<vmem>>, vector<16x256xf32>,
    return
  }
  func.func @transform_0(%arg0: i32) -> (i32, i32) {
    %c0_i32 = arith.constant 0 : i32
    %c0_i32_0 = arith.constant 0 : i32
    return %arg0, %c0_i32 : i32, i32
  }
  func.func @transform_1(%arg0: i32) -> (i32, i32) {
    %c0_i32 = arith.constant 0 : i32
    %c0_i32_0 = arith.constant 0 : i32
    %c0_i32_1 = arith.constant 0 : i32
    return %c0_i32, %c0_i32_0 : i32, i32
  }
  func.func @transform_2(%arg0: i32) -> (i32, i32) {
    %c0_i32 = arith.constant 0 : i32
    %c0_i32_0 = arith.constant 0 : i32
    %c0_i32_1 = arith.constant 0 : i32
    return %c0_i32, %c0_i32_0 : i32, i32
  }
  func.func @transform_3(%arg0: i32) -> (i32, i32) {
    %c0_i32 = arith.constant 0 : i32
    %c0_i32_0 = arith.constant 0 : i32
    %c0_i32_1 = arith.constant 0 : i32
    return %c0_i32, %c0_i32_0 : i32, i32
  }
  func.func @transform_4(%arg0: i32) -> (i32, i32) {
    %c0_i32 = arith.constant 0 : i32
    %c0_i32_0 = arith.constant 0 : i32
    %c0_i32_1 = arith.constant 0 : i32
    return %c0_i32, %c0_i32_0 : i32, i32
  }
  func.func @transform_5(%arg0: i32) -> (i32, i32) {
    %c0_i32 = arith.constant 0 : i32
    %c0_i32_0 = arith.constant 0 : i32
    %c0_i32_1 = arith.constant 0 : i32
    return %c0_i32, %c0_i32_0 : i32, i32
  }
  func.func @transform_6(%arg0: i32) -> (i32, i32) {
    %c0_i32 = arith.constant 0 : i32
    %c0_i32_0 = arith.constant 0 : i32
    %c0_i32_1 = arith.constant 0 : i32
    return %c0_i32, %c0_i32_0 : i32, i32
  }
  func.func @transform_7(%arg0: i32) -> (i32, i32) {
    %c0_i32 = arith.constant 0 : i32
    %c0_i32_0 = arith.constant 0 : i32
    %c0_i32_1 = arith.constant 0 : i32
    return %c0_i32, %c0_i32_0 : i32, i32
  }
  func.func @transform_8(%arg0: i32) -> (i32, i32) {
    %c0_i32 = arith.constant 0 : i32
    %c0_i32_0 = arith.constant 0 : i32
    %c0_i32_1 = arith.constant 0 : i32
    return %c0_i32, %c0_i32_0 : i32, i32
  }
  func.func @transform_9(%arg0: i32) -> (i32, i32) {
    %c0_i32 = arith.constant 0 : i32
    %c0_i32_0 = arith.constant 0 : i32
    %c0_i32_1 = arith.constant 0 : i32
    return %c0_i32, %c0_i32_0 : i32, i32
  }
  func.func @transform_10(%arg0: i32) -> (i32, i32) {
    %c0_i32 = arith.constant 0 : i32
    %c0_i32_0 = arith.constant 0 : i32
    %c0_i32_1 = arith.constant 0 : i32
    return %c0_i32, %c0_i32_0 : i32, i32
  }
  func.func @transform_11(%arg0: i32) -> (i32, i32) {
    %c0_i32 = arith.constant 0 : i32
    %c0_i32_0 = arith.constant 0 : i32
    %c0_i32_1 = arith.constant 0 : i32
    return %c0_i32, %c0_i32_0 : i32, i32
  }
  func.func @transform_12(%arg0: i32) -> (i32, i32) {
    %c0_i32 = arith.constant 0 : i32
    %c0_i32_0 = arith.constant 0 : i32
    %c0_i32_1 = arith.constant 0 : i32
    return %c0_i32, %c0_i32_0 : i32, i32
  }
  func.func @transform_13(%arg0: i32) -> (i32, i32) {
    %c0_i32 = arith.constant 0 : i32
    %c0_i32_0 = arith.constant 0 : i32
    return %arg0, %c0_i32 : i32, i32
  }
}

module attributes {stable_mosaic.version = 14 : i64} {
  func.func @_mlp_body(%arg0: i32, %arg1: memref<2048x643xf32, #tpu.memory_space<vmem>>, %arg2: memref<643x128xf32, #tpu.memory_space<vmem>>, %arg3: memref<1x128xf32, #tpu.memory_space<vmem>>, %arg4: memref<1x128xf32, #tpu.memory_space<vmem>>, %arg5: memref<1x128xf32, #tpu.memory_space<vmem>>, %arg6: memref<128x256xf32, #tpu.memory_space<vmem>>, %arg7: memref<1x256xf32, #tpu.memory_space<vmem>>, %arg8: memref<1x256xf32, #tpu.memory_space<vmem>>, %arg9: memref<1x256xf32, #tpu.memory_space<vmem>>, %arg10: memref<256x256xf32, #tpu.memory_space<vmem>>, %arg11: memref<1x256xf32, #tpu.memory_space<vmem>>, %arg12: memref<1x256xf32, #tpu.memory_space<vmem>>, %arg13: memref<1x256xf32, #tpu.memory_space<vmem>>, %arg14: memref<16x256xf32, #tpu.memory_space<vmem>>) attributes {dimension_semantics = [#tpu.dimension_semantics<arbitrary>], iteration_bounds = array<i64: 8>, scalar_prefetch = 0 : i64, scratch_operands = 0 : i64, tpu.core_type = #tpu.core_type<tc>, window_params = [{transform_indices = @transform_0, window_bounds = array<i64: 2048, 643>}, {pipeline_mode = #tpu.pipeline_mode<synchronous>, transform_indices = @transform_1, window_bounds = array<i64: 643, 128>}, {pipeline_mode = #tpu.pipeline_mode<synchronous>, transform_indices = @transform_2, window_bounds = array<i64: 1, 128>}, {pipeline_mode = #tpu.pipeline_mode<synchronous>, transform_indices = @transform_3, window_bounds = array<i64: 1, 128>}, {pipeline_mode = #tpu.pipeline_mode<synchronous>, transform_indices = @transform_4, window_bounds = array<i64: 1, 128>}, {pipeline_mode = #tpu.pipeline_mode<synchronous>, transform_indices = @transform_5, window_bounds = array<i64: 128, 256>}, {pipeline_mode = #tpu.pipeline_mode<synchronous>, transform_indices = @transform_6, window_bounds = array<i64: 1, 256>}, {pipeline_mode = #tpu.pipeline_mode<synchronous>, transform_indices = @transform_7, window_bounds = array<i64: 1, 256>}, {pipeline_mode = #tpu.pipeline_mode<synchronous>, transform_indices = @transform_8, window_bounds = array<i64: 1, 256>}, {pipeline_mode = #tpu.pipeline_mode<synchronous>, transform_indices = @transform_9, window_bounds = array<i64: 256, 256>}, {pipeline_mode = #tpu.pipeline_mode<synchronous>, transform_indices = @transform_10, window_bounds = array<i64: 1, 256>}, {pipeline_mode = #tpu.pipeline_mode<synchronous>, transform_indices = @transform_11, window_bounds = array<i64: 1, 256>}, {pipeline_mode = #tpu.pipeline_mode<synchronous>, transform_indices = @transform_12, window_bounds = array<i64: 1, 256>}, {transform_indices = @transform_13, window_bounds = array<i64: 16, 256>}]} {
    %get3A = arith.constant 0 : index
    %get3A_0 = arith.constant 0 : index
    %get3A_1 = vector.load %arg1[%get3A, %get3A_0] : memref<2048x643xf32, #tpu.memory_space<vmem>>, vector<2048x643xf32>
    %get3A_2 = arith.constant 0 : index
    %get3A_3 = arith.constant 0 : index
    %get3A_4 = vector.load %arg2[%get3A_2, %get3A_3] : memref<643x128xf32, #tpu.memory_space<vmem>>, vector<643x128xf32>
    %get3A_5 = arith.constant 0 : index
    %get3A_6 = arith.constant 0 : index
    %get3A_7 = vector.load %arg3[%get3A_5, %get3A_6] : memref<1x128xf32, #tpu.memory_space<vmem>>, vector<1x128xf32>
    %get3A_8 = arith.constant 0 : index
    %get3A_9 = arith.constant 0 : index
    %get3A_10 = vector.load %arg4[%get3A_8, %get3A_9] : memref<1x128xf32, #tpu.memory_space<vmem>>, vector<1x128xf32>
    %get3A_11 = arith.constant 0 : index
    %get3A_12 = arith.constant 0 : index
    %get3A_13 = vector.load %arg5[%get3A_11, %get3A_12] : memref<1x128xf32, #tpu.memory_space<vmem>>, vector<1x128xf32>
    %dot_general3A = arith.constant dense<0.000000e+00> : vector<2048x128xf32>
    %dot_general3A_14 = tpu.matmul %get3A_1, %get3A_4, %dot_general3A {dimension_numbers = #tpu.dot_dimension_numbers<[1], [0], [0], [1], [0, 0, 1, 1], [], []>, transpose_lhs_hint = false} : vector<2048x643xf32>, vector<643x128xf32>, vector<2048x128xf32> -> vector<2048x128xf32>
    %add3A = vector.broadcast %get3A_7 : vector<1x128xf32> to vector<2048x128xf32>
    %add3A_15 = arith.addf %dot_general3A_14, %add3A : vector<2048x128xf32>
    %mul3A = vector.broadcast %get3A_10 : vector<1x128xf32> to vector<2048x128xf32>
    %mul3A_16 = arith.mulf %add3A_15, %mul3A : vector<2048x128xf32>
    %add3A_17 = vector.broadcast %get3A_13 : vector<1x128xf32> to vector<2048x128xf32>
    %add3A_18 = arith.addf %mul3A_16, %add3A_17 : vector<2048x128xf32>
    %max3A = arith.constant 0.000000e+00 : f32
    %max3A_19 = vector.broadcast %max3A : f32 to vector<2048x128xf32>
    %max3A_20 = arith.maximumf %add3A_18, %max3A_19 : vector<2048x128xf32>
    %get3A_21 = arith.constant 0 : index
    %get3A_22 = arith.constant 0 : index
    %get3A_23 = vector.load %arg6[%get3A_21, %get3A_22] : memref<128x256xf32, #tpu.memory_space<vmem>>, vector<128x256xf32>
    %get3A_24 = arith.constant 0 : index
    %get3A_25 = arith.constant 0 : index
    %get3A_26 = vector.load %arg7[%get3A_24, %get3A_25] : memref<1x256xf32, #tpu.memory_space<vmem>>, vector<1x256xf32>
    %get3A_27 = arith.constant 0 : index
    %get3A_28 = arith.constant 0 : index
    %get3A_29 = vector.load %arg8[%get3A_27, %get3A_28] : memref<1x256xf32, #tpu.memory_space<vmem>>, vector<1x256xf32>
    %get3A_30 = arith.constant 0 : index
    %get3A_31 = arith.constant 0 : index
    %get3A_32 = vector.load %arg9[%get3A_30, %get3A_31] : memref<1x256xf32, #tpu.memory_space<vmem>>, vector<1x256xf32>
    %dot_general3A_33 = arith.constant dense<0.000000e+00> : vector<2048x256xf32>
    %dot_general3A_34 = tpu.matmul %max3A_20, %get3A_23, %dot_general3A_33 {dimension_numbers = #tpu.dot_dimension_numbers<[1], [0], [0], [1], [0, 0, 1, 1], [], []>, transpose_lhs_hint = false} : vector<2048x128xf32>, vector<128x256xf32>, vector<2048x256xf32> -> vector<2048x256xf32>
    %add3A_35 = vector.broadcast %get3A_26 : vector<1x256xf32> to vector<2048x256xf32>
    %add3A_36 = arith.addf %dot_general3A_34, %add3A_35 : vector<2048x256xf32>
    %mul3A_37 = vector.broadcast %get3A_29 : vector<1x256xf32> to vector<2048x256xf32>
    %mul3A_38 = arith.mulf %add3A_36, %mul3A_37 : vector<2048x256xf32>
    %add3A_39 = vector.broadcast %get3A_32 : vector<1x256xf32> to vector<2048x256xf32>
    %add3A_40 = arith.addf %mul3A_38, %add3A_39 : vector<2048x256xf32>
    %max3A_41 = arith.constant 0.000000e+00 : f32
    %max3A_42 = vector.broadcast %max3A_41 : f32 to vector<2048x256xf32>
    %max3A_43 = arith.maximumf %add3A_40, %max3A_42 : vector<2048x256xf32>
    %get3A_44 = arith.constant 0 : index
    %get3A_45 = arith.constant 0 : index
    %get3A_46 = vector.load %arg10[%get3A_44, %get3A_45] : memref<256x256xf32, #tpu.memory_space<vmem>>, vector<256x256xf32>
    %get3A_47 = arith.constant 0 : index
    %get3A_48 = arith.constant 0 : index
    %get3A_49 = vector.load %arg11[%get3A_47, %get3A_48] : memref<1x256xf32, #tpu.memory_space<vmem>>, vector<1x256xf32>
    %get3A_50 = arith.constant 0 : index
    %get3A_51 = arith.constant 0 : index
    %get3A_52 = vector.load %arg12[%get3A_50, %get3A_51] : memref<1x256xf32, #tpu.memory_space<vmem>>, vector<1x256xf32>
    %get3A_53 = arith.constant 0 : index
    %get3A_54 = arith.constant 0 : index
    %get3A_55 = vector.load %arg13[%get3A_53, %get3A_54] : memref<1x256xf32, #tpu.memory_space<vmem>>, vector<1x256xf32>
    %dot_general3A_56 = arith.constant dense<0.000000e+00> : vector<2048x256xf32>
    %dot_general3A_57 = tpu.matmul %max3A_43, %get3A_46, %dot_general3A_56 {dimension_numbers = #tpu.dot_dimension_numbers<[1], [0], [0], [1], [0, 0, 1, 1], [], []>, transpose_lhs_hint = false} : vector<2048x256xf32>, vector<256x256xf32>, vector<2048x256xf32> -> vector<2048x256xf32>
    %add3A_58 = vector.broadcast %get3A_49 : vector<1x256xf32> to vector<2048x256xf32>
    %add3A_59 = arith.addf %dot_general3A_57, %add3A_58 : vector<2048x256xf32>
    %mul3A_60 = vector.broadcast %get3A_52 : vector<1x256xf32> to vector<2048x256xf32>
    %mul3A_61 = arith.mulf %add3A_59, %mul3A_60 : vector<2048x256xf32>
    %add3A_62 = vector.broadcast %get3A_55 : vector<1x256xf32> to vector<2048x256xf32>
    %add3A_63 = arith.addf %mul3A_61, %add3A_62 : vector<2048x256xf32>
    %max3A_64 = arith.constant 0.000000e+00 : f32
    %max3A_65 = vector.broadcast %max3A_64 : f32 to vector<2048x256xf32>
    %max3A_66 = arith.maximumf %add3A_63, %max3A_65 : vector<2048x256xf32>
    %slice3A = vector.extract_strided_slice %max3A_66 {offsets = [0, 0], sizes = [128, 256], strides = [1, 1]} : vector<2048x256xf32> to vector<128x256xf32>
    %reduce_max3A = arith.constant dense<0xFF800000> : vector<256xf32>
    %reduce_max3A_67 = vector.multi_reduction <maximumf>, %slice3A, %reduce_max3A [0] : vector<128x256xf32> to vector<256xf32>
    %broadcast_in_dim3A = vector.shape_cast %reduce_max3A_67 : vector<256xf32> to vector<1x256xf32>
    %slice3A_68 = vector.extract_strided_slice %max3A_66 {offsets = [128, 0], sizes = [128, 256], strides = [1, 1]} : vector<2048x256xf32> to vector<128x256xf32>
    %reduce_max3A_69 = arith.constant dense<0xFF800000> : vector<256xf32>
    %reduce_max3A_70 = vector.multi_reduction <maximumf>, %slice3A_68, %reduce_max3A_69 [0] : vector<128x256xf32> to vector<256xf32>
    %broadcast_in_dim3A_71 = vector.shape_cast %reduce_max3A_70 : vector<256xf32> to vector<1x256xf32>
    %slice3A_72 = vector.extract_strided_slice %max3A_66 {offsets = [256, 0], sizes = [128, 256], strides = [1, 1]} : vector<2048x256xf32> to vector<128x256xf32>
    %reduce_max3A_73 = arith.constant dense<0xFF800000> : vector<256xf32>
    %reduce_max3A_74 = vector.multi_reduction <maximumf>, %slice3A_72, %reduce_max3A_73 [0] : vector<128x256xf32> to vector<256xf32>
    %broadcast_in_dim3A_75 = vector.shape_cast %reduce_max3A_74 : vector<256xf32> to vector<1x256xf32>
    %slice3A_76 = vector.extract_strided_slice %max3A_66 {offsets = [384, 0], sizes = [128, 256], strides = [1, 1]} : vector<2048x256xf32> to vector<128x256xf32>
    %reduce_max3A_77 = arith.constant dense<0xFF800000> : vector<256xf32>
    %reduce_max3A_78 = vector.multi_reduction <maximumf>, %slice3A_76, %reduce_max3A_77 [0] : vector<128x256xf32> to vector<256xf32>
    %broadcast_in_dim3A_79 = vector.shape_cast %reduce_max3A_78 : vector<256xf32> to vector<1x256xf32>
    %slice3A_80 = vector.extract_strided_slice %max3A_66 {offsets = [512, 0], sizes = [128, 256], strides = [1, 1]} : vector<2048x256xf32> to vector<128x256xf32>
    %reduce_max3A_81 = arith.constant dense<0xFF800000> : vector<256xf32>
    %reduce_max3A_82 = vector.multi_reduction <maximumf>, %slice3A_80, %reduce_max3A_81 [0] : vector<128x256xf32> to vector<256xf32>
    %broadcast_in_dim3A_83 = vector.shape_cast %reduce_max3A_82 : vector<256xf32> to vector<1x256xf32>
    %slice3A_84 = vector.extract_strided_slice %max3A_66 {offsets = [640, 0], sizes = [128, 256], strides = [1, 1]} : vector<2048x256xf32> to vector<128x256xf32>
    %reduce_max3A_85 = arith.constant dense<0xFF800000> : vector<256xf32>
    %reduce_max3A_86 = vector.multi_reduction <maximumf>, %slice3A_84, %reduce_max3A_85 [0] : vector<128x256xf32> to vector<256xf32>
    %broadcast_in_dim3A_87 = vector.shape_cast %reduce_max3A_86 : vector<256xf32> to vector<1x256xf32>
    %slice3A_88 = vector.extract_strided_slice %max3A_66 {offsets = [768, 0], sizes = [128, 256], strides = [1, 1]} : vector<2048x256xf32> to vector<128x256xf32>
    %reduce_max3A_89 = arith.constant dense<0xFF800000> : vector<256xf32>
    %reduce_max3A_90 = vector.multi_reduction <maximumf>, %slice3A_88, %reduce_max3A_89 [0] : vector<128x256xf32> to vector<256xf32>
    %broadcast_in_dim3A_91 = vector.shape_cast %reduce_max3A_90 : vector<256xf32> to vector<1x256xf32>
    %slice3A_92 = vector.extract_strided_slice %max3A_66 {offsets = [896, 0], sizes = [128, 256], strides = [1, 1]} : vector<2048x256xf32> to vector<128x256xf32>
    %reduce_max3A_93 = arith.constant dense<0xFF800000> : vector<256xf32>
    %reduce_max3A_94 = vector.multi_reduction <maximumf>, %slice3A_92, %reduce_max3A_93 [0] : vector<128x256xf32> to vector<256xf32>
    %broadcast_in_dim3A_95 = vector.shape_cast %reduce_max3A_94 : vector<256xf32> to vector<1x256xf32>
    %slice3A_96 = vector.extract_strided_slice %max3A_66 {offsets = [1024, 0], sizes = [128, 256], strides = [1, 1]} : vector<2048x256xf32> to vector<128x256xf32>
    %reduce_max3A_97 = arith.constant dense<0xFF800000> : vector<256xf32>
    %reduce_max3A_98 = vector.multi_reduction <maximumf>, %slice3A_96, %reduce_max3A_97 [0] : vector<128x256xf32> to vector<256xf32>
    %broadcast_in_dim3A_99 = vector.shape_cast %reduce_max3A_98 : vector<256xf32> to vector<1x256xf32>
    %slice3A_100 = vector.extract_strided_slice %max3A_66 {offsets = [1152, 0], sizes = [128, 256], strides = [1, 1]} : vector<2048x256xf32> to vector<128x256xf32>
    %reduce_max3A_101 = arith.constant dense<0xFF800000> : vector<256xf32>
    %reduce_max3A_102 = vector.multi_reduction <maximumf>, %slice3A_100, %reduce_max3A_101 [0] : vector<128x256xf32> to vector<256xf32>
    %broadcast_in_dim3A_103 = vector.shape_cast %reduce_max3A_102 : vector<256xf32> to vector<1x256xf32>
    %slice3A_104 = vector.extract_strided_slice %max3A_66 {offsets = [1280, 0], sizes = [128, 256], strides = [1, 1]} : vector<2048x256xf32> to vector<128x256xf32>
    %reduce_max3A_105 = arith.constant dense<0xFF800000> : vector<256xf32>
    %reduce_max3A_106 = vector.multi_reduction <maximumf>, %slice3A_104, %reduce_max3A_105 [0] : vector<128x256xf32> to vector<256xf32>
    %broadcast_in_dim3A_107 = vector.shape_cast %reduce_max3A_106 : vector<256xf32> to vector<1x256xf32>
    %slice3A_108 = vector.extract_strided_slice %max3A_66 {offsets = [1408, 0], sizes = [128, 256], strides = [1, 1]} : vector<2048x256xf32> to vector<128x256xf32>
    %reduce_max3A_109 = arith.constant dense<0xFF800000> : vector<256xf32>
    %reduce_max3A_110 = vector.multi_reduction <maximumf>, %slice3A_108, %reduce_max3A_109 [0] : vector<128x256xf32> to vector<256xf32>
    %broadcast_in_dim3A_111 = vector.shape_cast %reduce_max3A_110 : vector<256xf32> to vector<1x256xf32>
    %slice3A_112 = vector.extract_strided_slice %max3A_66 {offsets = [1536, 0], sizes = [128, 256], strides = [1, 1]} : vector<2048x256xf32> to vector<128x256xf32>
    %reduce_max3A_113 = arith.constant dense<0xFF800000> : vector<256xf32>
    %reduce_max3A_114 = vector.multi_reduction <maximumf>, %slice3A_112, %reduce_max3A_113 [0] : vector<128x256xf32> to vector<256xf32>
    %broadcast_in_dim3A_115 = vector.shape_cast %reduce_max3A_114 : vector<256xf32> to vector<1x256xf32>
    %slice3A_116 = vector.extract_strided_slice %max3A_66 {offsets = [1664, 0], sizes = [128, 256], strides = [1, 1]} : vector<2048x256xf32> to vector<128x256xf32>
    %reduce_max3A_117 = arith.constant dense<0xFF800000> : vector<256xf32>
    %reduce_max3A_118 = vector.multi_reduction <maximumf>, %slice3A_116, %reduce_max3A_117 [0] : vector<128x256xf32> to vector<256xf32>
    %broadcast_in_dim3A_119 = vector.shape_cast %reduce_max3A_118 : vector<256xf32> to vector<1x256xf32>
    %slice3A_120 = vector.extract_strided_slice %max3A_66 {offsets = [1792, 0], sizes = [128, 256], strides = [1, 1]} : vector<2048x256xf32> to vector<128x256xf32>
    %reduce_max3A_121 = arith.constant dense<0xFF800000> : vector<256xf32>
    %reduce_max3A_122 = vector.multi_reduction <maximumf>, %slice3A_120, %reduce_max3A_121 [0] : vector<128x256xf32> to vector<256xf32>
    %broadcast_in_dim3A_123 = vector.shape_cast %reduce_max3A_122 : vector<256xf32> to vector<1x256xf32>
    %slice3A_124 = vector.extract_strided_slice %max3A_66 {offsets = [1920, 0], sizes = [128, 256], strides = [1, 1]} : vector<2048x256xf32> to vector<128x256xf32>
    %reduce_max3A_125 = arith.constant dense<0xFF800000> : vector<256xf32>
    %reduce_max3A_126 = vector.multi_reduction <maximumf>, %slice3A_124, %reduce_max3A_125 [0] : vector<128x256xf32> to vector<256xf32>
    %broadcast_in_dim3A_127 = vector.shape_cast %reduce_max3A_126 : vector<256xf32> to vector<1x256xf32>
    %concatenate3A = tpu.concatenate %broadcast_in_dim3A, %broadcast_in_dim3A_71, %broadcast_in_dim3A_75, %broadcast_in_dim3A_79, %broadcast_in_dim3A_83, %broadcast_in_dim3A_87, %broadcast_in_dim3A_91, %broadcast_in_dim3A_95, %broadcast_in_dim3A_99, %broadcast_in_dim3A_103, %broadcast_in_dim3A_107, %broadcast_in_dim3A_111, %broadcast_in_dim3A_115, %broadcast_in_dim3A_119, %broadcast_in_dim3A_123, %broadcast_in_dim3A_127 in 0 : vector<1x256xf32>, vector<1x256xf32>, vector<1x256xf32>, vector<1x256xf32>, vector<1x256xf32>, vector<1x256xf32>, vector<1x256xf32>, vector<1x256xf32>, vector<1x256xf32>, vector<1x256xf32>, vector<1x256xf32>, vector<1x256xf32>, vector<1x256xf32>, vector<1x256xf32>, vector<1x256xf32>, vector<1x256xf32> -> vector<16x256xf32>
    %swap3A = arith.constant 0 : index
    %swap3A_128 = arith.constant 0 : index
    %swap3A_129 = vector.load %arg14[%swap3A, %swap3A_128] : memref<16x256xf32, #tpu.memory_space<vmem>>, vector<16x256xf32>
    tpu.vector_store %arg14[%swap3A, %swap3A_128], %concatenate3A {strides = array<i32>} : memref<16x256xf32, #tpu.memory_space<vmem>>, vector<16x256xf32>,
    return
  }
  func.func @transform_0(%arg0: i32) -> (i32, i32) {
    %c0_i32 = arith.constant 0 : i32
    %c0_i32_0 = arith.constant 0 : i32
    return %arg0, %c0_i32 : i32, i32
  }
  func.func @transform_1(%arg0: i32) -> (i32, i32) {
    %c0_i32 = arith.constant 0 : i32
    %c0_i32_0 = arith.constant 0 : i32
    %c0_i32_1 = arith.constant 0 : i32
    return %c0_i32, %c0_i32_0 : i32, i32
  }
  func.func @transform_2(%arg0: i32) -> (i32, i32) {
    %c0_i32 = arith.constant 0 : i32
    %c0_i32_0 = arith.constant 0 : i32
    %c0_i32_1 = arith.constant 0 : i32
    return %c0_i32, %c0_i32_0 : i32, i32
  }
  func.func @transform_3(%arg0: i32) -> (i32, i32) {
    %c0_i32 = arith.constant 0 : i32
    %c0_i32_0 = arith.constant 0 : i32
    %c0_i32_1 = arith.constant 0 : i32
    return %c0_i32, %c0_i32_0 : i32, i32
  }
  func.func @transform_4(%arg0: i32) -> (i32, i32) {
    %c0_i32 = arith.constant 0 : i32
    %c0_i32_0 = arith.constant 0 : i32
    %c0_i32_1 = arith.constant 0 : i32
    return %c0_i32, %c0_i32_0 : i32, i32
  }
  func.func @transform_5(%arg0: i32) -> (i32, i32) {
    %c0_i32 = arith.constant 0 : i32
    %c0_i32_0 = arith.constant 0 : i32
    %c0_i32_1 = arith.constant 0 : i32
    return %c0_i32, %c0_i32_0 : i32, i32
  }
  func.func @transform_6(%arg0: i32) -> (i32, i32) {
    %c0_i32 = arith.constant 0 : i32
    %c0_i32_0 = arith.constant 0 : i32
    %c0_i32_1 = arith.constant 0 : i32
    return %c0_i32, %c0_i32_0 : i32, i32
  }
  func.func @transform_7(%arg0: i32) -> (i32, i32) {
    %c0_i32 = arith.constant 0 : i32
    %c0_i32_0 = arith.constant 0 : i32
    %c0_i32_1 = arith.constant 0 : i32
    return %c0_i32, %c0_i32_0 : i32, i32
  }
  func.func @transform_8(%arg0: i32) -> (i32, i32) {
    %c0_i32 = arith.constant 0 : i32
    %c0_i32_0 = arith.constant 0 : i32
    %c0_i32_1 = arith.constant 0 : i32
    return %c0_i32, %c0_i32_0 : i32, i32
  }
  func.func @transform_9(%arg0: i32) -> (i32, i32) {
    %c0_i32 = arith.constant 0 : i32
    %c0_i32_0 = arith.constant 0 : i32
    %c0_i32_1 = arith.constant 0 : i32
    return %c0_i32, %c0_i32_0 : i32, i32
  }
  func.func @transform_10(%arg0: i32) -> (i32, i32) {
    %c0_i32 = arith.constant 0 : i32
    %c0_i32_0 = arith.constant 0 : i32
    %c0_i32_1 = arith.constant 0 : i32
    return %c0_i32, %c0_i32_0 : i32, i32
  }
  func.func @transform_11(%arg0: i32) -> (i32, i32) {
    %c0_i32 = arith.constant 0 : i32
    %c0_i32_0 = arith.constant 0 : i32
    %c0_i32_1 = arith.constant 0 : i32
    return %c0_i32, %c0_i32_0 : i32, i32
  }
  func.func @transform_12(%arg0: i32) -> (i32, i32) {
    %c0_i32 = arith.constant 0 : i32
    %c0_i32_0 = arith.constant 0 : i32
    %c0_i32_1 = arith.constant 0 : i32
    return %c0_i32, %c0_i32_0 : i32, i32
  }
  func.func @transform_13(%arg0: i32) -> (i32, i32) {
    %c0_i32 = arith.constant 0 : i32
    %c0_i32_0 = arith.constant 0 : i32
    return %arg0, %c0_i32 : i32, i32
  }
}

module attributes {stable_mosaic.version = 14 : i64} {
  func.func @_mlp_body(%arg0: i32, %arg1: memref<128x643xf32, #tpu.memory_space<vmem>>, %arg2: memref<643x256xf32, #tpu.memory_space<vmem>>, %arg3: memref<1x256xf32, #tpu.memory_space<vmem>>, %arg4: memref<1x256xf32, #tpu.memory_space<vmem>>, %arg5: memref<1x256xf32, #tpu.memory_space<vmem>>, %arg6: memref<256x512xf32, #tpu.memory_space<vmem>>, %arg7: memref<1x512xf32, #tpu.memory_space<vmem>>, %arg8: memref<1x512xf32, #tpu.memory_space<vmem>>, %arg9: memref<1x512xf32, #tpu.memory_space<vmem>>, %arg10: memref<512x1024xf32, #tpu.memory_space<vmem>>, %arg11: memref<1x1024xf32, #tpu.memory_space<vmem>>, %arg12: memref<1x1024xf32, #tpu.memory_space<vmem>>, %arg13: memref<1x1024xf32, #tpu.memory_space<vmem>>, %arg14: memref<1x1024xf32, #tpu.memory_space<vmem>>) attributes {dimension_semantics = [#tpu.dimension_semantics<arbitrary>], iteration_bounds = array<i64: 1>, scalar_prefetch = 0 : i64, scratch_operands = 0 : i64, tpu.core_type = #tpu.core_type<tc>, window_params = [{transform_indices = @transform_0, window_bounds = array<i64: 128, 643>}, {pipeline_mode = #tpu.pipeline_mode<synchronous>, transform_indices = @transform_1, window_bounds = array<i64: 643, 256>}, {pipeline_mode = #tpu.pipeline_mode<synchronous>, transform_indices = @transform_2, window_bounds = array<i64: 1, 256>}, {pipeline_mode = #tpu.pipeline_mode<synchronous>, transform_indices = @transform_3, window_bounds = array<i64: 1, 256>}, {pipeline_mode = #tpu.pipeline_mode<synchronous>, transform_indices = @transform_4, window_bounds = array<i64: 1, 256>}, {pipeline_mode = #tpu.pipeline_mode<synchronous>, transform_indices = @transform_5, window_bounds = array<i64: 256, 512>}, {pipeline_mode = #tpu.pipeline_mode<synchronous>, transform_indices = @transform_6, window_bounds = array<i64: 1, 512>}, {pipeline_mode = #tpu.pipeline_mode<synchronous>, transform_indices = @transform_7, window_bounds = array<i64: 1, 512>}, {pipeline_mode = #tpu.pipeline_mode<synchronous>, transform_indices = @transform_8, window_bounds = array<i64: 1, 512>}, {pipeline_mode = #tpu.pipeline_mode<synchronous>, transform_indices = @transform_9, window_bounds = array<i64: 512, 1024>}, {pipeline_mode = #tpu.pipeline_mode<synchronous>, transform_indices = @transform_10, window_bounds = array<i64: 1, 1024>}, {pipeline_mode = #tpu.pipeline_mode<synchronous>, transform_indices = @transform_11, window_bounds = array<i64: 1, 1024>}, {pipeline_mode = #tpu.pipeline_mode<synchronous>, transform_indices = @transform_12, window_bounds = array<i64: 1, 1024>}, {transform_indices = @transform_13, window_bounds = array<i64: 1, 1024>}]} {
    %get3A = arith.constant 0 : index
    %get3A_0 = arith.constant 0 : index
    %get3A_1 = vector.load %arg1[%get3A, %get3A_0] : memref<128x643xf32, #tpu.memory_space<vmem>>, vector<128x643xf32>
    %get3A_2 = arith.constant 0 : index
    %get3A_3 = arith.constant 0 : index
    %get3A_4 = vector.load %arg2[%get3A_2, %get3A_3] : memref<643x256xf32, #tpu.memory_space<vmem>>, vector<643x256xf32>
    %get3A_5 = arith.constant 0 : index
    %get3A_6 = arith.constant 0 : index
    %get3A_7 = vector.load %arg3[%get3A_5, %get3A_6] : memref<1x256xf32, #tpu.memory_space<vmem>>, vector<1x256xf32>
    %get3A_8 = arith.constant 0 : index
    %get3A_9 = arith.constant 0 : index
    %get3A_10 = vector.load %arg4[%get3A_8, %get3A_9] : memref<1x256xf32, #tpu.memory_space<vmem>>, vector<1x256xf32>
    %get3A_11 = arith.constant 0 : index
    %get3A_12 = arith.constant 0 : index
    %get3A_13 = vector.load %arg5[%get3A_11, %get3A_12] : memref<1x256xf32, #tpu.memory_space<vmem>>, vector<1x256xf32>
    %dot_general3A = arith.constant dense<0.000000e+00> : vector<128x256xf32>
    %dot_general3A_14 = tpu.matmul %get3A_1, %get3A_4, %dot_general3A {dimension_numbers = #tpu.dot_dimension_numbers<[1], [0], [0], [1], [0, 0, 1, 1], [], []>, transpose_lhs_hint = false} : vector<128x643xf32>, vector<643x256xf32>, vector<128x256xf32> -> vector<128x256xf32>
    %add3A = vector.broadcast %get3A_7 : vector<1x256xf32> to vector<128x256xf32>
    %add3A_15 = arith.addf %dot_general3A_14, %add3A : vector<128x256xf32>
    %mul3A = vector.broadcast %get3A_10 : vector<1x256xf32> to vector<128x256xf32>
    %mul3A_16 = arith.mulf %add3A_15, %mul3A : vector<128x256xf32>
    %add3A_17 = vector.broadcast %get3A_13 : vector<1x256xf32> to vector<128x256xf32>
    %add3A_18 = arith.addf %mul3A_16, %add3A_17 : vector<128x256xf32>
    %max3A = arith.constant 0.000000e+00 : f32
    %max3A_19 = vector.broadcast %max3A : f32 to vector<128x256xf32>
    %max3A_20 = arith.maximumf %add3A_18, %max3A_19 : vector<128x256xf32>
    %get3A_21 = arith.constant 0 : index
    %get3A_22 = arith.constant 0 : index
    %get3A_23 = vector.load %arg6[%get3A_21, %get3A_22] : memref<256x512xf32, #tpu.memory_space<vmem>>, vector<256x512xf32>
    %get3A_24 = arith.constant 0 : index
    %get3A_25 = arith.constant 0 : index
    %get3A_26 = vector.load %arg7[%get3A_24, %get3A_25] : memref<1x512xf32, #tpu.memory_space<vmem>>, vector<1x512xf32>
    %get3A_27 = arith.constant 0 : index
    %get3A_28 = arith.constant 0 : index
    %get3A_29 = vector.load %arg8[%get3A_27, %get3A_28] : memref<1x512xf32, #tpu.memory_space<vmem>>, vector<1x512xf32>
    %get3A_30 = arith.constant 0 : index
    %get3A_31 = arith.constant 0 : index
    %get3A_32 = vector.load %arg9[%get3A_30, %get3A_31] : memref<1x512xf32, #tpu.memory_space<vmem>>, vector<1x512xf32>
    %dot_general3A_33 = arith.constant dense<0.000000e+00> : vector<128x512xf32>
    %dot_general3A_34 = tpu.matmul %max3A_20, %get3A_23, %dot_general3A_33 {dimension_numbers = #tpu.dot_dimension_numbers<[1], [0], [0], [1], [0, 0, 1, 1], [], []>, transpose_lhs_hint = false} : vector<128x256xf32>, vector<256x512xf32>, vector<128x512xf32> -> vector<128x512xf32>
    %add3A_35 = vector.broadcast %get3A_26 : vector<1x512xf32> to vector<128x512xf32>
    %add3A_36 = arith.addf %dot_general3A_34, %add3A_35 : vector<128x512xf32>
    %mul3A_37 = vector.broadcast %get3A_29 : vector<1x512xf32> to vector<128x512xf32>
    %mul3A_38 = arith.mulf %add3A_36, %mul3A_37 : vector<128x512xf32>
    %add3A_39 = vector.broadcast %get3A_32 : vector<1x512xf32> to vector<128x512xf32>
    %add3A_40 = arith.addf %mul3A_38, %add3A_39 : vector<128x512xf32>
    %max3A_41 = arith.constant 0.000000e+00 : f32
    %max3A_42 = vector.broadcast %max3A_41 : f32 to vector<128x512xf32>
    %max3A_43 = arith.maximumf %add3A_40, %max3A_42 : vector<128x512xf32>
    %get3A_44 = arith.constant 0 : index
    %get3A_45 = arith.constant 0 : index
    %get3A_46 = vector.load %arg10[%get3A_44, %get3A_45] : memref<512x1024xf32, #tpu.memory_space<vmem>>, vector<512x1024xf32>
    %get3A_47 = arith.constant 0 : index
    %get3A_48 = arith.constant 0 : index
    %get3A_49 = vector.load %arg11[%get3A_47, %get3A_48] : memref<1x1024xf32, #tpu.memory_space<vmem>>, vector<1x1024xf32>
    %get3A_50 = arith.constant 0 : index
    %get3A_51 = arith.constant 0 : index
    %get3A_52 = vector.load %arg12[%get3A_50, %get3A_51] : memref<1x1024xf32, #tpu.memory_space<vmem>>, vector<1x1024xf32>
    %get3A_53 = arith.constant 0 : index
    %get3A_54 = arith.constant 0 : index
    %get3A_55 = vector.load %arg13[%get3A_53, %get3A_54] : memref<1x1024xf32, #tpu.memory_space<vmem>>, vector<1x1024xf32>
    %dot_general3A_56 = arith.constant dense<0.000000e+00> : vector<128x1024xf32>
    %dot_general3A_57 = tpu.matmul %max3A_43, %get3A_46, %dot_general3A_56 {dimension_numbers = #tpu.dot_dimension_numbers<[1], [0], [0], [1], [0, 0, 1, 1], [], []>, transpose_lhs_hint = false} : vector<128x512xf32>, vector<512x1024xf32>, vector<128x1024xf32> -> vector<128x1024xf32>
    %add3A_58 = vector.broadcast %get3A_49 : vector<1x1024xf32> to vector<128x1024xf32>
    %add3A_59 = arith.addf %dot_general3A_57, %add3A_58 : vector<128x1024xf32>
    %mul3A_60 = vector.broadcast %get3A_52 : vector<1x1024xf32> to vector<128x1024xf32>
    %mul3A_61 = arith.mulf %add3A_59, %mul3A_60 : vector<128x1024xf32>
    %add3A_62 = vector.broadcast %get3A_55 : vector<1x1024xf32> to vector<128x1024xf32>
    %add3A_63 = arith.addf %mul3A_61, %add3A_62 : vector<128x1024xf32>
    %max3A_64 = arith.constant 0.000000e+00 : f32
    %max3A_65 = vector.broadcast %max3A_64 : f32 to vector<128x1024xf32>
    %max3A_66 = arith.maximumf %add3A_63, %max3A_65 : vector<128x1024xf32>
    %reduce_max3A = arith.constant dense<0xFF800000> : vector<1024xf32>
    %reduce_max3A_67 = vector.multi_reduction <maximumf>, %max3A_66, %reduce_max3A [0] : vector<128x1024xf32> to vector<1024xf32>
    %broadcast_in_dim3A = vector.shape_cast %reduce_max3A_67 : vector<1024xf32> to vector<1x1024xf32>
    %swap3A = arith.constant 0 : index
    %swap3A_68 = arith.constant 0 : index
    %swap3A_69 = vector.load %arg14[%swap3A, %swap3A_68] : memref<1x1024xf32, #tpu.memory_space<vmem>>, vector<1x1024xf32>
    tpu.vector_store %arg14[%swap3A, %swap3A_68], %broadcast_in_dim3A {strides = array<i32>} : memref<1x1024xf32, #tpu.memory_space<vmem>>, vector<1x1024xf32>,
    return
  }
  func.func @transform_0(%arg0: i32) -> (i32, i32) {
    %c0_i32 = arith.constant 0 : i32
    %c0_i32_0 = arith.constant 0 : i32
    return %arg0, %c0_i32 : i32, i32
  }
  func.func @transform_1(%arg0: i32) -> (i32, i32) {
    %c0_i32 = arith.constant 0 : i32
    %c0_i32_0 = arith.constant 0 : i32
    %c0_i32_1 = arith.constant 0 : i32
    return %c0_i32, %c0_i32_0 : i32, i32
  }
  func.func @transform_2(%arg0: i32) -> (i32, i32) {
    %c0_i32 = arith.constant 0 : i32
    %c0_i32_0 = arith.constant 0 : i32
    %c0_i32_1 = arith.constant 0 : i32
    return %c0_i32, %c0_i32_0 : i32, i32
  }
  func.func @transform_3(%arg0: i32) -> (i32, i32) {
    %c0_i32 = arith.constant 0 : i32
    %c0_i32_0 = arith.constant 0 : i32
    %c0_i32_1 = arith.constant 0 : i32
    return %c0_i32, %c0_i32_0 : i32, i32
  }
  func.func @transform_4(%arg0: i32) -> (i32, i32) {
    %c0_i32 = arith.constant 0 : i32
    %c0_i32_0 = arith.constant 0 : i32
    %c0_i32_1 = arith.constant 0 : i32
    return %c0_i32, %c0_i32_0 : i32, i32
  }
  func.func @transform_5(%arg0: i32) -> (i32, i32) {
    %c0_i32 = arith.constant 0 : i32
    %c0_i32_0 = arith.constant 0 : i32
    %c0_i32_1 = arith.constant 0 : i32
    return %c0_i32, %c0_i32_0 : i32, i32
  }
  func.func @transform_6(%arg0: i32) -> (i32, i32) {
    %c0_i32 = arith.constant 0 : i32
    %c0_i32_0 = arith.constant 0 : i32
    %c0_i32_1 = arith.constant 0 : i32
    return %c0_i32, %c0_i32_0 : i32, i32
  }
  func.func @transform_7(%arg0: i32) -> (i32, i32) {
    %c0_i32 = arith.constant 0 : i32
    %c0_i32_0 = arith.constant 0 : i32
    %c0_i32_1 = arith.constant 0 : i32
    return %c0_i32, %c0_i32_0 : i32, i32
  }
  func.func @transform_8(%arg0: i32) -> (i32, i32) {
    %c0_i32 = arith.constant 0 : i32
    %c0_i32_0 = arith.constant 0 : i32
    %c0_i32_1 = arith.constant 0 : i32
    return %c0_i32, %c0_i32_0 : i32, i32
  }
  func.func @transform_9(%arg0: i32) -> (i32, i32) {
    %c0_i32 = arith.constant 0 : i32
    %c0_i32_0 = arith.constant 0 : i32
    %c0_i32_1 = arith.constant 0 : i32
    return %c0_i32, %c0_i32_0 : i32, i32
  }
  func.func @transform_10(%arg0: i32) -> (i32, i32) {
    %c0_i32 = arith.constant 0 : i32
    %c0_i32_0 = arith.constant 0 : i32
    %c0_i32_1 = arith.constant 0 : i32
    return %c0_i32, %c0_i32_0 : i32, i32
  }
  func.func @transform_11(%arg0: i32) -> (i32, i32) {
    %c0_i32 = arith.constant 0 : i32
    %c0_i32_0 = arith.constant 0 : i32
    %c0_i32_1 = arith.constant 0 : i32
    return %c0_i32, %c0_i32_0 : i32, i32
  }
  func.func @transform_12(%arg0: i32) -> (i32, i32) {
    %c0_i32 = arith.constant 0 : i32
    %c0_i32_0 = arith.constant 0 : i32
    %c0_i32_1 = arith.constant 0 : i32
    return %c0_i32, %c0_i32_0 : i32, i32
  }
  func.func @transform_13(%arg0: i32) -> (i32, i32) {
    %c0_i32 = arith.constant 0 : i32
    %c0_i32_0 = arith.constant 0 : i32
    return %arg0, %c0_i32 : i32, i32
  }
}

module attributes {stable_mosaic.version = 14 : i64} {
  func.func @_mlp_body(%arg0: i32, %arg1: memref<128x1664xf32, #tpu.memory_space<vmem>>, %arg2: memref<1664x128xf32, #tpu.memory_space<vmem>>, %arg3: memref<1x128xf32, #tpu.memory_space<vmem>>, %arg4: memref<1x128xf32, #tpu.memory_space<vmem>>, %arg5: memref<1x128xf32, #tpu.memory_space<vmem>>, %arg6: memref<128x128xf32, #tpu.memory_space<vmem>>, %arg7: memref<1x128xf32, #tpu.memory_space<vmem>>, %arg8: memref<1x128xf32, #tpu.memory_space<vmem>>, %arg9: memref<1x128xf32, #tpu.memory_space<vmem>>, %arg10: memref<128x128xf32, #tpu.memory_space<vmem>>, %arg11: memref<1x128xf32, #tpu.memory_space<vmem>>, %arg12: memref<1x128xf32, #tpu.memory_space<vmem>>, %arg13: memref<1x128xf32, #tpu.memory_space<vmem>>, %arg14: memref<128x128xf32, #tpu.memory_space<vmem>>) attributes {dimension_semantics = [#tpu.dimension_semantics<arbitrary>], iteration_bounds = array<i64: 1>, scalar_prefetch = 0 : i64, scratch_operands = 0 : i64, tpu.core_type = #tpu.core_type<tc>, window_params = [{transform_indices = @transform_0, window_bounds = array<i64: 128, 1664>}, {pipeline_mode = #tpu.pipeline_mode<synchronous>, transform_indices = @transform_1, window_bounds = array<i64: 1664, 128>}, {pipeline_mode = #tpu.pipeline_mode<synchronous>, transform_indices = @transform_2, window_bounds = array<i64: 1, 128>}, {pipeline_mode = #tpu.pipeline_mode<synchronous>, transform_indices = @transform_3, window_bounds = array<i64: 1, 128>}, {pipeline_mode = #tpu.pipeline_mode<synchronous>, transform_indices = @transform_4, window_bounds = array<i64: 1, 128>}, {pipeline_mode = #tpu.pipeline_mode<synchronous>, transform_indices = @transform_5, window_bounds = array<i64: 128, 128>}, {pipeline_mode = #tpu.pipeline_mode<synchronous>, transform_indices = @transform_6, window_bounds = array<i64: 1, 128>}, {pipeline_mode = #tpu.pipeline_mode<synchronous>, transform_indices = @transform_7, window_bounds = array<i64: 1, 128>}, {pipeline_mode = #tpu.pipeline_mode<synchronous>, transform_indices = @transform_8, window_bounds = array<i64: 1, 128>}, {pipeline_mode = #tpu.pipeline_mode<synchronous>, transform_indices = @transform_9, window_bounds = array<i64: 128, 128>}, {pipeline_mode = #tpu.pipeline_mode<synchronous>, transform_indices = @transform_10, window_bounds = array<i64: 1, 128>}, {pipeline_mode = #tpu.pipeline_mode<synchronous>, transform_indices = @transform_11, window_bounds = array<i64: 1, 128>}, {pipeline_mode = #tpu.pipeline_mode<synchronous>, transform_indices = @transform_12, window_bounds = array<i64: 1, 128>}, {transform_indices = @transform_13, window_bounds = array<i64: 128, 128>}]} {
    %get3A = arith.constant 0 : index
    %get3A_0 = arith.constant 0 : index
    %get3A_1 = vector.load %arg1[%get3A, %get3A_0] : memref<128x1664xf32, #tpu.memory_space<vmem>>, vector<128x1664xf32>
    %get3A_2 = arith.constant 0 : index
    %get3A_3 = arith.constant 0 : index
    %get3A_4 = vector.load %arg2[%get3A_2, %get3A_3] : memref<1664x128xf32, #tpu.memory_space<vmem>>, vector<1664x128xf32>
    %get3A_5 = arith.constant 0 : index
    %get3A_6 = arith.constant 0 : index
    %get3A_7 = vector.load %arg3[%get3A_5, %get3A_6] : memref<1x128xf32, #tpu.memory_space<vmem>>, vector<1x128xf32>
    %get3A_8 = arith.constant 0 : index
    %get3A_9 = arith.constant 0 : index
    %get3A_10 = vector.load %arg4[%get3A_8, %get3A_9] : memref<1x128xf32, #tpu.memory_space<vmem>>, vector<1x128xf32>
    %get3A_11 = arith.constant 0 : index
    %get3A_12 = arith.constant 0 : index
    %get3A_13 = vector.load %arg5[%get3A_11, %get3A_12] : memref<1x128xf32, #tpu.memory_space<vmem>>, vector<1x128xf32>
    %dot_general3A = arith.constant dense<0.000000e+00> : vector<128x128xf32>
    %dot_general3A_14 = tpu.matmul %get3A_1, %get3A_4, %dot_general3A {dimension_numbers = #tpu.dot_dimension_numbers<[1], [0], [0], [1], [0, 0, 1, 1], [], []>, transpose_lhs_hint = false} : vector<128x1664xf32>, vector<1664x128xf32>, vector<128x128xf32> -> vector<128x128xf32>
    %add3A = vector.broadcast %get3A_7 : vector<1x128xf32> to vector<128x128xf32>
    %add3A_15 = arith.addf %dot_general3A_14, %add3A : vector<128x128xf32>
    %mul3A = vector.broadcast %get3A_10 : vector<1x128xf32> to vector<128x128xf32>
    %mul3A_16 = arith.mulf %add3A_15, %mul3A : vector<128x128xf32>
    %add3A_17 = vector.broadcast %get3A_13 : vector<1x128xf32> to vector<128x128xf32>
    %add3A_18 = arith.addf %mul3A_16, %add3A_17 : vector<128x128xf32>
    %max3A = arith.constant 0.000000e+00 : f32
    %max3A_19 = vector.broadcast %max3A : f32 to vector<128x128xf32>
    %max3A_20 = arith.maximumf %add3A_18, %max3A_19 : vector<128x128xf32>
    %get3A_21 = arith.constant 0 : index
    %get3A_22 = arith.constant 0 : index
    %get3A_23 = vector.load %arg6[%get3A_21, %get3A_22] : memref<128x128xf32, #tpu.memory_space<vmem>>, vector<128x128xf32>
    %get3A_24 = arith.constant 0 : index
    %get3A_25 = arith.constant 0 : index
    %get3A_26 = vector.load %arg7[%get3A_24, %get3A_25] : memref<1x128xf32, #tpu.memory_space<vmem>>, vector<1x128xf32>
    %get3A_27 = arith.constant 0 : index
    %get3A_28 = arith.constant 0 : index
    %get3A_29 = vector.load %arg8[%get3A_27, %get3A_28] : memref<1x128xf32, #tpu.memory_space<vmem>>, vector<1x128xf32>
    %get3A_30 = arith.constant 0 : index
    %get3A_31 = arith.constant 0 : index
    %get3A_32 = vector.load %arg9[%get3A_30, %get3A_31] : memref<1x128xf32, #tpu.memory_space<vmem>>, vector<1x128xf32>
    %dot_general3A_33 = arith.constant dense<0.000000e+00> : vector<128x128xf32>
    %dot_general3A_34 = tpu.matmul %max3A_20, %get3A_23, %dot_general3A_33 {dimension_numbers = #tpu.dot_dimension_numbers<[1], [0], [0], [1], [0, 0, 1, 1], [], []>, transpose_lhs_hint = false} : vector<128x128xf32>, vector<128x128xf32>, vector<128x128xf32> -> vector<128x128xf32>
    %add3A_35 = vector.broadcast %get3A_26 : vector<1x128xf32> to vector<128x128xf32>
    %add3A_36 = arith.addf %dot_general3A_34, %add3A_35 : vector<128x128xf32>
    %mul3A_37 = vector.broadcast %get3A_29 : vector<1x128xf32> to vector<128x128xf32>
    %mul3A_38 = arith.mulf %add3A_36, %mul3A_37 : vector<128x128xf32>
    %add3A_39 = vector.broadcast %get3A_32 : vector<1x128xf32> to vector<128x128xf32>
    %add3A_40 = arith.addf %mul3A_38, %add3A_39 : vector<128x128xf32>
    %max3A_41 = arith.constant 0.000000e+00 : f32
    %max3A_42 = vector.broadcast %max3A_41 : f32 to vector<128x128xf32>
    %max3A_43 = arith.maximumf %add3A_40, %max3A_42 : vector<128x128xf32>
    %get3A_44 = arith.constant 0 : index
    %get3A_45 = arith.constant 0 : index
    %get3A_46 = vector.load %arg10[%get3A_44, %get3A_45] : memref<128x128xf32, #tpu.memory_space<vmem>>, vector<128x128xf32>
    %get3A_47 = arith.constant 0 : index
    %get3A_48 = arith.constant 0 : index
    %get3A_49 = vector.load %arg11[%get3A_47, %get3A_48] : memref<1x128xf32, #tpu.memory_space<vmem>>, vector<1x128xf32>
    %get3A_50 = arith.constant 0 : index
    %get3A_51 = arith.constant 0 : index
    %get3A_52 = vector.load %arg12[%get3A_50, %get3A_51] : memref<1x128xf32, #tpu.memory_space<vmem>>, vector<1x128xf32>
    %get3A_53 = arith.constant 0 : index
    %get3A_54 = arith.constant 0 : index
    %get3A_55 = vector.load %arg13[%get3A_53, %get3A_54] : memref<1x128xf32, #tpu.memory_space<vmem>>, vector<1x128xf32>
    %dot_general3A_56 = arith.constant dense<0.000000e+00> : vector<128x128xf32>
    %dot_general3A_57 = tpu.matmul %max3A_43, %get3A_46, %dot_general3A_56 {dimension_numbers = #tpu.dot_dimension_numbers<[1], [0], [0], [1], [0, 0, 1, 1], [], []>, transpose_lhs_hint = false} : vector<128x128xf32>, vector<128x128xf32>, vector<128x128xf32> -> vector<128x128xf32>
    %add3A_58 = vector.broadcast %get3A_49 : vector<1x128xf32> to vector<128x128xf32>
    %add3A_59 = arith.addf %dot_general3A_57, %add3A_58 : vector<128x128xf32>
    %mul3A_60 = vector.broadcast %get3A_52 : vector<1x128xf32> to vector<128x128xf32>
    %mul3A_61 = arith.mulf %add3A_59, %mul3A_60 : vector<128x128xf32>
    %add3A_62 = vector.broadcast %get3A_55 : vector<1x128xf32> to vector<128x128xf32>
    %add3A_63 = arith.addf %mul3A_61, %add3A_62 : vector<128x128xf32>
    %max3A_64 = arith.constant 0.000000e+00 : f32
    %max3A_65 = vector.broadcast %max3A_64 : f32 to vector<128x128xf32>
    %max3A_66 = arith.maximumf %add3A_63, %max3A_65 : vector<128x128xf32>
    %swap3A = arith.constant 0 : index
    %swap3A_67 = arith.constant 0 : index
    %swap3A_68 = vector.load %arg14[%swap3A, %swap3A_67] : memref<128x128xf32, #tpu.memory_space<vmem>>, vector<128x128xf32>
    tpu.vector_store %arg14[%swap3A, %swap3A_67], %max3A_66 {strides = array<i32>} : memref<128x128xf32, #tpu.memory_space<vmem>>, vector<128x128xf32>,
    return
  }
  func.func @transform_0(%arg0: i32) -> (i32, i32) {
    %c0_i32 = arith.constant 0 : i32
    %c0_i32_0 = arith.constant 0 : i32
    return %arg0, %c0_i32 : i32, i32
  }
  func.func @transform_1(%arg0: i32) -> (i32, i32) {
    %c0_i32 = arith.constant 0 : i32
    %c0_i32_0 = arith.constant 0 : i32
    %c0_i32_1 = arith.constant 0 : i32
    return %c0_i32, %c0_i32_0 : i32, i32
  }
  func.func @transform_2(%arg0: i32) -> (i32, i32) {
    %c0_i32 = arith.constant 0 : i32
    %c0_i32_0 = arith.constant 0 : i32
    %c0_i32_1 = arith.constant 0 : i32
    return %c0_i32, %c0_i32_0 : i32, i32
  }
  func.func @transform_3(%arg0: i32) -> (i32, i32) {
    %c0_i32 = arith.constant 0 : i32
    %c0_i32_0 = arith.constant 0 : i32
    %c0_i32_1 = arith.constant 0 : i32
    return %c0_i32, %c0_i32_0 : i32, i32
  }
  func.func @transform_4(%arg0: i32) -> (i32, i32) {
    %c0_i32 = arith.constant 0 : i32
    %c0_i32_0 = arith.constant 0 : i32
    %c0_i32_1 = arith.constant 0 : i32
    return %c0_i32, %c0_i32_0 : i32, i32
  }
  func.func @transform_5(%arg0: i32) -> (i32, i32) {
    %c0_i32 = arith.constant 0 : i32
    %c0_i32_0 = arith.constant 0 : i32
    %c0_i32_1 = arith.constant 0 : i32
    return %c0_i32, %c0_i32_0 : i32, i32
  }
  func.func @transform_6(%arg0: i32) -> (i32, i32) {
    %c0_i32 = arith.constant 0 : i32
    %c0_i32_0 = arith.constant 0 : i32
    %c0_i32_1 = arith.constant 0 : i32
    return %c0_i32, %c0_i32_0 : i32, i32
  }
  func.func @transform_7(%arg0: i32) -> (i32, i32) {
    %c0_i32 = arith.constant 0 : i32
    %c0_i32_0 = arith.constant 0 : i32
    %c0_i32_1 = arith.constant 0 : i32
    return %c0_i32, %c0_i32_0 : i32, i32
  }
  func.func @transform_8(%arg0: i32) -> (i32, i32) {
    %c0_i32 = arith.constant 0 : i32
    %c0_i32_0 = arith.constant 0 : i32
    %c0_i32_1 = arith.constant 0 : i32
    return %c0_i32, %c0_i32_0 : i32, i32
  }
  func.func @transform_9(%arg0: i32) -> (i32, i32) {
    %c0_i32 = arith.constant 0 : i32
    %c0_i32_0 = arith.constant 0 : i32
    %c0_i32_1 = arith.constant 0 : i32
    return %c0_i32, %c0_i32_0 : i32, i32
  }
  func.func @transform_10(%arg0: i32) -> (i32, i32) {
    %c0_i32 = arith.constant 0 : i32
    %c0_i32_0 = arith.constant 0 : i32
    %c0_i32_1 = arith.constant 0 : i32
    return %c0_i32, %c0_i32_0 : i32, i32
  }
  func.func @transform_11(%arg0: i32) -> (i32, i32) {
    %c0_i32 = arith.constant 0 : i32
    %c0_i32_0 = arith.constant 0 : i32
    %c0_i32_1 = arith.constant 0 : i32
    return %c0_i32, %c0_i32_0 : i32, i32
  }
  func.func @transform_12(%arg0: i32) -> (i32, i32) {
    %c0_i32 = arith.constant 0 : i32
    %c0_i32_0 = arith.constant 0 : i32
    %c0_i32_1 = arith.constant 0 : i32
    return %c0_i32, %c0_i32_0 : i32, i32
  }
  func.func @transform_13(%arg0: i32) -> (i32, i32) {
    %c0_i32 = arith.constant 0 : i32
    %c0_i32_0 = arith.constant 0 : i32
    return %arg0, %c0_i32 : i32, i32
  }
}

module attributes {stable_mosaic.version = 14 : i64} {
  func.func @_mlp_body(%arg0: i32, %arg1: memref<512x768xf32, #tpu.memory_space<vmem>>, %arg2: memref<768x256xf32, #tpu.memory_space<vmem>>, %arg3: memref<1x256xf32, #tpu.memory_space<vmem>>, %arg4: memref<1x256xf32, #tpu.memory_space<vmem>>, %arg5: memref<1x256xf32, #tpu.memory_space<vmem>>, %arg6: memref<256x128xf32, #tpu.memory_space<vmem>>, %arg7: memref<1x128xf32, #tpu.memory_space<vmem>>, %arg8: memref<1x128xf32, #tpu.memory_space<vmem>>, %arg9: memref<1x128xf32, #tpu.memory_space<vmem>>, %arg10: memref<512x128xf32, #tpu.memory_space<vmem>>) attributes {dimension_semantics = [#tpu.dimension_semantics<arbitrary>], iteration_bounds = array<i64: 1>, scalar_prefetch = 0 : i64, scratch_operands = 0 : i64, tpu.core_type = #tpu.core_type<tc>, window_params = [{transform_indices = @transform_0, window_bounds = array<i64: 512, 768>}, {pipeline_mode = #tpu.pipeline_mode<synchronous>, transform_indices = @transform_1, window_bounds = array<i64: 768, 256>}, {pipeline_mode = #tpu.pipeline_mode<synchronous>, transform_indices = @transform_2, window_bounds = array<i64: 1, 256>}, {pipeline_mode = #tpu.pipeline_mode<synchronous>, transform_indices = @transform_3, window_bounds = array<i64: 1, 256>}, {pipeline_mode = #tpu.pipeline_mode<synchronous>, transform_indices = @transform_4, window_bounds = array<i64: 1, 256>}, {pipeline_mode = #tpu.pipeline_mode<synchronous>, transform_indices = @transform_5, window_bounds = array<i64: 256, 128>}, {pipeline_mode = #tpu.pipeline_mode<synchronous>, transform_indices = @transform_6, window_bounds = array<i64: 1, 128>}, {pipeline_mode = #tpu.pipeline_mode<synchronous>, transform_indices = @transform_7, window_bounds = array<i64: 1, 128>}, {pipeline_mode = #tpu.pipeline_mode<synchronous>, transform_indices = @transform_8, window_bounds = array<i64: 1, 128>}, {transform_indices = @transform_9, window_bounds = array<i64: 512, 128>}]} {
    %get3A = arith.constant 0 : index
    %get3A_0 = arith.constant 0 : index
    %get3A_1 = vector.load %arg1[%get3A, %get3A_0] : memref<512x768xf32, #tpu.memory_space<vmem>>, vector<512x768xf32>
    %get3A_2 = arith.constant 0 : index
    %get3A_3 = arith.constant 0 : index
    %get3A_4 = vector.load %arg2[%get3A_2, %get3A_3] : memref<768x256xf32, #tpu.memory_space<vmem>>, vector<768x256xf32>
    %get3A_5 = arith.constant 0 : index
    %get3A_6 = arith.constant 0 : index
    %get3A_7 = vector.load %arg3[%get3A_5, %get3A_6] : memref<1x256xf32, #tpu.memory_space<vmem>>, vector<1x256xf32>
    %get3A_8 = arith.constant 0 : index
    %get3A_9 = arith.constant 0 : index
    %get3A_10 = vector.load %arg4[%get3A_8, %get3A_9] : memref<1x256xf32, #tpu.memory_space<vmem>>, vector<1x256xf32>
    %get3A_11 = arith.constant 0 : index
    %get3A_12 = arith.constant 0 : index
    %get3A_13 = vector.load %arg5[%get3A_11, %get3A_12] : memref<1x256xf32, #tpu.memory_space<vmem>>, vector<1x256xf32>
    %dot_general3A = arith.constant dense<0.000000e+00> : vector<512x256xf32>
    %dot_general3A_14 = tpu.matmul %get3A_1, %get3A_4, %dot_general3A {dimension_numbers = #tpu.dot_dimension_numbers<[1], [0], [0], [1], [0, 0, 1, 1], [], []>, transpose_lhs_hint = false} : vector<512x768xf32>, vector<768x256xf32>, vector<512x256xf32> -> vector<512x256xf32>
    %add3A = vector.broadcast %get3A_7 : vector<1x256xf32> to vector<512x256xf32>
    %add3A_15 = arith.addf %dot_general3A_14, %add3A : vector<512x256xf32>
    %mul3A = vector.broadcast %get3A_10 : vector<1x256xf32> to vector<512x256xf32>
    %mul3A_16 = arith.mulf %add3A_15, %mul3A : vector<512x256xf32>
    %add3A_17 = vector.broadcast %get3A_13 : vector<1x256xf32> to vector<512x256xf32>
    %add3A_18 = arith.addf %mul3A_16, %add3A_17 : vector<512x256xf32>
    %max3A = arith.constant 0.000000e+00 : f32
    %max3A_19 = vector.broadcast %max3A : f32 to vector<512x256xf32>
    %max3A_20 = arith.maximumf %add3A_18, %max3A_19 : vector<512x256xf32>
    %get3A_21 = arith.constant 0 : index
    %get3A_22 = arith.constant 0 : index
    %get3A_23 = vector.load %arg6[%get3A_21, %get3A_22] : memref<256x128xf32, #tpu.memory_space<vmem>>, vector<256x128xf32>
    %get3A_24 = arith.constant 0 : index
    %get3A_25 = arith.constant 0 : index
    %get3A_26 = vector.load %arg7[%get3A_24, %get3A_25] : memref<1x128xf32, #tpu.memory_space<vmem>>, vector<1x128xf32>
    %get3A_27 = arith.constant 0 : index
    %get3A_28 = arith.constant 0 : index
    %get3A_29 = vector.load %arg8[%get3A_27, %get3A_28] : memref<1x128xf32, #tpu.memory_space<vmem>>, vector<1x128xf32>
    %get3A_30 = arith.constant 0 : index
    %get3A_31 = arith.constant 0 : index
    %get3A_32 = vector.load %arg9[%get3A_30, %get3A_31] : memref<1x128xf32, #tpu.memory_space<vmem>>, vector<1x128xf32>
    %dot_general3A_33 = arith.constant dense<0.000000e+00> : vector<512x128xf32>
    %dot_general3A_34 = tpu.matmul %max3A_20, %get3A_23, %dot_general3A_33 {dimension_numbers = #tpu.dot_dimension_numbers<[1], [0], [0], [1], [0, 0, 1, 1], [], []>, transpose_lhs_hint = false} : vector<512x256xf32>, vector<256x128xf32>, vector<512x128xf32> -> vector<512x128xf32>
    %add3A_35 = vector.broadcast %get3A_26 : vector<1x128xf32> to vector<512x128xf32>
    %add3A_36 = arith.addf %dot_general3A_34, %add3A_35 : vector<512x128xf32>
    %mul3A_37 = vector.broadcast %get3A_29 : vector<1x128xf32> to vector<512x128xf32>
    %mul3A_38 = arith.mulf %add3A_36, %mul3A_37 : vector<512x128xf32>
    %add3A_39 = vector.broadcast %get3A_32 : vector<1x128xf32> to vector<512x128xf32>
    %add3A_40 = arith.addf %mul3A_38, %add3A_39 : vector<512x128xf32>
    %max3A_41 = arith.constant 0.000000e+00 : f32
    %max3A_42 = vector.broadcast %max3A_41 : f32 to vector<512x128xf32>
    %max3A_43 = arith.maximumf %add3A_40, %max3A_42 : vector<512x128xf32>
    %swap3A = arith.constant 0 : index
    %swap3A_44 = arith.constant 0 : index
    %swap3A_45 = vector.load %arg10[%swap3A, %swap3A_44] : memref<512x128xf32, #tpu.memory_space<vmem>>, vector<512x128xf32>
    tpu.vector_store %arg10[%swap3A, %swap3A_44], %max3A_43 {strides = array<i32>} : memref<512x128xf32, #tpu.memory_space<vmem>>, vector<512x128xf32>,
    return
  }
  func.func @transform_0(%arg0: i32) -> (i32, i32) {
    %c0_i32 = arith.constant 0 : i32
    %c0_i32_0 = arith.constant 0 : i32
    return %arg0, %c0_i32 : i32, i32
  }
  func.func @transform_1(%arg0: i32) -> (i32, i32) {
    %c0_i32 = arith.constant 0 : i32
    %c0_i32_0 = arith.constant 0 : i32
    %c0_i32_1 = arith.constant 0 : i32
    return %c0_i32, %c0_i32_0 : i32, i32
  }
  func.func @transform_2(%arg0: i32) -> (i32, i32) {
    %c0_i32 = arith.constant 0 : i32
    %c0_i32_0 = arith.constant 0 : i32
    %c0_i32_1 = arith.constant 0 : i32
    return %c0_i32, %c0_i32_0 : i32, i32
  }
  func.func @transform_3(%arg0: i32) -> (i32, i32) {
    %c0_i32 = arith.constant 0 : i32
    %c0_i32_0 = arith.constant 0 : i32
    %c0_i32_1 = arith.constant 0 : i32
    return %c0_i32, %c0_i32_0 : i32, i32
  }
  func.func @transform_4(%arg0: i32) -> (i32, i32) {
    %c0_i32 = arith.constant 0 : i32
    %c0_i32_0 = arith.constant 0 : i32
    %c0_i32_1 = arith.constant 0 : i32
    return %c0_i32, %c0_i32_0 : i32, i32
  }
  func.func @transform_5(%arg0: i32) -> (i32, i32) {
    %c0_i32 = arith.constant 0 : i32
    %c0_i32_0 = arith.constant 0 : i32
    %c0_i32_1 = arith.constant 0 : i32
    return %c0_i32, %c0_i32_0 : i32, i32
  }
  func.func @transform_6(%arg0: i32) -> (i32, i32) {
    %c0_i32 = arith.constant 0 : i32
    %c0_i32_0 = arith.constant 0 : i32
    %c0_i32_1 = arith.constant 0 : i32
    return %c0_i32, %c0_i32_0 : i32, i32
  }
  func.func @transform_7(%arg0: i32) -> (i32, i32) {
    %c0_i32 = arith.constant 0 : i32
    %c0_i32_0 = arith.constant 0 : i32
    %c0_i32_1 = arith.constant 0 : i32
    return %c0_i32, %c0_i32_0 : i32, i32
  }
  func.func @transform_8(%arg0: i32) -> (i32, i32) {
    %c0_i32 = arith.constant 0 : i32
    %c0_i32_0 = arith.constant 0 : i32
    %c0_i32_1 = arith.constant 0 : i32
    return %c0_i32, %c0_i32_0 : i32, i32
  }
  func.func @transform_9(%arg0: i32) -> (i32, i32) {
    %c0_i32 = arith.constant 0 : i32
    %c0_i32_0 = arith.constant 0 : i32
    return %arg0, %c0_i32 : i32, i32
  }
}

module attributes {stable_mosaic.version = 14 : i64} {
  func.func @_mlp_body(%arg0: i32, %arg1: memref<512x448xf32, #tpu.memory_space<vmem>>, %arg2: memref<448x256xf32, #tpu.memory_space<vmem>>, %arg3: memref<1x256xf32, #tpu.memory_space<vmem>>, %arg4: memref<1x256xf32, #tpu.memory_space<vmem>>, %arg5: memref<1x256xf32, #tpu.memory_space<vmem>>, %arg6: memref<256x256xf32, #tpu.memory_space<vmem>>, %arg7: memref<1x256xf32, #tpu.memory_space<vmem>>, %arg8: memref<1x256xf32, #tpu.memory_space<vmem>>, %arg9: memref<1x256xf32, #tpu.memory_space<vmem>>, %arg10: memref<512x256xf32, #tpu.memory_space<vmem>>) attributes {dimension_semantics = [#tpu.dimension_semantics<arbitrary>], iteration_bounds = array<i64: 4>, scalar_prefetch = 0 : i64, scratch_operands = 0 : i64, tpu.core_type = #tpu.core_type<tc>, window_params = [{transform_indices = @transform_0, window_bounds = array<i64: 512, 448>}, {pipeline_mode = #tpu.pipeline_mode<synchronous>, transform_indices = @transform_1, window_bounds = array<i64: 448, 256>}, {pipeline_mode = #tpu.pipeline_mode<synchronous>, transform_indices = @transform_2, window_bounds = array<i64: 1, 256>}, {pipeline_mode = #tpu.pipeline_mode<synchronous>, transform_indices = @transform_3, window_bounds = array<i64: 1, 256>}, {pipeline_mode = #tpu.pipeline_mode<synchronous>, transform_indices = @transform_4, window_bounds = array<i64: 1, 256>}, {pipeline_mode = #tpu.pipeline_mode<synchronous>, transform_indices = @transform_5, window_bounds = array<i64: 256, 256>}, {pipeline_mode = #tpu.pipeline_mode<synchronous>, transform_indices = @transform_6, window_bounds = array<i64: 1, 256>}, {pipeline_mode = #tpu.pipeline_mode<synchronous>, transform_indices = @transform_7, window_bounds = array<i64: 1, 256>}, {pipeline_mode = #tpu.pipeline_mode<synchronous>, transform_indices = @transform_8, window_bounds = array<i64: 1, 256>}, {transform_indices = @transform_9, window_bounds = array<i64: 512, 256>}]} {
    %get3A = arith.constant 0 : index
    %get3A_0 = arith.constant 0 : index
    %get3A_1 = vector.load %arg1[%get3A, %get3A_0] : memref<512x448xf32, #tpu.memory_space<vmem>>, vector<512x448xf32>
    %get3A_2 = arith.constant 0 : index
    %get3A_3 = arith.constant 0 : index
    %get3A_4 = vector.load %arg2[%get3A_2, %get3A_3] : memref<448x256xf32, #tpu.memory_space<vmem>>, vector<448x256xf32>
    %get3A_5 = arith.constant 0 : index
    %get3A_6 = arith.constant 0 : index
    %get3A_7 = vector.load %arg3[%get3A_5, %get3A_6] : memref<1x256xf32, #tpu.memory_space<vmem>>, vector<1x256xf32>
    %get3A_8 = arith.constant 0 : index
    %get3A_9 = arith.constant 0 : index
    %get3A_10 = vector.load %arg4[%get3A_8, %get3A_9] : memref<1x256xf32, #tpu.memory_space<vmem>>, vector<1x256xf32>
    %get3A_11 = arith.constant 0 : index
    %get3A_12 = arith.constant 0 : index
    %get3A_13 = vector.load %arg5[%get3A_11, %get3A_12] : memref<1x256xf32, #tpu.memory_space<vmem>>, vector<1x256xf32>
    %dot_general3A = arith.constant dense<0.000000e+00> : vector<512x256xf32>
    %dot_general3A_14 = tpu.matmul %get3A_1, %get3A_4, %dot_general3A {dimension_numbers = #tpu.dot_dimension_numbers<[1], [0], [0], [1], [0, 0, 1, 1], [], []>, transpose_lhs_hint = false} : vector<512x448xf32>, vector<448x256xf32>, vector<512x256xf32> -> vector<512x256xf32>
    %add3A = vector.broadcast %get3A_7 : vector<1x256xf32> to vector<512x256xf32>
    %add3A_15 = arith.addf %dot_general3A_14, %add3A : vector<512x256xf32>
    %mul3A = vector.broadcast %get3A_10 : vector<1x256xf32> to vector<512x256xf32>
    %mul3A_16 = arith.mulf %add3A_15, %mul3A : vector<512x256xf32>
    %add3A_17 = vector.broadcast %get3A_13 : vector<1x256xf32> to vector<512x256xf32>
    %add3A_18 = arith.addf %mul3A_16, %add3A_17 : vector<512x256xf32>
    %max3A = arith.constant 0.000000e+00 : f32
    %max3A_19 = vector.broadcast %max3A : f32 to vector<512x256xf32>
    %max3A_20 = arith.maximumf %add3A_18, %max3A_19 : vector<512x256xf32>
    %get3A_21 = arith.constant 0 : index
    %get3A_22 = arith.constant 0 : index
    %get3A_23 = vector.load %arg6[%get3A_21, %get3A_22] : memref<256x256xf32, #tpu.memory_space<vmem>>, vector<256x256xf32>
    %get3A_24 = arith.constant 0 : index
    %get3A_25 = arith.constant 0 : index
    %get3A_26 = vector.load %arg7[%get3A_24, %get3A_25] : memref<1x256xf32, #tpu.memory_space<vmem>>, vector<1x256xf32>
    %get3A_27 = arith.constant 0 : index
    %get3A_28 = arith.constant 0 : index
    %get3A_29 = vector.load %arg8[%get3A_27, %get3A_28] : memref<1x256xf32, #tpu.memory_space<vmem>>, vector<1x256xf32>
    %get3A_30 = arith.constant 0 : index
    %get3A_31 = arith.constant 0 : index
    %get3A_32 = vector.load %arg9[%get3A_30, %get3A_31] : memref<1x256xf32, #tpu.memory_space<vmem>>, vector<1x256xf32>
    %dot_general3A_33 = arith.constant dense<0.000000e+00> : vector<512x256xf32>
    %dot_general3A_34 = tpu.matmul %max3A_20, %get3A_23, %dot_general3A_33 {dimension_numbers = #tpu.dot_dimension_numbers<[1], [0], [0], [1], [0, 0, 1, 1], [], []>, transpose_lhs_hint = false} : vector<512x256xf32>, vector<256x256xf32>, vector<512x256xf32> -> vector<512x256xf32>
    %add3A_35 = vector.broadcast %get3A_26 : vector<1x256xf32> to vector<512x256xf32>
    %add3A_36 = arith.addf %dot_general3A_34, %add3A_35 : vector<512x256xf32>
    %mul3A_37 = vector.broadcast %get3A_29 : vector<1x256xf32> to vector<512x256xf32>
    %mul3A_38 = arith.mulf %add3A_36, %mul3A_37 : vector<512x256xf32>
    %add3A_39 = vector.broadcast %get3A_32 : vector<1x256xf32> to vector<512x256xf32>
    %add3A_40 = arith.addf %mul3A_38, %add3A_39 : vector<512x256xf32>
    %max3A_41 = arith.constant 0.000000e+00 : f32
    %max3A_42 = vector.broadcast %max3A_41 : f32 to vector<512x256xf32>
    %max3A_43 = arith.maximumf %add3A_40, %max3A_42 : vector<512x256xf32>
    %swap3A = arith.constant 0 : index
    %swap3A_44 = arith.constant 0 : index
    %swap3A_45 = vector.load %arg10[%swap3A, %swap3A_44] : memref<512x256xf32, #tpu.memory_space<vmem>>, vector<512x256xf32>
    tpu.vector_store %arg10[%swap3A, %swap3A_44], %max3A_43 {strides = array<i32>} : memref<512x256xf32, #tpu.memory_space<vmem>>, vector<512x256xf32>,
    return
  }
  func.func @transform_0(%arg0: i32) -> (i32, i32) {
    %c0_i32 = arith.constant 0 : i32
    %c0_i32_0 = arith.constant 0 : i32
    return %arg0, %c0_i32 : i32, i32
  }
  func.func @transform_1(%arg0: i32) -> (i32, i32) {
    %c0_i32 = arith.constant 0 : i32
    %c0_i32_0 = arith.constant 0 : i32
    %c0_i32_1 = arith.constant 0 : i32
    return %c0_i32, %c0_i32_0 : i32, i32
  }
  func.func @transform_2(%arg0: i32) -> (i32, i32) {
    %c0_i32 = arith.constant 0 : i32
    %c0_i32_0 = arith.constant 0 : i32
    %c0_i32_1 = arith.constant 0 : i32
    return %c0_i32, %c0_i32_0 : i32, i32
  }
  func.func @transform_3(%arg0: i32) -> (i32, i32) {
    %c0_i32 = arith.constant 0 : i32
    %c0_i32_0 = arith.constant 0 : i32
    %c0_i32_1 = arith.constant 0 : i32
    return %c0_i32, %c0_i32_0 : i32, i32
  }
  func.func @transform_4(%arg0: i32) -> (i32, i32) {
    %c0_i32 = arith.constant 0 : i32
    %c0_i32_0 = arith.constant 0 : i32
    %c0_i32_1 = arith.constant 0 : i32
    return %c0_i32, %c0_i32_0 : i32, i32
  }
  func.func @transform_5(%arg0: i32) -> (i32, i32) {
    %c0_i32 = arith.constant 0 : i32
    %c0_i32_0 = arith.constant 0 : i32
    %c0_i32_1 = arith.constant 0 : i32
    return %c0_i32, %c0_i32_0 : i32, i32
  }
  func.func @transform_6(%arg0: i32) -> (i32, i32) {
    %c0_i32 = arith.constant 0 : i32
    %c0_i32_0 = arith.constant 0 : i32
    %c0_i32_1 = arith.constant 0 : i32
    return %c0_i32, %c0_i32_0 : i32, i32
  }
  func.func @transform_7(%arg0: i32) -> (i32, i32) {
    %c0_i32 = arith.constant 0 : i32
    %c0_i32_0 = arith.constant 0 : i32
    %c0_i32_1 = arith.constant 0 : i32
    return %c0_i32, %c0_i32_0 : i32, i32
  }
  func.func @transform_8(%arg0: i32) -> (i32, i32) {
    %c0_i32 = arith.constant 0 : i32
    %c0_i32_0 = arith.constant 0 : i32
    %c0_i32_1 = arith.constant 0 : i32
    return %c0_i32, %c0_i32_0 : i32, i32
  }
  func.func @transform_9(%arg0: i32) -> (i32, i32) {
    %c0_i32 = arith.constant 0 : i32
    %c0_i32_0 = arith.constant 0 : i32
    return %arg0, %c0_i32 : i32, i32
  }
}

module attributes {stable_mosaic.version = 14 : i64} {
  func.func @_mlp_body(%arg0: i32, %arg1: memref<512x256xf32, #tpu.memory_space<vmem>>, %arg2: memref<256x128xf32, #tpu.memory_space<vmem>>, %arg3: memref<1x128xf32, #tpu.memory_space<vmem>>, %arg4: memref<1x128xf32, #tpu.memory_space<vmem>>, %arg5: memref<1x128xf32, #tpu.memory_space<vmem>>, %arg6: memref<128x3xf32, #tpu.memory_space<vmem>>, %arg7: memref<1x3xf32, #tpu.memory_space<vmem>>, %arg8: memref<1x3xf32, #tpu.memory_space<vmem>>, %arg9: memref<1x3xf32, #tpu.memory_space<vmem>>, %arg10: memref<512x3xf32, #tpu.memory_space<vmem>>) attributes {dimension_semantics = [#tpu.dimension_semantics<arbitrary>], iteration_bounds = array<i64: 4>, scalar_prefetch = 0 : i64, scratch_operands = 0 : i64, tpu.core_type = #tpu.core_type<tc>, window_params = [{transform_indices = @transform_0, window_bounds = array<i64: 512, 256>}, {pipeline_mode = #tpu.pipeline_mode<synchronous>, transform_indices = @transform_1, window_bounds = array<i64: 256, 128>}, {pipeline_mode = #tpu.pipeline_mode<synchronous>, transform_indices = @transform_2, window_bounds = array<i64: 1, 128>}, {pipeline_mode = #tpu.pipeline_mode<synchronous>, transform_indices = @transform_3, window_bounds = array<i64: 1, 128>}, {pipeline_mode = #tpu.pipeline_mode<synchronous>, transform_indices = @transform_4, window_bounds = array<i64: 1, 128>}, {pipeline_mode = #tpu.pipeline_mode<synchronous>, transform_indices = @transform_5, window_bounds = array<i64: 128, 3>}, {pipeline_mode = #tpu.pipeline_mode<synchronous>, transform_indices = @transform_6, window_bounds = array<i64: 1, 3>}, {pipeline_mode = #tpu.pipeline_mode<synchronous>, transform_indices = @transform_7, window_bounds = array<i64: 1, 3>}, {pipeline_mode = #tpu.pipeline_mode<synchronous>, transform_indices = @transform_8, window_bounds = array<i64: 1, 3>}, {transform_indices = @transform_9, window_bounds = array<i64: 512, 3>}]} {
    %get3A = arith.constant 0 : index
    %get3A_0 = arith.constant 0 : index
    %get3A_1 = vector.load %arg1[%get3A, %get3A_0] : memref<512x256xf32, #tpu.memory_space<vmem>>, vector<512x256xf32>
    %get3A_2 = arith.constant 0 : index
    %get3A_3 = arith.constant 0 : index
    %get3A_4 = vector.load %arg2[%get3A_2, %get3A_3] : memref<256x128xf32, #tpu.memory_space<vmem>>, vector<256x128xf32>
    %get3A_5 = arith.constant 0 : index
    %get3A_6 = arith.constant 0 : index
    %get3A_7 = vector.load %arg3[%get3A_5, %get3A_6] : memref<1x128xf32, #tpu.memory_space<vmem>>, vector<1x128xf32>
    %get3A_8 = arith.constant 0 : index
    %get3A_9 = arith.constant 0 : index
    %get3A_10 = vector.load %arg4[%get3A_8, %get3A_9] : memref<1x128xf32, #tpu.memory_space<vmem>>, vector<1x128xf32>
    %get3A_11 = arith.constant 0 : index
    %get3A_12 = arith.constant 0 : index
    %get3A_13 = vector.load %arg5[%get3A_11, %get3A_12] : memref<1x128xf32, #tpu.memory_space<vmem>>, vector<1x128xf32>
    %dot_general3A = arith.constant dense<0.000000e+00> : vector<512x128xf32>
    %dot_general3A_14 = tpu.matmul %get3A_1, %get3A_4, %dot_general3A {dimension_numbers = #tpu.dot_dimension_numbers<[1], [0], [0], [1], [0, 0, 1, 1], [], []>, transpose_lhs_hint = false} : vector<512x256xf32>, vector<256x128xf32>, vector<512x128xf32> -> vector<512x128xf32>
    %add3A = vector.broadcast %get3A_7 : vector<1x128xf32> to vector<512x128xf32>
    %add3A_15 = arith.addf %dot_general3A_14, %add3A : vector<512x128xf32>
    %mul3A = vector.broadcast %get3A_10 : vector<1x128xf32> to vector<512x128xf32>
    %mul3A_16 = arith.mulf %add3A_15, %mul3A : vector<512x128xf32>
    %add3A_17 = vector.broadcast %get3A_13 : vector<1x128xf32> to vector<512x128xf32>
    %add3A_18 = arith.addf %mul3A_16, %add3A_17 : vector<512x128xf32>
    %max3A = arith.constant 0.000000e+00 : f32
    %max3A_19 = vector.broadcast %max3A : f32 to vector<512x128xf32>
    %max3A_20 = arith.maximumf %add3A_18, %max3A_19 : vector<512x128xf32>
    %get3A_21 = arith.constant 0 : index
    %get3A_22 = arith.constant 0 : index
    %get3A_23 = vector.load %arg6[%get3A_21, %get3A_22] : memref<128x3xf32, #tpu.memory_space<vmem>>, vector<128x3xf32>
    %get3A_24 = arith.constant 0 : index
    %get3A_25 = arith.constant 0 : index
    %get3A_26 = vector.load %arg7[%get3A_24, %get3A_25] : memref<1x3xf32, #tpu.memory_space<vmem>>, vector<1x3xf32>
    %dot_general3A_27 = arith.constant dense<0.000000e+00> : vector<512x3xf32>
    %dot_general3A_28 = tpu.matmul %max3A_20, %get3A_23, %dot_general3A_27 {dimension_numbers = #tpu.dot_dimension_numbers<[1], [0], [0], [1], [0, 0, 1, 1], [], []>, transpose_lhs_hint = false} : vector<512x128xf32>, vector<128x3xf32>, vector<512x3xf32> -> vector<512x3xf32>
    %add3A_29 = vector.broadcast %get3A_26 : vector<1x3xf32> to vector<512x3xf32>
    %add3A_30 = arith.addf %dot_general3A_28, %add3A_29 : vector<512x3xf32>
    %swap3A = arith.constant 0 : index
    %swap3A_31 = arith.constant 0 : index
    %swap3A_32 = vector.load %arg10[%swap3A, %swap3A_31] : memref<512x3xf32, #tpu.memory_space<vmem>>, vector<512x3xf32>
    tpu.vector_store %arg10[%swap3A, %swap3A_31], %add3A_30 {strides = array<i32>} : memref<512x3xf32, #tpu.memory_space<vmem>>, vector<512x3xf32>,
    return
  }
  func.func @transform_0(%arg0: i32) -> (i32, i32) {
    %c0_i32 = arith.constant 0 : i32
    %c0_i32_0 = arith.constant 0 : i32
    return %arg0, %c0_i32 : i32, i32
  }
  func.func @transform_1(%arg0: i32) -> (i32, i32) {
    %c0_i32 = arith.constant 0 : i32
    %c0_i32_0 = arith.constant 0 : i32
    %c0_i32_1 = arith.constant 0 : i32
    return %c0_i32, %c0_i32_0 : i32, i32
  }
  func.func @transform_2(%arg0: i32) -> (i32, i32) {
    %c0_i32 = arith.constant 0 : i32
    %c0_i32_0 = arith.constant 0 : i32
    %c0_i32_1 = arith.constant 0 : i32
    return %c0_i32, %c0_i32_0 : i32, i32
  }
  func.func @transform_3(%arg0: i32) -> (i32, i32) {
    %c0_i32 = arith.constant 0 : i32
    %c0_i32_0 = arith.constant 0 : i32
    %c0_i32_1 = arith.constant 0 : i32
    return %c0_i32, %c0_i32_0 : i32, i32
  }
  func.func @transform_4(%arg0: i32) -> (i32, i32) {
    %c0_i32 = arith.constant 0 : i32
    %c0_i32_0 = arith.constant 0 : i32
    %c0_i32_1 = arith.constant 0 : i32
    return %c0_i32, %c0_i32_0 : i32, i32
  }
  func.func @transform_5(%arg0: i32) -> (i32, i32) {
    %c0_i32 = arith.constant 0 : i32
    %c0_i32_0 = arith.constant 0 : i32
    %c0_i32_1 = arith.constant 0 : i32
    return %c0_i32, %c0_i32_0 : i32, i32
  }
  func.func @transform_6(%arg0: i32) -> (i32, i32) {
    %c0_i32 = arith.constant 0 : i32
    %c0_i32_0 = arith.constant 0 : i32
    %c0_i32_1 = arith.constant 0 : i32
    return %c0_i32, %c0_i32_0 : i32, i32
  }
  func.func @transform_7(%arg0: i32) -> (i32, i32) {
    %c0_i32 = arith.constant 0 : i32
    %c0_i32_0 = arith.constant 0 : i32
    %c0_i32_1 = arith.constant 0 : i32
    return %c0_i32, %c0_i32_0 : i32, i32
  }
  func.func @transform_8(%arg0: i32) -> (i32, i32) {
    %c0_i32 = arith.constant 0 : i32
    %c0_i32_0 = arith.constant 0 : i32
    %c0_i32_1 = arith.constant 0 : i32
    return %c0_i32, %c0_i32_0 : i32, i32
  }
  func.func @transform_9(%arg0: i32) -> (i32, i32) {
    %c0_i32 = arith.constant 0 : i32
    %c0_i32_0 = arith.constant 0 : i32
    return %arg0, %c0_i32 : i32, i32
  }
}

module attributes {stable_mosaic.version = 14 : i64} {
  func.func @_mlp_body(%arg0: i32, %arg1: memref<512x256xf32, #tpu.memory_space<vmem>>, %arg2: memref<256x128xf32, #tpu.memory_space<vmem>>, %arg3: memref<1x128xf32, #tpu.memory_space<vmem>>, %arg4: memref<1x128xf32, #tpu.memory_space<vmem>>, %arg5: memref<1x128xf32, #tpu.memory_space<vmem>>, %arg6: memref<128x10xf32, #tpu.memory_space<vmem>>, %arg7: memref<1x10xf32, #tpu.memory_space<vmem>>, %arg8: memref<1x10xf32, #tpu.memory_space<vmem>>, %arg9: memref<1x10xf32, #tpu.memory_space<vmem>>, %arg10: memref<512x10xf32, #tpu.memory_space<vmem>>) attributes {dimension_semantics = [#tpu.dimension_semantics<arbitrary>], iteration_bounds = array<i64: 4>, scalar_prefetch = 0 : i64, scratch_operands = 0 : i64, tpu.core_type = #tpu.core_type<tc>, window_params = [{transform_indices = @transform_0, window_bounds = array<i64: 512, 256>}, {pipeline_mode = #tpu.pipeline_mode<synchronous>, transform_indices = @transform_1, window_bounds = array<i64: 256, 128>}, {pipeline_mode = #tpu.pipeline_mode<synchronous>, transform_indices = @transform_2, window_bounds = array<i64: 1, 128>}, {pipeline_mode = #tpu.pipeline_mode<synchronous>, transform_indices = @transform_3, window_bounds = array<i64: 1, 128>}, {pipeline_mode = #tpu.pipeline_mode<synchronous>, transform_indices = @transform_4, window_bounds = array<i64: 1, 128>}, {pipeline_mode = #tpu.pipeline_mode<synchronous>, transform_indices = @transform_5, window_bounds = array<i64: 128, 10>}, {pipeline_mode = #tpu.pipeline_mode<synchronous>, transform_indices = @transform_6, window_bounds = array<i64: 1, 10>}, {pipeline_mode = #tpu.pipeline_mode<synchronous>, transform_indices = @transform_7, window_bounds = array<i64: 1, 10>}, {pipeline_mode = #tpu.pipeline_mode<synchronous>, transform_indices = @transform_8, window_bounds = array<i64: 1, 10>}, {transform_indices = @transform_9, window_bounds = array<i64: 512, 10>}]} {
    %get3A = arith.constant 0 : index
    %get3A_0 = arith.constant 0 : index
    %get3A_1 = vector.load %arg1[%get3A, %get3A_0] : memref<512x256xf32, #tpu.memory_space<vmem>>, vector<512x256xf32>
    %get3A_2 = arith.constant 0 : index
    %get3A_3 = arith.constant 0 : index
    %get3A_4 = vector.load %arg2[%get3A_2, %get3A_3] : memref<256x128xf32, #tpu.memory_space<vmem>>, vector<256x128xf32>
    %get3A_5 = arith.constant 0 : index
    %get3A_6 = arith.constant 0 : index
    %get3A_7 = vector.load %arg3[%get3A_5, %get3A_6] : memref<1x128xf32, #tpu.memory_space<vmem>>, vector<1x128xf32>
    %get3A_8 = arith.constant 0 : index
    %get3A_9 = arith.constant 0 : index
    %get3A_10 = vector.load %arg4[%get3A_8, %get3A_9] : memref<1x128xf32, #tpu.memory_space<vmem>>, vector<1x128xf32>
    %get3A_11 = arith.constant 0 : index
    %get3A_12 = arith.constant 0 : index
    %get3A_13 = vector.load %arg5[%get3A_11, %get3A_12] : memref<1x128xf32, #tpu.memory_space<vmem>>, vector<1x128xf32>
    %dot_general3A = arith.constant dense<0.000000e+00> : vector<512x128xf32>
    %dot_general3A_14 = tpu.matmul %get3A_1, %get3A_4, %dot_general3A {dimension_numbers = #tpu.dot_dimension_numbers<[1], [0], [0], [1], [0, 0, 1, 1], [], []>, transpose_lhs_hint = false} : vector<512x256xf32>, vector<256x128xf32>, vector<512x128xf32> -> vector<512x128xf32>
    %add3A = vector.broadcast %get3A_7 : vector<1x128xf32> to vector<512x128xf32>
    %add3A_15 = arith.addf %dot_general3A_14, %add3A : vector<512x128xf32>
    %mul3A = vector.broadcast %get3A_10 : vector<1x128xf32> to vector<512x128xf32>
    %mul3A_16 = arith.mulf %add3A_15, %mul3A : vector<512x128xf32>
    %add3A_17 = vector.broadcast %get3A_13 : vector<1x128xf32> to vector<512x128xf32>
    %add3A_18 = arith.addf %mul3A_16, %add3A_17 : vector<512x128xf32>
    %max3A = arith.constant 0.000000e+00 : f32
    %max3A_19 = vector.broadcast %max3A : f32 to vector<512x128xf32>
    %max3A_20 = arith.maximumf %add3A_18, %max3A_19 : vector<512x128xf32>
    %get3A_21 = arith.constant 0 : index
    %get3A_22 = arith.constant 0 : index
    %get3A_23 = vector.load %arg6[%get3A_21, %get3A_22] : memref<128x10xf32, #tpu.memory_space<vmem>>, vector<128x10xf32>
    %get3A_24 = arith.constant 0 : index
    %get3A_25 = arith.constant 0 : index
    %get3A_26 = vector.load %arg7[%get3A_24, %get3A_25] : memref<1x10xf32, #tpu.memory_space<vmem>>, vector<1x10xf32>
    %dot_general3A_27 = arith.constant dense<0.000000e+00> : vector<512x10xf32>
    %dot_general3A_28 = tpu.matmul %max3A_20, %get3A_23, %dot_general3A_27 {dimension_numbers = #tpu.dot_dimension_numbers<[1], [0], [0], [1], [0, 0, 1, 1], [], []>, transpose_lhs_hint = false} : vector<512x128xf32>, vector<128x10xf32>, vector<512x10xf32> -> vector<512x10xf32>
    %add3A_29 = vector.broadcast %get3A_26 : vector<1x10xf32> to vector<512x10xf32>
    %add3A_30 = arith.addf %dot_general3A_28, %add3A_29 : vector<512x10xf32>
    %swap3A = arith.constant 0 : index
    %swap3A_31 = arith.constant 0 : index
    %swap3A_32 = vector.load %arg10[%swap3A, %swap3A_31] : memref<512x10xf32, #tpu.memory_space<vmem>>, vector<512x10xf32>
    tpu.vector_store %arg10[%swap3A, %swap3A_31], %add3A_30 {strides = array<i32>} : memref<512x10xf32, #tpu.memory_space<vmem>>, vector<512x10xf32>,
    return
  }
  func.func @transform_0(%arg0: i32) -> (i32, i32) {
    %c0_i32 = arith.constant 0 : i32
    %c0_i32_0 = arith.constant 0 : i32
    return %arg0, %c0_i32 : i32, i32
  }
  func.func @transform_1(%arg0: i32) -> (i32, i32) {
    %c0_i32 = arith.constant 0 : i32
    %c0_i32_0 = arith.constant 0 : i32
    %c0_i32_1 = arith.constant 0 : i32
    return %c0_i32, %c0_i32_0 : i32, i32
  }
  func.func @transform_2(%arg0: i32) -> (i32, i32) {
    %c0_i32 = arith.constant 0 : i32
    %c0_i32_0 = arith.constant 0 : i32
    %c0_i32_1 = arith.constant 0 : i32
    return %c0_i32, %c0_i32_0 : i32, i32
  }
  func.func @transform_3(%arg0: i32) -> (i32, i32) {
    %c0_i32 = arith.constant 0 : i32
    %c0_i32_0 = arith.constant 0 : i32
    %c0_i32_1 = arith.constant 0 : i32
    return %c0_i32, %c0_i32_0 : i32, i32
  }
  func.func @transform_4(%arg0: i32) -> (i32, i32) {
    %c0_i32 = arith.constant 0 : i32
    %c0_i32_0 = arith.constant 0 : i32
    %c0_i32_1 = arith.constant 0 : i32
    return %c0_i32, %c0_i32_0 : i32, i32
  }
  func.func @transform_5(%arg0: i32) -> (i32, i32) {
    %c0_i32 = arith.constant 0 : i32
    %c0_i32_0 = arith.constant 0 : i32
    %c0_i32_1 = arith.constant 0 : i32
    return %c0_i32, %c0_i32_0 : i32, i32
  }
  func.func @transform_6(%arg0: i32) -> (i32, i32) {
    %c0_i32 = arith.constant 0 : i32
    %c0_i32_0 = arith.constant 0 : i32
    %c0_i32_1 = arith.constant 0 : i32
    return %c0_i32, %c0_i32_0 : i32, i32
  }
  func.func @transform_7(%arg0: i32) -> (i32, i32) {
    %c0_i32 = arith.constant 0 : i32
    %c0_i32_0 = arith.constant 0 : i32
    %c0_i32_1 = arith.constant 0 : i32
    return %c0_i32, %c0_i32_0 : i32, i32
  }
  func.func @transform_8(%arg0: i32) -> (i32, i32) {
    %c0_i32 = arith.constant 0 : i32
    %c0_i32_0 = arith.constant 0 : i32
    %c0_i32_1 = arith.constant 0 : i32
    return %c0_i32, %c0_i32_0 : i32, i32
  }
  func.func @transform_9(%arg0: i32) -> (i32, i32) {
    %c0_i32 = arith.constant 0 : i32
    %c0_i32_0 = arith.constant 0 : i32
    return %arg0, %c0_i32 : i32, i32
  }
}

module attributes {stable_mosaic.version = 14 : i64} {
  func.func @_mlp_body(%arg0: i32, %arg1: memref<512x256xf32, #tpu.memory_space<vmem>>, %arg2: memref<256x128xf32, #tpu.memory_space<vmem>>, %arg3: memref<1x128xf32, #tpu.memory_space<vmem>>, %arg4: memref<1x128xf32, #tpu.memory_space<vmem>>, %arg5: memref<1x128xf32, #tpu.memory_space<vmem>>, %arg6: memref<128x1xf32, #tpu.memory_space<vmem>>, %arg7: memref<1x1xf32, #tpu.memory_space<vmem>>, %arg8: memref<1x1xf32, #tpu.memory_space<vmem>>, %arg9: memref<1x1xf32, #tpu.memory_space<vmem>>, %arg10: memref<512x1xf32, #tpu.memory_space<vmem>>) attributes {dimension_semantics = [#tpu.dimension_semantics<arbitrary>], iteration_bounds = array<i64: 4>, scalar_prefetch = 0 : i64, scratch_operands = 0 : i64, tpu.core_type = #tpu.core_type<tc>, window_params = [{transform_indices = @transform_0, window_bounds = array<i64: 512, 256>}, {pipeline_mode = #tpu.pipeline_mode<synchronous>, transform_indices = @transform_1, window_bounds = array<i64: 256, 128>}, {pipeline_mode = #tpu.pipeline_mode<synchronous>, transform_indices = @transform_2, window_bounds = array<i64: 1, 128>}, {pipeline_mode = #tpu.pipeline_mode<synchronous>, transform_indices = @transform_3, window_bounds = array<i64: 1, 128>}, {pipeline_mode = #tpu.pipeline_mode<synchronous>, transform_indices = @transform_4, window_bounds = array<i64: 1, 128>}, {pipeline_mode = #tpu.pipeline_mode<synchronous>, transform_indices = @transform_5, window_bounds = array<i64: 128, 1>}, {pipeline_mode = #tpu.pipeline_mode<synchronous>, transform_indices = @transform_6, window_bounds = array<i64: 1, 1>}, {pipeline_mode = #tpu.pipeline_mode<synchronous>, transform_indices = @transform_7, window_bounds = array<i64: 1, 1>}, {pipeline_mode = #tpu.pipeline_mode<synchronous>, transform_indices = @transform_8, window_bounds = array<i64: 1, 1>}, {transform_indices = @transform_9, window_bounds = array<i64: 512, 1>}]} {
    %get3A = arith.constant 0 : index
    %get3A_0 = arith.constant 0 : index
    %get3A_1 = vector.load %arg1[%get3A, %get3A_0] : memref<512x256xf32, #tpu.memory_space<vmem>>, vector<512x256xf32>
    %get3A_2 = arith.constant 0 : index
    %get3A_3 = arith.constant 0 : index
    %get3A_4 = vector.load %arg2[%get3A_2, %get3A_3] : memref<256x128xf32, #tpu.memory_space<vmem>>, vector<256x128xf32>
    %get3A_5 = arith.constant 0 : index
    %get3A_6 = arith.constant 0 : index
    %get3A_7 = vector.load %arg3[%get3A_5, %get3A_6] : memref<1x128xf32, #tpu.memory_space<vmem>>, vector<1x128xf32>
    %get3A_8 = arith.constant 0 : index
    %get3A_9 = arith.constant 0 : index
    %get3A_10 = vector.load %arg4[%get3A_8, %get3A_9] : memref<1x128xf32, #tpu.memory_space<vmem>>, vector<1x128xf32>
    %get3A_11 = arith.constant 0 : index
    %get3A_12 = arith.constant 0 : index
    %get3A_13 = vector.load %arg5[%get3A_11, %get3A_12] : memref<1x128xf32, #tpu.memory_space<vmem>>, vector<1x128xf32>
    %dot_general3A = arith.constant dense<0.000000e+00> : vector<512x128xf32>
    %dot_general3A_14 = tpu.matmul %get3A_1, %get3A_4, %dot_general3A {dimension_numbers = #tpu.dot_dimension_numbers<[1], [0], [0], [1], [0, 0, 1, 1], [], []>, transpose_lhs_hint = false} : vector<512x256xf32>, vector<256x128xf32>, vector<512x128xf32> -> vector<512x128xf32>
    %add3A = vector.broadcast %get3A_7 : vector<1x128xf32> to vector<512x128xf32>
    %add3A_15 = arith.addf %dot_general3A_14, %add3A : vector<512x128xf32>
    %mul3A = vector.broadcast %get3A_10 : vector<1x128xf32> to vector<512x128xf32>
    %mul3A_16 = arith.mulf %add3A_15, %mul3A : vector<512x128xf32>
    %add3A_17 = vector.broadcast %get3A_13 : vector<1x128xf32> to vector<512x128xf32>
    %add3A_18 = arith.addf %mul3A_16, %add3A_17 : vector<512x128xf32>
    %max3A = arith.constant 0.000000e+00 : f32
    %max3A_19 = vector.broadcast %max3A : f32 to vector<512x128xf32>
    %max3A_20 = arith.maximumf %add3A_18, %max3A_19 : vector<512x128xf32>
    %get3A_21 = arith.constant 0 : index
    %get3A_22 = arith.constant 0 : index
    %get3A_23 = vector.load %arg6[%get3A_21, %get3A_22] : memref<128x1xf32, #tpu.memory_space<vmem>>, vector<128x1xf32>
    %get3A_24 = arith.constant 0 : index
    %get3A_25 = arith.constant 0 : index
    %get3A_26 = vector.load %arg7[%get3A_24, %get3A_25] : memref<1x1xf32, #tpu.memory_space<vmem>>, vector<1x1xf32>
    %dot_general3A_27 = arith.constant dense<0.000000e+00> : vector<512x1xf32>
    %dot_general3A_28 = tpu.matmul %max3A_20, %get3A_23, %dot_general3A_27 {dimension_numbers = #tpu.dot_dimension_numbers<[1], [0], [0], [1], [0, 0, 1, 1], [], []>, transpose_lhs_hint = false} : vector<512x128xf32>, vector<128x1xf32>, vector<512x1xf32> -> vector<512x1xf32>
    %add3A_29 = vector.broadcast %get3A_26 : vector<1x1xf32> to vector<512x1xf32>
    %add3A_30 = arith.addf %dot_general3A_28, %add3A_29 : vector<512x1xf32>
    %swap3A = arith.constant 0 : index
    %swap3A_31 = arith.constant 0 : index
    %swap3A_32 = vector.load %arg10[%swap3A, %swap3A_31] : memref<512x1xf32, #tpu.memory_space<vmem>>, vector<512x1xf32>
    tpu.vector_store %arg10[%swap3A, %swap3A_31], %add3A_30 {strides = array<i32>} : memref<512x1xf32, #tpu.memory_space<vmem>>, vector<512x1xf32>,
    return
  }
  func.func @transform_0(%arg0: i32) -> (i32, i32) {
    %c0_i32 = arith.constant 0 : i32
    %c0_i32_0 = arith.constant 0 : i32
    return %arg0, %c0_i32 : i32, i32
  }
  func.func @transform_1(%arg0: i32) -> (i32, i32) {
    %c0_i32 = arith.constant 0 : i32
    %c0_i32_0 = arith.constant 0 : i32
    %c0_i32_1 = arith.constant 0 : i32
    return %c0_i32, %c0_i32_0 : i32, i32
  }
  func.func @transform_2(%arg0: i32) -> (i32, i32) {
    %c0_i32 = arith.constant 0 : i32
    %c0_i32_0 = arith.constant 0 : i32
    %c0_i32_1 = arith.constant 0 : i32
    return %c0_i32, %c0_i32_0 : i32, i32
  }
  func.func @transform_3(%arg0: i32) -> (i32, i32) {
    %c0_i32 = arith.constant 0 : i32
    %c0_i32_0 = arith.constant 0 : i32
    %c0_i32_1 = arith.constant 0 : i32
    return %c0_i32, %c0_i32_0 : i32, i32
  }
  func.func @transform_4(%arg0: i32) -> (i32, i32) {
    %c0_i32 = arith.constant 0 : i32
    %c0_i32_0 = arith.constant 0 : i32
    %c0_i32_1 = arith.constant 0 : i32
    return %c0_i32, %c0_i32_0 : i32, i32
  }
  func.func @transform_5(%arg0: i32) -> (i32, i32) {
    %c0_i32 = arith.constant 0 : i32
    %c0_i32_0 = arith.constant 0 : i32
    %c0_i32_1 = arith.constant 0 : i32
    return %c0_i32, %c0_i32_0 : i32, i32
  }
  func.func @transform_6(%arg0: i32) -> (i32, i32) {
    %c0_i32 = arith.constant 0 : i32
    %c0_i32_0 = arith.constant 0 : i32
    %c0_i32_1 = arith.constant 0 : i32
    return %c0_i32, %c0_i32_0 : i32, i32
  }
  func.func @transform_7(%arg0: i32) -> (i32, i32) {
    %c0_i32 = arith.constant 0 : i32
    %c0_i32_0 = arith.constant 0 : i32
    %c0_i32_1 = arith.constant 0 : i32
    return %c0_i32, %c0_i32_0 : i32, i32
  }
  func.func @transform_8(%arg0: i32) -> (i32, i32) {
    %c0_i32 = arith.constant 0 : i32
    %c0_i32_0 = arith.constant 0 : i32
    %c0_i32_1 = arith.constant 0 : i32
    return %c0_i32, %c0_i32_0 : i32, i32
  }
  func.func @transform_9(%arg0: i32) -> (i32, i32) {
    %c0_i32 = arith.constant 0 : i32
    %c0_i32_0 = arith.constant 0 : i32
    return %arg0, %c0_i32 : i32, i32
  }
}

</mosaic_0001>

<sc_bundles>
// kernel: gather_offload_async_start
scs
__scs_entry_jumppad:
0x0: {  	(pc) =	sbr.rel $0x88, $3  }
0x1: {  	(tag) =	ssettag $0x0;
	lr =	simm.s32 $0x1  }
0x2: {  	[smem:$0x3EF4] =	sst lr;
	_ =	strace $0xD0000000  }
0x3: {  	_ = 	snop  }
0x4: {  	_ = 	snop  }
0x5: {  	_ = 	snop  }
0x6: {  	_ = 	snop  }
0x7: {  	_ = 	snop  }
__scs_overlays_trampoline_lowered:
0x8: {  	[smem:$0x3F03] =	sst s0  }
0x9: {  	[smem:$0x3F04] =	sst s1  }
0xa: {  	[smem:$0x3F05] =	sst s2  }
0xb: {  	[smem:$0x3F06] =	sst s3  }
0xc: {  	[smem:$0x3F07] =	sst s4  }
0xd: {  	[smem:$0x3F08] =	sst s5  }
0xe: {  	[smem:$0x3F09] =	sst s6  }
0xf: {  	[smem:$0x3F0A] =	sst s7  }
0x10: {  	[smem:$0x3F0B] =	sst s8  }
0x11: {  	[smem:$0x3F0C] =	sst s9;
	s0 =	simm.s32 @!p0 $0x0  }
0x12: {  	s1 =	sld [smem:$0x3EF2];
	s0 =	simm.s32 @p0 $0x1  }
0x13: {  	[smem:$0x3F0D] =	sst s0;
	s0 =	simm.s32 @!p1 $0x0  }
0x14: {  	s2 =	sld [smem:$0x3EF1];
	s0 =	simm.s32 @p1 $0x1  }
0x15: {  	[smem:$0x3F0E] =	sst s0;
	s0 =	simm.s32 @!p2 $0x0  }
0x16: {  	s3 =	sld [smem:$0x3FDB];
	s0 =	simm.s32 @p2 $0x1  }
0x17: {  	s4 =	simm.s32 $0x1BF5;
	[smem:$0x3F10] =	sst s0  }
0x18: {  	s0 =	sld [smem:$0x3EF3];
	_ =	swait.ge [sflag:s4], $0x0  }
0x19: {  	s7 =	sld [smem:$0x3EF4]  }
0x1a: {  	s8 =	sadd.s32 $0xFFFFE003, lr  }
0x1b: {  	s9 =	sadd.s32 $0xFFFFFEF7, lr;
	s5 =	simm.s32 $0xFFFFFFFF;
	p2 =	slt.u32 s8, $0xFFFFF086  }
0x1c: {  	p1 =	slt.u32 s9, $0xF7A;
	s5 =	simm.s32 @!p2 $0x0  }
0x1d: {  	s5 =	simm.s32 @p1 $0x1;
	p0 =	seq.s32 s7, s2  }
0x1e: {  	s7 =	smul.u32 @!p0 $0xF7A, s2;
	p2 =	seq.s32 @!p0 s5, $0x0  }
0x1f: {  	s9 =	smul.u32 $0xF7A, s1;
	s8 =	simm.s32 @!p0 $0x1BF5;
	p2 =	por !p2, p0  }
0x20: {  	[sflag:s8] =	ssyncset.s32 @!p0 $0xFFFFF086;
	s6 =	sadd.s32 @!p0 s3, s7;
	s7 =	simm.s32 @!p0 $0x108  }
0x21: {  	s3 =	sadd.s32 s3, s9;
	s6 =	sadd.s32 @!p0 $0x88, s6;
	s7 =	simm.s32 @p2 $0x1082  }
0x22: {  	[simem:s7], [sflag:s8] =	dma.local @!p0 [hbm:s6], $0xF7A  }
0x23: {  	s9 =	sor.u32 $0xD0000000, s2;
	s6 =	simm.s32 $0x108;
	_ =	swait.ge @!p0 [sflag:s8], $0x0  }
0x24: {  	s3 =	sadd.s32 $0x88, s3;
	s6 =	simm.s32 @!p1 $0x1082;
	[sflag:s4] =	ssyncset.s32 $0xFFFFF086  }
0x25: {  	[simem:s6], [sflag:s4] =	dma.local [hbm:s3], $0xF7A  }
0x26: {  	[smem:$0x3EF4] =	sst s1;
	(tag) =	ssettag s2;
	_ =	strace s9  }
0x27: {  	s1 =	sld [smem:$0x3F04]  }
0x28: {  	s2 =	sld [smem:$0x3F05]  }
0x29: {  	s4 =	sld [smem:$0x3F07]  }
0x2a: {  	p0 =	seq.s32 s5, $0x0;
	s5 =	sld [smem:$0x3F08]  }
0x2b: {  	s6 =	sld [smem:$0x3F09]  }
0x2c: {  	s7 =	sld [smem:$0x3F0A]  }
0x2d: {  	s3 =	simm.s32 $0x108;
	s8 =	sld [smem:$0x3F0B]  }
0x2e: {  	s3 =	simm.s32 @!p0 $0x1082;
	s9 =	sld [smem:$0x3F0C]  }
0x2f: {  	lr =	sadd.s32 s0, s3;
	s0 =	sld [smem:$0x3F03]  }
0x30: {  	s3 =	sld [smem:$0x3F06]  }
0x31: {  	[smem:$0x3F0F] =	sst s10  }
0x32: {  	s10 =	sld [smem:$0x3F0D];
	_ =	sdelay $0x3  }
0x33: {  	p0 =	seq.s32 s10, $0x1;
	s10 =	sld [smem:$0x3F0F];
	_ =	sdelay $0x3  }
0x34: {  	[smem:$0x3F0F] =	sst s10  }
0x35: {  	s10 =	sld [smem:$0x3F0E];
	_ =	sdelay $0x3  }
0x36: {  	p1 =	seq.s32 s10, $0x1;
	s10 =	sld [smem:$0x3F0F];
	_ =	sdelay $0x3  }
0x37: {  	[smem:$0x3F0F] =	sst s10  }
0x38: {  	s10 =	sld [smem:$0x3F10]  }
0x39: {  	_ = 	snop;
	(pc) =	sbr.ind lr, $3  }
0x3a: {  	_ = 	snop  }
0x3b: {  	_ = 	snop  }
0x3c: {  	p2 =	seq.s32 s10, $0x1;
	s10 =	sld [smem:$0x3F0F]  }
0x3d: {  	_ =	shalt  }
0x3e: {  	_ =	shalt  }
0x3f: {  	_ =	shalt  }
0x40: {  	_ =	shalt  }
0x41: {  	_ =	shalt  }
0x42: {  	_ =	shalt  }
0x43: {  	_ =	shalt  }
0x44: {  	_ =	shalt  }
0x45: {  	_ =	shalt  }
0x46: {  	_ =	shalt  }
0x47: {  	_ =	shalt  }
0x48: {  	_ =	shalt  }
0x49: {  	_ =	shalt  }
0x4a: {  	_ =	shalt  }
0x4b: {  	_ =	shalt  }
0x4c: {  	_ =	shalt  }
0x4d: {  	_ =	shalt  }
0x4e: {  	_ =	shalt  }
0x4f: {  	_ =	shalt  }
0x50: {  	_ =	shalt  }
0x51: {  	_ =	shalt  }
0x52: {  	_ =	shalt  }
0x53: {  	_ =	shalt  }
0x54: {  	_ =	shalt  }
0x55: {  	_ =	shalt  }
0x56: {  	_ =	shalt  }
0x57: {  	_ =	shalt  }
0x58: {  	_ =	shalt  }
0x59: {  	_ =	shalt  }
0x5a: {  	_ =	shalt  }
0x5b: {  	_ =	shalt  }
0x5c: {  	_ =	shalt  }
0x5d: {  	_ =	shalt  }
0x5e: {  	_ =	shalt  }
0x5f: {  	_ =	shalt  }
0x60: {  	_ =	shalt  }
0x61: {  	_ =	shalt  }
0x62: {  	_ =	shalt  }
0x63: {  	_ =	shalt  }
0x64: {  	_ =	shalt  }
0x65: {  	_ =	shalt  }
0x66: {  	_ =	shalt  }
0x67: {  	_ =	shalt  }
0x68: {  	_ =	shalt  }
0x69: {  	_ =	shalt  }
0x6a: {  	_ =	shalt  }
0x6b: {  	_ =	shalt  }
0x6c: {  	_ =	shalt  }
0x6d: {  	_ =	shalt  }
0x6e: {  	_ =	shalt  }
0x6f: {  	_ =	shalt  }
0x70: {  	_ =	shalt  }
0x71: {  	_ =	shalt  }
0x72: {  	_ =	shalt  }
0x73: {  	_ =	shalt  }
0x74: {  	_ =	shalt  }
0x75: {  	_ =	shalt  }
0x76: {  	_ =	shalt  }
0x77: {  	_ =	shalt  }
0x78: {  	_ =	shalt  }
0x79: {  	_ =	shalt  }
0x7a: {  	_ =	shalt  }
0x7b: {  	_ =	shalt  }
0x7c: {  	_ =	shalt  }
0x7d: {  	_ =	shalt  }
0x7e: {  	_ =	shalt  }
0x7f: {  	_ =	shalt  }
0x80: {  	_ =	shalt  }
0x81: {  	_ =	shalt  }
0x82: {  	_ =	shalt  }
0x83: {  	_ =	shalt  }
0x84: {  	_ =	shalt  }
0x85: {  	_ =	shalt  }
0x86: {  	_ =	shalt  }
0x87: {  	_ =	shalt  }
.Lfunc_end0:
.L_simem_size_0:
called_computation_lowered:
.L_overlay_start_0:
0x88: {  	s2 =	sld [smem:$0x3FD9]  }
0x89: {  	s3 =	sld [smem:$0x3FFE];
	_ =	sdelay $0x1  }
0x8a: {  	s1 =	srdreg.scid  }
0x8b: {  	s0 =	sand.u32 $0x1, s1  }
0x8c: {  	s14 =	sshll.u32 s0, $0xA;
	s2 =	sadd.s32 s3, s2  }
0x8d: {  	s2 =	sadd.s32 s2, s14  }
0x8e: {  	[smem:$0x3F1B] =	sst s2  }
0x8f: {  	_ = 	snop  }
0x90: {  	s2 =	sld [smem:$0x3FD0];
	_ =	sdelay $0x2  }
0x91: {  	s15 =	simm.s32 $0xA;
	s4 =	simm.s32 $0x10  }
0x92: {  	[smem:s4], [sflag:s15] =	dma.local [hbm:s2], $0x1  }
0x93: {  	_ =	swait.eq [sflag:s15], $0x1  }
0x94: {  	[sflag:s15] =	ssyncset.done $0x0  }
0x95: {  	[sflag:s15] =	ssyncadd.s32 $0xFFFFFFFF  }
0x96: {  	s16 =	sld [smem:$0x11];
	(tm) =	ssettm $0x1  }
0x97: {  	s17 =	sld [smem:$0x3FFB];
	_ =	sdelay $0x3  }
0x98: {  	_ =	strace s17  }
0x99: {  	s3 =	sld [smem:$0x3FFC];
	_ =	sdelay $0x3  }
0x9a: {  	_ =	strace s3  }
0x9b: {  	s3 =	sld [smem:$0x3FFD];
	_ =	sdelay $0x3  }
0x9c: {  	_ =	strace s3  }
0x9d: {  	_ =	strace $0x8FFFFFFF  }
0x9e: {  	s18 =	sld [smem:$0x3FDB];
	_ =	sdelay $0x1  }
0x9f: {  	s19 =	simm.s32 $_scs_section_size  }
0xa0: {  	s5 =	simm.s32 $_size__tile_overlayer_lowered;
	s6 =	simm.s32 $_tile_overlayer_lowered  }
0xa1: {  	s22 =	simm.s32 $0x1BFF;
	s21 =	sshll.u32 s6, $0x1;
	s3 =	sadd.s32 s19, s18  }
0xa2: {  	s7 =	simm.s32 $0x0;
	s20 =	sshll.u32 s5, $0x1;
	s5 =	sadd.s32 s21, s3  }
0xa3: {  	[timem:s7], [sflag:s22] =	dma.local [hbm:s5], s20  }
0xa4: {  	_ =	swait.ge [sflag:s22], s20  }
0xa5: {  	s4 =	ssub.s32 $0x0, s20;
	[sflag:s22] =	ssyncset.done $0x0  }
0xa6: {  	[sflag:s22] =	ssyncadd.s32 s4;
	_ =	sdelay $0x1  }
0xa7: {  	s23 =	simm.s32 $0x1B8B  }
0xa8: {  	_ =	swait.ge [sflag:s23], $0x1  }
0xa9: {  	[sflag:s23] =	ssyncset.done $0x0  }
0xaa: {  	s25 =	simm.s32 $0x1B8E;
	s24 =	sld [smem:$0x3FFE];
	[sflag:s23] =	ssyncadd.s32 $0xFFFFFFFF  }
0xab: {  	s26 =	simm.s32 $execute0_lowered;
	[smem:$0x3FD2] =	sst s25  }
0xac: {  	s5 =	sshll.u32 s26, $0x1;
	_ =	strace $0x80000046;
	[dreg:$0x1] =	wrdreg $0xFFFFFFFF  }
0xad: {  	s28 =	simm.s32 $_size_execute0_lowered;
	s3 =	sadd.s32 s3, s5;
	[dreg:$0x0] =	wrdreg $0x0  }
0xae: {  	s5 =	sshll.u32 s28, $0x1;
	[dreg:$0x2] =	wrdreg s3  }
0xaf: {  	[dreg:$0x3] =	wrdreg s5  }
0xb0: {  	[dreg:$0x4] =	wrdreg $0xC0  }
0xb1: {  	_ =	task [dreg:s7], $0x5FFFF  }
0xb2: {  	[dreg:$0x1] =	wrdreg $0xFFFFFFFF  }
0xb3: {  	[dreg:$0x0] =	wrdreg $0x60  }
0xb4: {  	[dreg:$0x2] =	wrdreg s24  }
0xb5: {  	[dreg:$0x3] =	wrdreg s16  }
0xb6: {  	[dreg:$0x4] =	wrdreg $0x9  }
0xb7: {  	_ =	task.clear_ibuf [dreg:s7], $0x5FFFF;
	_ =	strace $0x90000046  }
0xb8: {  	s29 =	simm.s32 $0x9;
	_ =	strace $0x80000048  }
0xb9: {  	_ =	swait.ge [sflag:s29], $0x1  }
0xba: {  	[sflag:s29] =	ssyncadd.s32 $0xFFFFFFFF  }
0xbb: {  	_ =	strace $0x90000048  }
0xbc: {  	_ =	sfence  }
0xbd: {  	s30 =	sld [smem:$0x0];
	_ =	sdelay $0x2  }
0xbe: {  	s31 =	sshll.u32 s1, $0xD;
	s1 =	sshrl.u32 s1, $0x2  }
0xbf: {  	s3 =	sand.u32 $0x4000, s31;
	s1 =	sadd.s32 s1, s30  }
0xc0: {  	s0 =	sor.u32 s3, s0;
	s1 =	sshll.u32 s1, $0x11  }
0xc1: {  	s0 =	sor.u32 s1, s0  }
0xc2: {  	s0 =	sadd.s32 $0x8F2B, s0  }
0xc3: {  	[sflag:s0] =	ssyncadd.remote.s32 $0x1  }
0xc4: {  	_ =	sfence.sel $0xFFFF  }
0xc5: {  	[dreg:$0x0] =	wrdreg $0xFFFFFFFF;
	(pc) =	sbr.abs _section_cstart, $3  }
0xc6: {  	[dreg:$0x1] =	wrdreg $0xFFFFFFFF  }
0xc7: {  	_ =	task.clear_ibuf [dreg:s7], $0x2FFFF;
	_ =	strace $0x9FFFFFFF  }
0xc8: {  	(tm) =	ssettm $0x7FFFFFFF  }
0xc9: {  	_ =	shalt  }
tec
execute0_lowered:
.L_overlay_start_1:
0x0: {  	(tag) =	ssettag $0x1  }
0x1: {  	s7 =	rddreg [dreg:$0x0]  }
0x2: {  	s2 =	rddreg [dreg:$0x1]  }
0x3: {  	s0 =	rddreg [dreg:$0x2]  }
0x4: {  	s1 =	srdreg.scid;
	_ =	strace $0x80000047;
	s4 =	simm.s32 $0x1  }
0x5: {  	s9 =	simm.s32 $0x3;
	s12 =	simm.s32 $0x0;
	s5 =	sshll.u32 s1, $0x4  }
.Ltmp0:
0x6: {  	s1 =	stileid.u32;
	s5 =	sand.u32 $0x10, s5;
	(pc) =	sbr.rel .LBB2_1-.Ltmp0, $4  }
0x7: {  	s10 =	simm.s32 $0x0;
	s3 =	sadd.s32 $0x18E00, s7;
	s6 =	sor.u32 s1, s5  }
0x8: {  	[sflag:s4] =	ssyncpa.u1 $0x0;
	s5 =	simm.s32 $0x2;
	s6 =	sshll.u32 s6, $0x6  }
0x9: {  	s7 =	sadd.s32 $0x3E000, s7;
	[sflag:s5] =	ssyncpa.u1 $0x0;
	s8 =	sadd.s32 $0x40, s6  }
0xa: {  	vm0 =	vmmov $0xff;
	vm1 =	vcmask $0x3F20;
	[sflag:s9] =	ssyncpa.u1 $0x0;
	s9 =	simm.s32 $0x40;
	s11 =	smov.u32 s6  }
.LBB2_9:
0xb: {  	p0 =	seq.s32 s10, $0x2  }
.Ltmp1:
0xc: {  	_ = 	snop;
	(pc) =	sbr.rel @p0 .LBB2_11-.Ltmp1, $1  }
0xd: {  	_ =	sdelay $0x3  }
.LBB2_10:
0xe: {  	s12 =	sadd.s32 $0x40, s11  }
0xf: {  	s13 =	smov.u32 s6;
	p0 =	slt.s32 s12, s8  }
0x10: {  	s13 =	smov.u32 @p0 s12  }
0x11: {  	s10 =	sadd.s32 $0x1, s10;
	s12 =	smov.u32 s11;
	s11 =	smov.u32 s13  }
.LBB2_1:
0x12: {  	p0 =	sne.s32 s10, $0x0  }
.Ltmp2:
0x13: {  	_ = 	snop;
	(pc) =	sbr.rel @!p0 .LBB2_2-.Ltmp2, $1  }
0x14: {  	_ =	sdelay $0x3  }
0x15: {  	s13 =	sand.u32 $0x1, s10  }
0x16: {  	p0 =	seq.s32 s13, $0x0  }
.Ltmp3:
0x17: {  	_ = 	snop;
	(pc) =	sbr.rel @p0 .LBB2_9-.Ltmp3, $1  }
0x18: {  	_ =	sdelay $0x3  }
0x19: {  	_ =	swait.ge [sflag:s5], $0x40  }
0x1a: {  	[sflag:s5] =	ssyncset.done $0x0  }
0x1b: {  	s13 =	simm.s32 $0x0;
	[sflag:s5] =	ssyncadd.s32 $0xFFFFFFC0  }
0x1c: {  	v0 =	vld.msk [tilespmem:s13+$0x40 ss:$0x1], $0xffff;
	_ =	sdelay $0x4  }
0x1d: {  	vm2 =	vgt.s32 v0, $0x0  }
0x1e: {  	v0 =	vnsel vm2, $0x0, v0  }
0x1f: {  	v0 =	vmin.u32 v0, $0x1FFF  }
0x20: {  	v0 =	vshll.u32 v0, $0x4;
	_ =	sdelay $0x3  }
0x21: {  	s13 =	simm.s32 $0x2080  }
0x22: {  	[tilespmem:s13], [sflag:$0x1] =	stream.indirect_vreg.gather [hbm:s3], $0x80, v0, vm0, $0x38;
	[tilespmem:$0x4080] =	vst v63  }
0x23: {  	s14 =	simm.s32 $0x2480;
	s31 =	simm.s32 $0x10  }
0x24: {  	[tilespmem:s14], [sflag:$0x1] =	stream.indirect_vreg.gather [hbm:s3], $0x80, v0, vm1, $0x38;
	[tilespmem:$0x4080] =	vst v63  }
0x25: {  	s14 =	simm.s32 $0x80;
	v0 =	vld.msk [tilespmem:s31+$0x40 ss:$0x1], $0xffff  }
.LBB2_5:
0x26: {  	p0 =	sne.s32 s14, $0xC0;
	_ =	sdelay $0x4  }
0x27: {  	vm2 =	vgt.s32 v0, $0x0  }
0x28: {  	v0 =	vnsel vm2, $0x0, v0  }
0x29: {  	v0 =	vmin.u32 v0, $0x1FFF  }
0x2a: {  	v0 =	vshll.u32 v0, $0x4;
	_ =	sdelay $0x3  }
.Ltmp4:
0x2b: {  	s13 =	sadd.s32 $0x800, s13;
	(pc) =	sbr.rel @p0 .LBB2_5-.Ltmp4, $4  }
0x2c: {  	[tilespmem:s13], [sflag:$0x1] =	stream.indirect_vreg.gather [hbm:s3], $0x80, v0, vm0, $0x38;
	[tilespmem:$0x4080] =	vst v63  }
0x2d: {  	s15 =	sshra.s32 s14, $0x2;
	s16 =	sadd.s32 $0x400, s13  }
0x2e: {  	[tilespmem:s16], [sflag:$0x1] =	stream.indirect_vreg.gather [hbm:s3], $0x80, v0, vm1, $0x38;
	[tilespmem:$0x4080] =	vst v63  }
0x2f: {  	s14 =	sadd.s32 $0x40, s14;
	v0 =	vld.msk [tilespmem:s15+$0x40 ss:$0x1], $0xffff  }
0x30: {  	_ =	sdelay $0x3  }
0x31: {  	vm2 =	vgt.s32 v0, $0x0  }
0x32: {  	v0 =	vnsel vm2, $0x0, v0  }
0x33: {  	v0 =	vmin.u32 v0, $0x1FFF  }
0x34: {  	v0 =	vshll.u32 v0, $0x4;
	_ =	sdelay $0x3  }
0x35: {  	s13 =	sadd.s32 $0x800, s13  }
0x36: {  	[tilespmem:s13], [sflag:$0x1] =	stream.indirect_vreg.gather [hbm:s3], $0x80, v0, vm0, $0x38;
	[tilespmem:$0x4080] =	vst v63  }
0x37: {  	s13 =	sadd.s32 $0x400, s13  }
0x38: {  	[tilespmem:s13], [sflag:$0x1] =	stream.indirect_vreg.gather [hbm:s3], $0x80, v0, vm1, $0x38;
	[tilespmem:$0x4080] =	vst v63  }
0x39: {  	s12 =	sshll.u32 s12, $0x4;
	s14 =	simm.s32 $0x80;
	_ =	swait.ge [sflag:s4], $0x2000  }
0x3a: {  	s15 =	simm.s32 $0x2480;
	s12 =	sadd.s32 s12, s7;
	[sflag:s4] =	ssyncset.done $0x0  }
0x3b: {  	s16 =	sadd.s32 $0x0, s12;
	s13 =	simm.s32 $0x2080;
	[sflag:s4] =	ssyncadd.s32 $0xFFFFE000  }
.LBB2_7:
0x3c: {  	[hbm:s16] =	stream.linear.scatter [tilespmem:s13], [sflag:$0x3], $0x400, $0x38;
	[tilespmem:$0x4080] =	vst v63  }
0x3d: {  	s16 =	smov.u32 s14;
	s13 =	smov.u32 s15;
	p0 =	sne.s32 s14, $0x380  }
.Ltmp5:
0x3e: {  	s14 =	sadd.s32 $0x80, s14;
	(pc) =	sbr.rel @p0 .LBB2_7-.Ltmp5, $2  }
0x3f: {  	_ =	sdelay $0x2  }
0x40: {  	s15 =	sadd.s32 $0x400, s15;
	s16 =	sadd.s32 s16, s12  }
.Ltmp6:
0x41: {  	(pc) =	sbr.rel .LBB2_9-.Ltmp6, $2  }
0x42: {  	_ =	sdelay $0x2  }
0x43: {  	[hbm:s16] =	stream.linear.scatter [tilespmem:s13], [sflag:$0x3], $0x400, $0x38;
	[tilespmem:$0x4080] =	vst v63  }
.LBB2_2:
.Ltmp7:
0x44: {  	(pc) =	sbr.rel .LBB2_10-.Ltmp7, $4  }
0x45: {  	_ = 	snop  }
0x46: {  	s12 =	sshrl.u32 s11, $0x3  }
0x47: {  	s13 =	sand.u32 $0x7, s11;
	s12 =	sadd.s32 s2, s12  }
0x48: {  	[tilespmem:s9], [sflag:$0x2] =	stream.linear.gather [hbm4b:s12+s13], $0x40, $0x38;
	[tilespmem:$0x4080] =	vst v63  }
.LBB2_11:
0x49: {  	s2 =	simm.s32 $0x3  }
0x4a: {  	_ =	swait.ge [sflag:s2], $0x2000  }
0x4b: {  	[sflag:s2] =	ssyncset.done $0x0  }
0x4c: {  	[sflag:s2] =	ssyncadd.s32 $0xFFFFE000  }
0x4d: {  	_ =	sfence.sel $0x180000  }
0x4e: {  	s3 =	simm.s32 $0x2;
	[bflag:$0x0] =	sbarrier.arrive $0xFFFF  }
0x4f: {  	[sflag:s3] =	ssyncpa.u1 $0x1  }
0x50: {  	s31 =	simm.s32 $0x1;
	[sflag:s2] =	ssyncpa.u1 $0x1  }
0x51: {  	[sflag:s31] =	ssyncpa.u1 $0x1  }
0x52: {  	p0 =	sne.s32 s1, $0x0;
	_ =	strace $0x90000047  }
0x53: {  	s0 =	sadd.s32 @!p0 $0x100000, s0;
	[bflag:$0x2] =	sbarrier.arrive $0xFFFF  }
0x54: {  	[sflag:s0] =	ssyncadd.tile.s32 @!p0 $0x1;
	_ =	shalt  }
.Lfunc_end2:
_tile_overlayer_lowered:
.L_overlay_start_2:
0x55: {  	(tag) =	ssettag $0x2  }
0x56: {  	s0 =	rddreg [dreg:$0x0];
	s2 =	stileid.u32  }
0x57: {  	s1 =	rddreg [dreg:$0x1];
	p0 =	sne.s32 s2, $0x0  }
0x58: {  	s3 =	rddreg [dreg:$0x2];
	[bflag:$0x3] =	sbarrier.arrive $0xFFFF;
	s2 =	simm.s32 @!p0 $0x1C01  }
0x59: {  	[timem:s3], [sflag:s2] =	dma.local @!p0 [hbm:s0], s1  }
0x5a: {  	s0 =	simm.s32 @!p0 $0x1  }
0x5b: {  	_ =	swait.ge @!p0 [sflag:s0], s1  }
0x5c: {  	s1 =	ssub.s32 @!p0 $0x0, s1;
	[sflag:s0] =	ssyncset.done @!p0 $0x0  }
0x5d: {  	[sflag:s0] =	ssyncadd.s32 @!p0 s1  }
0x5e: {  	[bflag:$0x3] =	sbarrier.arrive $0xFFFF  }
0x5f: {  	_ =	shalt  }

</sc_bundles>
